<compile_context>
chip_gen: v7x
topology: tpu7x:2x2x1
jax: 0.10.2.dev20260603
libtpu: 0.0.44.dev20260713+nightly
codegen_flags: <defaults>
</compile_context>

<pallas_src>
import functools

import jax
import jax.numpy as jnp
from jax import lax
from jax.experimental import pallas as pl
from jax.experimental.pallas import tpu as pltpu
from jax.experimental.pallas import tpu_sc as plsc

NUM_CORES = 2
NUM_SUBCORES = 16
NUM_WORKERS = NUM_CORES * NUM_SUBCORES
LANES = 16
BATCH = 16384
DIM = 32
BPW = BATCH // NUM_WORKERS
RING = 8
KB = BPW // 128


def _gmf_body(uidx_hbm, iidx_hbm, utabT_hbm, itabT_hbm, wb_hbm, out_hbm,
              uidx_v, iidx_v, ublk_v, iblk_v, uT_v, iT_v,
              wb_v, out_v, sem_u, sem_i):
    c = lax.axis_index("c")
    s = lax.axis_index("s")
    wid = s * NUM_CORES + c
    base = pl.multiple_of(wid * BPW, BPW)

    pltpu.sync_copy(wb_hbm, wb_v)
    pltpu.sync_copy(uidx_hbm.at[pl.ds(base, BPW)], uidx_v.at[pl.ds(0, BPW)])
    pltpu.sync_copy(iidx_hbm.at[pl.ds(base, BPW)], iidx_v.at[pl.ds(0, BPW)])
    uidx_v[pl.ds(BPW, LANES)] = jnp.zeros((LANES,), jnp.int32)
    iidx_v[pl.ds(BPW, LANES)] = jnp.zeros((LANES,), jnp.int32)

    lanes16 = lax.iota(jnp.int32, LANES)

    def issue(r_u, r_i, slot):
        ub = pl.multiple_of((r_u // 128) * 128, 128)
        ib = pl.multiple_of((r_i // 128) * 128, 128)
        pltpu.async_copy(utabT_hbm.at[:, pl.ds(ub, 128)], ublk_v.at[slot],
                         sem_u.at[slot])
        pltpu.async_copy(itabT_hbm.at[:, pl.ds(ib, 128)], iblk_v.at[slot],
                         sem_i.at[slot])

    def extract(blk_v, dst_v, col, k, sl):
        kb = k // 128
        ko = lax.rem(k, 128)
        for half in range(2):
            src_idx = [jnp.full((LANES,), sl, jnp.int32),
                       lanes16 + (half * LANES),
                       jnp.full((LANES,), col, jnp.int32)]
            vals = plsc.load_gather(blk_v, src_idx)
            dst_idx = [lanes16 * KB + (half * LANES * KB + kb),
                       jnp.full((LANES,), ko, jnp.int32)]
            plsc.store_scatter(dst_v, dst_idx, vals)

    def collect(r_u, r_i, k, slot):
        pltpu.make_async_copy(utabT_hbm.at[:, pl.ds(0, 128)],
                              ublk_v.at[slot], sem_u.at[slot]).wait()
        pltpu.make_async_copy(itabT_hbm.at[:, pl.ds(0, 128)],
                              iblk_v.at[slot], sem_i.at[slot]).wait()
        extract(ublk_v, uT_v, lax.rem(r_u, 128), k, slot)
        extract(iblk_v, iT_v, lax.rem(r_i, 128), k, slot)

    NBLK = BPW // RING

    bias_v = wb_v[DIM, :]

    def group_body(g, carry):
        kb = g // (128 // LANES)
        ko = pl.multiple_of(lax.rem(g, 128 // LANES) * LANES, LANES)
        acc = bias_v
        for d in range(DIM):
            uv = uT_v[d * KB + kb, pl.ds(ko, LANES)]
            iv = iT_v[d * KB + kb, pl.ds(ko, LANES)]
            wv = wb_v[d, :]
            acc = acc + uv * iv * wv
        out_v[pl.ds(pl.multiple_of(g * LANES, LANES), LANES)] = (
            1.0 / (1.0 + jnp.exp(-acc)))
        return carry

    def prime_body(_, carry):
        uvec = uidx_v[pl.ds(0, LANES)]
        ivec = iidx_v[pl.ds(0, LANES)]
        for j in range(RING):
            issue(uvec[j], ivec[j], j)
        return carry

    def steady_body(b, carry):
        off = pl.multiple_of((b - 1) * RING, RING)
        uvec = uidx_v[pl.ds(off, LANES)]
        ivec = iidx_v[pl.ds(off, LANES)]
        for j in range(RING):
            collect(uvec[j], ivec[j], off + j, j)
            issue(uvec[RING + j], ivec[RING + j], j)
        @pl.when(lax.rem(b, 2) == 0)
        def _():
            group_body(b // 2 - 1, 0)
        return carry

    def drain_body(_, carry):
        off = BPW - RING
        uvec = uidx_v[pl.ds(off, LANES)]
        ivec = iidx_v[pl.ds(off, LANES)]
        for j in range(RING):
            collect(uvec[j], ivec[j], off + j, j)
        return carry

    lax.fori_loop(0, 1, prime_body, 0)
    lax.fori_loop(1, NBLK, steady_body, 0)
    lax.fori_loop(0, 1, drain_body, 0)

    lax.fori_loop(BPW // LANES - 1, BPW // LANES, group_body, 0)
    pltpu.sync_copy(out_v, out_hbm.at[pl.ds(base, BPW)])


@jax.jit
def _gmf_call(ui, ii, utabT, itabT, wb):
    mesh = plsc.VectorSubcoreMesh(core_axis_name="c", subcore_axis_name="s")
    f = functools.partial(
        pl.kernel,
        out_type=jax.ShapeDtypeStruct((BATCH,), jnp.float32),
        mesh=mesh,
        compiler_params=pltpu.CompilerParams(needs_layout_passes=False),
        scratch_types=[
            pltpu.VMEM((BPW + LANES,), jnp.int32),
            pltpu.VMEM((BPW + LANES,), jnp.int32),
            pltpu.VMEM((RING, DIM, 128), jnp.float32),
            pltpu.VMEM((RING, DIM, 128), jnp.float32),
            pltpu.VMEM((DIM * KB, 128), jnp.float32),
            pltpu.VMEM((DIM * KB, 128), jnp.float32),
            pltpu.VMEM((DIM + 1, LANES), jnp.float32),
            pltpu.VMEM((BPW,), jnp.float32),
            pltpu.SemaphoreType.DMA((RING,)),
            pltpu.SemaphoreType.DMA((RING,)),
        ],
    )(_gmf_body)
    return f(ui, ii, utabT, itabT, wb)


def kernel(user_indices, item_indices, user_table, item_table, affine_w, affine_b):
    ui = user_indices.astype(jnp.int32)
    ii = item_indices.astype(jnp.int32)
    wb = jnp.concatenate([
        jnp.broadcast_to(affine_w.reshape(DIM, 1), (DIM, LANES)),
        jnp.broadcast_to(affine_b.reshape(1, 1), (1, LANES)),
    ], axis=0).astype(jnp.float32)
    out = _gmf_call(ui, ii, user_table.T, item_table.T, wb)
    return out.reshape(BATCH, 1)

# --- scband reference (transcript-rebuilt; emitter-appended) ---
"""Pipeline reference for scband-gmf-21002390077538 (READ-ONLY COPY).

The authoritative reference and input builder live on the scoring server;
editing this copy changes nothing except your own understanding.
"""

import jax, jax.numpy as jnp
import numpy as np

NUM_USERS = 1000000
NUM_ITEMS = 1000000
LATENT_DIM = 32
BATCH = 16384


def setup_inputs(seed: int = 0) -> dict:
    key = jax.random.key(seed)
    k1, k2, k3, k4, k5, k6 = jax.random.split(key, 6)
    user_indices = jax.random.randint(k1, (BATCH,), 0, NUM_USERS, dtype=jnp.int64 if jax.config.jax_enable_x64 else jnp.int32)
    item_indices = jax.random.randint(k2, (BATCH,), 0, NUM_ITEMS, dtype=jnp.int64 if jax.config.jax_enable_x64 else jnp.int32)
    user_table = jax.random.normal(k3, (NUM_USERS, LATENT_DIM), dtype=jnp.float32) * 0.01
    item_table = jax.random.normal(k4, (NUM_ITEMS, LATENT_DIM), dtype=jnp.float32) * 0.01
    affine_w = jax.random.normal(k5, (1, LATENT_DIM), dtype=jnp.float32) * 0.01
    affine_b = jnp.zeros((1,), dtype=jnp.float32)
    return {
        "user_indices": user_indices,
        "item_indices": item_indices,
        "user_table": user_table,
        "item_table": item_table,
        "affine_w": affine_w,
        "affine_b": affine_b,
    }


def reference(user_indices, item_indices, user_table, item_table, affine_w, affine_b):
    # embedding lookups (gather)
    user_embedding = jnp.take(user_table, user_indices, axis=0)  # [B, D]
    item_embedding = jnp.take(item_table, item_indices, axis=0)  # [B, D]
    # elementwise product (GMF interaction)
    x = user_embedding * item_embedding  # [B, D]
    # affine layer: Linear(D -> 1)
    logits = x @ affine_w.T + affine_b  # [B, 1]
    rating = jax.nn.sigmoid(logits)
    return rating

if __name__ == "__main__":
    import jax
    _d = setup_inputs()
    print(jax.jit(kernel)(*tuple(_d.values())))

</pallas_src>

<mosaic_0001>
#map = affine_map<(d0, d1) -> (0)>
#map1 = affine_map<(d0, d1) -> (0, 0)>
module attributes {stable_mosaic.version = 14 : i64} {
  func.func @_gmf_body(%arg0: i32, %arg1: i32, %arg2: memref<16384xi32, #tpu.memory_space<hbm>>, %arg3: memref<16384xi32, #tpu.memory_space<hbm>>, %arg4: memref<32x1000000xf32, #tpu.memory_space<hbm>>, %arg5: memref<32x1000000xf32, #tpu.memory_space<hbm>>, %arg6: memref<33x16xf32, #tpu.memory_space<hbm>>, %arg7: memref<16384xf32, #tpu.memory_space<hbm>>, %arg8: memref<528xi32, #tpu.memory_space<vmem>>, %arg9: memref<528xi32, #tpu.memory_space<vmem>>, %arg10: memref<8x32x128xf32, #tpu.memory_space<vmem>>, %arg11: memref<8x32x128xf32, #tpu.memory_space<vmem>>, %arg12: memref<128x128xf32, #tpu.memory_space<vmem>>, %arg13: memref<128x128xf32, #tpu.memory_space<vmem>>, %arg14: memref<33x16xf32, #tpu.memory_space<vmem>>, %arg15: memref<512xf32, #tpu.memory_space<vmem>>, %arg16: memref<8x!tpu.dma_semaphore, #tpu.memory_space<semaphore_mem>>, %arg17: memref<8x!tpu.dma_semaphore, #tpu.memory_space<semaphore_mem>>) attributes {dimension_semantics = [#tpu.dimension_semantics<core_parallel>, #tpu.dimension_semantics<subcore_parallel>], iteration_bounds = array<i64: 2, 16>, scalar_prefetch = 0 : i64, scratch_operands = 10 : i64, tpu.core_type = #tpu.core_type<sc_vector_subcore>, window_params = [{transform_indices = #map}, {transform_indices = #map}, {transform_indices = #map1}, {transform_indices = #map1}, {transform_indices = #map1}, {transform_indices = #map}]} {
    %mul3A = arith.constant 2 : i32
    %mul3A_0 = arith.muli %arg1, %mul3A : i32
    %add3A = arith.addi %mul3A_0, %arg0 : i32
    %mul3A_1 = arith.constant 512 : i32
    %mul3A_2 = arith.muli %add3A, %mul3A_1 : i32
    %multiple_of3A = tpu.assume_multiple %mul3A_2, 512 : i32
    "tpu.region"() ({
      %run_scoped3A = tpu.sem_alloc : memref<!tpu.dma_semaphore, #tpu.memory_space<semaphore_mem>>
      tpu.enqueue_dma source(%arg6 : memref<33x16xf32, #tpu.memory_space<hbm>>) target(%arg14 : memref<33x16xf32, #tpu.memory_space<vmem>>) target_semaphore(%run_scoped3A : memref<!tpu.dma_semaphore, #tpu.memory_space<semaphore_mem>>)
      tpu.wait_dma2 semaphore(%run_scoped3A : memref<!tpu.dma_semaphore, #tpu.memory_space<semaphore_mem>>) src(%arg6 : memref<33x16xf32, #tpu.memory_space<hbm>>) dst(%arg14 : memref<33x16xf32, #tpu.memory_space<vmem>>)
      tpu.yield
    }) : () -> ()
    "tpu.region"() ({
      %run_scoped3A = tpu.sem_alloc : memref<!tpu.dma_semaphore, #tpu.memory_space<semaphore_mem>>
      %dma_start3A_2175 = arith.constant 0 : i32
      %dma_start3A_2176 = tpu.memref_slice %arg8[%dma_start3A_2175] : memref<528xi32, #tpu.memory_space<vmem>> -> memref<512xi32, #tpu.memory_space<vmem>>
      %dma_start3A_2177 = tpu.memref_slice %arg2[%multiple_of3A] : memref<16384xi32, #tpu.memory_space<hbm>> -> memref<512xi32, #tpu.memory_space<hbm>>
      %dma_start3A_2178 = arith.constant 0 : i32
      %dma_start3A_2179 = tpu.memref_slice %arg8[%dma_start3A_2178] : memref<528xi32, #tpu.memory_space<vmem>> -> memref<512xi32, #tpu.memory_space<vmem>>
      %dma_start3A_2180 = tpu.memref_slice %arg2[%multiple_of3A] : memref<16384xi32, #tpu.memory_space<hbm>> -> memref<512xi32, #tpu.memory_space<hbm>>
      tpu.enqueue_dma source(%dma_start3A_2180 : memref<512xi32, #tpu.memory_space<hbm>>) target(%dma_start3A_2179 : memref<512xi32, #tpu.memory_space<vmem>>) target_semaphore(%run_scoped3A : memref<!tpu.dma_semaphore, #tpu.memory_space<semaphore_mem>>)
      %dma_wait3A_2181 = arith.constant 0 : i32
      %dma_wait3A_2182 = tpu.memref_slice %arg8[%dma_wait3A_2181] : memref<528xi32, #tpu.memory_space<vmem>> -> memref<512xi32, #tpu.memory_space<vmem>>
      %dma_wait3A_2183 = tpu.memref_slice %arg2[%multiple_of3A] : memref<16384xi32, #tpu.memory_space<hbm>> -> memref<512xi32, #tpu.memory_space<hbm>>
      %dma_wait3A_2184 = arith.constant 0 : i32
      %dma_wait3A_2185 = tpu.memref_slice %arg8[%dma_wait3A_2184] : memref<528xi32, #tpu.memory_space<vmem>> -> memref<512xi32, #tpu.memory_space<vmem>>
      %dma_wait3A_2186 = tpu.memref_slice %arg2[%multiple_of3A] : memref<16384xi32, #tpu.memory_space<hbm>> -> memref<512xi32, #tpu.memory_space<hbm>>
      tpu.wait_dma2 semaphore(%run_scoped3A : memref<!tpu.dma_semaphore, #tpu.memory_space<semaphore_mem>>) src(%dma_wait3A_2186 : memref<512xi32, #tpu.memory_space<hbm>>) dst(%dma_wait3A_2185 : memref<512xi32, #tpu.memory_space<vmem>>)
      tpu.yield
    }) : () -> ()
    "tpu.region"() ({
      %run_scoped3A = tpu.sem_alloc : memref<!tpu.dma_semaphore, #tpu.memory_space<semaphore_mem>>
      %dma_start3A_2175 = arith.constant 0 : i32
      %dma_start3A_2176 = tpu.memref_slice %arg9[%dma_start3A_2175] : memref<528xi32, #tpu.memory_space<vmem>> -> memref<512xi32, #tpu.memory_space<vmem>>
      %dma_start3A_2177 = tpu.memref_slice %arg3[%multiple_of3A] : memref<16384xi32, #tpu.memory_space<hbm>> -> memref<512xi32, #tpu.memory_space<hbm>>
      %dma_start3A_2178 = arith.constant 0 : i32
      %dma_start3A_2179 = tpu.memref_slice %arg9[%dma_start3A_2178] : memref<528xi32, #tpu.memory_space<vmem>> -> memref<512xi32, #tpu.memory_space<vmem>>
      %dma_start3A_2180 = tpu.memref_slice %arg3[%multiple_of3A] : memref<16384xi32, #tpu.memory_space<hbm>> -> memref<512xi32, #tpu.memory_space<hbm>>
      tpu.enqueue_dma source(%dma_start3A_2180 : memref<512xi32, #tpu.memory_space<hbm>>) target(%dma_start3A_2179 : memref<512xi32, #tpu.memory_space<vmem>>) target_semaphore(%run_scoped3A : memref<!tpu.dma_semaphore, #tpu.memory_space<semaphore_mem>>)
      %dma_wait3A_2181 = arith.constant 0 : i32
      %dma_wait3A_2182 = tpu.memref_slice %arg9[%dma_wait3A_2181] : memref<528xi32, #tpu.memory_space<vmem>> -> memref<512xi32, #tpu.memory_space<vmem>>
      %dma_wait3A_2183 = tpu.memref_slice %arg3[%multiple_of3A] : memref<16384xi32, #tpu.memory_space<hbm>> -> memref<512xi32, #tpu.memory_space<hbm>>
      %dma_wait3A_2184 = arith.constant 0 : i32
      %dma_wait3A_2185 = tpu.memref_slice %arg9[%dma_wait3A_2184] : memref<528xi32, #tpu.memory_space<vmem>> -> memref<512xi32, #tpu.memory_space<vmem>>
      %dma_wait3A_2186 = tpu.memref_slice %arg3[%multiple_of3A] : memref<16384xi32, #tpu.memory_space<hbm>> -> memref<512xi32, #tpu.memory_space<hbm>>
      tpu.wait_dma2 semaphore(%run_scoped3A : memref<!tpu.dma_semaphore, #tpu.memory_space<semaphore_mem>>) src(%dma_wait3A_2186 : memref<512xi32, #tpu.memory_space<hbm>>) dst(%dma_wait3A_2185 : memref<512xi32, #tpu.memory_space<vmem>>)
      tpu.yield
    }) : () -> ()
    %broadcast_in_dim3A = arith.constant 0 : i32
    %broadcast_in_dim3A_3 = vector.broadcast %broadcast_in_dim3A : i32 to vector<16xi32>
    %swap3A = arith.constant 512 : index
    %swap3A_4 = tpu.vector_load %arg8[%swap3A] {strides = array<i32>} : memref<528xi32, #tpu.memory_space<vmem>>, vector<16xi32>,
    tpu.vector_store %arg8[%swap3A], %broadcast_in_dim3A_3 {strides = array<i32>} : memref<528xi32, #tpu.memory_space<vmem>>, vector<16xi32>,
    %broadcast_in_dim3A_5 = arith.constant 0 : i32
    %broadcast_in_dim3A_6 = vector.broadcast %broadcast_in_dim3A_5 : i32 to vector<16xi32>
    %swap3A_7 = arith.constant 512 : index
    %swap3A_8 = tpu.vector_load %arg9[%swap3A_7] {strides = array<i32>} : memref<528xi32, #tpu.memory_space<vmem>>, vector<16xi32>,
    tpu.vector_store %arg9[%swap3A_7], %broadcast_in_dim3A_6 {strides = array<i32>} : memref<528xi32, #tpu.memory_space<vmem>>, vector<16xi32>,
    %iota3A = tpu.iota {dimensions = array<i32: 0>} : vector<16xi32>
    %get3A = arith.constant 32 : i32
    %get3A_9 = arith.index_cast %get3A : i32 to index
    %get3A_10 = arith.constant 0 : index
    %get3A_11 = tpu.vector_load %arg14[%get3A_9, %get3A_10] {strides = array<i32>} : memref<33x16xf32, #tpu.memory_space<vmem>>, vector<16xf32>,
    %scan3A = arith.constant 0 : i32
    %scan3A_12 = arith.constant 0 : i32
    %get3A_13 = arith.constant 0 : index
    %get3A_14 = tpu.vector_load %arg8[%get3A_13] {strides = array<i32>} : memref<528xi32, #tpu.memory_space<vmem>>, vector<16xi32>,
    %get3A_15 = arith.constant 0 : index
    %get3A_16 = tpu.vector_load %arg9[%get3A_15] {strides = array<i32>} : memref<528xi32, #tpu.memory_space<vmem>>, vector<16xi32>,
    %slice3A = vector.extract_strided_slice %get3A_14 {offsets = [0], sizes = [1], strides = [1]} : vector<16xi32> to vector<1xi32>
    %squeeze3A = vector.extract %slice3A[0] : i32 from vector<1xi32>
    %slice3A_17 = vector.extract_strided_slice %get3A_16 {offsets = [0], sizes = [1], strides = [1]} : vector<16xi32> to vector<1xi32>
    %squeeze3A_18 = vector.extract %slice3A_17[0] : i32 from vector<1xi32>
    %jit3A = arith.constant 128 : i32
    %div3A = arith.divsi %squeeze3A, %jit3A : i32
    %sign3A = arith.constant 0 : i32
    %sign3A_19 = arith.cmpi sgt, %squeeze3A, %sign3A : i32
    %sign3A_20 = arith.extui %sign3A_19 : i1 to i32
    %sign3A_21 = arith.constant 0 : i32
    %sign3A_22 = arith.cmpi slt, %squeeze3A, %sign3A_21 : i32
    %sign3A_23 = arith.extui %sign3A_22 : i1 to i32
    %sign3A_24 = arith.subi %sign3A_20, %sign3A_23 : i32
    %sign3A_25 = arith.constant 0 : i32
    %sign3A_26 = arith.cmpi sgt, %jit3A, %sign3A_25 : i32
    %sign3A_27 = arith.extui %sign3A_26 : i1 to i32
    %sign3A_28 = arith.constant 0 : i32
    %sign3A_29 = arith.cmpi slt, %jit3A, %sign3A_28 : i32
    %sign3A_30 = arith.extui %sign3A_29 : i1 to i32
    %sign3A_31 = arith.subi %sign3A_27, %sign3A_30 : i32
    %ne3A = arith.cmpi ne, %sign3A_24, %sign3A_31 : i32
    %rem3A = arith.remsi %squeeze3A, %jit3A : i32
    %ne3A_32 = arith.constant 0 : i32
    %ne3A_33 = arith.cmpi ne, %rem3A, %ne3A_32 : i32
    %and3A = arith.andi %ne3A, %ne3A_33 : i1
    %sub3A = arith.constant 1 : i32
    %sub3A_34 = arith.subi %div3A, %sub3A : i32
    %select_n3A = arith.select %and3A, %sub3A_34, %div3A : i32
    %mul3A_35 = arith.constant 128 : i32
    %mul3A_36 = arith.muli %select_n3A, %mul3A_35 : i32
    %multiple_of3A_37 = tpu.assume_multiple %mul3A_36, 128 : i32
    %jit3A_38 = arith.constant 128 : i32
    %div3A_39 = arith.divsi %squeeze3A_18, %jit3A_38 : i32
    %sign3A_40 = arith.constant 0 : i32
    %sign3A_41 = arith.cmpi sgt, %squeeze3A_18, %sign3A_40 : i32
    %sign3A_42 = arith.extui %sign3A_41 : i1 to i32
    %sign3A_43 = arith.constant 0 : i32
    %sign3A_44 = arith.cmpi slt, %squeeze3A_18, %sign3A_43 : i32
    %sign3A_45 = arith.extui %sign3A_44 : i1 to i32
    %sign3A_46 = arith.subi %sign3A_42, %sign3A_45 : i32
    %sign3A_47 = arith.constant 0 : i32
    %sign3A_48 = arith.cmpi sgt, %jit3A_38, %sign3A_47 : i32
    %sign3A_49 = arith.extui %sign3A_48 : i1 to i32
    %sign3A_50 = arith.constant 0 : i32
    %sign3A_51 = arith.cmpi slt, %jit3A_38, %sign3A_50 : i32
    %sign3A_52 = arith.extui %sign3A_51 : i1 to i32
    %sign3A_53 = arith.subi %sign3A_49, %sign3A_52 : i32
    %ne3A_54 = arith.cmpi ne, %sign3A_46, %sign3A_53 : i32
    %rem3A_55 = arith.remsi %squeeze3A_18, %jit3A_38 : i32
    %ne3A_56 = arith.constant 0 : i32
    %ne3A_57 = arith.cmpi ne, %rem3A_55, %ne3A_56 : i32
    %and3A_58 = arith.andi %ne3A_54, %ne3A_57 : i1
    %sub3A_59 = arith.constant 1 : i32
    %sub3A_60 = arith.subi %div3A_39, %sub3A_59 : i32
    %select_n3A_61 = arith.select %and3A_58, %sub3A_60, %div3A_39 : i32
    %mul3A_62 = arith.constant 128 : i32
    %mul3A_63 = arith.muli %select_n3A_61, %mul3A_62 : i32
    %multiple_of3A_64 = tpu.assume_multiple %mul3A_63, 128 : i32
    %dma_start3A = arith.constant 0 : i32
    %dma_start3A_65 = arith.constant 0 : i32
    %dma_start3A_66 = arith.constant 0 : i32
    %dma_start3A_67 = arith.constant 0 : i32
    %dma_start3A_68 = tpu.memref_slice %arg10[%dma_start3A, %dma_start3A_66, %dma_start3A_67] : memref<8x32x128xf32, #tpu.memory_space<vmem>> -> memref<1x32x128xf32, #tpu.memory_space<vmem>>
    %dma_start3A_69 = tpu.memref_squeeze %dma_start3A_68 : memref<1x32x128xf32, #tpu.memory_space<vmem>> -> memref<32x128xf32, #tpu.memory_space<vmem>>
    %dma_start3A_70 = arith.constant 0 : i32
    %dma_start3A_71 = tpu.memref_slice %arg4[%dma_start3A_70, %multiple_of3A_37] : memref<32x1000000xf32, #tpu.memory_space<hbm>> -> memref<32x128xf32, #tpu.memory_space<hbm>>
    %dma_start3A_72 = tpu.memref_slice %arg16[%dma_start3A_65] : memref<8x!tpu.dma_semaphore, #tpu.memory_space<semaphore_mem>> -> memref<1x!tpu.dma_semaphore, #tpu.memory_space<semaphore_mem>>
    %dma_start3A_73 = tpu.memref_squeeze %dma_start3A_72 : memref<1x!tpu.dma_semaphore, #tpu.memory_space<semaphore_mem>> -> memref<!tpu.dma_semaphore, #tpu.memory_space<semaphore_mem>>
    %dma_start3A_74 = arith.constant 0 : i32
    %dma_start3A_75 = arith.constant 0 : i32
    %dma_start3A_76 = tpu.memref_slice %arg10[%dma_start3A, %dma_start3A_74, %dma_start3A_75] : memref<8x32x128xf32, #tpu.memory_space<vmem>> -> memref<1x32x128xf32, #tpu.memory_space<vmem>>
    %dma_start3A_77 = tpu.memref_squeeze %dma_start3A_76 : memref<1x32x128xf32, #tpu.memory_space<vmem>> -> memref<32x128xf32, #tpu.memory_space<vmem>>
    %dma_start3A_78 = arith.constant 0 : i32
    %dma_start3A_79 = tpu.memref_slice %arg4[%dma_start3A_78, %multiple_of3A_37] : memref<32x1000000xf32, #tpu.memory_space<hbm>> -> memref<32x128xf32, #tpu.memory_space<hbm>>
    tpu.enqueue_dma source(%dma_start3A_79 : memref<32x128xf32, #tpu.memory_space<hbm>>) target(%dma_start3A_77 : memref<32x128xf32, #tpu.memory_space<vmem>>) target_semaphore(%dma_start3A_73 : memref<!tpu.dma_semaphore, #tpu.memory_space<semaphore_mem>>)
    %dma_start3A_80 = arith.constant 0 : i32
    %dma_start3A_81 = arith.constant 0 : i32
    %dma_start3A_82 = arith.constant 0 : i32
    %dma_start3A_83 = arith.constant 0 : i32
    %dma_start3A_84 = tpu.memref_slice %arg11[%dma_start3A_80, %dma_start3A_82, %dma_start3A_83] : memref<8x32x128xf32, #tpu.memory_space<vmem>> -> memref<1x32x128xf32, #tpu.memory_space<vmem>>
    %dma_start3A_85 = tpu.memref_squeeze %dma_start3A_84 : memref<1x32x128xf32, #tpu.memory_space<vmem>> -> memref<32x128xf32, #tpu.memory_space<vmem>>
    %dma_start3A_86 = arith.constant 0 : i32
    %dma_start3A_87 = tpu.memref_slice %arg5[%dma_start3A_86, %multiple_of3A_64] : memref<32x1000000xf32, #tpu.memory_space<hbm>> -> memref<32x128xf32, #tpu.memory_space<hbm>>
    %dma_start3A_88 = tpu.memref_slice %arg17[%dma_start3A_81] : memref<8x!tpu.dma_semaphore, #tpu.memory_space<semaphore_mem>> -> memref<1x!tpu.dma_semaphore, #tpu.memory_space<semaphore_mem>>
    %dma_start3A_89 = tpu.memref_squeeze %dma_start3A_88 : memref<1x!tpu.dma_semaphore, #tpu.memory_space<semaphore_mem>> -> memref<!tpu.dma_semaphore, #tpu.memory_space<semaphore_mem>>
    %dma_start3A_90 = arith.constant 0 : i32
    %dma_start3A_91 = arith.constant 0 : i32
    %dma_start3A_92 = tpu.memref_slice %arg11[%dma_start3A_80, %dma_start3A_90, %dma_start3A_91] : memref<8x32x128xf32, #tpu.memory_space<vmem>> -> memref<1x32x128xf32, #tpu.memory_space<vmem>>
    %dma_start3A_93 = tpu.memref_squeeze %dma_start3A_92 : memref<1x32x128xf32, #tpu.memory_space<vmem>> -> memref<32x128xf32, #tpu.memory_space<vmem>>
    %dma_start3A_94 = arith.constant 0 : i32
    %dma_start3A_95 = tpu.memref_slice %arg5[%dma_start3A_94, %multiple_of3A_64] : memref<32x1000000xf32, #tpu.memory_space<hbm>> -> memref<32x128xf32, #tpu.memory_space<hbm>>
    tpu.enqueue_dma source(%dma_start3A_95 : memref<32x128xf32, #tpu.memory_space<hbm>>) target(%dma_start3A_93 : memref<32x128xf32, #tpu.memory_space<vmem>>) target_semaphore(%dma_start3A_89 : memref<!tpu.dma_semaphore, #tpu.memory_space<semaphore_mem>>)
    %slice3A_96 = vector.extract_strided_slice %get3A_14 {offsets = [1], sizes = [1], strides = [1]} : vector<16xi32> to vector<1xi32>
    %squeeze3A_97 = vector.extract %slice3A_96[0] : i32 from vector<1xi32>
    %slice3A_98 = vector.extract_strided_slice %get3A_16 {offsets = [1], sizes = [1], strides = [1]} : vector<16xi32> to vector<1xi32>
    %squeeze3A_99 = vector.extract %slice3A_98[0] : i32 from vector<1xi32>
    %jit3A_100 = arith.constant 128 : i32
    %div3A_101 = arith.divsi %squeeze3A_97, %jit3A_100 : i32
    %sign3A_102 = arith.constant 0 : i32
    %sign3A_103 = arith.cmpi sgt, %squeeze3A_97, %sign3A_102 : i32
    %sign3A_104 = arith.extui %sign3A_103 : i1 to i32
    %sign3A_105 = arith.constant 0 : i32
    %sign3A_106 = arith.cmpi slt, %squeeze3A_97, %sign3A_105 : i32
    %sign3A_107 = arith.extui %sign3A_106 : i1 to i32
    %sign3A_108 = arith.subi %sign3A_104, %sign3A_107 : i32
    %sign3A_109 = arith.constant 0 : i32
    %sign3A_110 = arith.cmpi sgt, %jit3A_100, %sign3A_109 : i32
    %sign3A_111 = arith.extui %sign3A_110 : i1 to i32
    %sign3A_112 = arith.constant 0 : i32
    %sign3A_113 = arith.cmpi slt, %jit3A_100, %sign3A_112 : i32
    %sign3A_114 = arith.extui %sign3A_113 : i1 to i32
    %sign3A_115 = arith.subi %sign3A_111, %sign3A_114 : i32
    %ne3A_116 = arith.cmpi ne, %sign3A_108, %sign3A_115 : i32
    %rem3A_117 = arith.remsi %squeeze3A_97, %jit3A_100 : i32
    %ne3A_118 = arith.constant 0 : i32
    %ne3A_119 = arith.cmpi ne, %rem3A_117, %ne3A_118 : i32
    %and3A_120 = arith.andi %ne3A_116, %ne3A_119 : i1
    %sub3A_121 = arith.constant 1 : i32
    %sub3A_122 = arith.subi %div3A_101, %sub3A_121 : i32
    %select_n3A_123 = arith.select %and3A_120, %sub3A_122, %div3A_101 : i32
    %mul3A_124 = arith.constant 128 : i32
    %mul3A_125 = arith.muli %select_n3A_123, %mul3A_124 : i32
    %multiple_of3A_126 = tpu.assume_multiple %mul3A_125, 128 : i32
    %jit3A_127 = arith.constant 128 : i32
    %div3A_128 = arith.divsi %squeeze3A_99, %jit3A_127 : i32
    %sign3A_129 = arith.constant 0 : i32
    %sign3A_130 = arith.cmpi sgt, %squeeze3A_99, %sign3A_129 : i32
    %sign3A_131 = arith.extui %sign3A_130 : i1 to i32
    %sign3A_132 = arith.constant 0 : i32
    %sign3A_133 = arith.cmpi slt, %squeeze3A_99, %sign3A_132 : i32
    %sign3A_134 = arith.extui %sign3A_133 : i1 to i32
    %sign3A_135 = arith.subi %sign3A_131, %sign3A_134 : i32
    %sign3A_136 = arith.constant 0 : i32
    %sign3A_137 = arith.cmpi sgt, %jit3A_127, %sign3A_136 : i32
    %sign3A_138 = arith.extui %sign3A_137 : i1 to i32
    %sign3A_139 = arith.constant 0 : i32
    %sign3A_140 = arith.cmpi slt, %jit3A_127, %sign3A_139 : i32
    %sign3A_141 = arith.extui %sign3A_140 : i1 to i32
    %sign3A_142 = arith.subi %sign3A_138, %sign3A_141 : i32
    %ne3A_143 = arith.cmpi ne, %sign3A_135, %sign3A_142 : i32
    %rem3A_144 = arith.remsi %squeeze3A_99, %jit3A_127 : i32
    %ne3A_145 = arith.constant 0 : i32
    %ne3A_146 = arith.cmpi ne, %rem3A_144, %ne3A_145 : i32
    %and3A_147 = arith.andi %ne3A_143, %ne3A_146 : i1
    %sub3A_148 = arith.constant 1 : i32
    %sub3A_149 = arith.subi %div3A_128, %sub3A_148 : i32
    %select_n3A_150 = arith.select %and3A_147, %sub3A_149, %div3A_128 : i32
    %mul3A_151 = arith.constant 128 : i32
    %mul3A_152 = arith.muli %select_n3A_150, %mul3A_151 : i32
    %multiple_of3A_153 = tpu.assume_multiple %mul3A_152, 128 : i32
    %dma_start3A_154 = arith.constant 1 : i32
    %dma_start3A_155 = arith.constant 1 : i32
    %dma_start3A_156 = arith.constant 0 : i32
    %dma_start3A_157 = arith.constant 0 : i32
    %dma_start3A_158 = tpu.memref_slice %arg10[%dma_start3A_154, %dma_start3A_156, %dma_start3A_157] : memref<8x32x128xf32, #tpu.memory_space<vmem>> -> memref<1x32x128xf32, #tpu.memory_space<vmem>>
    %dma_start3A_159 = tpu.memref_squeeze %dma_start3A_158 : memref<1x32x128xf32, #tpu.memory_space<vmem>> -> memref<32x128xf32, #tpu.memory_space<vmem>>
    %dma_start3A_160 = arith.constant 0 : i32
    %dma_start3A_161 = tpu.memref_slice %arg4[%dma_start3A_160, %multiple_of3A_126] : memref<32x1000000xf32, #tpu.memory_space<hbm>> -> memref<32x128xf32, #tpu.memory_space<hbm>>
    %dma_start3A_162 = tpu.memref_slice %arg16[%dma_start3A_155] : memref<8x!tpu.dma_semaphore, #tpu.memory_space<semaphore_mem>> -> memref<1x!tpu.dma_semaphore, #tpu.memory_space<semaphore_mem>>
    %dma_start3A_163 = tpu.memref_squeeze %dma_start3A_162 : memref<1x!tpu.dma_semaphore, #tpu.memory_space<semaphore_mem>> -> memref<!tpu.dma_semaphore, #tpu.memory_space<semaphore_mem>>
    %dma_start3A_164 = arith.constant 0 : i32
    %dma_start3A_165 = arith.constant 0 : i32
    %dma_start3A_166 = tpu.memref_slice %arg10[%dma_start3A_154, %dma_start3A_164, %dma_start3A_165] : memref<8x32x128xf32, #tpu.memory_space<vmem>> -> memref<1x32x128xf32, #tpu.memory_space<vmem>>
    %dma_start3A_167 = tpu.memref_squeeze %dma_start3A_166 : memref<1x32x128xf32, #tpu.memory_space<vmem>> -> memref<32x128xf32, #tpu.memory_space<vmem>>
    %dma_start3A_168 = arith.constant 0 : i32
    %dma_start3A_169 = tpu.memref_slice %arg4[%dma_start3A_168, %multiple_of3A_126] : memref<32x1000000xf32, #tpu.memory_space<hbm>> -> memref<32x128xf32, #tpu.memory_space<hbm>>
    tpu.enqueue_dma source(%dma_start3A_169 : memref<32x128xf32, #tpu.memory_space<hbm>>) target(%dma_start3A_167 : memref<32x128xf32, #tpu.memory_space<vmem>>) target_semaphore(%dma_start3A_163 : memref<!tpu.dma_semaphore, #tpu.memory_space<semaphore_mem>>)
    %dma_start3A_170 = arith.constant 1 : i32
    %dma_start3A_171 = arith.constant 1 : i32
    %dma_start3A_172 = arith.constant 0 : i32
    %dma_start3A_173 = arith.constant 0 : i32
    %dma_start3A_174 = tpu.memref_slice %arg11[%dma_start3A_170, %dma_start3A_172, %dma_start3A_173] : memref<8x32x128xf32, #tpu.memory_space<vmem>> -> memref<1x32x128xf32, #tpu.memory_space<vmem>>
    %dma_start3A_175 = tpu.memref_squeeze %dma_start3A_174 : memref<1x32x128xf32, #tpu.memory_space<vmem>> -> memref<32x128xf32, #tpu.memory_space<vmem>>
    %dma_start3A_176 = arith.constant 0 : i32
    %dma_start3A_177 = tpu.memref_slice %arg5[%dma_start3A_176, %multiple_of3A_153] : memref<32x1000000xf32, #tpu.memory_space<hbm>> -> memref<32x128xf32, #tpu.memory_space<hbm>>
    %dma_start3A_178 = tpu.memref_slice %arg17[%dma_start3A_171] : memref<8x!tpu.dma_semaphore, #tpu.memory_space<semaphore_mem>> -> memref<1x!tpu.dma_semaphore, #tpu.memory_space<semaphore_mem>>
    %dma_start3A_179 = tpu.memref_squeeze %dma_start3A_178 : memref<1x!tpu.dma_semaphore, #tpu.memory_space<semaphore_mem>> -> memref<!tpu.dma_semaphore, #tpu.memory_space<semaphore_mem>>
    %dma_start3A_180 = arith.constant 0 : i32
    %dma_start3A_181 = arith.constant 0 : i32
    %dma_start3A_182 = tpu.memref_slice %arg11[%dma_start3A_170, %dma_start3A_180, %dma_start3A_181] : memref<8x32x128xf32, #tpu.memory_space<vmem>> -> memref<1x32x128xf32, #tpu.memory_space<vmem>>
    %dma_start3A_183 = tpu.memref_squeeze %dma_start3A_182 : memref<1x32x128xf32, #tpu.memory_space<vmem>> -> memref<32x128xf32, #tpu.memory_space<vmem>>
    %dma_start3A_184 = arith.constant 0 : i32
    %dma_start3A_185 = tpu.memref_slice %arg5[%dma_start3A_184, %multiple_of3A_153] : memref<32x1000000xf32, #tpu.memory_space<hbm>> -> memref<32x128xf32, #tpu.memory_space<hbm>>
    tpu.enqueue_dma source(%dma_start3A_185 : memref<32x128xf32, #tpu.memory_space<hbm>>) target(%dma_start3A_183 : memref<32x128xf32, #tpu.memory_space<vmem>>) target_semaphore(%dma_start3A_179 : memref<!tpu.dma_semaphore, #tpu.memory_space<semaphore_mem>>)
    %slice3A_186 = vector.extract_strided_slice %get3A_14 {offsets = [2], sizes = [1], strides = [1]} : vector<16xi32> to vector<1xi32>
    %squeeze3A_187 = vector.extract %slice3A_186[0] : i32 from vector<1xi32>
    %slice3A_188 = vector.extract_strided_slice %get3A_16 {offsets = [2], sizes = [1], strides = [1]} : vector<16xi32> to vector<1xi32>
    %squeeze3A_189 = vector.extract %slice3A_188[0] : i32 from vector<1xi32>
    %jit3A_190 = arith.constant 128 : i32
    %div3A_191 = arith.divsi %squeeze3A_187, %jit3A_190 : i32
    %sign3A_192 = arith.constant 0 : i32
    %sign3A_193 = arith.cmpi sgt, %squeeze3A_187, %sign3A_192 : i32
    %sign3A_194 = arith.extui %sign3A_193 : i1 to i32
    %sign3A_195 = arith.constant 0 : i32
    %sign3A_196 = arith.cmpi slt, %squeeze3A_187, %sign3A_195 : i32
    %sign3A_197 = arith.extui %sign3A_196 : i1 to i32
    %sign3A_198 = arith.subi %sign3A_194, %sign3A_197 : i32
    %sign3A_199 = arith.constant 0 : i32
    %sign3A_200 = arith.cmpi sgt, %jit3A_190, %sign3A_199 : i32
    %sign3A_201 = arith.extui %sign3A_200 : i1 to i32
    %sign3A_202 = arith.constant 0 : i32
    %sign3A_203 = arith.cmpi slt, %jit3A_190, %sign3A_202 : i32
    %sign3A_204 = arith.extui %sign3A_203 : i1 to i32
    %sign3A_205 = arith.subi %sign3A_201, %sign3A_204 : i32
    %ne3A_206 = arith.cmpi ne, %sign3A_198, %sign3A_205 : i32
    %rem3A_207 = arith.remsi %squeeze3A_187, %jit3A_190 : i32
    %ne3A_208 = arith.constant 0 : i32
    %ne3A_209 = arith.cmpi ne, %rem3A_207, %ne3A_208 : i32
    %and3A_210 = arith.andi %ne3A_206, %ne3A_209 : i1
    %sub3A_211 = arith.constant 1 : i32
    %sub3A_212 = arith.subi %div3A_191, %sub3A_211 : i32
    %select_n3A_213 = arith.select %and3A_210, %sub3A_212, %div3A_191 : i32
    %mul3A_214 = arith.constant 128 : i32
    %mul3A_215 = arith.muli %select_n3A_213, %mul3A_214 : i32
    %multiple_of3A_216 = tpu.assume_multiple %mul3A_215, 128 : i32
    %jit3A_217 = arith.constant 128 : i32
    %div3A_218 = arith.divsi %squeeze3A_189, %jit3A_217 : i32
    %sign3A_219 = arith.constant 0 : i32
    %sign3A_220 = arith.cmpi sgt, %squeeze3A_189, %sign3A_219 : i32
    %sign3A_221 = arith.extui %sign3A_220 : i1 to i32
    %sign3A_222 = arith.constant 0 : i32
    %sign3A_223 = arith.cmpi slt, %squeeze3A_189, %sign3A_222 : i32
    %sign3A_224 = arith.extui %sign3A_223 : i1 to i32
    %sign3A_225 = arith.subi %sign3A_221, %sign3A_224 : i32
    %sign3A_226 = arith.constant 0 : i32
    %sign3A_227 = arith.cmpi sgt, %jit3A_217, %sign3A_226 : i32
    %sign3A_228 = arith.extui %sign3A_227 : i1 to i32
    %sign3A_229 = arith.constant 0 : i32
    %sign3A_230 = arith.cmpi slt, %jit3A_217, %sign3A_229 : i32
    %sign3A_231 = arith.extui %sign3A_230 : i1 to i32
    %sign3A_232 = arith.subi %sign3A_228, %sign3A_231 : i32
    %ne3A_233 = arith.cmpi ne, %sign3A_225, %sign3A_232 : i32
    %rem3A_234 = arith.remsi %squeeze3A_189, %jit3A_217 : i32
    %ne3A_235 = arith.constant 0 : i32
    %ne3A_236 = arith.cmpi ne, %rem3A_234, %ne3A_235 : i32
    %and3A_237 = arith.andi %ne3A_233, %ne3A_236 : i1
    %sub3A_238 = arith.constant 1 : i32
    %sub3A_239 = arith.subi %div3A_218, %sub3A_238 : i32
    %select_n3A_240 = arith.select %and3A_237, %sub3A_239, %div3A_218 : i32
    %mul3A_241 = arith.constant 128 : i32
    %mul3A_242 = arith.muli %select_n3A_240, %mul3A_241 : i32
    %multiple_of3A_243 = tpu.assume_multiple %mul3A_242, 128 : i32
    %dma_start3A_244 = arith.constant 2 : i32
    %dma_start3A_245 = arith.constant 2 : i32
    %dma_start3A_246 = arith.constant 0 : i32
    %dma_start3A_247 = arith.constant 0 : i32
    %dma_start3A_248 = tpu.memref_slice %arg10[%dma_start3A_244, %dma_start3A_246, %dma_start3A_247] : memref<8x32x128xf32, #tpu.memory_space<vmem>> -> memref<1x32x128xf32, #tpu.memory_space<vmem>>
    %dma_start3A_249 = tpu.memref_squeeze %dma_start3A_248 : memref<1x32x128xf32, #tpu.memory_space<vmem>> -> memref<32x128xf32, #tpu.memory_space<vmem>>
    %dma_start3A_250 = arith.constant 0 : i32
    %dma_start3A_251 = tpu.memref_slice %arg4[%dma_start3A_250, %multiple_of3A_216] : memref<32x1000000xf32, #tpu.memory_space<hbm>> -> memref<32x128xf32, #tpu.memory_space<hbm>>
    %dma_start3A_252 = tpu.memref_slice %arg16[%dma_start3A_245] : memref<8x!tpu.dma_semaphore, #tpu.memory_space<semaphore_mem>> -> memref<1x!tpu.dma_semaphore, #tpu.memory_space<semaphore_mem>>
    %dma_start3A_253 = tpu.memref_squeeze %dma_start3A_252 : memref<1x!tpu.dma_semaphore, #tpu.memory_space<semaphore_mem>> -> memref<!tpu.dma_semaphore, #tpu.memory_space<semaphore_mem>>
    %dma_start3A_254 = arith.constant 0 : i32
    %dma_start3A_255 = arith.constant 0 : i32
    %dma_start3A_256 = tpu.memref_slice %arg10[%dma_start3A_244, %dma_start3A_254, %dma_start3A_255] : memref<8x32x128xf32, #tpu.memory_space<vmem>> -> memref<1x32x128xf32, #tpu.memory_space<vmem>>
    %dma_start3A_257 = tpu.memref_squeeze %dma_start3A_256 : memref<1x32x128xf32, #tpu.memory_space<vmem>> -> memref<32x128xf32, #tpu.memory_space<vmem>>
    %dma_start3A_258 = arith.constant 0 : i32
    %dma_start3A_259 = tpu.memref_slice %arg4[%dma_start3A_258, %multiple_of3A_216] : memref<32x1000000xf32, #tpu.memory_space<hbm>> -> memref<32x128xf32, #tpu.memory_space<hbm>>
    tpu.enqueue_dma source(%dma_start3A_259 : memref<32x128xf32, #tpu.memory_space<hbm>>) target(%dma_start3A_257 : memref<32x128xf32, #tpu.memory_space<vmem>>) target_semaphore(%dma_start3A_253 : memref<!tpu.dma_semaphore, #tpu.memory_space<semaphore_mem>>)
    %dma_start3A_260 = arith.constant 2 : i32
    %dma_start3A_261 = arith.constant 2 : i32
    %dma_start3A_262 = arith.constant 0 : i32
    %dma_start3A_263 = arith.constant 0 : i32
    %dma_start3A_264 = tpu.memref_slice %arg11[%dma_start3A_260, %dma_start3A_262, %dma_start3A_263] : memref<8x32x128xf32, #tpu.memory_space<vmem>> -> memref<1x32x128xf32, #tpu.memory_space<vmem>>
    %dma_start3A_265 = tpu.memref_squeeze %dma_start3A_264 : memref<1x32x128xf32, #tpu.memory_space<vmem>> -> memref<32x128xf32, #tpu.memory_space<vmem>>
    %dma_start3A_266 = arith.constant 0 : i32
    %dma_start3A_267 = tpu.memref_slice %arg5[%dma_start3A_266, %multiple_of3A_243] : memref<32x1000000xf32, #tpu.memory_space<hbm>> -> memref<32x128xf32, #tpu.memory_space<hbm>>
    %dma_start3A_268 = tpu.memref_slice %arg17[%dma_start3A_261] : memref<8x!tpu.dma_semaphore, #tpu.memory_space<semaphore_mem>> -> memref<1x!tpu.dma_semaphore, #tpu.memory_space<semaphore_mem>>
    %dma_start3A_269 = tpu.memref_squeeze %dma_start3A_268 : memref<1x!tpu.dma_semaphore, #tpu.memory_space<semaphore_mem>> -> memref<!tpu.dma_semaphore, #tpu.memory_space<semaphore_mem>>
    %dma_start3A_270 = arith.constant 0 : i32
    %dma_start3A_271 = arith.constant 0 : i32
    %dma_start3A_272 = tpu.memref_slice %arg11[%dma_start3A_260, %dma_start3A_270, %dma_start3A_271] : memref<8x32x128xf32, #tpu.memory_space<vmem>> -> memref<1x32x128xf32, #tpu.memory_space<vmem>>
    %dma_start3A_273 = tpu.memref_squeeze %dma_start3A_272 : memref<1x32x128xf32, #tpu.memory_space<vmem>> -> memref<32x128xf32, #tpu.memory_space<vmem>>
    %dma_start3A_274 = arith.constant 0 : i32
    %dma_start3A_275 = tpu.memref_slice %arg5[%dma_start3A_274, %multiple_of3A_243] : memref<32x1000000xf32, #tpu.memory_space<hbm>> -> memref<32x128xf32, #tpu.memory_space<hbm>>
    tpu.enqueue_dma source(%dma_start3A_275 : memref<32x128xf32, #tpu.memory_space<hbm>>) target(%dma_start3A_273 : memref<32x128xf32, #tpu.memory_space<vmem>>) target_semaphore(%dma_start3A_269 : memref<!tpu.dma_semaphore, #tpu.memory_space<semaphore_mem>>)
    %slice3A_276 = vector.extract_strided_slice %get3A_14 {offsets = [3], sizes = [1], strides = [1]} : vector<16xi32> to vector<1xi32>
    %squeeze3A_277 = vector.extract %slice3A_276[0] : i32 from vector<1xi32>
    %slice3A_278 = vector.extract_strided_slice %get3A_16 {offsets = [3], sizes = [1], strides = [1]} : vector<16xi32> to vector<1xi32>
    %squeeze3A_279 = vector.extract %slice3A_278[0] : i32 from vector<1xi32>
    %jit3A_280 = arith.constant 128 : i32
    %div3A_281 = arith.divsi %squeeze3A_277, %jit3A_280 : i32
    %sign3A_282 = arith.constant 0 : i32
    %sign3A_283 = arith.cmpi sgt, %squeeze3A_277, %sign3A_282 : i32
    %sign3A_284 = arith.extui %sign3A_283 : i1 to i32
    %sign3A_285 = arith.constant 0 : i32
    %sign3A_286 = arith.cmpi slt, %squeeze3A_277, %sign3A_285 : i32
    %sign3A_287 = arith.extui %sign3A_286 : i1 to i32
    %sign3A_288 = arith.subi %sign3A_284, %sign3A_287 : i32
    %sign3A_289 = arith.constant 0 : i32
    %sign3A_290 = arith.cmpi sgt, %jit3A_280, %sign3A_289 : i32
    %sign3A_291 = arith.extui %sign3A_290 : i1 to i32
    %sign3A_292 = arith.constant 0 : i32
    %sign3A_293 = arith.cmpi slt, %jit3A_280, %sign3A_292 : i32
    %sign3A_294 = arith.extui %sign3A_293 : i1 to i32
    %sign3A_295 = arith.subi %sign3A_291, %sign3A_294 : i32
    %ne3A_296 = arith.cmpi ne, %sign3A_288, %sign3A_295 : i32
    %rem3A_297 = arith.remsi %squeeze3A_277, %jit3A_280 : i32
    %ne3A_298 = arith.constant 0 : i32
    %ne3A_299 = arith.cmpi ne, %rem3A_297, %ne3A_298 : i32
    %and3A_300 = arith.andi %ne3A_296, %ne3A_299 : i1
    %sub3A_301 = arith.constant 1 : i32
    %sub3A_302 = arith.subi %div3A_281, %sub3A_301 : i32
    %select_n3A_303 = arith.select %and3A_300, %sub3A_302, %div3A_281 : i32
    %mul3A_304 = arith.constant 128 : i32
    %mul3A_305 = arith.muli %select_n3A_303, %mul3A_304 : i32
    %multiple_of3A_306 = tpu.assume_multiple %mul3A_305, 128 : i32
    %jit3A_307 = arith.constant 128 : i32
    %div3A_308 = arith.divsi %squeeze3A_279, %jit3A_307 : i32
    %sign3A_309 = arith.constant 0 : i32
    %sign3A_310 = arith.cmpi sgt, %squeeze3A_279, %sign3A_309 : i32
    %sign3A_311 = arith.extui %sign3A_310 : i1 to i32
    %sign3A_312 = arith.constant 0 : i32
    %sign3A_313 = arith.cmpi slt, %squeeze3A_279, %sign3A_312 : i32
    %sign3A_314 = arith.extui %sign3A_313 : i1 to i32
    %sign3A_315 = arith.subi %sign3A_311, %sign3A_314 : i32
    %sign3A_316 = arith.constant 0 : i32
    %sign3A_317 = arith.cmpi sgt, %jit3A_307, %sign3A_316 : i32
    %sign3A_318 = arith.extui %sign3A_317 : i1 to i32
    %sign3A_319 = arith.constant 0 : i32
    %sign3A_320 = arith.cmpi slt, %jit3A_307, %sign3A_319 : i32
    %sign3A_321 = arith.extui %sign3A_320 : i1 to i32
    %sign3A_322 = arith.subi %sign3A_318, %sign3A_321 : i32
    %ne3A_323 = arith.cmpi ne, %sign3A_315, %sign3A_322 : i32
    %rem3A_324 = arith.remsi %squeeze3A_279, %jit3A_307 : i32
    %ne3A_325 = arith.constant 0 : i32
    %ne3A_326 = arith.cmpi ne, %rem3A_324, %ne3A_325 : i32
    %and3A_327 = arith.andi %ne3A_323, %ne3A_326 : i1
    %sub3A_328 = arith.constant 1 : i32
    %sub3A_329 = arith.subi %div3A_308, %sub3A_328 : i32
    %select_n3A_330 = arith.select %and3A_327, %sub3A_329, %div3A_308 : i32
    %mul3A_331 = arith.constant 128 : i32
    %mul3A_332 = arith.muli %select_n3A_330, %mul3A_331 : i32
    %multiple_of3A_333 = tpu.assume_multiple %mul3A_332, 128 : i32
    %dma_start3A_334 = arith.constant 3 : i32
    %dma_start3A_335 = arith.constant 3 : i32
    %dma_start3A_336 = arith.constant 0 : i32
    %dma_start3A_337 = arith.constant 0 : i32
    %dma_start3A_338 = tpu.memref_slice %arg10[%dma_start3A_334, %dma_start3A_336, %dma_start3A_337] : memref<8x32x128xf32, #tpu.memory_space<vmem>> -> memref<1x32x128xf32, #tpu.memory_space<vmem>>
    %dma_start3A_339 = tpu.memref_squeeze %dma_start3A_338 : memref<1x32x128xf32, #tpu.memory_space<vmem>> -> memref<32x128xf32, #tpu.memory_space<vmem>>
    %dma_start3A_340 = arith.constant 0 : i32
    %dma_start3A_341 = tpu.memref_slice %arg4[%dma_start3A_340, %multiple_of3A_306] : memref<32x1000000xf32, #tpu.memory_space<hbm>> -> memref<32x128xf32, #tpu.memory_space<hbm>>
    %dma_start3A_342 = tpu.memref_slice %arg16[%dma_start3A_335] : memref<8x!tpu.dma_semaphore, #tpu.memory_space<semaphore_mem>> -> memref<1x!tpu.dma_semaphore, #tpu.memory_space<semaphore_mem>>
    %dma_start3A_343 = tpu.memref_squeeze %dma_start3A_342 : memref<1x!tpu.dma_semaphore, #tpu.memory_space<semaphore_mem>> -> memref<!tpu.dma_semaphore, #tpu.memory_space<semaphore_mem>>
    %dma_start3A_344 = arith.constant 0 : i32
    %dma_start3A_345 = arith.constant 0 : i32
    %dma_start3A_346 = tpu.memref_slice %arg10[%dma_start3A_334, %dma_start3A_344, %dma_start3A_345] : memref<8x32x128xf32, #tpu.memory_space<vmem>> -> memref<1x32x128xf32, #tpu.memory_space<vmem>>
    %dma_start3A_347 = tpu.memref_squeeze %dma_start3A_346 : memref<1x32x128xf32, #tpu.memory_space<vmem>> -> memref<32x128xf32, #tpu.memory_space<vmem>>
    %dma_start3A_348 = arith.constant 0 : i32
    %dma_start3A_349 = tpu.memref_slice %arg4[%dma_start3A_348, %multiple_of3A_306] : memref<32x1000000xf32, #tpu.memory_space<hbm>> -> memref<32x128xf32, #tpu.memory_space<hbm>>
    tpu.enqueue_dma source(%dma_start3A_349 : memref<32x128xf32, #tpu.memory_space<hbm>>) target(%dma_start3A_347 : memref<32x128xf32, #tpu.memory_space<vmem>>) target_semaphore(%dma_start3A_343 : memref<!tpu.dma_semaphore, #tpu.memory_space<semaphore_mem>>)
    %dma_start3A_350 = arith.constant 3 : i32
    %dma_start3A_351 = arith.constant 3 : i32
    %dma_start3A_352 = arith.constant 0 : i32
    %dma_start3A_353 = arith.constant 0 : i32
    %dma_start3A_354 = tpu.memref_slice %arg11[%dma_start3A_350, %dma_start3A_352, %dma_start3A_353] : memref<8x32x128xf32, #tpu.memory_space<vmem>> -> memref<1x32x128xf32, #tpu.memory_space<vmem>>
    %dma_start3A_355 = tpu.memref_squeeze %dma_start3A_354 : memref<1x32x128xf32, #tpu.memory_space<vmem>> -> memref<32x128xf32, #tpu.memory_space<vmem>>
    %dma_start3A_356 = arith.constant 0 : i32
    %dma_start3A_357 = tpu.memref_slice %arg5[%dma_start3A_356, %multiple_of3A_333] : memref<32x1000000xf32, #tpu.memory_space<hbm>> -> memref<32x128xf32, #tpu.memory_space<hbm>>
    %dma_start3A_358 = tpu.memref_slice %arg17[%dma_start3A_351] : memref<8x!tpu.dma_semaphore, #tpu.memory_space<semaphore_mem>> -> memref<1x!tpu.dma_semaphore, #tpu.memory_space<semaphore_mem>>
    %dma_start3A_359 = tpu.memref_squeeze %dma_start3A_358 : memref<1x!tpu.dma_semaphore, #tpu.memory_space<semaphore_mem>> -> memref<!tpu.dma_semaphore, #tpu.memory_space<semaphore_mem>>
    %dma_start3A_360 = arith.constant 0 : i32
    %dma_start3A_361 = arith.constant 0 : i32
    %dma_start3A_362 = tpu.memref_slice %arg11[%dma_start3A_350, %dma_start3A_360, %dma_start3A_361] : memref<8x32x128xf32, #tpu.memory_space<vmem>> -> memref<1x32x128xf32, #tpu.memory_space<vmem>>
    %dma_start3A_363 = tpu.memref_squeeze %dma_start3A_362 : memref<1x32x128xf32, #tpu.memory_space<vmem>> -> memref<32x128xf32, #tpu.memory_space<vmem>>
    %dma_start3A_364 = arith.constant 0 : i32
    %dma_start3A_365 = tpu.memref_slice %arg5[%dma_start3A_364, %multiple_of3A_333] : memref<32x1000000xf32, #tpu.memory_space<hbm>> -> memref<32x128xf32, #tpu.memory_space<hbm>>
    tpu.enqueue_dma source(%dma_start3A_365 : memref<32x128xf32, #tpu.memory_space<hbm>>) target(%dma_start3A_363 : memref<32x128xf32, #tpu.memory_space<vmem>>) target_semaphore(%dma_start3A_359 : memref<!tpu.dma_semaphore, #tpu.memory_space<semaphore_mem>>)
    %slice3A_366 = vector.extract_strided_slice %get3A_14 {offsets = [4], sizes = [1], strides = [1]} : vector<16xi32> to vector<1xi32>
    %squeeze3A_367 = vector.extract %slice3A_366[0] : i32 from vector<1xi32>
    %slice3A_368 = vector.extract_strided_slice %get3A_16 {offsets = [4], sizes = [1], strides = [1]} : vector<16xi32> to vector<1xi32>
    %squeeze3A_369 = vector.extract %slice3A_368[0] : i32 from vector<1xi32>
    %jit3A_370 = arith.constant 128 : i32
    %div3A_371 = arith.divsi %squeeze3A_367, %jit3A_370 : i32
    %sign3A_372 = arith.constant 0 : i32
    %sign3A_373 = arith.cmpi sgt, %squeeze3A_367, %sign3A_372 : i32
    %sign3A_374 = arith.extui %sign3A_373 : i1 to i32
    %sign3A_375 = arith.constant 0 : i32
    %sign3A_376 = arith.cmpi slt, %squeeze3A_367, %sign3A_375 : i32
    %sign3A_377 = arith.extui %sign3A_376 : i1 to i32
    %sign3A_378 = arith.subi %sign3A_374, %sign3A_377 : i32
    %sign3A_379 = arith.constant 0 : i32
    %sign3A_380 = arith.cmpi sgt, %jit3A_370, %sign3A_379 : i32
    %sign3A_381 = arith.extui %sign3A_380 : i1 to i32
    %sign3A_382 = arith.constant 0 : i32
    %sign3A_383 = arith.cmpi slt, %jit3A_370, %sign3A_382 : i32
    %sign3A_384 = arith.extui %sign3A_383 : i1 to i32
    %sign3A_385 = arith.subi %sign3A_381, %sign3A_384 : i32
    %ne3A_386 = arith.cmpi ne, %sign3A_378, %sign3A_385 : i32
    %rem3A_387 = arith.remsi %squeeze3A_367, %jit3A_370 : i32
    %ne3A_388 = arith.constant 0 : i32
    %ne3A_389 = arith.cmpi ne, %rem3A_387, %ne3A_388 : i32
    %and3A_390 = arith.andi %ne3A_386, %ne3A_389 : i1
    %sub3A_391 = arith.constant 1 : i32
    %sub3A_392 = arith.subi %div3A_371, %sub3A_391 : i32
    %select_n3A_393 = arith.select %and3A_390, %sub3A_392, %div3A_371 : i32
    %mul3A_394 = arith.constant 128 : i32
    %mul3A_395 = arith.muli %select_n3A_393, %mul3A_394 : i32
    %multiple_of3A_396 = tpu.assume_multiple %mul3A_395, 128 : i32
    %jit3A_397 = arith.constant 128 : i32
    %div3A_398 = arith.divsi %squeeze3A_369, %jit3A_397 : i32
    %sign3A_399 = arith.constant 0 : i32
    %sign3A_400 = arith.cmpi sgt, %squeeze3A_369, %sign3A_399 : i32
    %sign3A_401 = arith.extui %sign3A_400 : i1 to i32
    %sign3A_402 = arith.constant 0 : i32
    %sign3A_403 = arith.cmpi slt, %squeeze3A_369, %sign3A_402 : i32
    %sign3A_404 = arith.extui %sign3A_403 : i1 to i32
    %sign3A_405 = arith.subi %sign3A_401, %sign3A_404 : i32
    %sign3A_406 = arith.constant 0 : i32
    %sign3A_407 = arith.cmpi sgt, %jit3A_397, %sign3A_406 : i32
    %sign3A_408 = arith.extui %sign3A_407 : i1 to i32
    %sign3A_409 = arith.constant 0 : i32
    %sign3A_410 = arith.cmpi slt, %jit3A_397, %sign3A_409 : i32
    %sign3A_411 = arith.extui %sign3A_410 : i1 to i32
    %sign3A_412 = arith.subi %sign3A_408, %sign3A_411 : i32
    %ne3A_413 = arith.cmpi ne, %sign3A_405, %sign3A_412 : i32
    %rem3A_414 = arith.remsi %squeeze3A_369, %jit3A_397 : i32
    %ne3A_415 = arith.constant 0 : i32
    %ne3A_416 = arith.cmpi ne, %rem3A_414, %ne3A_415 : i32
    %and3A_417 = arith.andi %ne3A_413, %ne3A_416 : i1
    %sub3A_418 = arith.constant 1 : i32
    %sub3A_419 = arith.subi %div3A_398, %sub3A_418 : i32
    %select_n3A_420 = arith.select %and3A_417, %sub3A_419, %div3A_398 : i32
    %mul3A_421 = arith.constant 128 : i32
    %mul3A_422 = arith.muli %select_n3A_420, %mul3A_421 : i32
    %multiple_of3A_423 = tpu.assume_multiple %mul3A_422, 128 : i32
    %dma_start3A_424 = arith.constant 4 : i32
    %dma_start3A_425 = arith.constant 4 : i32
    %dma_start3A_426 = arith.constant 0 : i32
    %dma_start3A_427 = arith.constant 0 : i32
    %dma_start3A_428 = tpu.memref_slice %arg10[%dma_start3A_424, %dma_start3A_426, %dma_start3A_427] : memref<8x32x128xf32, #tpu.memory_space<vmem>> -> memref<1x32x128xf32, #tpu.memory_space<vmem>>
    %dma_start3A_429 = tpu.memref_squeeze %dma_start3A_428 : memref<1x32x128xf32, #tpu.memory_space<vmem>> -> memref<32x128xf32, #tpu.memory_space<vmem>>
    %dma_start3A_430 = arith.constant 0 : i32
    %dma_start3A_431 = tpu.memref_slice %arg4[%dma_start3A_430, %multiple_of3A_396] : memref<32x1000000xf32, #tpu.memory_space<hbm>> -> memref<32x128xf32, #tpu.memory_space<hbm>>
    %dma_start3A_432 = tpu.memref_slice %arg16[%dma_start3A_425] : memref<8x!tpu.dma_semaphore, #tpu.memory_space<semaphore_mem>> -> memref<1x!tpu.dma_semaphore, #tpu.memory_space<semaphore_mem>>
    %dma_start3A_433 = tpu.memref_squeeze %dma_start3A_432 : memref<1x!tpu.dma_semaphore, #tpu.memory_space<semaphore_mem>> -> memref<!tpu.dma_semaphore, #tpu.memory_space<semaphore_mem>>
    %dma_start3A_434 = arith.constant 0 : i32
    %dma_start3A_435 = arith.constant 0 : i32
    %dma_start3A_436 = tpu.memref_slice %arg10[%dma_start3A_424, %dma_start3A_434, %dma_start3A_435] : memref<8x32x128xf32, #tpu.memory_space<vmem>> -> memref<1x32x128xf32, #tpu.memory_space<vmem>>
    %dma_start3A_437 = tpu.memref_squeeze %dma_start3A_436 : memref<1x32x128xf32, #tpu.memory_space<vmem>> -> memref<32x128xf32, #tpu.memory_space<vmem>>
    %dma_start3A_438 = arith.constant 0 : i32
    %dma_start3A_439 = tpu.memref_slice %arg4[%dma_start3A_438, %multiple_of3A_396] : memref<32x1000000xf32, #tpu.memory_space<hbm>> -> memref<32x128xf32, #tpu.memory_space<hbm>>
    tpu.enqueue_dma source(%dma_start3A_439 : memref<32x128xf32, #tpu.memory_space<hbm>>) target(%dma_start3A_437 : memref<32x128xf32, #tpu.memory_space<vmem>>) target_semaphore(%dma_start3A_433 : memref<!tpu.dma_semaphore, #tpu.memory_space<semaphore_mem>>)
    %dma_start3A_440 = arith.constant 4 : i32
    %dma_start3A_441 = arith.constant 4 : i32
    %dma_start3A_442 = arith.constant 0 : i32
    %dma_start3A_443 = arith.constant 0 : i32
    %dma_start3A_444 = tpu.memref_slice %arg11[%dma_start3A_440, %dma_start3A_442, %dma_start3A_443] : memref<8x32x128xf32, #tpu.memory_space<vmem>> -> memref<1x32x128xf32, #tpu.memory_space<vmem>>
    %dma_start3A_445 = tpu.memref_squeeze %dma_start3A_444 : memref<1x32x128xf32, #tpu.memory_space<vmem>> -> memref<32x128xf32, #tpu.memory_space<vmem>>
    %dma_start3A_446 = arith.constant 0 : i32
    %dma_start3A_447 = tpu.memref_slice %arg5[%dma_start3A_446, %multiple_of3A_423] : memref<32x1000000xf32, #tpu.memory_space<hbm>> -> memref<32x128xf32, #tpu.memory_space<hbm>>
    %dma_start3A_448 = tpu.memref_slice %arg17[%dma_start3A_441] : memref<8x!tpu.dma_semaphore, #tpu.memory_space<semaphore_mem>> -> memref<1x!tpu.dma_semaphore, #tpu.memory_space<semaphore_mem>>
    %dma_start3A_449 = tpu.memref_squeeze %dma_start3A_448 : memref<1x!tpu.dma_semaphore, #tpu.memory_space<semaphore_mem>> -> memref<!tpu.dma_semaphore, #tpu.memory_space<semaphore_mem>>
    %dma_start3A_450 = arith.constant 0 : i32
    %dma_start3A_451 = arith.constant 0 : i32
    %dma_start3A_452 = tpu.memref_slice %arg11[%dma_start3A_440, %dma_start3A_450, %dma_start3A_451] : memref<8x32x128xf32, #tpu.memory_space<vmem>> -> memref<1x32x128xf32, #tpu.memory_space<vmem>>
    %dma_start3A_453 = tpu.memref_squeeze %dma_start3A_452 : memref<1x32x128xf32, #tpu.memory_space<vmem>> -> memref<32x128xf32, #tpu.memory_space<vmem>>
    %dma_start3A_454 = arith.constant 0 : i32
    %dma_start3A_455 = tpu.memref_slice %arg5[%dma_start3A_454, %multiple_of3A_423] : memref<32x1000000xf32, #tpu.memory_space<hbm>> -> memref<32x128xf32, #tpu.memory_space<hbm>>
    tpu.enqueue_dma source(%dma_start3A_455 : memref<32x128xf32, #tpu.memory_space<hbm>>) target(%dma_start3A_453 : memref<32x128xf32, #tpu.memory_space<vmem>>) target_semaphore(%dma_start3A_449 : memref<!tpu.dma_semaphore, #tpu.memory_space<semaphore_mem>>)
    %slice3A_456 = vector.extract_strided_slice %get3A_14 {offsets = [5], sizes = [1], strides = [1]} : vector<16xi32> to vector<1xi32>
    %squeeze3A_457 = vector.extract %slice3A_456[0] : i32 from vector<1xi32>
    %slice3A_458 = vector.extract_strided_slice %get3A_16 {offsets = [5], sizes = [1], strides = [1]} : vector<16xi32> to vector<1xi32>
    %squeeze3A_459 = vector.extract %slice3A_458[0] : i32 from vector<1xi32>
    %jit3A_460 = arith.constant 128 : i32
    %div3A_461 = arith.divsi %squeeze3A_457, %jit3A_460 : i32
    %sign3A_462 = arith.constant 0 : i32
    %sign3A_463 = arith.cmpi sgt, %squeeze3A_457, %sign3A_462 : i32
    %sign3A_464 = arith.extui %sign3A_463 : i1 to i32
    %sign3A_465 = arith.constant 0 : i32
    %sign3A_466 = arith.cmpi slt, %squeeze3A_457, %sign3A_465 : i32
    %sign3A_467 = arith.extui %sign3A_466 : i1 to i32
    %sign3A_468 = arith.subi %sign3A_464, %sign3A_467 : i32
    %sign3A_469 = arith.constant 0 : i32
    %sign3A_470 = arith.cmpi sgt, %jit3A_460, %sign3A_469 : i32
    %sign3A_471 = arith.extui %sign3A_470 : i1 to i32
    %sign3A_472 = arith.constant 0 : i32
    %sign3A_473 = arith.cmpi slt, %jit3A_460, %sign3A_472 : i32
    %sign3A_474 = arith.extui %sign3A_473 : i1 to i32
    %sign3A_475 = arith.subi %sign3A_471, %sign3A_474 : i32
    %ne3A_476 = arith.cmpi ne, %sign3A_468, %sign3A_475 : i32
    %rem3A_477 = arith.remsi %squeeze3A_457, %jit3A_460 : i32
    %ne3A_478 = arith.constant 0 : i32
    %ne3A_479 = arith.cmpi ne, %rem3A_477, %ne3A_478 : i32
    %and3A_480 = arith.andi %ne3A_476, %ne3A_479 : i1
    %sub3A_481 = arith.constant 1 : i32
    %sub3A_482 = arith.subi %div3A_461, %sub3A_481 : i32
    %select_n3A_483 = arith.select %and3A_480, %sub3A_482, %div3A_461 : i32
    %mul3A_484 = arith.constant 128 : i32
    %mul3A_485 = arith.muli %select_n3A_483, %mul3A_484 : i32
    %multiple_of3A_486 = tpu.assume_multiple %mul3A_485, 128 : i32
    %jit3A_487 = arith.constant 128 : i32
    %div3A_488 = arith.divsi %squeeze3A_459, %jit3A_487 : i32
    %sign3A_489 = arith.constant 0 : i32
    %sign3A_490 = arith.cmpi sgt, %squeeze3A_459, %sign3A_489 : i32
    %sign3A_491 = arith.extui %sign3A_490 : i1 to i32
    %sign3A_492 = arith.constant 0 : i32
    %sign3A_493 = arith.cmpi slt, %squeeze3A_459, %sign3A_492 : i32
    %sign3A_494 = arith.extui %sign3A_493 : i1 to i32
    %sign3A_495 = arith.subi %sign3A_491, %sign3A_494 : i32
    %sign3A_496 = arith.constant 0 : i32
    %sign3A_497 = arith.cmpi sgt, %jit3A_487, %sign3A_496 : i32
    %sign3A_498 = arith.extui %sign3A_497 : i1 to i32
    %sign3A_499 = arith.constant 0 : i32
    %sign3A_500 = arith.cmpi slt, %jit3A_487, %sign3A_499 : i32
    %sign3A_501 = arith.extui %sign3A_500 : i1 to i32
    %sign3A_502 = arith.subi %sign3A_498, %sign3A_501 : i32
    %ne3A_503 = arith.cmpi ne, %sign3A_495, %sign3A_502 : i32
    %rem3A_504 = arith.remsi %squeeze3A_459, %jit3A_487 : i32
    %ne3A_505 = arith.constant 0 : i32
    %ne3A_506 = arith.cmpi ne, %rem3A_504, %ne3A_505 : i32
    %and3A_507 = arith.andi %ne3A_503, %ne3A_506 : i1
    %sub3A_508 = arith.constant 1 : i32
    %sub3A_509 = arith.subi %div3A_488, %sub3A_508 : i32
    %select_n3A_510 = arith.select %and3A_507, %sub3A_509, %div3A_488 : i32
    %mul3A_511 = arith.constant 128 : i32
    %mul3A_512 = arith.muli %select_n3A_510, %mul3A_511 : i32
    %multiple_of3A_513 = tpu.assume_multiple %mul3A_512, 128 : i32
    %dma_start3A_514 = arith.constant 5 : i32
    %dma_start3A_515 = arith.constant 5 : i32
    %dma_start3A_516 = arith.constant 0 : i32
    %dma_start3A_517 = arith.constant 0 : i32
    %dma_start3A_518 = tpu.memref_slice %arg10[%dma_start3A_514, %dma_start3A_516, %dma_start3A_517] : memref<8x32x128xf32, #tpu.memory_space<vmem>> -> memref<1x32x128xf32, #tpu.memory_space<vmem>>
    %dma_start3A_519 = tpu.memref_squeeze %dma_start3A_518 : memref<1x32x128xf32, #tpu.memory_space<vmem>> -> memref<32x128xf32, #tpu.memory_space<vmem>>
    %dma_start3A_520 = arith.constant 0 : i32
    %dma_start3A_521 = tpu.memref_slice %arg4[%dma_start3A_520, %multiple_of3A_486] : memref<32x1000000xf32, #tpu.memory_space<hbm>> -> memref<32x128xf32, #tpu.memory_space<hbm>>
    %dma_start3A_522 = tpu.memref_slice %arg16[%dma_start3A_515] : memref<8x!tpu.dma_semaphore, #tpu.memory_space<semaphore_mem>> -> memref<1x!tpu.dma_semaphore, #tpu.memory_space<semaphore_mem>>
    %dma_start3A_523 = tpu.memref_squeeze %dma_start3A_522 : memref<1x!tpu.dma_semaphore, #tpu.memory_space<semaphore_mem>> -> memref<!tpu.dma_semaphore, #tpu.memory_space<semaphore_mem>>
    %dma_start3A_524 = arith.constant 0 : i32
    %dma_start3A_525 = arith.constant 0 : i32
    %dma_start3A_526 = tpu.memref_slice %arg10[%dma_start3A_514, %dma_start3A_524, %dma_start3A_525] : memref<8x32x128xf32, #tpu.memory_space<vmem>> -> memref<1x32x128xf32, #tpu.memory_space<vmem>>
    %dma_start3A_527 = tpu.memref_squeeze %dma_start3A_526 : memref<1x32x128xf32, #tpu.memory_space<vmem>> -> memref<32x128xf32, #tpu.memory_space<vmem>>
    %dma_start3A_528 = arith.constant 0 : i32
    %dma_start3A_529 = tpu.memref_slice %arg4[%dma_start3A_528, %multiple_of3A_486] : memref<32x1000000xf32, #tpu.memory_space<hbm>> -> memref<32x128xf32, #tpu.memory_space<hbm>>
    tpu.enqueue_dma source(%dma_start3A_529 : memref<32x128xf32, #tpu.memory_space<hbm>>) target(%dma_start3A_527 : memref<32x128xf32, #tpu.memory_space<vmem>>) target_semaphore(%dma_start3A_523 : memref<!tpu.dma_semaphore, #tpu.memory_space<semaphore_mem>>)
    %dma_start3A_530 = arith.constant 5 : i32
    %dma_start3A_531 = arith.constant 5 : i32
    %dma_start3A_532 = arith.constant 0 : i32
    %dma_start3A_533 = arith.constant 0 : i32
    %dma_start3A_534 = tpu.memref_slice %arg11[%dma_start3A_530, %dma_start3A_532, %dma_start3A_533] : memref<8x32x128xf32, #tpu.memory_space<vmem>> -> memref<1x32x128xf32, #tpu.memory_space<vmem>>
    %dma_start3A_535 = tpu.memref_squeeze %dma_start3A_534 : memref<1x32x128xf32, #tpu.memory_space<vmem>> -> memref<32x128xf32, #tpu.memory_space<vmem>>
    %dma_start3A_536 = arith.constant 0 : i32
    %dma_start3A_537 = tpu.memref_slice %arg5[%dma_start3A_536, %multiple_of3A_513] : memref<32x1000000xf32, #tpu.memory_space<hbm>> -> memref<32x128xf32, #tpu.memory_space<hbm>>
    %dma_start3A_538 = tpu.memref_slice %arg17[%dma_start3A_531] : memref<8x!tpu.dma_semaphore, #tpu.memory_space<semaphore_mem>> -> memref<1x!tpu.dma_semaphore, #tpu.memory_space<semaphore_mem>>
    %dma_start3A_539 = tpu.memref_squeeze %dma_start3A_538 : memref<1x!tpu.dma_semaphore, #tpu.memory_space<semaphore_mem>> -> memref<!tpu.dma_semaphore, #tpu.memory_space<semaphore_mem>>
    %dma_start3A_540 = arith.constant 0 : i32
    %dma_start3A_541 = arith.constant 0 : i32
    %dma_start3A_542 = tpu.memref_slice %arg11[%dma_start3A_530, %dma_start3A_540, %dma_start3A_541] : memref<8x32x128xf32, #tpu.memory_space<vmem>> -> memref<1x32x128xf32, #tpu.memory_space<vmem>>
    %dma_start3A_543 = tpu.memref_squeeze %dma_start3A_542 : memref<1x32x128xf32, #tpu.memory_space<vmem>> -> memref<32x128xf32, #tpu.memory_space<vmem>>
    %dma_start3A_544 = arith.constant 0 : i32
    %dma_start3A_545 = tpu.memref_slice %arg5[%dma_start3A_544, %multiple_of3A_513] : memref<32x1000000xf32, #tpu.memory_space<hbm>> -> memref<32x128xf32, #tpu.memory_space<hbm>>
    tpu.enqueue_dma source(%dma_start3A_545 : memref<32x128xf32, #tpu.memory_space<hbm>>) target(%dma_start3A_543 : memref<32x128xf32, #tpu.memory_space<vmem>>) target_semaphore(%dma_start3A_539 : memref<!tpu.dma_semaphore, #tpu.memory_space<semaphore_mem>>)
    %slice3A_546 = vector.extract_strided_slice %get3A_14 {offsets = [6], sizes = [1], strides = [1]} : vector<16xi32> to vector<1xi32>
    %squeeze3A_547 = vector.extract %slice3A_546[0] : i32 from vector<1xi32>
    %slice3A_548 = vector.extract_strided_slice %get3A_16 {offsets = [6], sizes = [1], strides = [1]} : vector<16xi32> to vector<1xi32>
    %squeeze3A_549 = vector.extract %slice3A_548[0] : i32 from vector<1xi32>
    %jit3A_550 = arith.constant 128 : i32
    %div3A_551 = arith.divsi %squeeze3A_547, %jit3A_550 : i32
    %sign3A_552 = arith.constant 0 : i32
    %sign3A_553 = arith.cmpi sgt, %squeeze3A_547, %sign3A_552 : i32
    %sign3A_554 = arith.extui %sign3A_553 : i1 to i32
    %sign3A_555 = arith.constant 0 : i32
    %sign3A_556 = arith.cmpi slt, %squeeze3A_547, %sign3A_555 : i32
    %sign3A_557 = arith.extui %sign3A_556 : i1 to i32
    %sign3A_558 = arith.subi %sign3A_554, %sign3A_557 : i32
    %sign3A_559 = arith.constant 0 : i32
    %sign3A_560 = arith.cmpi sgt, %jit3A_550, %sign3A_559 : i32
    %sign3A_561 = arith.extui %sign3A_560 : i1 to i32
    %sign3A_562 = arith.constant 0 : i32
    %sign3A_563 = arith.cmpi slt, %jit3A_550, %sign3A_562 : i32
    %sign3A_564 = arith.extui %sign3A_563 : i1 to i32
    %sign3A_565 = arith.subi %sign3A_561, %sign3A_564 : i32
    %ne3A_566 = arith.cmpi ne, %sign3A_558, %sign3A_565 : i32
    %rem3A_567 = arith.remsi %squeeze3A_547, %jit3A_550 : i32
    %ne3A_568 = arith.constant 0 : i32
    %ne3A_569 = arith.cmpi ne, %rem3A_567, %ne3A_568 : i32
    %and3A_570 = arith.andi %ne3A_566, %ne3A_569 : i1
    %sub3A_571 = arith.constant 1 : i32
    %sub3A_572 = arith.subi %div3A_551, %sub3A_571 : i32
    %select_n3A_573 = arith.select %and3A_570, %sub3A_572, %div3A_551 : i32
    %mul3A_574 = arith.constant 128 : i32
    %mul3A_575 = arith.muli %select_n3A_573, %mul3A_574 : i32
    %multiple_of3A_576 = tpu.assume_multiple %mul3A_575, 128 : i32
    %jit3A_577 = arith.constant 128 : i32
    %div3A_578 = arith.divsi %squeeze3A_549, %jit3A_577 : i32
    %sign3A_579 = arith.constant 0 : i32
    %sign3A_580 = arith.cmpi sgt, %squeeze3A_549, %sign3A_579 : i32
    %sign3A_581 = arith.extui %sign3A_580 : i1 to i32
    %sign3A_582 = arith.constant 0 : i32
    %sign3A_583 = arith.cmpi slt, %squeeze3A_549, %sign3A_582 : i32
    %sign3A_584 = arith.extui %sign3A_583 : i1 to i32
    %sign3A_585 = arith.subi %sign3A_581, %sign3A_584 : i32
    %sign3A_586 = arith.constant 0 : i32
    %sign3A_587 = arith.cmpi sgt, %jit3A_577, %sign3A_586 : i32
    %sign3A_588 = arith.extui %sign3A_587 : i1 to i32
    %sign3A_589 = arith.constant 0 : i32
    %sign3A_590 = arith.cmpi slt, %jit3A_577, %sign3A_589 : i32
    %sign3A_591 = arith.extui %sign3A_590 : i1 to i32
    %sign3A_592 = arith.subi %sign3A_588, %sign3A_591 : i32
    %ne3A_593 = arith.cmpi ne, %sign3A_585, %sign3A_592 : i32
    %rem3A_594 = arith.remsi %squeeze3A_549, %jit3A_577 : i32
    %ne3A_595 = arith.constant 0 : i32
    %ne3A_596 = arith.cmpi ne, %rem3A_594, %ne3A_595 : i32
    %and3A_597 = arith.andi %ne3A_593, %ne3A_596 : i1
    %sub3A_598 = arith.constant 1 : i32
    %sub3A_599 = arith.subi %div3A_578, %sub3A_598 : i32
    %select_n3A_600 = arith.select %and3A_597, %sub3A_599, %div3A_578 : i32
    %mul3A_601 = arith.constant 128 : i32
    %mul3A_602 = arith.muli %select_n3A_600, %mul3A_601 : i32
    %multiple_of3A_603 = tpu.assume_multiple %mul3A_602, 128 : i32
    %dma_start3A_604 = arith.constant 6 : i32
    %dma_start3A_605 = arith.constant 6 : i32
    %dma_start3A_606 = arith.constant 0 : i32
    %dma_start3A_607 = arith.constant 0 : i32
    %dma_start3A_608 = tpu.memref_slice %arg10[%dma_start3A_604, %dma_start3A_606, %dma_start3A_607] : memref<8x32x128xf32, #tpu.memory_space<vmem>> -> memref<1x32x128xf32, #tpu.memory_space<vmem>>
    %dma_start3A_609 = tpu.memref_squeeze %dma_start3A_608 : memref<1x32x128xf32, #tpu.memory_space<vmem>> -> memref<32x128xf32, #tpu.memory_space<vmem>>
    %dma_start3A_610 = arith.constant 0 : i32
    %dma_start3A_611 = tpu.memref_slice %arg4[%dma_start3A_610, %multiple_of3A_576] : memref<32x1000000xf32, #tpu.memory_space<hbm>> -> memref<32x128xf32, #tpu.memory_space<hbm>>
    %dma_start3A_612 = tpu.memref_slice %arg16[%dma_start3A_605] : memref<8x!tpu.dma_semaphore, #tpu.memory_space<semaphore_mem>> -> memref<1x!tpu.dma_semaphore, #tpu.memory_space<semaphore_mem>>
    %dma_start3A_613 = tpu.memref_squeeze %dma_start3A_612 : memref<1x!tpu.dma_semaphore, #tpu.memory_space<semaphore_mem>> -> memref<!tpu.dma_semaphore, #tpu.memory_space<semaphore_mem>>
    %dma_start3A_614 = arith.constant 0 : i32
    %dma_start3A_615 = arith.constant 0 : i32
    %dma_start3A_616 = tpu.memref_slice %arg10[%dma_start3A_604, %dma_start3A_614, %dma_start3A_615] : memref<8x32x128xf32, #tpu.memory_space<vmem>> -> memref<1x32x128xf32, #tpu.memory_space<vmem>>
    %dma_start3A_617 = tpu.memref_squeeze %dma_start3A_616 : memref<1x32x128xf32, #tpu.memory_space<vmem>> -> memref<32x128xf32, #tpu.memory_space<vmem>>
    %dma_start3A_618 = arith.constant 0 : i32
    %dma_start3A_619 = tpu.memref_slice %arg4[%dma_start3A_618, %multiple_of3A_576] : memref<32x1000000xf32, #tpu.memory_space<hbm>> -> memref<32x128xf32, #tpu.memory_space<hbm>>
    tpu.enqueue_dma source(%dma_start3A_619 : memref<32x128xf32, #tpu.memory_space<hbm>>) target(%dma_start3A_617 : memref<32x128xf32, #tpu.memory_space<vmem>>) target_semaphore(%dma_start3A_613 : memref<!tpu.dma_semaphore, #tpu.memory_space<semaphore_mem>>)
    %dma_start3A_620 = arith.constant 6 : i32
    %dma_start3A_621 = arith.constant 6 : i32
    %dma_start3A_622 = arith.constant 0 : i32
    %dma_start3A_623 = arith.constant 0 : i32
    %dma_start3A_624 = tpu.memref_slice %arg11[%dma_start3A_620, %dma_start3A_622, %dma_start3A_623] : memref<8x32x128xf32, #tpu.memory_space<vmem>> -> memref<1x32x128xf32, #tpu.memory_space<vmem>>
    %dma_start3A_625 = tpu.memref_squeeze %dma_start3A_624 : memref<1x32x128xf32, #tpu.memory_space<vmem>> -> memref<32x128xf32, #tpu.memory_space<vmem>>
    %dma_start3A_626 = arith.constant 0 : i32
    %dma_start3A_627 = tpu.memref_slice %arg5[%dma_start3A_626, %multiple_of3A_603] : memref<32x1000000xf32, #tpu.memory_space<hbm>> -> memref<32x128xf32, #tpu.memory_space<hbm>>
    %dma_start3A_628 = tpu.memref_slice %arg17[%dma_start3A_621] : memref<8x!tpu.dma_semaphore, #tpu.memory_space<semaphore_mem>> -> memref<1x!tpu.dma_semaphore, #tpu.memory_space<semaphore_mem>>
    %dma_start3A_629 = tpu.memref_squeeze %dma_start3A_628 : memref<1x!tpu.dma_semaphore, #tpu.memory_space<semaphore_mem>> -> memref<!tpu.dma_semaphore, #tpu.memory_space<semaphore_mem>>
    %dma_start3A_630 = arith.constant 0 : i32
    %dma_start3A_631 = arith.constant 0 : i32
    %dma_start3A_632 = tpu.memref_slice %arg11[%dma_start3A_620, %dma_start3A_630, %dma_start3A_631] : memref<8x32x128xf32, #tpu.memory_space<vmem>> -> memref<1x32x128xf32, #tpu.memory_space<vmem>>
    %dma_start3A_633 = tpu.memref_squeeze %dma_start3A_632 : memref<1x32x128xf32, #tpu.memory_space<vmem>> -> memref<32x128xf32, #tpu.memory_space<vmem>>
    %dma_start3A_634 = arith.constant 0 : i32
    %dma_start3A_635 = tpu.memref_slice %arg5[%dma_start3A_634, %multiple_of3A_603] : memref<32x1000000xf32, #tpu.memory_space<hbm>> -> memref<32x128xf32, #tpu.memory_space<hbm>>
    tpu.enqueue_dma source(%dma_start3A_635 : memref<32x128xf32, #tpu.memory_space<hbm>>) target(%dma_start3A_633 : memref<32x128xf32, #tpu.memory_space<vmem>>) target_semaphore(%dma_start3A_629 : memref<!tpu.dma_semaphore, #tpu.memory_space<semaphore_mem>>)
    %slice3A_636 = vector.extract_strided_slice %get3A_14 {offsets = [7], sizes = [1], strides = [1]} : vector<16xi32> to vector<1xi32>
    %squeeze3A_637 = vector.extract %slice3A_636[0] : i32 from vector<1xi32>
    %slice3A_638 = vector.extract_strided_slice %get3A_16 {offsets = [7], sizes = [1], strides = [1]} : vector<16xi32> to vector<1xi32>
    %squeeze3A_639 = vector.extract %slice3A_638[0] : i32 from vector<1xi32>
    %jit3A_640 = arith.constant 128 : i32
    %div3A_641 = arith.divsi %squeeze3A_637, %jit3A_640 : i32
    %sign3A_642 = arith.constant 0 : i32
    %sign3A_643 = arith.cmpi sgt, %squeeze3A_637, %sign3A_642 : i32
    %sign3A_644 = arith.extui %sign3A_643 : i1 to i32
    %sign3A_645 = arith.constant 0 : i32
    %sign3A_646 = arith.cmpi slt, %squeeze3A_637, %sign3A_645 : i32
    %sign3A_647 = arith.extui %sign3A_646 : i1 to i32
    %sign3A_648 = arith.subi %sign3A_644, %sign3A_647 : i32
    %sign3A_649 = arith.constant 0 : i32
    %sign3A_650 = arith.cmpi sgt, %jit3A_640, %sign3A_649 : i32
    %sign3A_651 = arith.extui %sign3A_650 : i1 to i32
    %sign3A_652 = arith.constant 0 : i32
    %sign3A_653 = arith.cmpi slt, %jit3A_640, %sign3A_652 : i32
    %sign3A_654 = arith.extui %sign3A_653 : i1 to i32
    %sign3A_655 = arith.subi %sign3A_651, %sign3A_654 : i32
    %ne3A_656 = arith.cmpi ne, %sign3A_648, %sign3A_655 : i32
    %rem3A_657 = arith.remsi %squeeze3A_637, %jit3A_640 : i32
    %ne3A_658 = arith.constant 0 : i32
    %ne3A_659 = arith.cmpi ne, %rem3A_657, %ne3A_658 : i32
    %and3A_660 = arith.andi %ne3A_656, %ne3A_659 : i1
    %sub3A_661 = arith.constant 1 : i32
    %sub3A_662 = arith.subi %div3A_641, %sub3A_661 : i32
    %select_n3A_663 = arith.select %and3A_660, %sub3A_662, %div3A_641 : i32
    %mul3A_664 = arith.constant 128 : i32
    %mul3A_665 = arith.muli %select_n3A_663, %mul3A_664 : i32
    %multiple_of3A_666 = tpu.assume_multiple %mul3A_665, 128 : i32
    %jit3A_667 = arith.constant 128 : i32
    %div3A_668 = arith.divsi %squeeze3A_639, %jit3A_667 : i32
    %sign3A_669 = arith.constant 0 : i32
    %sign3A_670 = arith.cmpi sgt, %squeeze3A_639, %sign3A_669 : i32
    %sign3A_671 = arith.extui %sign3A_670 : i1 to i32
    %sign3A_672 = arith.constant 0 : i32
    %sign3A_673 = arith.cmpi slt, %squeeze3A_639, %sign3A_672 : i32
    %sign3A_674 = arith.extui %sign3A_673 : i1 to i32
    %sign3A_675 = arith.subi %sign3A_671, %sign3A_674 : i32
    %sign3A_676 = arith.constant 0 : i32
    %sign3A_677 = arith.cmpi sgt, %jit3A_667, %sign3A_676 : i32
    %sign3A_678 = arith.extui %sign3A_677 : i1 to i32
    %sign3A_679 = arith.constant 0 : i32
    %sign3A_680 = arith.cmpi slt, %jit3A_667, %sign3A_679 : i32
    %sign3A_681 = arith.extui %sign3A_680 : i1 to i32
    %sign3A_682 = arith.subi %sign3A_678, %sign3A_681 : i32
    %ne3A_683 = arith.cmpi ne, %sign3A_675, %sign3A_682 : i32
    %rem3A_684 = arith.remsi %squeeze3A_639, %jit3A_667 : i32
    %ne3A_685 = arith.constant 0 : i32
    %ne3A_686 = arith.cmpi ne, %rem3A_684, %ne3A_685 : i32
    %and3A_687 = arith.andi %ne3A_683, %ne3A_686 : i1
    %sub3A_688 = arith.constant 1 : i32
    %sub3A_689 = arith.subi %div3A_668, %sub3A_688 : i32
    %select_n3A_690 = arith.select %and3A_687, %sub3A_689, %div3A_668 : i32
    %mul3A_691 = arith.constant 128 : i32
    %mul3A_692 = arith.muli %select_n3A_690, %mul3A_691 : i32
    %multiple_of3A_693 = tpu.assume_multiple %mul3A_692, 128 : i32
    %dma_start3A_694 = arith.constant 7 : i32
    %dma_start3A_695 = arith.constant 7 : i32
    %dma_start3A_696 = arith.constant 0 : i32
    %dma_start3A_697 = arith.constant 0 : i32
    %dma_start3A_698 = tpu.memref_slice %arg10[%dma_start3A_694, %dma_start3A_696, %dma_start3A_697] : memref<8x32x128xf32, #tpu.memory_space<vmem>> -> memref<1x32x128xf32, #tpu.memory_space<vmem>>
    %dma_start3A_699 = tpu.memref_squeeze %dma_start3A_698 : memref<1x32x128xf32, #tpu.memory_space<vmem>> -> memref<32x128xf32, #tpu.memory_space<vmem>>
    %dma_start3A_700 = arith.constant 0 : i32
    %dma_start3A_701 = tpu.memref_slice %arg4[%dma_start3A_700, %multiple_of3A_666] : memref<32x1000000xf32, #tpu.memory_space<hbm>> -> memref<32x128xf32, #tpu.memory_space<hbm>>
    %dma_start3A_702 = tpu.memref_slice %arg16[%dma_start3A_695] : memref<8x!tpu.dma_semaphore, #tpu.memory_space<semaphore_mem>> -> memref<1x!tpu.dma_semaphore, #tpu.memory_space<semaphore_mem>>
    %dma_start3A_703 = tpu.memref_squeeze %dma_start3A_702 : memref<1x!tpu.dma_semaphore, #tpu.memory_space<semaphore_mem>> -> memref<!tpu.dma_semaphore, #tpu.memory_space<semaphore_mem>>
    %dma_start3A_704 = arith.constant 0 : i32
    %dma_start3A_705 = arith.constant 0 : i32
    %dma_start3A_706 = tpu.memref_slice %arg10[%dma_start3A_694, %dma_start3A_704, %dma_start3A_705] : memref<8x32x128xf32, #tpu.memory_space<vmem>> -> memref<1x32x128xf32, #tpu.memory_space<vmem>>
    %dma_start3A_707 = tpu.memref_squeeze %dma_start3A_706 : memref<1x32x128xf32, #tpu.memory_space<vmem>> -> memref<32x128xf32, #tpu.memory_space<vmem>>
    %dma_start3A_708 = arith.constant 0 : i32
    %dma_start3A_709 = tpu.memref_slice %arg4[%dma_start3A_708, %multiple_of3A_666] : memref<32x1000000xf32, #tpu.memory_space<hbm>> -> memref<32x128xf32, #tpu.memory_space<hbm>>
    tpu.enqueue_dma source(%dma_start3A_709 : memref<32x128xf32, #tpu.memory_space<hbm>>) target(%dma_start3A_707 : memref<32x128xf32, #tpu.memory_space<vmem>>) target_semaphore(%dma_start3A_703 : memref<!tpu.dma_semaphore, #tpu.memory_space<semaphore_mem>>)
    %dma_start3A_710 = arith.constant 7 : i32
    %dma_start3A_711 = arith.constant 7 : i32
    %dma_start3A_712 = arith.constant 0 : i32
    %dma_start3A_713 = arith.constant 0 : i32
    %dma_start3A_714 = tpu.memref_slice %arg11[%dma_start3A_710, %dma_start3A_712, %dma_start3A_713] : memref<8x32x128xf32, #tpu.memory_space<vmem>> -> memref<1x32x128xf32, #tpu.memory_space<vmem>>
    %dma_start3A_715 = tpu.memref_squeeze %dma_start3A_714 : memref<1x32x128xf32, #tpu.memory_space<vmem>> -> memref<32x128xf32, #tpu.memory_space<vmem>>
    %dma_start3A_716 = arith.constant 0 : i32
    %dma_start3A_717 = tpu.memref_slice %arg5[%dma_start3A_716, %multiple_of3A_693] : memref<32x1000000xf32, #tpu.memory_space<hbm>> -> memref<32x128xf32, #tpu.memory_space<hbm>>
    %dma_start3A_718 = tpu.memref_slice %arg17[%dma_start3A_711] : memref<8x!tpu.dma_semaphore, #tpu.memory_space<semaphore_mem>> -> memref<1x!tpu.dma_semaphore, #tpu.memory_space<semaphore_mem>>
    %dma_start3A_719 = tpu.memref_squeeze %dma_start3A_718 : memref<1x!tpu.dma_semaphore, #tpu.memory_space<semaphore_mem>> -> memref<!tpu.dma_semaphore, #tpu.memory_space<semaphore_mem>>
    %dma_start3A_720 = arith.constant 0 : i32
    %dma_start3A_721 = arith.constant 0 : i32
    %dma_start3A_722 = tpu.memref_slice %arg11[%dma_start3A_710, %dma_start3A_720, %dma_start3A_721] : memref<8x32x128xf32, #tpu.memory_space<vmem>> -> memref<1x32x128xf32, #tpu.memory_space<vmem>>
    %dma_start3A_723 = tpu.memref_squeeze %dma_start3A_722 : memref<1x32x128xf32, #tpu.memory_space<vmem>> -> memref<32x128xf32, #tpu.memory_space<vmem>>
    %dma_start3A_724 = arith.constant 0 : i32
    %dma_start3A_725 = tpu.memref_slice %arg5[%dma_start3A_724, %multiple_of3A_693] : memref<32x1000000xf32, #tpu.memory_space<hbm>> -> memref<32x128xf32, #tpu.memory_space<hbm>>
    tpu.enqueue_dma source(%dma_start3A_725 : memref<32x128xf32, #tpu.memory_space<hbm>>) target(%dma_start3A_723 : memref<32x128xf32, #tpu.memory_space<vmem>>) target_semaphore(%dma_start3A_719 : memref<!tpu.dma_semaphore, #tpu.memory_space<semaphore_mem>>)
    %scan3A_726 = arith.constant 1 : i32
    %scan3A_727 = arith.constant 0 : i32
    %scan3A_728 = arith.constant 1 : i32
    %scan3A_729 = arith.constant 63 : i32
    %scan3A_730 = arith.addi %scan3A_728, %scan3A_729 : i32
    %scan3A_731 = arith.constant 1 : i32
    scf.for %scan3A_2175 = %scan3A_728 to %scan3A_730 step %scan3A_731  : i32 {
      %sub3A_2176 = arith.constant 1 : i32
      %sub3A_2177 = arith.subi %scan3A_2175, %sub3A_2176 : i32
      %mul3A_2178 = arith.constant 8 : i32
      %mul3A_2179 = arith.muli %sub3A_2177, %mul3A_2178 : i32
      %multiple_of3A_2180 = tpu.assume_multiple %mul3A_2179, 8 : i32
      %get3A_2181 = arith.index_cast %multiple_of3A_2180 : i32 to index
      %get3A_2182 = tpu.vector_load %arg8[%get3A_2181] {strides = array<i32>} : memref<528xi32, #tpu.memory_space<vmem>>, vector<16xi32>,
      %get3A_2183 = arith.index_cast %multiple_of3A_2180 : i32 to index
      %get3A_2184 = tpu.vector_load %arg9[%get3A_2183] {strides = array<i32>} : memref<528xi32, #tpu.memory_space<vmem>>, vector<16xi32>,
      %slice3A_2185 = vector.extract_strided_slice %get3A_2182 {offsets = [0], sizes = [1], strides = [1]} : vector<16xi32> to vector<1xi32>
      %squeeze3A_2186 = vector.extract %slice3A_2185[0] : i32 from vector<1xi32>
      %slice3A_2187 = vector.extract_strided_slice %get3A_2184 {offsets = [0], sizes = [1], strides = [1]} : vector<16xi32> to vector<1xi32>
      %squeeze3A_2188 = vector.extract %slice3A_2187[0] : i32 from vector<1xi32>
      %add3A_2189 = arith.constant 0 : i32
      %add3A_2190 = arith.addi %multiple_of3A_2180, %add3A_2189 : i32
      %dma_wait3A_2191 = arith.constant 0 : i32
      %dma_wait3A_2192 = arith.constant 0 : i32
      %dma_wait3A_2193 = arith.constant 0 : i32
      %dma_wait3A_2194 = arith.constant 0 : i32
      %dma_wait3A_2195 = tpu.memref_slice %arg10[%dma_wait3A_2191, %dma_wait3A_2193, %dma_wait3A_2194] : memref<8x32x128xf32, #tpu.memory_space<vmem>> -> memref<1x32x128xf32, #tpu.memory_space<vmem>>
      %dma_wait3A_2196 = tpu.memref_squeeze %dma_wait3A_2195 : memref<1x32x128xf32, #tpu.memory_space<vmem>> -> memref<32x128xf32, #tpu.memory_space<vmem>>
      %dma_wait3A_2197 = arith.constant 0 : i32
      %dma_wait3A_2198 = arith.constant 0 : i32
      %dma_wait3A_2199 = tpu.memref_slice %arg4[%dma_wait3A_2197, %dma_wait3A_2198] : memref<32x1000000xf32, #tpu.memory_space<hbm>> -> memref<32x128xf32, #tpu.memory_space<hbm>>
      %dma_wait3A_2200 = tpu.memref_slice %arg16[%dma_wait3A_2192] : memref<8x!tpu.dma_semaphore, #tpu.memory_space<semaphore_mem>> -> memref<1x!tpu.dma_semaphore, #tpu.memory_space<semaphore_mem>>
      %dma_wait3A_2201 = tpu.memref_squeeze %dma_wait3A_2200 : memref<1x!tpu.dma_semaphore, #tpu.memory_space<semaphore_mem>> -> memref<!tpu.dma_semaphore, #tpu.memory_space<semaphore_mem>>
      %dma_wait3A_2202 = arith.constant 0 : i32
      %dma_wait3A_2203 = arith.constant 0 : i32
      %dma_wait3A_2204 = tpu.memref_slice %arg10[%dma_wait3A_2191, %dma_wait3A_2202, %dma_wait3A_2203] : memref<8x32x128xf32, #tpu.memory_space<vmem>> -> memref<1x32x128xf32, #tpu.memory_space<vmem>>
      %dma_wait3A_2205 = tpu.memref_squeeze %dma_wait3A_2204 : memref<1x32x128xf32, #tpu.memory_space<vmem>> -> memref<32x128xf32, #tpu.memory_space<vmem>>
      %dma_wait3A_2206 = arith.constant 0 : i32
      %dma_wait3A_2207 = arith.constant 0 : i32
      %dma_wait3A_2208 = tpu.memref_slice %arg4[%dma_wait3A_2206, %dma_wait3A_2207] : memref<32x1000000xf32, #tpu.memory_space<hbm>> -> memref<32x128xf32, #tpu.memory_space<hbm>>
      tpu.wait_dma2 semaphore(%dma_wait3A_2201 : memref<!tpu.dma_semaphore, #tpu.memory_space<semaphore_mem>>) src(%dma_wait3A_2208 : memref<32x128xf32, #tpu.memory_space<hbm>>) dst(%dma_wait3A_2205 : memref<32x128xf32, #tpu.memory_space<vmem>>)
      %dma_wait3A_2209 = arith.constant 0 : i32
      %dma_wait3A_2210 = arith.constant 0 : i32
      %dma_wait3A_2211 = arith.constant 0 : i32
      %dma_wait3A_2212 = arith.constant 0 : i32
      %dma_wait3A_2213 = tpu.memref_slice %arg11[%dma_wait3A_2209, %dma_wait3A_2211, %dma_wait3A_2212] : memref<8x32x128xf32, #tpu.memory_space<vmem>> -> memref<1x32x128xf32, #tpu.memory_space<vmem>>
      %dma_wait3A_2214 = tpu.memref_squeeze %dma_wait3A_2213 : memref<1x32x128xf32, #tpu.memory_space<vmem>> -> memref<32x128xf32, #tpu.memory_space<vmem>>
      %dma_wait3A_2215 = arith.constant 0 : i32
      %dma_wait3A_2216 = arith.constant 0 : i32
      %dma_wait3A_2217 = tpu.memref_slice %arg5[%dma_wait3A_2215, %dma_wait3A_2216] : memref<32x1000000xf32, #tpu.memory_space<hbm>> -> memref<32x128xf32, #tpu.memory_space<hbm>>
      %dma_wait3A_2218 = tpu.memref_slice %arg17[%dma_wait3A_2210] : memref<8x!tpu.dma_semaphore, #tpu.memory_space<semaphore_mem>> -> memref<1x!tpu.dma_semaphore, #tpu.memory_space<semaphore_mem>>
      %dma_wait3A_2219 = tpu.memref_squeeze %dma_wait3A_2218 : memref<1x!tpu.dma_semaphore, #tpu.memory_space<semaphore_mem>> -> memref<!tpu.dma_semaphore, #tpu.memory_space<semaphore_mem>>
      %dma_wait3A_2220 = arith.constant 0 : i32
      %dma_wait3A_2221 = arith.constant 0 : i32
      %dma_wait3A_2222 = tpu.memref_slice %arg11[%dma_wait3A_2209, %dma_wait3A_2220, %dma_wait3A_2221] : memref<8x32x128xf32, #tpu.memory_space<vmem>> -> memref<1x32x128xf32, #tpu.memory_space<vmem>>
      %dma_wait3A_2223 = tpu.memref_squeeze %dma_wait3A_2222 : memref<1x32x128xf32, #tpu.memory_space<vmem>> -> memref<32x128xf32, #tpu.memory_space<vmem>>
      %dma_wait3A_2224 = arith.constant 0 : i32
      %dma_wait3A_2225 = arith.constant 0 : i32
      %dma_wait3A_2226 = tpu.memref_slice %arg5[%dma_wait3A_2224, %dma_wait3A_2225] : memref<32x1000000xf32, #tpu.memory_space<hbm>> -> memref<32x128xf32, #tpu.memory_space<hbm>>
      tpu.wait_dma2 semaphore(%dma_wait3A_2219 : memref<!tpu.dma_semaphore, #tpu.memory_space<semaphore_mem>>) src(%dma_wait3A_2226 : memref<32x128xf32, #tpu.memory_space<hbm>>) dst(%dma_wait3A_2223 : memref<32x128xf32, #tpu.memory_space<vmem>>)
      %rem3A_2227 = arith.constant 128 : i32
      %rem3A_2228 = arith.remsi %squeeze3A_2186, %rem3A_2227 : i32
      %jit3A_2229 = arith.constant 128 : i32
      %div3A_2230 = arith.divsi %add3A_2190, %jit3A_2229 : i32
      %sign3A_2231 = arith.constant 0 : i32
      %sign3A_2232 = arith.cmpi sgt, %add3A_2190, %sign3A_2231 : i32
      %sign3A_2233 = arith.extui %sign3A_2232 : i1 to i32
      %sign3A_2234 = arith.constant 0 : i32
      %sign3A_2235 = arith.cmpi slt, %add3A_2190, %sign3A_2234 : i32
      %sign3A_2236 = arith.extui %sign3A_2235 : i1 to i32
      %sign3A_2237 = arith.subi %sign3A_2233, %sign3A_2236 : i32
      %sign3A_2238 = arith.constant 0 : i32
      %sign3A_2239 = arith.cmpi sgt, %jit3A_2229, %sign3A_2238 : i32
      %sign3A_2240 = arith.extui %sign3A_2239 : i1 to i32
      %sign3A_2241 = arith.constant 0 : i32
      %sign3A_2242 = arith.cmpi slt, %jit3A_2229, %sign3A_2241 : i32
      %sign3A_2243 = arith.extui %sign3A_2242 : i1 to i32
      %sign3A_2244 = arith.subi %sign3A_2240, %sign3A_2243 : i32
      %ne3A_2245 = arith.cmpi ne, %sign3A_2237, %sign3A_2244 : i32
      %rem3A_2246 = arith.remsi %add3A_2190, %jit3A_2229 : i32
      %ne3A_2247 = arith.constant 0 : i32
      %ne3A_2248 = arith.cmpi ne, %rem3A_2246, %ne3A_2247 : i32
      %and3A_2249 = arith.andi %ne3A_2245, %ne3A_2248 : i1
      %sub3A_2250 = arith.constant 1 : i32
      %sub3A_2251 = arith.subi %div3A_2230, %sub3A_2250 : i32
      %select_n3A_2252 = arith.select %and3A_2249, %sub3A_2251, %div3A_2230 : i32
      %rem3A_2253 = arith.constant 128 : i32
      %rem3A_2254 = arith.remsi %add3A_2190, %rem3A_2253 : i32
      %broadcast_in_dim3A_2255 = arith.constant 0 : i32
      %broadcast_in_dim3A_2256 = vector.broadcast %broadcast_in_dim3A_2255 : i32 to vector<16xi32>
      %add3A_2257 = arith.constant 0 : i32
      %add3A_2258 = vector.broadcast %add3A_2257 : i32 to vector<16xi32>
      %add3A_2259 = arith.addi %iota3A, %add3A_2258 : vector<16xi32>
      %broadcast_in_dim3A_2260 = vector.broadcast %rem3A_2228 : i32 to vector<16xi32>
      %gather3A_2261 = tpu.vector_load_idx %arg10[%broadcast_in_dim3A_2256, %add3A_2259, %broadcast_in_dim3A_2260] : memref<8x32x128xf32, #tpu.memory_space<vmem>>[vector<16xi32>, vector<16xi32>, vector<16xi32>], vector<16xf32>,
      %mul3A_2262 = arith.constant 4 : i32
      %mul3A_2263 = vector.broadcast %mul3A_2262 : i32 to vector<16xi32>
      %mul3A_2264 = arith.muli %iota3A, %mul3A_2263 : vector<16xi32>
      %add3A_2265 = arith.constant 0 : i32
      %add3A_2266 = arith.addi %add3A_2265, %select_n3A_2252 : i32
      %add3A_2267 = vector.broadcast %add3A_2266 : i32 to vector<16xi32>
      %add3A_2268 = arith.addi %mul3A_2264, %add3A_2267 : vector<16xi32>
      %broadcast_in_dim3A_2269 = vector.broadcast %rem3A_2254 : i32 to vector<16xi32>
      tpu.vector_store_idx %arg12[%add3A_2268, %broadcast_in_dim3A_2269], %gather3A_2261 : memref<128x128xf32, #tpu.memory_space<vmem>>[vector<16xi32>, vector<16xi32>], vector<16xf32>,
      %broadcast_in_dim3A_2270 = arith.constant 0 : i32
      %broadcast_in_dim3A_2271 = vector.broadcast %broadcast_in_dim3A_2270 : i32 to vector<16xi32>
      %add3A_2272 = arith.constant 16 : i32
      %add3A_2273 = vector.broadcast %add3A_2272 : i32 to vector<16xi32>
      %add3A_2274 = arith.addi %iota3A, %add3A_2273 : vector<16xi32>
      %broadcast_in_dim3A_2275 = vector.broadcast %rem3A_2228 : i32 to vector<16xi32>
      %gather3A_2276 = tpu.vector_load_idx %arg10[%broadcast_in_dim3A_2271, %add3A_2274, %broadcast_in_dim3A_2275] : memref<8x32x128xf32, #tpu.memory_space<vmem>>[vector<16xi32>, vector<16xi32>, vector<16xi32>], vector<16xf32>,
      %mul3A_2277 = arith.constant 4 : i32
      %mul3A_2278 = vector.broadcast %mul3A_2277 : i32 to vector<16xi32>
      %mul3A_2279 = arith.muli %iota3A, %mul3A_2278 : vector<16xi32>
      %add3A_2280 = arith.constant 64 : i32
      %add3A_2281 = arith.addi %add3A_2280, %select_n3A_2252 : i32
      %add3A_2282 = vector.broadcast %add3A_2281 : i32 to vector<16xi32>
      %add3A_2283 = arith.addi %mul3A_2279, %add3A_2282 : vector<16xi32>
      %broadcast_in_dim3A_2284 = vector.broadcast %rem3A_2254 : i32 to vector<16xi32>
      tpu.vector_store_idx %arg12[%add3A_2283, %broadcast_in_dim3A_2284], %gather3A_2276 : memref<128x128xf32, #tpu.memory_space<vmem>>[vector<16xi32>, vector<16xi32>], vector<16xf32>,
      %rem3A_2285 = arith.constant 128 : i32
      %rem3A_2286 = arith.remsi %squeeze3A_2188, %rem3A_2285 : i32
      %jit3A_2287 = arith.constant 128 : i32
      %div3A_2288 = arith.divsi %add3A_2190, %jit3A_2287 : i32
      %sign3A_2289 = arith.constant 0 : i32
      %sign3A_2290 = arith.cmpi sgt, %add3A_2190, %sign3A_2289 : i32
      %sign3A_2291 = arith.extui %sign3A_2290 : i1 to i32
      %sign3A_2292 = arith.constant 0 : i32
      %sign3A_2293 = arith.cmpi slt, %add3A_2190, %sign3A_2292 : i32
      %sign3A_2294 = arith.extui %sign3A_2293 : i1 to i32
      %sign3A_2295 = arith.subi %sign3A_2291, %sign3A_2294 : i32
      %sign3A_2296 = arith.constant 0 : i32
      %sign3A_2297 = arith.cmpi sgt, %jit3A_2287, %sign3A_2296 : i32
      %sign3A_2298 = arith.extui %sign3A_2297 : i1 to i32
      %sign3A_2299 = arith.constant 0 : i32
      %sign3A_2300 = arith.cmpi slt, %jit3A_2287, %sign3A_2299 : i32
      %sign3A_2301 = arith.extui %sign3A_2300 : i1 to i32
      %sign3A_2302 = arith.subi %sign3A_2298, %sign3A_2301 : i32
      %ne3A_2303 = arith.cmpi ne, %sign3A_2295, %sign3A_2302 : i32
      %rem3A_2304 = arith.remsi %add3A_2190, %jit3A_2287 : i32
      %ne3A_2305 = arith.constant 0 : i32
      %ne3A_2306 = arith.cmpi ne, %rem3A_2304, %ne3A_2305 : i32
      %and3A_2307 = arith.andi %ne3A_2303, %ne3A_2306 : i1
      %sub3A_2308 = arith.constant 1 : i32
      %sub3A_2309 = arith.subi %div3A_2288, %sub3A_2308 : i32
      %select_n3A_2310 = arith.select %and3A_2307, %sub3A_2309, %div3A_2288 : i32
      %rem3A_2311 = arith.constant 128 : i32
      %rem3A_2312 = arith.remsi %add3A_2190, %rem3A_2311 : i32
      %broadcast_in_dim3A_2313 = arith.constant 0 : i32
      %broadcast_in_dim3A_2314 = vector.broadcast %broadcast_in_dim3A_2313 : i32 to vector<16xi32>
      %add3A_2315 = arith.constant 0 : i32
      %add3A_2316 = vector.broadcast %add3A_2315 : i32 to vector<16xi32>
      %add3A_2317 = arith.addi %iota3A, %add3A_2316 : vector<16xi32>
      %broadcast_in_dim3A_2318 = vector.broadcast %rem3A_2286 : i32 to vector<16xi32>
      %gather3A_2319 = tpu.vector_load_idx %arg11[%broadcast_in_dim3A_2314, %add3A_2317, %broadcast_in_dim3A_2318] : memref<8x32x128xf32, #tpu.memory_space<vmem>>[vector<16xi32>, vector<16xi32>, vector<16xi32>], vector<16xf32>,
      %mul3A_2320 = arith.constant 4 : i32
      %mul3A_2321 = vector.broadcast %mul3A_2320 : i32 to vector<16xi32>
      %mul3A_2322 = arith.muli %iota3A, %mul3A_2321 : vector<16xi32>
      %add3A_2323 = arith.constant 0 : i32
      %add3A_2324 = arith.addi %add3A_2323, %select_n3A_2310 : i32
      %add3A_2325 = vector.broadcast %add3A_2324 : i32 to vector<16xi32>
      %add3A_2326 = arith.addi %mul3A_2322, %add3A_2325 : vector<16xi32>
      %broadcast_in_dim3A_2327 = vector.broadcast %rem3A_2312 : i32 to vector<16xi32>
      tpu.vector_store_idx %arg13[%add3A_2326, %broadcast_in_dim3A_2327], %gather3A_2319 : memref<128x128xf32, #tpu.memory_space<vmem>>[vector<16xi32>, vector<16xi32>], vector<16xf32>,
      %broadcast_in_dim3A_2328 = arith.constant 0 : i32
      %broadcast_in_dim3A_2329 = vector.broadcast %broadcast_in_dim3A_2328 : i32 to vector<16xi32>
      %add3A_2330 = arith.constant 16 : i32
      %add3A_2331 = vector.broadcast %add3A_2330 : i32 to vector<16xi32>
      %add3A_2332 = arith.addi %iota3A, %add3A_2331 : vector<16xi32>
      %broadcast_in_dim3A_2333 = vector.broadcast %rem3A_2286 : i32 to vector<16xi32>
      %gather3A_2334 = tpu.vector_load_idx %arg11[%broadcast_in_dim3A_2329, %add3A_2332, %broadcast_in_dim3A_2333] : memref<8x32x128xf32, #tpu.memory_space<vmem>>[vector<16xi32>, vector<16xi32>, vector<16xi32>], vector<16xf32>,
      %mul3A_2335 = arith.constant 4 : i32
      %mul3A_2336 = vector.broadcast %mul3A_2335 : i32 to vector<16xi32>
      %mul3A_2337 = arith.muli %iota3A, %mul3A_2336 : vector<16xi32>
      %add3A_2338 = arith.constant 64 : i32
      %add3A_2339 = arith.addi %add3A_2338, %select_n3A_2310 : i32
      %add3A_2340 = vector.broadcast %add3A_2339 : i32 to vector<16xi32>
      %add3A_2341 = arith.addi %mul3A_2337, %add3A_2340 : vector<16xi32>
      %broadcast_in_dim3A_2342 = vector.broadcast %rem3A_2312 : i32 to vector<16xi32>
      tpu.vector_store_idx %arg13[%add3A_2341, %broadcast_in_dim3A_2342], %gather3A_2334 : memref<128x128xf32, #tpu.memory_space<vmem>>[vector<16xi32>, vector<16xi32>], vector<16xf32>,
      %slice3A_2343 = vector.extract_strided_slice %get3A_2182 {offsets = [8], sizes = [1], strides = [1]} : vector<16xi32> to vector<1xi32>
      %squeeze3A_2344 = vector.extract %slice3A_2343[0] : i32 from vector<1xi32>
      %slice3A_2345 = vector.extract_strided_slice %get3A_2184 {offsets = [8], sizes = [1], strides = [1]} : vector<16xi32> to vector<1xi32>
      %squeeze3A_2346 = vector.extract %slice3A_2345[0] : i32 from vector<1xi32>
      %jit3A_2347 = arith.constant 128 : i32
      %div3A_2348 = arith.divsi %squeeze3A_2344, %jit3A_2347 : i32
      %sign3A_2349 = arith.constant 0 : i32
      %sign3A_2350 = arith.cmpi sgt, %squeeze3A_2344, %sign3A_2349 : i32
      %sign3A_2351 = arith.extui %sign3A_2350 : i1 to i32
      %sign3A_2352 = arith.constant 0 : i32
      %sign3A_2353 = arith.cmpi slt, %squeeze3A_2344, %sign3A_2352 : i32
      %sign3A_2354 = arith.extui %sign3A_2353 : i1 to i32
      %sign3A_2355 = arith.subi %sign3A_2351, %sign3A_2354 : i32
      %sign3A_2356 = arith.constant 0 : i32
      %sign3A_2357 = arith.cmpi sgt, %jit3A_2347, %sign3A_2356 : i32
      %sign3A_2358 = arith.extui %sign3A_2357 : i1 to i32
      %sign3A_2359 = arith.constant 0 : i32
      %sign3A_2360 = arith.cmpi slt, %jit3A_2347, %sign3A_2359 : i32
      %sign3A_2361 = arith.extui %sign3A_2360 : i1 to i32
      %sign3A_2362 = arith.subi %sign3A_2358, %sign3A_2361 : i32
      %ne3A_2363 = arith.cmpi ne, %sign3A_2355, %sign3A_2362 : i32
      %rem3A_2364 = arith.remsi %squeeze3A_2344, %jit3A_2347 : i32
      %ne3A_2365 = arith.constant 0 : i32
      %ne3A_2366 = arith.cmpi ne, %rem3A_2364, %ne3A_2365 : i32
      %and3A_2367 = arith.andi %ne3A_2363, %ne3A_2366 : i1
      %sub3A_2368 = arith.constant 1 : i32
      %sub3A_2369 = arith.subi %div3A_2348, %sub3A_2368 : i32
      %select_n3A_2370 = arith.select %and3A_2367, %sub3A_2369, %div3A_2348 : i32
      %mul3A_2371 = arith.constant 128 : i32
      %mul3A_2372 = arith.muli %select_n3A_2370, %mul3A_2371 : i32
      %multiple_of3A_2373 = tpu.assume_multiple %mul3A_2372, 128 : i32
      %jit3A_2374 = arith.constant 128 : i32
      %div3A_2375 = arith.divsi %squeeze3A_2346, %jit3A_2374 : i32
      %sign3A_2376 = arith.constant 0 : i32
      %sign3A_2377 = arith.cmpi sgt, %squeeze3A_2346, %sign3A_2376 : i32
      %sign3A_2378 = arith.extui %sign3A_2377 : i1 to i32
      %sign3A_2379 = arith.constant 0 : i32
      %sign3A_2380 = arith.cmpi slt, %squeeze3A_2346, %sign3A_2379 : i32
      %sign3A_2381 = arith.extui %sign3A_2380 : i1 to i32
      %sign3A_2382 = arith.subi %sign3A_2378, %sign3A_2381 : i32
      %sign3A_2383 = arith.constant 0 : i32
      %sign3A_2384 = arith.cmpi sgt, %jit3A_2374, %sign3A_2383 : i32
      %sign3A_2385 = arith.extui %sign3A_2384 : i1 to i32
      %sign3A_2386 = arith.constant 0 : i32
      %sign3A_2387 = arith.cmpi slt, %jit3A_2374, %sign3A_2386 : i32
      %sign3A_2388 = arith.extui %sign3A_2387 : i1 to i32
      %sign3A_2389 = arith.subi %sign3A_2385, %sign3A_2388 : i32
      %ne3A_2390 = arith.cmpi ne, %sign3A_2382, %sign3A_2389 : i32
      %rem3A_2391 = arith.remsi %squeeze3A_2346, %jit3A_2374 : i32
      %ne3A_2392 = arith.constant 0 : i32
      %ne3A_2393 = arith.cmpi ne, %rem3A_2391, %ne3A_2392 : i32
      %and3A_2394 = arith.andi %ne3A_2390, %ne3A_2393 : i1
      %sub3A_2395 = arith.constant 1 : i32
      %sub3A_2396 = arith.subi %div3A_2375, %sub3A_2395 : i32
      %select_n3A_2397 = arith.select %and3A_2394, %sub3A_2396, %div3A_2375 : i32
      %mul3A_2398 = arith.constant 128 : i32
      %mul3A_2399 = arith.muli %select_n3A_2397, %mul3A_2398 : i32
      %multiple_of3A_2400 = tpu.assume_multiple %mul3A_2399, 128 : i32
      %dma_start3A_2401 = arith.constant 0 : i32
      %dma_start3A_2402 = arith.constant 0 : i32
      %dma_start3A_2403 = arith.constant 0 : i32
      %dma_start3A_2404 = arith.constant 0 : i32
      %dma_start3A_2405 = tpu.memref_slice %arg10[%dma_start3A_2401, %dma_start3A_2403, %dma_start3A_2404] : memref<8x32x128xf32, #tpu.memory_space<vmem>> -> memref<1x32x128xf32, #tpu.memory_space<vmem>>
      %dma_start3A_2406 = tpu.memref_squeeze %dma_start3A_2405 : memref<1x32x128xf32, #tpu.memory_space<vmem>> -> memref<32x128xf32, #tpu.memory_space<vmem>>
      %dma_start3A_2407 = arith.constant 0 : i32
      %dma_start3A_2408 = tpu.memref_slice %arg4[%dma_start3A_2407, %multiple_of3A_2373] : memref<32x1000000xf32, #tpu.memory_space<hbm>> -> memref<32x128xf32, #tpu.memory_space<hbm>>
      %dma_start3A_2409 = tpu.memref_slice %arg16[%dma_start3A_2402] : memref<8x!tpu.dma_semaphore, #tpu.memory_space<semaphore_mem>> -> memref<1x!tpu.dma_semaphore, #tpu.memory_space<semaphore_mem>>
      %dma_start3A_2410 = tpu.memref_squeeze %dma_start3A_2409 : memref<1x!tpu.dma_semaphore, #tpu.memory_space<semaphore_mem>> -> memref<!tpu.dma_semaphore, #tpu.memory_space<semaphore_mem>>
      %dma_start3A_2411 = arith.constant 0 : i32
      %dma_start3A_2412 = arith.constant 0 : i32
      %dma_start3A_2413 = tpu.memref_slice %arg10[%dma_start3A_2401, %dma_start3A_2411, %dma_start3A_2412] : memref<8x32x128xf32, #tpu.memory_space<vmem>> -> memref<1x32x128xf32, #tpu.memory_space<vmem>>
      %dma_start3A_2414 = tpu.memref_squeeze %dma_start3A_2413 : memref<1x32x128xf32, #tpu.memory_space<vmem>> -> memref<32x128xf32, #tpu.memory_space<vmem>>
      %dma_start3A_2415 = arith.constant 0 : i32
      %dma_start3A_2416 = tpu.memref_slice %arg4[%dma_start3A_2415, %multiple_of3A_2373] : memref<32x1000000xf32, #tpu.memory_space<hbm>> -> memref<32x128xf32, #tpu.memory_space<hbm>>
      tpu.enqueue_dma source(%dma_start3A_2416 : memref<32x128xf32, #tpu.memory_space<hbm>>) target(%dma_start3A_2414 : memref<32x128xf32, #tpu.memory_space<vmem>>) target_semaphore(%dma_start3A_2410 : memref<!tpu.dma_semaphore, #tpu.memory_space<semaphore_mem>>)
      %dma_start3A_2417 = arith.constant 0 : i32
      %dma_start3A_2418 = arith.constant 0 : i32
      %dma_start3A_2419 = arith.constant 0 : i32
      %dma_start3A_2420 = arith.constant 0 : i32
      %dma_start3A_2421 = tpu.memref_slice %arg11[%dma_start3A_2417, %dma_start3A_2419, %dma_start3A_2420] : memref<8x32x128xf32, #tpu.memory_space<vmem>> -> memref<1x32x128xf32, #tpu.memory_space<vmem>>
      %dma_start3A_2422 = tpu.memref_squeeze %dma_start3A_2421 : memref<1x32x128xf32, #tpu.memory_space<vmem>> -> memref<32x128xf32, #tpu.memory_space<vmem>>
      %dma_start3A_2423 = arith.constant 0 : i32
      %dma_start3A_2424 = tpu.memref_slice %arg5[%dma_start3A_2423, %multiple_of3A_2400] : memref<32x1000000xf32, #tpu.memory_space<hbm>> -> memref<32x128xf32, #tpu.memory_space<hbm>>
      %dma_start3A_2425 = tpu.memref_slice %arg17[%dma_start3A_2418] : memref<8x!tpu.dma_semaphore, #tpu.memory_space<semaphore_mem>> -> memref<1x!tpu.dma_semaphore, #tpu.memory_space<semaphore_mem>>
      %dma_start3A_2426 = tpu.memref_squeeze %dma_start3A_2425 : memref<1x!tpu.dma_semaphore, #tpu.memory_space<semaphore_mem>> -> memref<!tpu.dma_semaphore, #tpu.memory_space<semaphore_mem>>
      %dma_start3A_2427 = arith.constant 0 : i32
      %dma_start3A_2428 = arith.constant 0 : i32
      %dma_start3A_2429 = tpu.memref_slice %arg11[%dma_start3A_2417, %dma_start3A_2427, %dma_start3A_2428] : memref<8x32x128xf32, #tpu.memory_space<vmem>> -> memref<1x32x128xf32, #tpu.memory_space<vmem>>
      %dma_start3A_2430 = tpu.memref_squeeze %dma_start3A_2429 : memref<1x32x128xf32, #tpu.memory_space<vmem>> -> memref<32x128xf32, #tpu.memory_space<vmem>>
      %dma_start3A_2431 = arith.constant 0 : i32
      %dma_start3A_2432 = tpu.memref_slice %arg5[%dma_start3A_2431, %multiple_of3A_2400] : memref<32x1000000xf32, #tpu.memory_space<hbm>> -> memref<32x128xf32, #tpu.memory_space<hbm>>
      tpu.enqueue_dma source(%dma_start3A_2432 : memref<32x128xf32, #tpu.memory_space<hbm>>) target(%dma_start3A_2430 : memref<32x128xf32, #tpu.memory_space<vmem>>) target_semaphore(%dma_start3A_2426 : memref<!tpu.dma_semaphore, #tpu.memory_space<semaphore_mem>>)
      %slice3A_2433 = vector.extract_strided_slice %get3A_2182 {offsets = [1], sizes = [1], strides = [1]} : vector<16xi32> to vector<1xi32>
      %squeeze3A_2434 = vector.extract %slice3A_2433[0] : i32 from vector<1xi32>
      %slice3A_2435 = vector.extract_strided_slice %get3A_2184 {offsets = [1], sizes = [1], strides = [1]} : vector<16xi32> to vector<1xi32>
      %squeeze3A_2436 = vector.extract %slice3A_2435[0] : i32 from vector<1xi32>
      %add3A_2437 = arith.constant 1 : i32
      %add3A_2438 = arith.addi %multiple_of3A_2180, %add3A_2437 : i32
      %dma_wait3A_2439 = arith.constant 1 : i32
      %dma_wait3A_2440 = arith.constant 1 : i32
      %dma_wait3A_2441 = arith.constant 0 : i32
      %dma_wait3A_2442 = arith.constant 0 : i32
      %dma_wait3A_2443 = tpu.memref_slice %arg10[%dma_wait3A_2439, %dma_wait3A_2441, %dma_wait3A_2442] : memref<8x32x128xf32, #tpu.memory_space<vmem>> -> memref<1x32x128xf32, #tpu.memory_space<vmem>>
      %dma_wait3A_2444 = tpu.memref_squeeze %dma_wait3A_2443 : memref<1x32x128xf32, #tpu.memory_space<vmem>> -> memref<32x128xf32, #tpu.memory_space<vmem>>
      %dma_wait3A_2445 = arith.constant 0 : i32
      %dma_wait3A_2446 = arith.constant 0 : i32
      %dma_wait3A_2447 = tpu.memref_slice %arg4[%dma_wait3A_2445, %dma_wait3A_2446] : memref<32x1000000xf32, #tpu.memory_space<hbm>> -> memref<32x128xf32, #tpu.memory_space<hbm>>
      %dma_wait3A_2448 = tpu.memref_slice %arg16[%dma_wait3A_2440] : memref<8x!tpu.dma_semaphore, #tpu.memory_space<semaphore_mem>> -> memref<1x!tpu.dma_semaphore, #tpu.memory_space<semaphore_mem>>
      %dma_wait3A_2449 = tpu.memref_squeeze %dma_wait3A_2448 : memref<1x!tpu.dma_semaphore, #tpu.memory_space<semaphore_mem>> -> memref<!tpu.dma_semaphore, #tpu.memory_space<semaphore_mem>>
      %dma_wait3A_2450 = arith.constant 0 : i32
      %dma_wait3A_2451 = arith.constant 0 : i32
      %dma_wait3A_2452 = tpu.memref_slice %arg10[%dma_wait3A_2439, %dma_wait3A_2450, %dma_wait3A_2451] : memref<8x32x128xf32, #tpu.memory_space<vmem>> -> memref<1x32x128xf32, #tpu.memory_space<vmem>>
      %dma_wait3A_2453 = tpu.memref_squeeze %dma_wait3A_2452 : memref<1x32x128xf32, #tpu.memory_space<vmem>> -> memref<32x128xf32, #tpu.memory_space<vmem>>
      %dma_wait3A_2454 = arith.constant 0 : i32
      %dma_wait3A_2455 = arith.constant 0 : i32
      %dma_wait3A_2456 = tpu.memref_slice %arg4[%dma_wait3A_2454, %dma_wait3A_2455] : memref<32x1000000xf32, #tpu.memory_space<hbm>> -> memref<32x128xf32, #tpu.memory_space<hbm>>
      tpu.wait_dma2 semaphore(%dma_wait3A_2449 : memref<!tpu.dma_semaphore, #tpu.memory_space<semaphore_mem>>) src(%dma_wait3A_2456 : memref<32x128xf32, #tpu.memory_space<hbm>>) dst(%dma_wait3A_2453 : memref<32x128xf32, #tpu.memory_space<vmem>>)
      %dma_wait3A_2457 = arith.constant 1 : i32
      %dma_wait3A_2458 = arith.constant 1 : i32
      %dma_wait3A_2459 = arith.constant 0 : i32
      %dma_wait3A_2460 = arith.constant 0 : i32
      %dma_wait3A_2461 = tpu.memref_slice %arg11[%dma_wait3A_2457, %dma_wait3A_2459, %dma_wait3A_2460] : memref<8x32x128xf32, #tpu.memory_space<vmem>> -> memref<1x32x128xf32, #tpu.memory_space<vmem>>
      %dma_wait3A_2462 = tpu.memref_squeeze %dma_wait3A_2461 : memref<1x32x128xf32, #tpu.memory_space<vmem>> -> memref<32x128xf32, #tpu.memory_space<vmem>>
      %dma_wait3A_2463 = arith.constant 0 : i32
      %dma_wait3A_2464 = arith.constant 0 : i32
      %dma_wait3A_2465 = tpu.memref_slice %arg5[%dma_wait3A_2463, %dma_wait3A_2464] : memref<32x1000000xf32, #tpu.memory_space<hbm>> -> memref<32x128xf32, #tpu.memory_space<hbm>>
      %dma_wait3A_2466 = tpu.memref_slice %arg17[%dma_wait3A_2458] : memref<8x!tpu.dma_semaphore, #tpu.memory_space<semaphore_mem>> -> memref<1x!tpu.dma_semaphore, #tpu.memory_space<semaphore_mem>>
      %dma_wait3A_2467 = tpu.memref_squeeze %dma_wait3A_2466 : memref<1x!tpu.dma_semaphore, #tpu.memory_space<semaphore_mem>> -> memref<!tpu.dma_semaphore, #tpu.memory_space<semaphore_mem>>
      %dma_wait3A_2468 = arith.constant 0 : i32
      %dma_wait3A_2469 = arith.constant 0 : i32
      %dma_wait3A_2470 = tpu.memref_slice %arg11[%dma_wait3A_2457, %dma_wait3A_2468, %dma_wait3A_2469] : memref<8x32x128xf32, #tpu.memory_space<vmem>> -> memref<1x32x128xf32, #tpu.memory_space<vmem>>
      %dma_wait3A_2471 = tpu.memref_squeeze %dma_wait3A_2470 : memref<1x32x128xf32, #tpu.memory_space<vmem>> -> memref<32x128xf32, #tpu.memory_space<vmem>>
      %dma_wait3A_2472 = arith.constant 0 : i32
      %dma_wait3A_2473 = arith.constant 0 : i32
      %dma_wait3A_2474 = tpu.memref_slice %arg5[%dma_wait3A_2472, %dma_wait3A_2473] : memref<32x1000000xf32, #tpu.memory_space<hbm>> -> memref<32x128xf32, #tpu.memory_space<hbm>>
      tpu.wait_dma2 semaphore(%dma_wait3A_2467 : memref<!tpu.dma_semaphore, #tpu.memory_space<semaphore_mem>>) src(%dma_wait3A_2474 : memref<32x128xf32, #tpu.memory_space<hbm>>) dst(%dma_wait3A_2471 : memref<32x128xf32, #tpu.memory_space<vmem>>)
      %rem3A_2475 = arith.constant 128 : i32
      %rem3A_2476 = arith.remsi %squeeze3A_2434, %rem3A_2475 : i32
      %jit3A_2477 = arith.constant 128 : i32
      %div3A_2478 = arith.divsi %add3A_2438, %jit3A_2477 : i32
      %sign3A_2479 = arith.constant 0 : i32
      %sign3A_2480 = arith.cmpi sgt, %add3A_2438, %sign3A_2479 : i32
      %sign3A_2481 = arith.extui %sign3A_2480 : i1 to i32
      %sign3A_2482 = arith.constant 0 : i32
      %sign3A_2483 = arith.cmpi slt, %add3A_2438, %sign3A_2482 : i32
      %sign3A_2484 = arith.extui %sign3A_2483 : i1 to i32
      %sign3A_2485 = arith.subi %sign3A_2481, %sign3A_2484 : i32
      %sign3A_2486 = arith.constant 0 : i32
      %sign3A_2487 = arith.cmpi sgt, %jit3A_2477, %sign3A_2486 : i32
      %sign3A_2488 = arith.extui %sign3A_2487 : i1 to i32
      %sign3A_2489 = arith.constant 0 : i32
      %sign3A_2490 = arith.cmpi slt, %jit3A_2477, %sign3A_2489 : i32
      %sign3A_2491 = arith.extui %sign3A_2490 : i1 to i32
      %sign3A_2492 = arith.subi %sign3A_2488, %sign3A_2491 : i32
      %ne3A_2493 = arith.cmpi ne, %sign3A_2485, %sign3A_2492 : i32
      %rem3A_2494 = arith.remsi %add3A_2438, %jit3A_2477 : i32
      %ne3A_2495 = arith.constant 0 : i32
      %ne3A_2496 = arith.cmpi ne, %rem3A_2494, %ne3A_2495 : i32
      %and3A_2497 = arith.andi %ne3A_2493, %ne3A_2496 : i1
      %sub3A_2498 = arith.constant 1 : i32
      %sub3A_2499 = arith.subi %div3A_2478, %sub3A_2498 : i32
      %select_n3A_2500 = arith.select %and3A_2497, %sub3A_2499, %div3A_2478 : i32
      %rem3A_2501 = arith.constant 128 : i32
      %rem3A_2502 = arith.remsi %add3A_2438, %rem3A_2501 : i32
      %broadcast_in_dim3A_2503 = arith.constant 1 : i32
      %broadcast_in_dim3A_2504 = vector.broadcast %broadcast_in_dim3A_2503 : i32 to vector<16xi32>
      %add3A_2505 = arith.constant 0 : i32
      %add3A_2506 = vector.broadcast %add3A_2505 : i32 to vector<16xi32>
      %add3A_2507 = arith.addi %iota3A, %add3A_2506 : vector<16xi32>
      %broadcast_in_dim3A_2508 = vector.broadcast %rem3A_2476 : i32 to vector<16xi32>
      %gather3A_2509 = tpu.vector_load_idx %arg10[%broadcast_in_dim3A_2504, %add3A_2507, %broadcast_in_dim3A_2508] : memref<8x32x128xf32, #tpu.memory_space<vmem>>[vector<16xi32>, vector<16xi32>, vector<16xi32>], vector<16xf32>,
      %mul3A_2510 = arith.constant 4 : i32
      %mul3A_2511 = vector.broadcast %mul3A_2510 : i32 to vector<16xi32>
      %mul3A_2512 = arith.muli %iota3A, %mul3A_2511 : vector<16xi32>
      %add3A_2513 = arith.constant 0 : i32
      %add3A_2514 = arith.addi %add3A_2513, %select_n3A_2500 : i32
      %add3A_2515 = vector.broadcast %add3A_2514 : i32 to vector<16xi32>
      %add3A_2516 = arith.addi %mul3A_2512, %add3A_2515 : vector<16xi32>
      %broadcast_in_dim3A_2517 = vector.broadcast %rem3A_2502 : i32 to vector<16xi32>
      tpu.vector_store_idx %arg12[%add3A_2516, %broadcast_in_dim3A_2517], %gather3A_2509 : memref<128x128xf32, #tpu.memory_space<vmem>>[vector<16xi32>, vector<16xi32>], vector<16xf32>,
      %broadcast_in_dim3A_2518 = arith.constant 1 : i32
      %broadcast_in_dim3A_2519 = vector.broadcast %broadcast_in_dim3A_2518 : i32 to vector<16xi32>
      %add3A_2520 = arith.constant 16 : i32
      %add3A_2521 = vector.broadcast %add3A_2520 : i32 to vector<16xi32>
      %add3A_2522 = arith.addi %iota3A, %add3A_2521 : vector<16xi32>
      %broadcast_in_dim3A_2523 = vector.broadcast %rem3A_2476 : i32 to vector<16xi32>
      %gather3A_2524 = tpu.vector_load_idx %arg10[%broadcast_in_dim3A_2519, %add3A_2522, %broadcast_in_dim3A_2523] : memref<8x32x128xf32, #tpu.memory_space<vmem>>[vector<16xi32>, vector<16xi32>, vector<16xi32>], vector<16xf32>,
      %mul3A_2525 = arith.constant 4 : i32
      %mul3A_2526 = vector.broadcast %mul3A_2525 : i32 to vector<16xi32>
      %mul3A_2527 = arith.muli %iota3A, %mul3A_2526 : vector<16xi32>
      %add3A_2528 = arith.constant 64 : i32
      %add3A_2529 = arith.addi %add3A_2528, %select_n3A_2500 : i32
      %add3A_2530 = vector.broadcast %add3A_2529 : i32 to vector<16xi32>
      %add3A_2531 = arith.addi %mul3A_2527, %add3A_2530 : vector<16xi32>
      %broadcast_in_dim3A_2532 = vector.broadcast %rem3A_2502 : i32 to vector<16xi32>
      tpu.vector_store_idx %arg12[%add3A_2531, %broadcast_in_dim3A_2532], %gather3A_2524 : memref<128x128xf32, #tpu.memory_space<vmem>>[vector<16xi32>, vector<16xi32>], vector<16xf32>,
      %rem3A_2533 = arith.constant 128 : i32
      %rem3A_2534 = arith.remsi %squeeze3A_2436, %rem3A_2533 : i32
      %jit3A_2535 = arith.constant 128 : i32
      %div3A_2536 = arith.divsi %add3A_2438, %jit3A_2535 : i32
      %sign3A_2537 = arith.constant 0 : i32
      %sign3A_2538 = arith.cmpi sgt, %add3A_2438, %sign3A_2537 : i32
      %sign3A_2539 = arith.extui %sign3A_2538 : i1 to i32
      %sign3A_2540 = arith.constant 0 : i32
      %sign3A_2541 = arith.cmpi slt, %add3A_2438, %sign3A_2540 : i32
      %sign3A_2542 = arith.extui %sign3A_2541 : i1 to i32
      %sign3A_2543 = arith.subi %sign3A_2539, %sign3A_2542 : i32
      %sign3A_2544 = arith.constant 0 : i32
      %sign3A_2545 = arith.cmpi sgt, %jit3A_2535, %sign3A_2544 : i32
      %sign3A_2546 = arith.extui %sign3A_2545 : i1 to i32
      %sign3A_2547 = arith.constant 0 : i32
      %sign3A_2548 = arith.cmpi slt, %jit3A_2535, %sign3A_2547 : i32
      %sign3A_2549 = arith.extui %sign3A_2548 : i1 to i32
      %sign3A_2550 = arith.subi %sign3A_2546, %sign3A_2549 : i32
      %ne3A_2551 = arith.cmpi ne, %sign3A_2543, %sign3A_2550 : i32
      %rem3A_2552 = arith.remsi %add3A_2438, %jit3A_2535 : i32
      %ne3A_2553 = arith.constant 0 : i32
      %ne3A_2554 = arith.cmpi ne, %rem3A_2552, %ne3A_2553 : i32
      %and3A_2555 = arith.andi %ne3A_2551, %ne3A_2554 : i1
      %sub3A_2556 = arith.constant 1 : i32
      %sub3A_2557 = arith.subi %div3A_2536, %sub3A_2556 : i32
      %select_n3A_2558 = arith.select %and3A_2555, %sub3A_2557, %div3A_2536 : i32
      %rem3A_2559 = arith.constant 128 : i32
      %rem3A_2560 = arith.remsi %add3A_2438, %rem3A_2559 : i32
      %broadcast_in_dim3A_2561 = arith.constant 1 : i32
      %broadcast_in_dim3A_2562 = vector.broadcast %broadcast_in_dim3A_2561 : i32 to vector<16xi32>
      %add3A_2563 = arith.constant 0 : i32
      %add3A_2564 = vector.broadcast %add3A_2563 : i32 to vector<16xi32>
      %add3A_2565 = arith.addi %iota3A, %add3A_2564 : vector<16xi32>
      %broadcast_in_dim3A_2566 = vector.broadcast %rem3A_2534 : i32 to vector<16xi32>
      %gather3A_2567 = tpu.vector_load_idx %arg11[%broadcast_in_dim3A_2562, %add3A_2565, %broadcast_in_dim3A_2566] : memref<8x32x128xf32, #tpu.memory_space<vmem>>[vector<16xi32>, vector<16xi32>, vector<16xi32>], vector<16xf32>,
      %mul3A_2568 = arith.constant 4 : i32
      %mul3A_2569 = vector.broadcast %mul3A_2568 : i32 to vector<16xi32>
      %mul3A_2570 = arith.muli %iota3A, %mul3A_2569 : vector<16xi32>
      %add3A_2571 = arith.constant 0 : i32
      %add3A_2572 = arith.addi %add3A_2571, %select_n3A_2558 : i32
      %add3A_2573 = vector.broadcast %add3A_2572 : i32 to vector<16xi32>
      %add3A_2574 = arith.addi %mul3A_2570, %add3A_2573 : vector<16xi32>
      %broadcast_in_dim3A_2575 = vector.broadcast %rem3A_2560 : i32 to vector<16xi32>
      tpu.vector_store_idx %arg13[%add3A_2574, %broadcast_in_dim3A_2575], %gather3A_2567 : memref<128x128xf32, #tpu.memory_space<vmem>>[vector<16xi32>, vector<16xi32>], vector<16xf32>,
      %broadcast_in_dim3A_2576 = arith.constant 1 : i32
      %broadcast_in_dim3A_2577 = vector.broadcast %broadcast_in_dim3A_2576 : i32 to vector<16xi32>
      %add3A_2578 = arith.constant 16 : i32
      %add3A_2579 = vector.broadcast %add3A_2578 : i32 to vector<16xi32>
      %add3A_2580 = arith.addi %iota3A, %add3A_2579 : vector<16xi32>
      %broadcast_in_dim3A_2581 = vector.broadcast %rem3A_2534 : i32 to vector<16xi32>
      %gather3A_2582 = tpu.vector_load_idx %arg11[%broadcast_in_dim3A_2577, %add3A_2580, %broadcast_in_dim3A_2581] : memref<8x32x128xf32, #tpu.memory_space<vmem>>[vector<16xi32>, vector<16xi32>, vector<16xi32>], vector<16xf32>,
      %mul3A_2583 = arith.constant 4 : i32
      %mul3A_2584 = vector.broadcast %mul3A_2583 : i32 to vector<16xi32>
      %mul3A_2585 = arith.muli %iota3A, %mul3A_2584 : vector<16xi32>
      %add3A_2586 = arith.constant 64 : i32
      %add3A_2587 = arith.addi %add3A_2586, %select_n3A_2558 : i32
      %add3A_2588 = vector.broadcast %add3A_2587 : i32 to vector<16xi32>
      %add3A_2589 = arith.addi %mul3A_2585, %add3A_2588 : vector<16xi32>
      %broadcast_in_dim3A_2590 = vector.broadcast %rem3A_2560 : i32 to vector<16xi32>
      tpu.vector_store_idx %arg13[%add3A_2589, %broadcast_in_dim3A_2590], %gather3A_2582 : memref<128x128xf32, #tpu.memory_space<vmem>>[vector<16xi32>, vector<16xi32>], vector<16xf32>,
      %slice3A_2591 = vector.extract_strided_slice %get3A_2182 {offsets = [9], sizes = [1], strides = [1]} : vector<16xi32> to vector<1xi32>
      %squeeze3A_2592 = vector.extract %slice3A_2591[0] : i32 from vector<1xi32>
      %slice3A_2593 = vector.extract_strided_slice %get3A_2184 {offsets = [9], sizes = [1], strides = [1]} : vector<16xi32> to vector<1xi32>
      %squeeze3A_2594 = vector.extract %slice3A_2593[0] : i32 from vector<1xi32>
      %jit3A_2595 = arith.constant 128 : i32
      %div3A_2596 = arith.divsi %squeeze3A_2592, %jit3A_2595 : i32
      %sign3A_2597 = arith.constant 0 : i32
      %sign3A_2598 = arith.cmpi sgt, %squeeze3A_2592, %sign3A_2597 : i32
      %sign3A_2599 = arith.extui %sign3A_2598 : i1 to i32
      %sign3A_2600 = arith.constant 0 : i32
      %sign3A_2601 = arith.cmpi slt, %squeeze3A_2592, %sign3A_2600 : i32
      %sign3A_2602 = arith.extui %sign3A_2601 : i1 to i32
      %sign3A_2603 = arith.subi %sign3A_2599, %sign3A_2602 : i32
      %sign3A_2604 = arith.constant 0 : i32
      %sign3A_2605 = arith.cmpi sgt, %jit3A_2595, %sign3A_2604 : i32
      %sign3A_2606 = arith.extui %sign3A_2605 : i1 to i32
      %sign3A_2607 = arith.constant 0 : i32
      %sign3A_2608 = arith.cmpi slt, %jit3A_2595, %sign3A_2607 : i32
      %sign3A_2609 = arith.extui %sign3A_2608 : i1 to i32
      %sign3A_2610 = arith.subi %sign3A_2606, %sign3A_2609 : i32
      %ne3A_2611 = arith.cmpi ne, %sign3A_2603, %sign3A_2610 : i32
      %rem3A_2612 = arith.remsi %squeeze3A_2592, %jit3A_2595 : i32
      %ne3A_2613 = arith.constant 0 : i32
      %ne3A_2614 = arith.cmpi ne, %rem3A_2612, %ne3A_2613 : i32
      %and3A_2615 = arith.andi %ne3A_2611, %ne3A_2614 : i1
      %sub3A_2616 = arith.constant 1 : i32
      %sub3A_2617 = arith.subi %div3A_2596, %sub3A_2616 : i32
      %select_n3A_2618 = arith.select %and3A_2615, %sub3A_2617, %div3A_2596 : i32
      %mul3A_2619 = arith.constant 128 : i32
      %mul3A_2620 = arith.muli %select_n3A_2618, %mul3A_2619 : i32
      %multiple_of3A_2621 = tpu.assume_multiple %mul3A_2620, 128 : i32
      %jit3A_2622 = arith.constant 128 : i32
      %div3A_2623 = arith.divsi %squeeze3A_2594, %jit3A_2622 : i32
      %sign3A_2624 = arith.constant 0 : i32
      %sign3A_2625 = arith.cmpi sgt, %squeeze3A_2594, %sign3A_2624 : i32
      %sign3A_2626 = arith.extui %sign3A_2625 : i1 to i32
      %sign3A_2627 = arith.constant 0 : i32
      %sign3A_2628 = arith.cmpi slt, %squeeze3A_2594, %sign3A_2627 : i32
      %sign3A_2629 = arith.extui %sign3A_2628 : i1 to i32
      %sign3A_2630 = arith.subi %sign3A_2626, %sign3A_2629 : i32
      %sign3A_2631 = arith.constant 0 : i32
      %sign3A_2632 = arith.cmpi sgt, %jit3A_2622, %sign3A_2631 : i32
      %sign3A_2633 = arith.extui %sign3A_2632 : i1 to i32
      %sign3A_2634 = arith.constant 0 : i32
      %sign3A_2635 = arith.cmpi slt, %jit3A_2622, %sign3A_2634 : i32
      %sign3A_2636 = arith.extui %sign3A_2635 : i1 to i32
      %sign3A_2637 = arith.subi %sign3A_2633, %sign3A_2636 : i32
      %ne3A_2638 = arith.cmpi ne, %sign3A_2630, %sign3A_2637 : i32
      %rem3A_2639 = arith.remsi %squeeze3A_2594, %jit3A_2622 : i32
      %ne3A_2640 = arith.constant 0 : i32
      %ne3A_2641 = arith.cmpi ne, %rem3A_2639, %ne3A_2640 : i32
      %and3A_2642 = arith.andi %ne3A_2638, %ne3A_2641 : i1
      %sub3A_2643 = arith.constant 1 : i32
      %sub3A_2644 = arith.subi %div3A_2623, %sub3A_2643 : i32
      %select_n3A_2645 = arith.select %and3A_2642, %sub3A_2644, %div3A_2623 : i32
      %mul3A_2646 = arith.constant 128 : i32
      %mul3A_2647 = arith.muli %select_n3A_2645, %mul3A_2646 : i32
      %multiple_of3A_2648 = tpu.assume_multiple %mul3A_2647, 128 : i32
      %dma_start3A_2649 = arith.constant 1 : i32
      %dma_start3A_2650 = arith.constant 1 : i32
      %dma_start3A_2651 = arith.constant 0 : i32
      %dma_start3A_2652 = arith.constant 0 : i32
      %dma_start3A_2653 = tpu.memref_slice %arg10[%dma_start3A_2649, %dma_start3A_2651, %dma_start3A_2652] : memref<8x32x128xf32, #tpu.memory_space<vmem>> -> memref<1x32x128xf32, #tpu.memory_space<vmem>>
      %dma_start3A_2654 = tpu.memref_squeeze %dma_start3A_2653 : memref<1x32x128xf32, #tpu.memory_space<vmem>> -> memref<32x128xf32, #tpu.memory_space<vmem>>
      %dma_start3A_2655 = arith.constant 0 : i32
      %dma_start3A_2656 = tpu.memref_slice %arg4[%dma_start3A_2655, %multiple_of3A_2621] : memref<32x1000000xf32, #tpu.memory_space<hbm>> -> memref<32x128xf32, #tpu.memory_space<hbm>>
      %dma_start3A_2657 = tpu.memref_slice %arg16[%dma_start3A_2650] : memref<8x!tpu.dma_semaphore, #tpu.memory_space<semaphore_mem>> -> memref<1x!tpu.dma_semaphore, #tpu.memory_space<semaphore_mem>>
      %dma_start3A_2658 = tpu.memref_squeeze %dma_start3A_2657 : memref<1x!tpu.dma_semaphore, #tpu.memory_space<semaphore_mem>> -> memref<!tpu.dma_semaphore, #tpu.memory_space<semaphore_mem>>
      %dma_start3A_2659 = arith.constant 0 : i32
      %dma_start3A_2660 = arith.constant 0 : i32
      %dma_start3A_2661 = tpu.memref_slice %arg10[%dma_start3A_2649, %dma_start3A_2659, %dma_start3A_2660] : memref<8x32x128xf32, #tpu.memory_space<vmem>> -> memref<1x32x128xf32, #tpu.memory_space<vmem>>
      %dma_start3A_2662 = tpu.memref_squeeze %dma_start3A_2661 : memref<1x32x128xf32, #tpu.memory_space<vmem>> -> memref<32x128xf32, #tpu.memory_space<vmem>>
      %dma_start3A_2663 = arith.constant 0 : i32
      %dma_start3A_2664 = tpu.memref_slice %arg4[%dma_start3A_2663, %multiple_of3A_2621] : memref<32x1000000xf32, #tpu.memory_space<hbm>> -> memref<32x128xf32, #tpu.memory_space<hbm>>
      tpu.enqueue_dma source(%dma_start3A_2664 : memref<32x128xf32, #tpu.memory_space<hbm>>) target(%dma_start3A_2662 : memref<32x128xf32, #tpu.memory_space<vmem>>) target_semaphore(%dma_start3A_2658 : memref<!tpu.dma_semaphore, #tpu.memory_space<semaphore_mem>>)
      %dma_start3A_2665 = arith.constant 1 : i32
      %dma_start3A_2666 = arith.constant 1 : i32
      %dma_start3A_2667 = arith.constant 0 : i32
      %dma_start3A_2668 = arith.constant 0 : i32
      %dma_start3A_2669 = tpu.memref_slice %arg11[%dma_start3A_2665, %dma_start3A_2667, %dma_start3A_2668] : memref<8x32x128xf32, #tpu.memory_space<vmem>> -> memref<1x32x128xf32, #tpu.memory_space<vmem>>
      %dma_start3A_2670 = tpu.memref_squeeze %dma_start3A_2669 : memref<1x32x128xf32, #tpu.memory_space<vmem>> -> memref<32x128xf32, #tpu.memory_space<vmem>>
      %dma_start3A_2671 = arith.constant 0 : i32
      %dma_start3A_2672 = tpu.memref_slice %arg5[%dma_start3A_2671, %multiple_of3A_2648] : memref<32x1000000xf32, #tpu.memory_space<hbm>> -> memref<32x128xf32, #tpu.memory_space<hbm>>
      %dma_start3A_2673 = tpu.memref_slice %arg17[%dma_start3A_2666] : memref<8x!tpu.dma_semaphore, #tpu.memory_space<semaphore_mem>> -> memref<1x!tpu.dma_semaphore, #tpu.memory_space<semaphore_mem>>
      %dma_start3A_2674 = tpu.memref_squeeze %dma_start3A_2673 : memref<1x!tpu.dma_semaphore, #tpu.memory_space<semaphore_mem>> -> memref<!tpu.dma_semaphore, #tpu.memory_space<semaphore_mem>>
      %dma_start3A_2675 = arith.constant 0 : i32
      %dma_start3A_2676 = arith.constant 0 : i32
      %dma_start3A_2677 = tpu.memref_slice %arg11[%dma_start3A_2665, %dma_start3A_2675, %dma_start3A_2676] : memref<8x32x128xf32, #tpu.memory_space<vmem>> -> memref<1x32x128xf32, #tpu.memory_space<vmem>>
      %dma_start3A_2678 = tpu.memref_squeeze %dma_start3A_2677 : memref<1x32x128xf32, #tpu.memory_space<vmem>> -> memref<32x128xf32, #tpu.memory_space<vmem>>
      %dma_start3A_2679 = arith.constant 0 : i32
      %dma_start3A_2680 = tpu.memref_slice %arg5[%dma_start3A_2679, %multiple_of3A_2648] : memref<32x1000000xf32, #tpu.memory_space<hbm>> -> memref<32x128xf32, #tpu.memory_space<hbm>>
      tpu.enqueue_dma source(%dma_start3A_2680 : memref<32x128xf32, #tpu.memory_space<hbm>>) target(%dma_start3A_2678 : memref<32x128xf32, #tpu.memory_space<vmem>>) target_semaphore(%dma_start3A_2674 : memref<!tpu.dma_semaphore, #tpu.memory_space<semaphore_mem>>)
      %slice3A_2681 = vector.extract_strided_slice %get3A_2182 {offsets = [2], sizes = [1], strides = [1]} : vector<16xi32> to vector<1xi32>
      %squeeze3A_2682 = vector.extract %slice3A_2681[0] : i32 from vector<1xi32>
      %slice3A_2683 = vector.extract_strided_slice %get3A_2184 {offsets = [2], sizes = [1], strides = [1]} : vector<16xi32> to vector<1xi32>
      %squeeze3A_2684 = vector.extract %slice3A_2683[0] : i32 from vector<1xi32>
      %add3A_2685 = arith.constant 2 : i32
      %add3A_2686 = arith.addi %multiple_of3A_2180, %add3A_2685 : i32
      %dma_wait3A_2687 = arith.constant 2 : i32
      %dma_wait3A_2688 = arith.constant 2 : i32
      %dma_wait3A_2689 = arith.constant 0 : i32
      %dma_wait3A_2690 = arith.constant 0 : i32
      %dma_wait3A_2691 = tpu.memref_slice %arg10[%dma_wait3A_2687, %dma_wait3A_2689, %dma_wait3A_2690] : memref<8x32x128xf32, #tpu.memory_space<vmem>> -> memref<1x32x128xf32, #tpu.memory_space<vmem>>
      %dma_wait3A_2692 = tpu.memref_squeeze %dma_wait3A_2691 : memref<1x32x128xf32, #tpu.memory_space<vmem>> -> memref<32x128xf32, #tpu.memory_space<vmem>>
      %dma_wait3A_2693 = arith.constant 0 : i32
      %dma_wait3A_2694 = arith.constant 0 : i32
      %dma_wait3A_2695 = tpu.memref_slice %arg4[%dma_wait3A_2693, %dma_wait3A_2694] : memref<32x1000000xf32, #tpu.memory_space<hbm>> -> memref<32x128xf32, #tpu.memory_space<hbm>>
      %dma_wait3A_2696 = tpu.memref_slice %arg16[%dma_wait3A_2688] : memref<8x!tpu.dma_semaphore, #tpu.memory_space<semaphore_mem>> -> memref<1x!tpu.dma_semaphore, #tpu.memory_space<semaphore_mem>>
      %dma_wait3A_2697 = tpu.memref_squeeze %dma_wait3A_2696 : memref<1x!tpu.dma_semaphore, #tpu.memory_space<semaphore_mem>> -> memref<!tpu.dma_semaphore, #tpu.memory_space<semaphore_mem>>
      %dma_wait3A_2698 = arith.constant 0 : i32
      %dma_wait3A_2699 = arith.constant 0 : i32
      %dma_wait3A_2700 = tpu.memref_slice %arg10[%dma_wait3A_2687, %dma_wait3A_2698, %dma_wait3A_2699] : memref<8x32x128xf32, #tpu.memory_space<vmem>> -> memref<1x32x128xf32, #tpu.memory_space<vmem>>
      %dma_wait3A_2701 = tpu.memref_squeeze %dma_wait3A_2700 : memref<1x32x128xf32, #tpu.memory_space<vmem>> -> memref<32x128xf32, #tpu.memory_space<vmem>>
      %dma_wait3A_2702 = arith.constant 0 : i32
      %dma_wait3A_2703 = arith.constant 0 : i32
      %dma_wait3A_2704 = tpu.memref_slice %arg4[%dma_wait3A_2702, %dma_wait3A_2703] : memref<32x1000000xf32, #tpu.memory_space<hbm>> -> memref<32x128xf32, #tpu.memory_space<hbm>>
      tpu.wait_dma2 semaphore(%dma_wait3A_2697 : memref<!tpu.dma_semaphore, #tpu.memory_space<semaphore_mem>>) src(%dma_wait3A_2704 : memref<32x128xf32, #tpu.memory_space<hbm>>) dst(%dma_wait3A_2701 : memref<32x128xf32, #tpu.memory_space<vmem>>)
      %dma_wait3A_2705 = arith.constant 2 : i32
      %dma_wait3A_2706 = arith.constant 2 : i32
      %dma_wait3A_2707 = arith.constant 0 : i32
      %dma_wait3A_2708 = arith.constant 0 : i32
      %dma_wait3A_2709 = tpu.memref_slice %arg11[%dma_wait3A_2705, %dma_wait3A_2707, %dma_wait3A_2708] : memref<8x32x128xf32, #tpu.memory_space<vmem>> -> memref<1x32x128xf32, #tpu.memory_space<vmem>>
      %dma_wait3A_2710 = tpu.memref_squeeze %dma_wait3A_2709 : memref<1x32x128xf32, #tpu.memory_space<vmem>> -> memref<32x128xf32, #tpu.memory_space<vmem>>
      %dma_wait3A_2711 = arith.constant 0 : i32
      %dma_wait3A_2712 = arith.constant 0 : i32
      %dma_wait3A_2713 = tpu.memref_slice %arg5[%dma_wait3A_2711, %dma_wait3A_2712] : memref<32x1000000xf32, #tpu.memory_space<hbm>> -> memref<32x128xf32, #tpu.memory_space<hbm>>
      %dma_wait3A_2714 = tpu.memref_slice %arg17[%dma_wait3A_2706] : memref<8x!tpu.dma_semaphore, #tpu.memory_space<semaphore_mem>> -> memref<1x!tpu.dma_semaphore, #tpu.memory_space<semaphore_mem>>
      %dma_wait3A_2715 = tpu.memref_squeeze %dma_wait3A_2714 : memref<1x!tpu.dma_semaphore, #tpu.memory_space<semaphore_mem>> -> memref<!tpu.dma_semaphore, #tpu.memory_space<semaphore_mem>>
      %dma_wait3A_2716 = arith.constant 0 : i32
      %dma_wait3A_2717 = arith.constant 0 : i32
      %dma_wait3A_2718 = tpu.memref_slice %arg11[%dma_wait3A_2705, %dma_wait3A_2716, %dma_wait3A_2717] : memref<8x32x128xf32, #tpu.memory_space<vmem>> -> memref<1x32x128xf32, #tpu.memory_space<vmem>>
      %dma_wait3A_2719 = tpu.memref_squeeze %dma_wait3A_2718 : memref<1x32x128xf32, #tpu.memory_space<vmem>> -> memref<32x128xf32, #tpu.memory_space<vmem>>
      %dma_wait3A_2720 = arith.constant 0 : i32
      %dma_wait3A_2721 = arith.constant 0 : i32
      %dma_wait3A_2722 = tpu.memref_slice %arg5[%dma_wait3A_2720, %dma_wait3A_2721] : memref<32x1000000xf32, #tpu.memory_space<hbm>> -> memref<32x128xf32, #tpu.memory_space<hbm>>
      tpu.wait_dma2 semaphore(%dma_wait3A_2715 : memref<!tpu.dma_semaphore, #tpu.memory_space<semaphore_mem>>) src(%dma_wait3A_2722 : memref<32x128xf32, #tpu.memory_space<hbm>>) dst(%dma_wait3A_2719 : memref<32x128xf32, #tpu.memory_space<vmem>>)
      %rem3A_2723 = arith.constant 128 : i32
      %rem3A_2724 = arith.remsi %squeeze3A_2682, %rem3A_2723 : i32
      %jit3A_2725 = arith.constant 128 : i32
      %div3A_2726 = arith.divsi %add3A_2686, %jit3A_2725 : i32
      %sign3A_2727 = arith.constant 0 : i32
      %sign3A_2728 = arith.cmpi sgt, %add3A_2686, %sign3A_2727 : i32
      %sign3A_2729 = arith.extui %sign3A_2728 : i1 to i32
      %sign3A_2730 = arith.constant 0 : i32
      %sign3A_2731 = arith.cmpi slt, %add3A_2686, %sign3A_2730 : i32
      %sign3A_2732 = arith.extui %sign3A_2731 : i1 to i32
      %sign3A_2733 = arith.subi %sign3A_2729, %sign3A_2732 : i32
      %sign3A_2734 = arith.constant 0 : i32
      %sign3A_2735 = arith.cmpi sgt, %jit3A_2725, %sign3A_2734 : i32
      %sign3A_2736 = arith.extui %sign3A_2735 : i1 to i32
      %sign3A_2737 = arith.constant 0 : i32
      %sign3A_2738 = arith.cmpi slt, %jit3A_2725, %sign3A_2737 : i32
      %sign3A_2739 = arith.extui %sign3A_2738 : i1 to i32
      %sign3A_2740 = arith.subi %sign3A_2736, %sign3A_2739 : i32
      %ne3A_2741 = arith.cmpi ne, %sign3A_2733, %sign3A_2740 : i32
      %rem3A_2742 = arith.remsi %add3A_2686, %jit3A_2725 : i32
      %ne3A_2743 = arith.constant 0 : i32
      %ne3A_2744 = arith.cmpi ne, %rem3A_2742, %ne3A_2743 : i32
      %and3A_2745 = arith.andi %ne3A_2741, %ne3A_2744 : i1
      %sub3A_2746 = arith.constant 1 : i32
      %sub3A_2747 = arith.subi %div3A_2726, %sub3A_2746 : i32
      %select_n3A_2748 = arith.select %and3A_2745, %sub3A_2747, %div3A_2726 : i32
      %rem3A_2749 = arith.constant 128 : i32
      %rem3A_2750 = arith.remsi %add3A_2686, %rem3A_2749 : i32
      %broadcast_in_dim3A_2751 = arith.constant 2 : i32
      %broadcast_in_dim3A_2752 = vector.broadcast %broadcast_in_dim3A_2751 : i32 to vector<16xi32>
      %add3A_2753 = arith.constant 0 : i32
      %add3A_2754 = vector.broadcast %add3A_2753 : i32 to vector<16xi32>
      %add3A_2755 = arith.addi %iota3A, %add3A_2754 : vector<16xi32>
      %broadcast_in_dim3A_2756 = vector.broadcast %rem3A_2724 : i32 to vector<16xi32>
      %gather3A_2757 = tpu.vector_load_idx %arg10[%broadcast_in_dim3A_2752, %add3A_2755, %broadcast_in_dim3A_2756] : memref<8x32x128xf32, #tpu.memory_space<vmem>>[vector<16xi32>, vector<16xi32>, vector<16xi32>], vector<16xf32>,
      %mul3A_2758 = arith.constant 4 : i32
      %mul3A_2759 = vector.broadcast %mul3A_2758 : i32 to vector<16xi32>
      %mul3A_2760 = arith.muli %iota3A, %mul3A_2759 : vector<16xi32>
      %add3A_2761 = arith.constant 0 : i32
      %add3A_2762 = arith.addi %add3A_2761, %select_n3A_2748 : i32
      %add3A_2763 = vector.broadcast %add3A_2762 : i32 to vector<16xi32>
      %add3A_2764 = arith.addi %mul3A_2760, %add3A_2763 : vector<16xi32>
      %broadcast_in_dim3A_2765 = vector.broadcast %rem3A_2750 : i32 to vector<16xi32>
      tpu.vector_store_idx %arg12[%add3A_2764, %broadcast_in_dim3A_2765], %gather3A_2757 : memref<128x128xf32, #tpu.memory_space<vmem>>[vector<16xi32>, vector<16xi32>], vector<16xf32>,
      %broadcast_in_dim3A_2766 = arith.constant 2 : i32
      %broadcast_in_dim3A_2767 = vector.broadcast %broadcast_in_dim3A_2766 : i32 to vector<16xi32>
      %add3A_2768 = arith.constant 16 : i32
      %add3A_2769 = vector.broadcast %add3A_2768 : i32 to vector<16xi32>
      %add3A_2770 = arith.addi %iota3A, %add3A_2769 : vector<16xi32>
      %broadcast_in_dim3A_2771 = vector.broadcast %rem3A_2724 : i32 to vector<16xi32>
      %gather3A_2772 = tpu.vector_load_idx %arg10[%broadcast_in_dim3A_2767, %add3A_2770, %broadcast_in_dim3A_2771] : memref<8x32x128xf32, #tpu.memory_space<vmem>>[vector<16xi32>, vector<16xi32>, vector<16xi32>], vector<16xf32>,
      %mul3A_2773 = arith.constant 4 : i32
      %mul3A_2774 = vector.broadcast %mul3A_2773 : i32 to vector<16xi32>
      %mul3A_2775 = arith.muli %iota3A, %mul3A_2774 : vector<16xi32>
      %add3A_2776 = arith.constant 64 : i32
      %add3A_2777 = arith.addi %add3A_2776, %select_n3A_2748 : i32
      %add3A_2778 = vector.broadcast %add3A_2777 : i32 to vector<16xi32>
      %add3A_2779 = arith.addi %mul3A_2775, %add3A_2778 : vector<16xi32>
      %broadcast_in_dim3A_2780 = vector.broadcast %rem3A_2750 : i32 to vector<16xi32>
      tpu.vector_store_idx %arg12[%add3A_2779, %broadcast_in_dim3A_2780], %gather3A_2772 : memref<128x128xf32, #tpu.memory_space<vmem>>[vector<16xi32>, vector<16xi32>], vector<16xf32>,
      %rem3A_2781 = arith.constant 128 : i32
      %rem3A_2782 = arith.remsi %squeeze3A_2684, %rem3A_2781 : i32
      %jit3A_2783 = arith.constant 128 : i32
      %div3A_2784 = arith.divsi %add3A_2686, %jit3A_2783 : i32
      %sign3A_2785 = arith.constant 0 : i32
      %sign3A_2786 = arith.cmpi sgt, %add3A_2686, %sign3A_2785 : i32
      %sign3A_2787 = arith.extui %sign3A_2786 : i1 to i32
      %sign3A_2788 = arith.constant 0 : i32
      %sign3A_2789 = arith.cmpi slt, %add3A_2686, %sign3A_2788 : i32
      %sign3A_2790 = arith.extui %sign3A_2789 : i1 to i32
      %sign3A_2791 = arith.subi %sign3A_2787, %sign3A_2790 : i32
      %sign3A_2792 = arith.constant 0 : i32
      %sign3A_2793 = arith.cmpi sgt, %jit3A_2783, %sign3A_2792 : i32
      %sign3A_2794 = arith.extui %sign3A_2793 : i1 to i32
      %sign3A_2795 = arith.constant 0 : i32
      %sign3A_2796 = arith.cmpi slt, %jit3A_2783, %sign3A_2795 : i32
      %sign3A_2797 = arith.extui %sign3A_2796 : i1 to i32
      %sign3A_2798 = arith.subi %sign3A_2794, %sign3A_2797 : i32
      %ne3A_2799 = arith.cmpi ne, %sign3A_2791, %sign3A_2798 : i32
      %rem3A_2800 = arith.remsi %add3A_2686, %jit3A_2783 : i32
      %ne3A_2801 = arith.constant 0 : i32
      %ne3A_2802 = arith.cmpi ne, %rem3A_2800, %ne3A_2801 : i32
      %and3A_2803 = arith.andi %ne3A_2799, %ne3A_2802 : i1
      %sub3A_2804 = arith.constant 1 : i32
      %sub3A_2805 = arith.subi %div3A_2784, %sub3A_2804 : i32
      %select_n3A_2806 = arith.select %and3A_2803, %sub3A_2805, %div3A_2784 : i32
      %rem3A_2807 = arith.constant 128 : i32
      %rem3A_2808 = arith.remsi %add3A_2686, %rem3A_2807 : i32
      %broadcast_in_dim3A_2809 = arith.constant 2 : i32
      %broadcast_in_dim3A_2810 = vector.broadcast %broadcast_in_dim3A_2809 : i32 to vector<16xi32>
      %add3A_2811 = arith.constant 0 : i32
      %add3A_2812 = vector.broadcast %add3A_2811 : i32 to vector<16xi32>
      %add3A_2813 = arith.addi %iota3A, %add3A_2812 : vector<16xi32>
      %broadcast_in_dim3A_2814 = vector.broadcast %rem3A_2782 : i32 to vector<16xi32>
      %gather3A_2815 = tpu.vector_load_idx %arg11[%broadcast_in_dim3A_2810, %add3A_2813, %broadcast_in_dim3A_2814] : memref<8x32x128xf32, #tpu.memory_space<vmem>>[vector<16xi32>, vector<16xi32>, vector<16xi32>], vector<16xf32>,
      %mul3A_2816 = arith.constant 4 : i32
      %mul3A_2817 = vector.broadcast %mul3A_2816 : i32 to vector<16xi32>
      %mul3A_2818 = arith.muli %iota3A, %mul3A_2817 : vector<16xi32>
      %add3A_2819 = arith.constant 0 : i32
      %add3A_2820 = arith.addi %add3A_2819, %select_n3A_2806 : i32
      %add3A_2821 = vector.broadcast %add3A_2820 : i32 to vector<16xi32>
      %add3A_2822 = arith.addi %mul3A_2818, %add3A_2821 : vector<16xi32>
      %broadcast_in_dim3A_2823 = vector.broadcast %rem3A_2808 : i32 to vector<16xi32>
      tpu.vector_store_idx %arg13[%add3A_2822, %broadcast_in_dim3A_2823], %gather3A_2815 : memref<128x128xf32, #tpu.memory_space<vmem>>[vector<16xi32>, vector<16xi32>], vector<16xf32>,
      %broadcast_in_dim3A_2824 = arith.constant 2 : i32
      %broadcast_in_dim3A_2825 = vector.broadcast %broadcast_in_dim3A_2824 : i32 to vector<16xi32>
      %add3A_2826 = arith.constant 16 : i32
      %add3A_2827 = vector.broadcast %add3A_2826 : i32 to vector<16xi32>
      %add3A_2828 = arith.addi %iota3A, %add3A_2827 : vector<16xi32>
      %broadcast_in_dim3A_2829 = vector.broadcast %rem3A_2782 : i32 to vector<16xi32>
      %gather3A_2830 = tpu.vector_load_idx %arg11[%broadcast_in_dim3A_2825, %add3A_2828, %broadcast_in_dim3A_2829] : memref<8x32x128xf32, #tpu.memory_space<vmem>>[vector<16xi32>, vector<16xi32>, vector<16xi32>], vector<16xf32>,
      %mul3A_2831 = arith.constant 4 : i32
      %mul3A_2832 = vector.broadcast %mul3A_2831 : i32 to vector<16xi32>
      %mul3A_2833 = arith.muli %iota3A, %mul3A_2832 : vector<16xi32>
      %add3A_2834 = arith.constant 64 : i32
      %add3A_2835 = arith.addi %add3A_2834, %select_n3A_2806 : i32
      %add3A_2836 = vector.broadcast %add3A_2835 : i32 to vector<16xi32>
      %add3A_2837 = arith.addi %mul3A_2833, %add3A_2836 : vector<16xi32>
      %broadcast_in_dim3A_2838 = vector.broadcast %rem3A_2808 : i32 to vector<16xi32>
      tpu.vector_store_idx %arg13[%add3A_2837, %broadcast_in_dim3A_2838], %gather3A_2830 : memref<128x128xf32, #tpu.memory_space<vmem>>[vector<16xi32>, vector<16xi32>], vector<16xf32>,
      %slice3A_2839 = vector.extract_strided_slice %get3A_2182 {offsets = [10], sizes = [1], strides = [1]} : vector<16xi32> to vector<1xi32>
      %squeeze3A_2840 = vector.extract %slice3A_2839[0] : i32 from vector<1xi32>
      %slice3A_2841 = vector.extract_strided_slice %get3A_2184 {offsets = [10], sizes = [1], strides = [1]} : vector<16xi32> to vector<1xi32>
      %squeeze3A_2842 = vector.extract %slice3A_2841[0] : i32 from vector<1xi32>
      %jit3A_2843 = arith.constant 128 : i32
      %div3A_2844 = arith.divsi %squeeze3A_2840, %jit3A_2843 : i32
      %sign3A_2845 = arith.constant 0 : i32
      %sign3A_2846 = arith.cmpi sgt, %squeeze3A_2840, %sign3A_2845 : i32
      %sign3A_2847 = arith.extui %sign3A_2846 : i1 to i32
      %sign3A_2848 = arith.constant 0 : i32
      %sign3A_2849 = arith.cmpi slt, %squeeze3A_2840, %sign3A_2848 : i32
      %sign3A_2850 = arith.extui %sign3A_2849 : i1 to i32
      %sign3A_2851 = arith.subi %sign3A_2847, %sign3A_2850 : i32
      %sign3A_2852 = arith.constant 0 : i32
      %sign3A_2853 = arith.cmpi sgt, %jit3A_2843, %sign3A_2852 : i32
      %sign3A_2854 = arith.extui %sign3A_2853 : i1 to i32
      %sign3A_2855 = arith.constant 0 : i32
      %sign3A_2856 = arith.cmpi slt, %jit3A_2843, %sign3A_2855 : i32
      %sign3A_2857 = arith.extui %sign3A_2856 : i1 to i32
      %sign3A_2858 = arith.subi %sign3A_2854, %sign3A_2857 : i32
      %ne3A_2859 = arith.cmpi ne, %sign3A_2851, %sign3A_2858 : i32
      %rem3A_2860 = arith.remsi %squeeze3A_2840, %jit3A_2843 : i32
      %ne3A_2861 = arith.constant 0 : i32
      %ne3A_2862 = arith.cmpi ne, %rem3A_2860, %ne3A_2861 : i32
      %and3A_2863 = arith.andi %ne3A_2859, %ne3A_2862 : i1
      %sub3A_2864 = arith.constant 1 : i32
      %sub3A_2865 = arith.subi %div3A_2844, %sub3A_2864 : i32
      %select_n3A_2866 = arith.select %and3A_2863, %sub3A_2865, %div3A_2844 : i32
      %mul3A_2867 = arith.constant 128 : i32
      %mul3A_2868 = arith.muli %select_n3A_2866, %mul3A_2867 : i32
      %multiple_of3A_2869 = tpu.assume_multiple %mul3A_2868, 128 : i32
      %jit3A_2870 = arith.constant 128 : i32
      %div3A_2871 = arith.divsi %squeeze3A_2842, %jit3A_2870 : i32
      %sign3A_2872 = arith.constant 0 : i32
      %sign3A_2873 = arith.cmpi sgt, %squeeze3A_2842, %sign3A_2872 : i32
      %sign3A_2874 = arith.extui %sign3A_2873 : i1 to i32
      %sign3A_2875 = arith.constant 0 : i32
      %sign3A_2876 = arith.cmpi slt, %squeeze3A_2842, %sign3A_2875 : i32
      %sign3A_2877 = arith.extui %sign3A_2876 : i1 to i32
      %sign3A_2878 = arith.subi %sign3A_2874, %sign3A_2877 : i32
      %sign3A_2879 = arith.constant 0 : i32
      %sign3A_2880 = arith.cmpi sgt, %jit3A_2870, %sign3A_2879 : i32
      %sign3A_2881 = arith.extui %sign3A_2880 : i1 to i32
      %sign3A_2882 = arith.constant 0 : i32
      %sign3A_2883 = arith.cmpi slt, %jit3A_2870, %sign3A_2882 : i32
      %sign3A_2884 = arith.extui %sign3A_2883 : i1 to i32
      %sign3A_2885 = arith.subi %sign3A_2881, %sign3A_2884 : i32
      %ne3A_2886 = arith.cmpi ne, %sign3A_2878, %sign3A_2885 : i32
      %rem3A_2887 = arith.remsi %squeeze3A_2842, %jit3A_2870 : i32
      %ne3A_2888 = arith.constant 0 : i32
      %ne3A_2889 = arith.cmpi ne, %rem3A_2887, %ne3A_2888 : i32
      %and3A_2890 = arith.andi %ne3A_2886, %ne3A_2889 : i1
      %sub3A_2891 = arith.constant 1 : i32
      %sub3A_2892 = arith.subi %div3A_2871, %sub3A_2891 : i32
      %select_n3A_2893 = arith.select %and3A_2890, %sub3A_2892, %div3A_2871 : i32
      %mul3A_2894 = arith.constant 128 : i32
      %mul3A_2895 = arith.muli %select_n3A_2893, %mul3A_2894 : i32
      %multiple_of3A_2896 = tpu.assume_multiple %mul3A_2895, 128 : i32
      %dma_start3A_2897 = arith.constant 2 : i32
      %dma_start3A_2898 = arith.constant 2 : i32
      %dma_start3A_2899 = arith.constant 0 : i32
      %dma_start3A_2900 = arith.constant 0 : i32
      %dma_start3A_2901 = tpu.memref_slice %arg10[%dma_start3A_2897, %dma_start3A_2899, %dma_start3A_2900] : memref<8x32x128xf32, #tpu.memory_space<vmem>> -> memref<1x32x128xf32, #tpu.memory_space<vmem>>
      %dma_start3A_2902 = tpu.memref_squeeze %dma_start3A_2901 : memref<1x32x128xf32, #tpu.memory_space<vmem>> -> memref<32x128xf32, #tpu.memory_space<vmem>>
      %dma_start3A_2903 = arith.constant 0 : i32
      %dma_start3A_2904 = tpu.memref_slice %arg4[%dma_start3A_2903, %multiple_of3A_2869] : memref<32x1000000xf32, #tpu.memory_space<hbm>> -> memref<32x128xf32, #tpu.memory_space<hbm>>
      %dma_start3A_2905 = tpu.memref_slice %arg16[%dma_start3A_2898] : memref<8x!tpu.dma_semaphore, #tpu.memory_space<semaphore_mem>> -> memref<1x!tpu.dma_semaphore, #tpu.memory_space<semaphore_mem>>
      %dma_start3A_2906 = tpu.memref_squeeze %dma_start3A_2905 : memref<1x!tpu.dma_semaphore, #tpu.memory_space<semaphore_mem>> -> memref<!tpu.dma_semaphore, #tpu.memory_space<semaphore_mem>>
      %dma_start3A_2907 = arith.constant 0 : i32
      %dma_start3A_2908 = arith.constant 0 : i32
      %dma_start3A_2909 = tpu.memref_slice %arg10[%dma_start3A_2897, %dma_start3A_2907, %dma_start3A_2908] : memref<8x32x128xf32, #tpu.memory_space<vmem>> -> memref<1x32x128xf32, #tpu.memory_space<vmem>>
      %dma_start3A_2910 = tpu.memref_squeeze %dma_start3A_2909 : memref<1x32x128xf32, #tpu.memory_space<vmem>> -> memref<32x128xf32, #tpu.memory_space<vmem>>
      %dma_start3A_2911 = arith.constant 0 : i32
      %dma_start3A_2912 = tpu.memref_slice %arg4[%dma_start3A_2911, %multiple_of3A_2869] : memref<32x1000000xf32, #tpu.memory_space<hbm>> -> memref<32x128xf32, #tpu.memory_space<hbm>>
      tpu.enqueue_dma source(%dma_start3A_2912 : memref<32x128xf32, #tpu.memory_space<hbm>>) target(%dma_start3A_2910 : memref<32x128xf32, #tpu.memory_space<vmem>>) target_semaphore(%dma_start3A_2906 : memref<!tpu.dma_semaphore, #tpu.memory_space<semaphore_mem>>)
      %dma_start3A_2913 = arith.constant 2 : i32
      %dma_start3A_2914 = arith.constant 2 : i32
      %dma_start3A_2915 = arith.constant 0 : i32
      %dma_start3A_2916 = arith.constant 0 : i32
      %dma_start3A_2917 = tpu.memref_slice %arg11[%dma_start3A_2913, %dma_start3A_2915, %dma_start3A_2916] : memref<8x32x128xf32, #tpu.memory_space<vmem>> -> memref<1x32x128xf32, #tpu.memory_space<vmem>>
      %dma_start3A_2918 = tpu.memref_squeeze %dma_start3A_2917 : memref<1x32x128xf32, #tpu.memory_space<vmem>> -> memref<32x128xf32, #tpu.memory_space<vmem>>
      %dma_start3A_2919 = arith.constant 0 : i32
      %dma_start3A_2920 = tpu.memref_slice %arg5[%dma_start3A_2919, %multiple_of3A_2896] : memref<32x1000000xf32, #tpu.memory_space<hbm>> -> memref<32x128xf32, #tpu.memory_space<hbm>>
      %dma_start3A_2921 = tpu.memref_slice %arg17[%dma_start3A_2914] : memref<8x!tpu.dma_semaphore, #tpu.memory_space<semaphore_mem>> -> memref<1x!tpu.dma_semaphore, #tpu.memory_space<semaphore_mem>>
      %dma_start3A_2922 = tpu.memref_squeeze %dma_start3A_2921 : memref<1x!tpu.dma_semaphore, #tpu.memory_space<semaphore_mem>> -> memref<!tpu.dma_semaphore, #tpu.memory_space<semaphore_mem>>
      %dma_start3A_2923 = arith.constant 0 : i32
      %dma_start3A_2924 = arith.constant 0 : i32
      %dma_start3A_2925 = tpu.memref_slice %arg11[%dma_start3A_2913, %dma_start3A_2923, %dma_start3A_2924] : memref<8x32x128xf32, #tpu.memory_space<vmem>> -> memref<1x32x128xf32, #tpu.memory_space<vmem>>
      %dma_start3A_2926 = tpu.memref_squeeze %dma_start3A_2925 : memref<1x32x128xf32, #tpu.memory_space<vmem>> -> memref<32x128xf32, #tpu.memory_space<vmem>>
      %dma_start3A_2927 = arith.constant 0 : i32
      %dma_start3A_2928 = tpu.memref_slice %arg5[%dma_start3A_2927, %multiple_of3A_2896] : memref<32x1000000xf32, #tpu.memory_space<hbm>> -> memref<32x128xf32, #tpu.memory_space<hbm>>
      tpu.enqueue_dma source(%dma_start3A_2928 : memref<32x128xf32, #tpu.memory_space<hbm>>) target(%dma_start3A_2926 : memref<32x128xf32, #tpu.memory_space<vmem>>) target_semaphore(%dma_start3A_2922 : memref<!tpu.dma_semaphore, #tpu.memory_space<semaphore_mem>>)
      %slice3A_2929 = vector.extract_strided_slice %get3A_2182 {offsets = [3], sizes = [1], strides = [1]} : vector<16xi32> to vector<1xi32>
      %squeeze3A_2930 = vector.extract %slice3A_2929[0] : i32 from vector<1xi32>
      %slice3A_2931 = vector.extract_strided_slice %get3A_2184 {offsets = [3], sizes = [1], strides = [1]} : vector<16xi32> to vector<1xi32>
      %squeeze3A_2932 = vector.extract %slice3A_2931[0] : i32 from vector<1xi32>
      %add3A_2933 = arith.constant 3 : i32
      %add3A_2934 = arith.addi %multiple_of3A_2180, %add3A_2933 : i32
      %dma_wait3A_2935 = arith.constant 3 : i32
      %dma_wait3A_2936 = arith.constant 3 : i32
      %dma_wait3A_2937 = arith.constant 0 : i32
      %dma_wait3A_2938 = arith.constant 0 : i32
      %dma_wait3A_2939 = tpu.memref_slice %arg10[%dma_wait3A_2935, %dma_wait3A_2937, %dma_wait3A_2938] : memref<8x32x128xf32, #tpu.memory_space<vmem>> -> memref<1x32x128xf32, #tpu.memory_space<vmem>>
      %dma_wait3A_2940 = tpu.memref_squeeze %dma_wait3A_2939 : memref<1x32x128xf32, #tpu.memory_space<vmem>> -> memref<32x128xf32, #tpu.memory_space<vmem>>
      %dma_wait3A_2941 = arith.constant 0 : i32
      %dma_wait3A_2942 = arith.constant 0 : i32
      %dma_wait3A_2943 = tpu.memref_slice %arg4[%dma_wait3A_2941, %dma_wait3A_2942] : memref<32x1000000xf32, #tpu.memory_space<hbm>> -> memref<32x128xf32, #tpu.memory_space<hbm>>
      %dma_wait3A_2944 = tpu.memref_slice %arg16[%dma_wait3A_2936] : memref<8x!tpu.dma_semaphore, #tpu.memory_space<semaphore_mem>> -> memref<1x!tpu.dma_semaphore, #tpu.memory_space<semaphore_mem>>
      %dma_wait3A_2945 = tpu.memref_squeeze %dma_wait3A_2944 : memref<1x!tpu.dma_semaphore, #tpu.memory_space<semaphore_mem>> -> memref<!tpu.dma_semaphore, #tpu.memory_space<semaphore_mem>>
      %dma_wait3A_2946 = arith.constant 0 : i32
      %dma_wait3A_2947 = arith.constant 0 : i32
      %dma_wait3A_2948 = tpu.memref_slice %arg10[%dma_wait3A_2935, %dma_wait3A_2946, %dma_wait3A_2947] : memref<8x32x128xf32, #tpu.memory_space<vmem>> -> memref<1x32x128xf32, #tpu.memory_space<vmem>>
      %dma_wait3A_2949 = tpu.memref_squeeze %dma_wait3A_2948 : memref<1x32x128xf32, #tpu.memory_space<vmem>> -> memref<32x128xf32, #tpu.memory_space<vmem>>
      %dma_wait3A_2950 = arith.constant 0 : i32
      %dma_wait3A_2951 = arith.constant 0 : i32
      %dma_wait3A_2952 = tpu.memref_slice %arg4[%dma_wait3A_2950, %dma_wait3A_2951] : memref<32x1000000xf32, #tpu.memory_space<hbm>> -> memref<32x128xf32, #tpu.memory_space<hbm>>
      tpu.wait_dma2 semaphore(%dma_wait3A_2945 : memref<!tpu.dma_semaphore, #tpu.memory_space<semaphore_mem>>) src(%dma_wait3A_2952 : memref<32x128xf32, #tpu.memory_space<hbm>>) dst(%dma_wait3A_2949 : memref<32x128xf32, #tpu.memory_space<vmem>>)
      %dma_wait3A_2953 = arith.constant 3 : i32
      %dma_wait3A_2954 = arith.constant 3 : i32
      %dma_wait3A_2955 = arith.constant 0 : i32
      %dma_wait3A_2956 = arith.constant 0 : i32
      %dma_wait3A_2957 = tpu.memref_slice %arg11[%dma_wait3A_2953, %dma_wait3A_2955, %dma_wait3A_2956] : memref<8x32x128xf32, #tpu.memory_space<vmem>> -> memref<1x32x128xf32, #tpu.memory_space<vmem>>
      %dma_wait3A_2958 = tpu.memref_squeeze %dma_wait3A_2957 : memref<1x32x128xf32, #tpu.memory_space<vmem>> -> memref<32x128xf32, #tpu.memory_space<vmem>>
      %dma_wait3A_2959 = arith.constant 0 : i32
      %dma_wait3A_2960 = arith.constant 0 : i32
      %dma_wait3A_2961 = tpu.memref_slice %arg5[%dma_wait3A_2959, %dma_wait3A_2960] : memref<32x1000000xf32, #tpu.memory_space<hbm>> -> memref<32x128xf32, #tpu.memory_space<hbm>>
      %dma_wait3A_2962 = tpu.memref_slice %arg17[%dma_wait3A_2954] : memref<8x!tpu.dma_semaphore, #tpu.memory_space<semaphore_mem>> -> memref<1x!tpu.dma_semaphore, #tpu.memory_space<semaphore_mem>>
      %dma_wait3A_2963 = tpu.memref_squeeze %dma_wait3A_2962 : memref<1x!tpu.dma_semaphore, #tpu.memory_space<semaphore_mem>> -> memref<!tpu.dma_semaphore, #tpu.memory_space<semaphore_mem>>
      %dma_wait3A_2964 = arith.constant 0 : i32
      %dma_wait3A_2965 = arith.constant 0 : i32
      %dma_wait3A_2966 = tpu.memref_slice %arg11[%dma_wait3A_2953, %dma_wait3A_2964, %dma_wait3A_2965] : memref<8x32x128xf32, #tpu.memory_space<vmem>> -> memref<1x32x128xf32, #tpu.memory_space<vmem>>
      %dma_wait3A_2967 = tpu.memref_squeeze %dma_wait3A_2966 : memref<1x32x128xf32, #tpu.memory_space<vmem>> -> memref<32x128xf32, #tpu.memory_space<vmem>>
      %dma_wait3A_2968 = arith.constant 0 : i32
      %dma_wait3A_2969 = arith.constant 0 : i32
      %dma_wait3A_2970 = tpu.memref_slice %arg5[%dma_wait3A_2968, %dma_wait3A_2969] : memref<32x1000000xf32, #tpu.memory_space<hbm>> -> memref<32x128xf32, #tpu.memory_space<hbm>>
      tpu.wait_dma2 semaphore(%dma_wait3A_2963 : memref<!tpu.dma_semaphore, #tpu.memory_space<semaphore_mem>>) src(%dma_wait3A_2970 : memref<32x128xf32, #tpu.memory_space<hbm>>) dst(%dma_wait3A_2967 : memref<32x128xf32, #tpu.memory_space<vmem>>)
      %rem3A_2971 = arith.constant 128 : i32
      %rem3A_2972 = arith.remsi %squeeze3A_2930, %rem3A_2971 : i32
      %jit3A_2973 = arith.constant 128 : i32
      %div3A_2974 = arith.divsi %add3A_2934, %jit3A_2973 : i32
      %sign3A_2975 = arith.constant 0 : i32
      %sign3A_2976 = arith.cmpi sgt, %add3A_2934, %sign3A_2975 : i32
      %sign3A_2977 = arith.extui %sign3A_2976 : i1 to i32
      %sign3A_2978 = arith.constant 0 : i32
      %sign3A_2979 = arith.cmpi slt, %add3A_2934, %sign3A_2978 : i32
      %sign3A_2980 = arith.extui %sign3A_2979 : i1 to i32
      %sign3A_2981 = arith.subi %sign3A_2977, %sign3A_2980 : i32
      %sign3A_2982 = arith.constant 0 : i32
      %sign3A_2983 = arith.cmpi sgt, %jit3A_2973, %sign3A_2982 : i32
      %sign3A_2984 = arith.extui %sign3A_2983 : i1 to i32
      %sign3A_2985 = arith.constant 0 : i32
      %sign3A_2986 = arith.cmpi slt, %jit3A_2973, %sign3A_2985 : i32
      %sign3A_2987 = arith.extui %sign3A_2986 : i1 to i32
      %sign3A_2988 = arith.subi %sign3A_2984, %sign3A_2987 : i32
      %ne3A_2989 = arith.cmpi ne, %sign3A_2981, %sign3A_2988 : i32
      %rem3A_2990 = arith.remsi %add3A_2934, %jit3A_2973 : i32
      %ne3A_2991 = arith.constant 0 : i32
      %ne3A_2992 = arith.cmpi ne, %rem3A_2990, %ne3A_2991 : i32
      %and3A_2993 = arith.andi %ne3A_2989, %ne3A_2992 : i1
      %sub3A_2994 = arith.constant 1 : i32
      %sub3A_2995 = arith.subi %div3A_2974, %sub3A_2994 : i32
      %select_n3A_2996 = arith.select %and3A_2993, %sub3A_2995, %div3A_2974 : i32
      %rem3A_2997 = arith.constant 128 : i32
      %rem3A_2998 = arith.remsi %add3A_2934, %rem3A_2997 : i32
      %broadcast_in_dim3A_2999 = arith.constant 3 : i32
      %broadcast_in_dim3A_3000 = vector.broadcast %broadcast_in_dim3A_2999 : i32 to vector<16xi32>
      %add3A_3001 = arith.constant 0 : i32
      %add3A_3002 = vector.broadcast %add3A_3001 : i32 to vector<16xi32>
      %add3A_3003 = arith.addi %iota3A, %add3A_3002 : vector<16xi32>
      %broadcast_in_dim3A_3004 = vector.broadcast %rem3A_2972 : i32 to vector<16xi32>
      %gather3A_3005 = tpu.vector_load_idx %arg10[%broadcast_in_dim3A_3000, %add3A_3003, %broadcast_in_dim3A_3004] : memref<8x32x128xf32, #tpu.memory_space<vmem>>[vector<16xi32>, vector<16xi32>, vector<16xi32>], vector<16xf32>,
      %mul3A_3006 = arith.constant 4 : i32
      %mul3A_3007 = vector.broadcast %mul3A_3006 : i32 to vector<16xi32>
      %mul3A_3008 = arith.muli %iota3A, %mul3A_3007 : vector<16xi32>
      %add3A_3009 = arith.constant 0 : i32
      %add3A_3010 = arith.addi %add3A_3009, %select_n3A_2996 : i32
      %add3A_3011 = vector.broadcast %add3A_3010 : i32 to vector<16xi32>
      %add3A_3012 = arith.addi %mul3A_3008, %add3A_3011 : vector<16xi32>
      %broadcast_in_dim3A_3013 = vector.broadcast %rem3A_2998 : i32 to vector<16xi32>
      tpu.vector_store_idx %arg12[%add3A_3012, %broadcast_in_dim3A_3013], %gather3A_3005 : memref<128x128xf32, #tpu.memory_space<vmem>>[vector<16xi32>, vector<16xi32>], vector<16xf32>,
      %broadcast_in_dim3A_3014 = arith.constant 3 : i32
      %broadcast_in_dim3A_3015 = vector.broadcast %broadcast_in_dim3A_3014 : i32 to vector<16xi32>
      %add3A_3016 = arith.constant 16 : i32
      %add3A_3017 = vector.broadcast %add3A_3016 : i32 to vector<16xi32>
      %add3A_3018 = arith.addi %iota3A, %add3A_3017 : vector<16xi32>
      %broadcast_in_dim3A_3019 = vector.broadcast %rem3A_2972 : i32 to vector<16xi32>
      %gather3A_3020 = tpu.vector_load_idx %arg10[%broadcast_in_dim3A_3015, %add3A_3018, %broadcast_in_dim3A_3019] : memref<8x32x128xf32, #tpu.memory_space<vmem>>[vector<16xi32>, vector<16xi32>, vector<16xi32>], vector<16xf32>,
      %mul3A_3021 = arith.constant 4 : i32
      %mul3A_3022 = vector.broadcast %mul3A_3021 : i32 to vector<16xi32>
      %mul3A_3023 = arith.muli %iota3A, %mul3A_3022 : vector<16xi32>
      %add3A_3024 = arith.constant 64 : i32
      %add3A_3025 = arith.addi %add3A_3024, %select_n3A_2996 : i32
      %add3A_3026 = vector.broadcast %add3A_3025 : i32 to vector<16xi32>
      %add3A_3027 = arith.addi %mul3A_3023, %add3A_3026 : vector<16xi32>
      %broadcast_in_dim3A_3028 = vector.broadcast %rem3A_2998 : i32 to vector<16xi32>
      tpu.vector_store_idx %arg12[%add3A_3027, %broadcast_in_dim3A_3028], %gather3A_3020 : memref<128x128xf32, #tpu.memory_space<vmem>>[vector<16xi32>, vector<16xi32>], vector<16xf32>,
      %rem3A_3029 = arith.constant 128 : i32
      %rem3A_3030 = arith.remsi %squeeze3A_2932, %rem3A_3029 : i32
      %jit3A_3031 = arith.constant 128 : i32
      %div3A_3032 = arith.divsi %add3A_2934, %jit3A_3031 : i32
      %sign3A_3033 = arith.constant 0 : i32
      %sign3A_3034 = arith.cmpi sgt, %add3A_2934, %sign3A_3033 : i32
      %sign3A_3035 = arith.extui %sign3A_3034 : i1 to i32
      %sign3A_3036 = arith.constant 0 : i32
      %sign3A_3037 = arith.cmpi slt, %add3A_2934, %sign3A_3036 : i32
      %sign3A_3038 = arith.extui %sign3A_3037 : i1 to i32
      %sign3A_3039 = arith.subi %sign3A_3035, %sign3A_3038 : i32
      %sign3A_3040 = arith.constant 0 : i32
      %sign3A_3041 = arith.cmpi sgt, %jit3A_3031, %sign3A_3040 : i32
      %sign3A_3042 = arith.extui %sign3A_3041 : i1 to i32
      %sign3A_3043 = arith.constant 0 : i32
      %sign3A_3044 = arith.cmpi slt, %jit3A_3031, %sign3A_3043 : i32
      %sign3A_3045 = arith.extui %sign3A_3044 : i1 to i32
      %sign3A_3046 = arith.subi %sign3A_3042, %sign3A_3045 : i32
      %ne3A_3047 = arith.cmpi ne, %sign3A_3039, %sign3A_3046 : i32
      %rem3A_3048 = arith.remsi %add3A_2934, %jit3A_3031 : i32
      %ne3A_3049 = arith.constant 0 : i32
      %ne3A_3050 = arith.cmpi ne, %rem3A_3048, %ne3A_3049 : i32
      %and3A_3051 = arith.andi %ne3A_3047, %ne3A_3050 : i1
      %sub3A_3052 = arith.constant 1 : i32
      %sub3A_3053 = arith.subi %div3A_3032, %sub3A_3052 : i32
      %select_n3A_3054 = arith.select %and3A_3051, %sub3A_3053, %div3A_3032 : i32
      %rem3A_3055 = arith.constant 128 : i32
      %rem3A_3056 = arith.remsi %add3A_2934, %rem3A_3055 : i32
      %broadcast_in_dim3A_3057 = arith.constant 3 : i32
      %broadcast_in_dim3A_3058 = vector.broadcast %broadcast_in_dim3A_3057 : i32 to vector<16xi32>
      %add3A_3059 = arith.constant 0 : i32
      %add3A_3060 = vector.broadcast %add3A_3059 : i32 to vector<16xi32>
      %add3A_3061 = arith.addi %iota3A, %add3A_3060 : vector<16xi32>
      %broadcast_in_dim3A_3062 = vector.broadcast %rem3A_3030 : i32 to vector<16xi32>
      %gather3A_3063 = tpu.vector_load_idx %arg11[%broadcast_in_dim3A_3058, %add3A_3061, %broadcast_in_dim3A_3062] : memref<8x32x128xf32, #tpu.memory_space<vmem>>[vector<16xi32>, vector<16xi32>, vector<16xi32>], vector<16xf32>,
      %mul3A_3064 = arith.constant 4 : i32
      %mul3A_3065 = vector.broadcast %mul3A_3064 : i32 to vector<16xi32>
      %mul3A_3066 = arith.muli %iota3A, %mul3A_3065 : vector<16xi32>
      %add3A_3067 = arith.constant 0 : i32
      %add3A_3068 = arith.addi %add3A_3067, %select_n3A_3054 : i32
      %add3A_3069 = vector.broadcast %add3A_3068 : i32 to vector<16xi32>
      %add3A_3070 = arith.addi %mul3A_3066, %add3A_3069 : vector<16xi32>
      %broadcast_in_dim3A_3071 = vector.broadcast %rem3A_3056 : i32 to vector<16xi32>
      tpu.vector_store_idx %arg13[%add3A_3070, %broadcast_in_dim3A_3071], %gather3A_3063 : memref<128x128xf32, #tpu.memory_space<vmem>>[vector<16xi32>, vector<16xi32>], vector<16xf32>,
      %broadcast_in_dim3A_3072 = arith.constant 3 : i32
      %broadcast_in_dim3A_3073 = vector.broadcast %broadcast_in_dim3A_3072 : i32 to vector<16xi32>
      %add3A_3074 = arith.constant 16 : i32
      %add3A_3075 = vector.broadcast %add3A_3074 : i32 to vector<16xi32>
      %add3A_3076 = arith.addi %iota3A, %add3A_3075 : vector<16xi32>
      %broadcast_in_dim3A_3077 = vector.broadcast %rem3A_3030 : i32 to vector<16xi32>
      %gather3A_3078 = tpu.vector_load_idx %arg11[%broadcast_in_dim3A_3073, %add3A_3076, %broadcast_in_dim3A_3077] : memref<8x32x128xf32, #tpu.memory_space<vmem>>[vector<16xi32>, vector<16xi32>, vector<16xi32>], vector<16xf32>,
      %mul3A_3079 = arith.constant 4 : i32
      %mul3A_3080 = vector.broadcast %mul3A_3079 : i32 to vector<16xi32>
      %mul3A_3081 = arith.muli %iota3A, %mul3A_3080 : vector<16xi32>
      %add3A_3082 = arith.constant 64 : i32
      %add3A_3083 = arith.addi %add3A_3082, %select_n3A_3054 : i32
      %add3A_3084 = vector.broadcast %add3A_3083 : i32 to vector<16xi32>
      %add3A_3085 = arith.addi %mul3A_3081, %add3A_3084 : vector<16xi32>
      %broadcast_in_dim3A_3086 = vector.broadcast %rem3A_3056 : i32 to vector<16xi32>
      tpu.vector_store_idx %arg13[%add3A_3085, %broadcast_in_dim3A_3086], %gather3A_3078 : memref<128x128xf32, #tpu.memory_space<vmem>>[vector<16xi32>, vector<16xi32>], vector<16xf32>,
      %slice3A_3087 = vector.extract_strided_slice %get3A_2182 {offsets = [11], sizes = [1], strides = [1]} : vector<16xi32> to vector<1xi32>
      %squeeze3A_3088 = vector.extract %slice3A_3087[0] : i32 from vector<1xi32>
      %slice3A_3089 = vector.extract_strided_slice %get3A_2184 {offsets = [11], sizes = [1], strides = [1]} : vector<16xi32> to vector<1xi32>
      %squeeze3A_3090 = vector.extract %slice3A_3089[0] : i32 from vector<1xi32>
      %jit3A_3091 = arith.constant 128 : i32
      %div3A_3092 = arith.divsi %squeeze3A_3088, %jit3A_3091 : i32
      %sign3A_3093 = arith.constant 0 : i32
      %sign3A_3094 = arith.cmpi sgt, %squeeze3A_3088, %sign3A_3093 : i32
      %sign3A_3095 = arith.extui %sign3A_3094 : i1 to i32
      %sign3A_3096 = arith.constant 0 : i32
      %sign3A_3097 = arith.cmpi slt, %squeeze3A_3088, %sign3A_3096 : i32
      %sign3A_3098 = arith.extui %sign3A_3097 : i1 to i32
      %sign3A_3099 = arith.subi %sign3A_3095, %sign3A_3098 : i32
      %sign3A_3100 = arith.constant 0 : i32
      %sign3A_3101 = arith.cmpi sgt, %jit3A_3091, %sign3A_3100 : i32
      %sign3A_3102 = arith.extui %sign3A_3101 : i1 to i32
      %sign3A_3103 = arith.constant 0 : i32
      %sign3A_3104 = arith.cmpi slt, %jit3A_3091, %sign3A_3103 : i32
      %sign3A_3105 = arith.extui %sign3A_3104 : i1 to i32
      %sign3A_3106 = arith.subi %sign3A_3102, %sign3A_3105 : i32
      %ne3A_3107 = arith.cmpi ne, %sign3A_3099, %sign3A_3106 : i32
      %rem3A_3108 = arith.remsi %squeeze3A_3088, %jit3A_3091 : i32
      %ne3A_3109 = arith.constant 0 : i32
      %ne3A_3110 = arith.cmpi ne, %rem3A_3108, %ne3A_3109 : i32
      %and3A_3111 = arith.andi %ne3A_3107, %ne3A_3110 : i1
      %sub3A_3112 = arith.constant 1 : i32
      %sub3A_3113 = arith.subi %div3A_3092, %sub3A_3112 : i32
      %select_n3A_3114 = arith.select %and3A_3111, %sub3A_3113, %div3A_3092 : i32
      %mul3A_3115 = arith.constant 128 : i32
      %mul3A_3116 = arith.muli %select_n3A_3114, %mul3A_3115 : i32
      %multiple_of3A_3117 = tpu.assume_multiple %mul3A_3116, 128 : i32
      %jit3A_3118 = arith.constant 128 : i32
      %div3A_3119 = arith.divsi %squeeze3A_3090, %jit3A_3118 : i32
      %sign3A_3120 = arith.constant 0 : i32
      %sign3A_3121 = arith.cmpi sgt, %squeeze3A_3090, %sign3A_3120 : i32
      %sign3A_3122 = arith.extui %sign3A_3121 : i1 to i32
      %sign3A_3123 = arith.constant 0 : i32
      %sign3A_3124 = arith.cmpi slt, %squeeze3A_3090, %sign3A_3123 : i32
      %sign3A_3125 = arith.extui %sign3A_3124 : i1 to i32
      %sign3A_3126 = arith.subi %sign3A_3122, %sign3A_3125 : i32
      %sign3A_3127 = arith.constant 0 : i32
      %sign3A_3128 = arith.cmpi sgt, %jit3A_3118, %sign3A_3127 : i32
      %sign3A_3129 = arith.extui %sign3A_3128 : i1 to i32
      %sign3A_3130 = arith.constant 0 : i32
      %sign3A_3131 = arith.cmpi slt, %jit3A_3118, %sign3A_3130 : i32
      %sign3A_3132 = arith.extui %sign3A_3131 : i1 to i32
      %sign3A_3133 = arith.subi %sign3A_3129, %sign3A_3132 : i32
      %ne3A_3134 = arith.cmpi ne, %sign3A_3126, %sign3A_3133 : i32
      %rem3A_3135 = arith.remsi %squeeze3A_3090, %jit3A_3118 : i32
      %ne3A_3136 = arith.constant 0 : i32
      %ne3A_3137 = arith.cmpi ne, %rem3A_3135, %ne3A_3136 : i32
      %and3A_3138 = arith.andi %ne3A_3134, %ne3A_3137 : i1
      %sub3A_3139 = arith.constant 1 : i32
      %sub3A_3140 = arith.subi %div3A_3119, %sub3A_3139 : i32
      %select_n3A_3141 = arith.select %and3A_3138, %sub3A_3140, %div3A_3119 : i32
      %mul3A_3142 = arith.constant 128 : i32
      %mul3A_3143 = arith.muli %select_n3A_3141, %mul3A_3142 : i32
      %multiple_of3A_3144 = tpu.assume_multiple %mul3A_3143, 128 : i32
      %dma_start3A_3145 = arith.constant 3 : i32
      %dma_start3A_3146 = arith.constant 3 : i32
      %dma_start3A_3147 = arith.constant 0 : i32
      %dma_start3A_3148 = arith.constant 0 : i32
      %dma_start3A_3149 = tpu.memref_slice %arg10[%dma_start3A_3145, %dma_start3A_3147, %dma_start3A_3148] : memref<8x32x128xf32, #tpu.memory_space<vmem>> -> memref<1x32x128xf32, #tpu.memory_space<vmem>>
      %dma_start3A_3150 = tpu.memref_squeeze %dma_start3A_3149 : memref<1x32x128xf32, #tpu.memory_space<vmem>> -> memref<32x128xf32, #tpu.memory_space<vmem>>
      %dma_start3A_3151 = arith.constant 0 : i32
      %dma_start3A_3152 = tpu.memref_slice %arg4[%dma_start3A_3151, %multiple_of3A_3117] : memref<32x1000000xf32, #tpu.memory_space<hbm>> -> memref<32x128xf32, #tpu.memory_space<hbm>>
      %dma_start3A_3153 = tpu.memref_slice %arg16[%dma_start3A_3146] : memref<8x!tpu.dma_semaphore, #tpu.memory_space<semaphore_mem>> -> memref<1x!tpu.dma_semaphore, #tpu.memory_space<semaphore_mem>>
      %dma_start3A_3154 = tpu.memref_squeeze %dma_start3A_3153 : memref<1x!tpu.dma_semaphore, #tpu.memory_space<semaphore_mem>> -> memref<!tpu.dma_semaphore, #tpu.memory_space<semaphore_mem>>
      %dma_start3A_3155 = arith.constant 0 : i32
      %dma_start3A_3156 = arith.constant 0 : i32
      %dma_start3A_3157 = tpu.memref_slice %arg10[%dma_start3A_3145, %dma_start3A_3155, %dma_start3A_3156] : memref<8x32x128xf32, #tpu.memory_space<vmem>> -> memref<1x32x128xf32, #tpu.memory_space<vmem>>
      %dma_start3A_3158 = tpu.memref_squeeze %dma_start3A_3157 : memref<1x32x128xf32, #tpu.memory_space<vmem>> -> memref<32x128xf32, #tpu.memory_space<vmem>>
      %dma_start3A_3159 = arith.constant 0 : i32
      %dma_start3A_3160 = tpu.memref_slice %arg4[%dma_start3A_3159, %multiple_of3A_3117] : memref<32x1000000xf32, #tpu.memory_space<hbm>> -> memref<32x128xf32, #tpu.memory_space<hbm>>
      tpu.enqueue_dma source(%dma_start3A_3160 : memref<32x128xf32, #tpu.memory_space<hbm>>) target(%dma_start3A_3158 : memref<32x128xf32, #tpu.memory_space<vmem>>) target_semaphore(%dma_start3A_3154 : memref<!tpu.dma_semaphore, #tpu.memory_space<semaphore_mem>>)
      %dma_start3A_3161 = arith.constant 3 : i32
      %dma_start3A_3162 = arith.constant 3 : i32
      %dma_start3A_3163 = arith.constant 0 : i32
      %dma_start3A_3164 = arith.constant 0 : i32
      %dma_start3A_3165 = tpu.memref_slice %arg11[%dma_start3A_3161, %dma_start3A_3163, %dma_start3A_3164] : memref<8x32x128xf32, #tpu.memory_space<vmem>> -> memref<1x32x128xf32, #tpu.memory_space<vmem>>
      %dma_start3A_3166 = tpu.memref_squeeze %dma_start3A_3165 : memref<1x32x128xf32, #tpu.memory_space<vmem>> -> memref<32x128xf32, #tpu.memory_space<vmem>>
      %dma_start3A_3167 = arith.constant 0 : i32
      %dma_start3A_3168 = tpu.memref_slice %arg5[%dma_start3A_3167, %multiple_of3A_3144] : memref<32x1000000xf32, #tpu.memory_space<hbm>> -> memref<32x128xf32, #tpu.memory_space<hbm>>
      %dma_start3A_3169 = tpu.memref_slice %arg17[%dma_start3A_3162] : memref<8x!tpu.dma_semaphore, #tpu.memory_space<semaphore_mem>> -> memref<1x!tpu.dma_semaphore, #tpu.memory_space<semaphore_mem>>
      %dma_start3A_3170 = tpu.memref_squeeze %dma_start3A_3169 : memref<1x!tpu.dma_semaphore, #tpu.memory_space<semaphore_mem>> -> memref<!tpu.dma_semaphore, #tpu.memory_space<semaphore_mem>>
      %dma_start3A_3171 = arith.constant 0 : i32
      %dma_start3A_3172 = arith.constant 0 : i32
      %dma_start3A_3173 = tpu.memref_slice %arg11[%dma_start3A_3161, %dma_start3A_3171, %dma_start3A_3172] : memref<8x32x128xf32, #tpu.memory_space<vmem>> -> memref<1x32x128xf32, #tpu.memory_space<vmem>>
      %dma_start3A_3174 = tpu.memref_squeeze %dma_start3A_3173 : memref<1x32x128xf32, #tpu.memory_space<vmem>> -> memref<32x128xf32, #tpu.memory_space<vmem>>
      %dma_start3A_3175 = arith.constant 0 : i32
      %dma_start3A_3176 = tpu.memref_slice %arg5[%dma_start3A_3175, %multiple_of3A_3144] : memref<32x1000000xf32, #tpu.memory_space<hbm>> -> memref<32x128xf32, #tpu.memory_space<hbm>>
      tpu.enqueue_dma source(%dma_start3A_3176 : memref<32x128xf32, #tpu.memory_space<hbm>>) target(%dma_start3A_3174 : memref<32x128xf32, #tpu.memory_space<vmem>>) target_semaphore(%dma_start3A_3170 : memref<!tpu.dma_semaphore, #tpu.memory_space<semaphore_mem>>)
      %slice3A_3177 = vector.extract_strided_slice %get3A_2182 {offsets = [4], sizes = [1], strides = [1]} : vector<16xi32> to vector<1xi32>
      %squeeze3A_3178 = vector.extract %slice3A_3177[0] : i32 from vector<1xi32>
      %slice3A_3179 = vector.extract_strided_slice %get3A_2184 {offsets = [4], sizes = [1], strides = [1]} : vector<16xi32> to vector<1xi32>
      %squeeze3A_3180 = vector.extract %slice3A_3179[0] : i32 from vector<1xi32>
      %add3A_3181 = arith.constant 4 : i32
      %add3A_3182 = arith.addi %multiple_of3A_2180, %add3A_3181 : i32
      %dma_wait3A_3183 = arith.constant 4 : i32
      %dma_wait3A_3184 = arith.constant 4 : i32
      %dma_wait3A_3185 = arith.constant 0 : i32
      %dma_wait3A_3186 = arith.constant 0 : i32
      %dma_wait3A_3187 = tpu.memref_slice %arg10[%dma_wait3A_3183, %dma_wait3A_3185, %dma_wait3A_3186] : memref<8x32x128xf32, #tpu.memory_space<vmem>> -> memref<1x32x128xf32, #tpu.memory_space<vmem>>
      %dma_wait3A_3188 = tpu.memref_squeeze %dma_wait3A_3187 : memref<1x32x128xf32, #tpu.memory_space<vmem>> -> memref<32x128xf32, #tpu.memory_space<vmem>>
      %dma_wait3A_3189 = arith.constant 0 : i32
      %dma_wait3A_3190 = arith.constant 0 : i32
      %dma_wait3A_3191 = tpu.memref_slice %arg4[%dma_wait3A_3189, %dma_wait3A_3190] : memref<32x1000000xf32, #tpu.memory_space<hbm>> -> memref<32x128xf32, #tpu.memory_space<hbm>>
      %dma_wait3A_3192 = tpu.memref_slice %arg16[%dma_wait3A_3184] : memref<8x!tpu.dma_semaphore, #tpu.memory_space<semaphore_mem>> -> memref<1x!tpu.dma_semaphore, #tpu.memory_space<semaphore_mem>>
      %dma_wait3A_3193 = tpu.memref_squeeze %dma_wait3A_3192 : memref<1x!tpu.dma_semaphore, #tpu.memory_space<semaphore_mem>> -> memref<!tpu.dma_semaphore, #tpu.memory_space<semaphore_mem>>
      %dma_wait3A_3194 = arith.constant 0 : i32
      %dma_wait3A_3195 = arith.constant 0 : i32
      %dma_wait3A_3196 = tpu.memref_slice %arg10[%dma_wait3A_3183, %dma_wait3A_3194, %dma_wait3A_3195] : memref<8x32x128xf32, #tpu.memory_space<vmem>> -> memref<1x32x128xf32, #tpu.memory_space<vmem>>
      %dma_wait3A_3197 = tpu.memref_squeeze %dma_wait3A_3196 : memref<1x32x128xf32, #tpu.memory_space<vmem>> -> memref<32x128xf32, #tpu.memory_space<vmem>>
      %dma_wait3A_3198 = arith.constant 0 : i32
      %dma_wait3A_3199 = arith.constant 0 : i32
      %dma_wait3A_3200 = tpu.memref_slice %arg4[%dma_wait3A_3198, %dma_wait3A_3199] : memref<32x1000000xf32, #tpu.memory_space<hbm>> -> memref<32x128xf32, #tpu.memory_space<hbm>>
      tpu.wait_dma2 semaphore(%dma_wait3A_3193 : memref<!tpu.dma_semaphore, #tpu.memory_space<semaphore_mem>>) src(%dma_wait3A_3200 : memref<32x128xf32, #tpu.memory_space<hbm>>) dst(%dma_wait3A_3197 : memref<32x128xf32, #tpu.memory_space<vmem>>)
      %dma_wait3A_3201 = arith.constant 4 : i32
      %dma_wait3A_3202 = arith.constant 4 : i32
      %dma_wait3A_3203 = arith.constant 0 : i32
      %dma_wait3A_3204 = arith.constant 0 : i32
      %dma_wait3A_3205 = tpu.memref_slice %arg11[%dma_wait3A_3201, %dma_wait3A_3203, %dma_wait3A_3204] : memref<8x32x128xf32, #tpu.memory_space<vmem>> -> memref<1x32x128xf32, #tpu.memory_space<vmem>>
      %dma_wait3A_3206 = tpu.memref_squeeze %dma_wait3A_3205 : memref<1x32x128xf32, #tpu.memory_space<vmem>> -> memref<32x128xf32, #tpu.memory_space<vmem>>
      %dma_wait3A_3207 = arith.constant 0 : i32
      %dma_wait3A_3208 = arith.constant 0 : i32
      %dma_wait3A_3209 = tpu.memref_slice %arg5[%dma_wait3A_3207, %dma_wait3A_3208] : memref<32x1000000xf32, #tpu.memory_space<hbm>> -> memref<32x128xf32, #tpu.memory_space<hbm>>
      %dma_wait3A_3210 = tpu.memref_slice %arg17[%dma_wait3A_3202] : memref<8x!tpu.dma_semaphore, #tpu.memory_space<semaphore_mem>> -> memref<1x!tpu.dma_semaphore, #tpu.memory_space<semaphore_mem>>
      %dma_wait3A_3211 = tpu.memref_squeeze %dma_wait3A_3210 : memref<1x!tpu.dma_semaphore, #tpu.memory_space<semaphore_mem>> -> memref<!tpu.dma_semaphore, #tpu.memory_space<semaphore_mem>>
      %dma_wait3A_3212 = arith.constant 0 : i32
      %dma_wait3A_3213 = arith.constant 0 : i32
      %dma_wait3A_3214 = tpu.memref_slice %arg11[%dma_wait3A_3201, %dma_wait3A_3212, %dma_wait3A_3213] : memref<8x32x128xf32, #tpu.memory_space<vmem>> -> memref<1x32x128xf32, #tpu.memory_space<vmem>>
      %dma_wait3A_3215 = tpu.memref_squeeze %dma_wait3A_3214 : memref<1x32x128xf32, #tpu.memory_space<vmem>> -> memref<32x128xf32, #tpu.memory_space<vmem>>
      %dma_wait3A_3216 = arith.constant 0 : i32
      %dma_wait3A_3217 = arith.constant 0 : i32
      %dma_wait3A_3218 = tpu.memref_slice %arg5[%dma_wait3A_3216, %dma_wait3A_3217] : memref<32x1000000xf32, #tpu.memory_space<hbm>> -> memref<32x128xf32, #tpu.memory_space<hbm>>
      tpu.wait_dma2 semaphore(%dma_wait3A_3211 : memref<!tpu.dma_semaphore, #tpu.memory_space<semaphore_mem>>) src(%dma_wait3A_3218 : memref<32x128xf32, #tpu.memory_space<hbm>>) dst(%dma_wait3A_3215 : memref<32x128xf32, #tpu.memory_space<vmem>>)
      %rem3A_3219 = arith.constant 128 : i32
      %rem3A_3220 = arith.remsi %squeeze3A_3178, %rem3A_3219 : i32
      %jit3A_3221 = arith.constant 128 : i32
      %div3A_3222 = arith.divsi %add3A_3182, %jit3A_3221 : i32
      %sign3A_3223 = arith.constant 0 : i32
      %sign3A_3224 = arith.cmpi sgt, %add3A_3182, %sign3A_3223 : i32
      %sign3A_3225 = arith.extui %sign3A_3224 : i1 to i32
      %sign3A_3226 = arith.constant 0 : i32
      %sign3A_3227 = arith.cmpi slt, %add3A_3182, %sign3A_3226 : i32
      %sign3A_3228 = arith.extui %sign3A_3227 : i1 to i32
      %sign3A_3229 = arith.subi %sign3A_3225, %sign3A_3228 : i32
      %sign3A_3230 = arith.constant 0 : i32
      %sign3A_3231 = arith.cmpi sgt, %jit3A_3221, %sign3A_3230 : i32
      %sign3A_3232 = arith.extui %sign3A_3231 : i1 to i32
      %sign3A_3233 = arith.constant 0 : i32
      %sign3A_3234 = arith.cmpi slt, %jit3A_3221, %sign3A_3233 : i32
      %sign3A_3235 = arith.extui %sign3A_3234 : i1 to i32
      %sign3A_3236 = arith.subi %sign3A_3232, %sign3A_3235 : i32
      %ne3A_3237 = arith.cmpi ne, %sign3A_3229, %sign3A_3236 : i32
      %rem3A_3238 = arith.remsi %add3A_3182, %jit3A_3221 : i32
      %ne3A_3239 = arith.constant 0 : i32
      %ne3A_3240 = arith.cmpi ne, %rem3A_3238, %ne3A_3239 : i32
      %and3A_3241 = arith.andi %ne3A_3237, %ne3A_3240 : i1
      %sub3A_3242 = arith.constant 1 : i32
      %sub3A_3243 = arith.subi %div3A_3222, %sub3A_3242 : i32
      %select_n3A_3244 = arith.select %and3A_3241, %sub3A_3243, %div3A_3222 : i32
      %rem3A_3245 = arith.constant 128 : i32
      %rem3A_3246 = arith.remsi %add3A_3182, %rem3A_3245 : i32
      %broadcast_in_dim3A_3247 = arith.constant 4 : i32
      %broadcast_in_dim3A_3248 = vector.broadcast %broadcast_in_dim3A_3247 : i32 to vector<16xi32>
      %add3A_3249 = arith.constant 0 : i32
      %add3A_3250 = vector.broadcast %add3A_3249 : i32 to vector<16xi32>
      %add3A_3251 = arith.addi %iota3A, %add3A_3250 : vector<16xi32>
      %broadcast_in_dim3A_3252 = vector.broadcast %rem3A_3220 : i32 to vector<16xi32>
      %gather3A_3253 = tpu.vector_load_idx %arg10[%broadcast_in_dim3A_3248, %add3A_3251, %broadcast_in_dim3A_3252] : memref<8x32x128xf32, #tpu.memory_space<vmem>>[vector<16xi32>, vector<16xi32>, vector<16xi32>], vector<16xf32>,
      %mul3A_3254 = arith.constant 4 : i32
      %mul3A_3255 = vector.broadcast %mul3A_3254 : i32 to vector<16xi32>
      %mul3A_3256 = arith.muli %iota3A, %mul3A_3255 : vector<16xi32>
      %add3A_3257 = arith.constant 0 : i32
      %add3A_3258 = arith.addi %add3A_3257, %select_n3A_3244 : i32
      %add3A_3259 = vector.broadcast %add3A_3258 : i32 to vector<16xi32>
      %add3A_3260 = arith.addi %mul3A_3256, %add3A_3259 : vector<16xi32>
      %broadcast_in_dim3A_3261 = vector.broadcast %rem3A_3246 : i32 to vector<16xi32>
      tpu.vector_store_idx %arg12[%add3A_3260, %broadcast_in_dim3A_3261], %gather3A_3253 : memref<128x128xf32, #tpu.memory_space<vmem>>[vector<16xi32>, vector<16xi32>], vector<16xf32>,
      %broadcast_in_dim3A_3262 = arith.constant 4 : i32
      %broadcast_in_dim3A_3263 = vector.broadcast %broadcast_in_dim3A_3262 : i32 to vector<16xi32>
      %add3A_3264 = arith.constant 16 : i32
      %add3A_3265 = vector.broadcast %add3A_3264 : i32 to vector<16xi32>
      %add3A_3266 = arith.addi %iota3A, %add3A_3265 : vector<16xi32>
      %broadcast_in_dim3A_3267 = vector.broadcast %rem3A_3220 : i32 to vector<16xi32>
      %gather3A_3268 = tpu.vector_load_idx %arg10[%broadcast_in_dim3A_3263, %add3A_3266, %broadcast_in_dim3A_3267] : memref<8x32x128xf32, #tpu.memory_space<vmem>>[vector<16xi32>, vector<16xi32>, vector<16xi32>], vector<16xf32>,
      %mul3A_3269 = arith.constant 4 : i32
      %mul3A_3270 = vector.broadcast %mul3A_3269 : i32 to vector<16xi32>
      %mul3A_3271 = arith.muli %iota3A, %mul3A_3270 : vector<16xi32>
      %add3A_3272 = arith.constant 64 : i32
      %add3A_3273 = arith.addi %add3A_3272, %select_n3A_3244 : i32
      %add3A_3274 = vector.broadcast %add3A_3273 : i32 to vector<16xi32>
      %add3A_3275 = arith.addi %mul3A_3271, %add3A_3274 : vector<16xi32>
      %broadcast_in_dim3A_3276 = vector.broadcast %rem3A_3246 : i32 to vector<16xi32>
      tpu.vector_store_idx %arg12[%add3A_3275, %broadcast_in_dim3A_3276], %gather3A_3268 : memref<128x128xf32, #tpu.memory_space<vmem>>[vector<16xi32>, vector<16xi32>], vector<16xf32>,
      %rem3A_3277 = arith.constant 128 : i32
      %rem3A_3278 = arith.remsi %squeeze3A_3180, %rem3A_3277 : i32
      %jit3A_3279 = arith.constant 128 : i32
      %div3A_3280 = arith.divsi %add3A_3182, %jit3A_3279 : i32
      %sign3A_3281 = arith.constant 0 : i32
      %sign3A_3282 = arith.cmpi sgt, %add3A_3182, %sign3A_3281 : i32
      %sign3A_3283 = arith.extui %sign3A_3282 : i1 to i32
      %sign3A_3284 = arith.constant 0 : i32
      %sign3A_3285 = arith.cmpi slt, %add3A_3182, %sign3A_3284 : i32
      %sign3A_3286 = arith.extui %sign3A_3285 : i1 to i32
      %sign3A_3287 = arith.subi %sign3A_3283, %sign3A_3286 : i32
      %sign3A_3288 = arith.constant 0 : i32
      %sign3A_3289 = arith.cmpi sgt, %jit3A_3279, %sign3A_3288 : i32
      %sign3A_3290 = arith.extui %sign3A_3289 : i1 to i32
      %sign3A_3291 = arith.constant 0 : i32
      %sign3A_3292 = arith.cmpi slt, %jit3A_3279, %sign3A_3291 : i32
      %sign3A_3293 = arith.extui %sign3A_3292 : i1 to i32
      %sign3A_3294 = arith.subi %sign3A_3290, %sign3A_3293 : i32
      %ne3A_3295 = arith.cmpi ne, %sign3A_3287, %sign3A_3294 : i32
      %rem3A_3296 = arith.remsi %add3A_3182, %jit3A_3279 : i32
      %ne3A_3297 = arith.constant 0 : i32
      %ne3A_3298 = arith.cmpi ne, %rem3A_3296, %ne3A_3297 : i32
      %and3A_3299 = arith.andi %ne3A_3295, %ne3A_3298 : i1
      %sub3A_3300 = arith.constant 1 : i32
      %sub3A_3301 = arith.subi %div3A_3280, %sub3A_3300 : i32
      %select_n3A_3302 = arith.select %and3A_3299, %sub3A_3301, %div3A_3280 : i32
      %rem3A_3303 = arith.constant 128 : i32
      %rem3A_3304 = arith.remsi %add3A_3182, %rem3A_3303 : i32
      %broadcast_in_dim3A_3305 = arith.constant 4 : i32
      %broadcast_in_dim3A_3306 = vector.broadcast %broadcast_in_dim3A_3305 : i32 to vector<16xi32>
      %add3A_3307 = arith.constant 0 : i32
      %add3A_3308 = vector.broadcast %add3A_3307 : i32 to vector<16xi32>
      %add3A_3309 = arith.addi %iota3A, %add3A_3308 : vector<16xi32>
      %broadcast_in_dim3A_3310 = vector.broadcast %rem3A_3278 : i32 to vector<16xi32>
      %gather3A_3311 = tpu.vector_load_idx %arg11[%broadcast_in_dim3A_3306, %add3A_3309, %broadcast_in_dim3A_3310] : memref<8x32x128xf32, #tpu.memory_space<vmem>>[vector<16xi32>, vector<16xi32>, vector<16xi32>], vector<16xf32>,
      %mul3A_3312 = arith.constant 4 : i32
      %mul3A_3313 = vector.broadcast %mul3A_3312 : i32 to vector<16xi32>
      %mul3A_3314 = arith.muli %iota3A, %mul3A_3313 : vector<16xi32>
      %add3A_3315 = arith.constant 0 : i32
      %add3A_3316 = arith.addi %add3A_3315, %select_n3A_3302 : i32
      %add3A_3317 = vector.broadcast %add3A_3316 : i32 to vector<16xi32>
      %add3A_3318 = arith.addi %mul3A_3314, %add3A_3317 : vector<16xi32>
      %broadcast_in_dim3A_3319 = vector.broadcast %rem3A_3304 : i32 to vector<16xi32>
      tpu.vector_store_idx %arg13[%add3A_3318, %broadcast_in_dim3A_3319], %gather3A_3311 : memref<128x128xf32, #tpu.memory_space<vmem>>[vector<16xi32>, vector<16xi32>], vector<16xf32>,
      %broadcast_in_dim3A_3320 = arith.constant 4 : i32
      %broadcast_in_dim3A_3321 = vector.broadcast %broadcast_in_dim3A_3320 : i32 to vector<16xi32>
      %add3A_3322 = arith.constant 16 : i32
      %add3A_3323 = vector.broadcast %add3A_3322 : i32 to vector<16xi32>
      %add3A_3324 = arith.addi %iota3A, %add3A_3323 : vector<16xi32>
      %broadcast_in_dim3A_3325 = vector.broadcast %rem3A_3278 : i32 to vector<16xi32>
      %gather3A_3326 = tpu.vector_load_idx %arg11[%broadcast_in_dim3A_3321, %add3A_3324, %broadcast_in_dim3A_3325] : memref<8x32x128xf32, #tpu.memory_space<vmem>>[vector<16xi32>, vector<16xi32>, vector<16xi32>], vector<16xf32>,
      %mul3A_3327 = arith.constant 4 : i32
      %mul3A_3328 = vector.broadcast %mul3A_3327 : i32 to vector<16xi32>
      %mul3A_3329 = arith.muli %iota3A, %mul3A_3328 : vector<16xi32>
      %add3A_3330 = arith.constant 64 : i32
      %add3A_3331 = arith.addi %add3A_3330, %select_n3A_3302 : i32
      %add3A_3332 = vector.broadcast %add3A_3331 : i32 to vector<16xi32>
      %add3A_3333 = arith.addi %mul3A_3329, %add3A_3332 : vector<16xi32>
      %broadcast_in_dim3A_3334 = vector.broadcast %rem3A_3304 : i32 to vector<16xi32>
      tpu.vector_store_idx %arg13[%add3A_3333, %broadcast_in_dim3A_3334], %gather3A_3326 : memref<128x128xf32, #tpu.memory_space<vmem>>[vector<16xi32>, vector<16xi32>], vector<16xf32>,
      %slice3A_3335 = vector.extract_strided_slice %get3A_2182 {offsets = [12], sizes = [1], strides = [1]} : vector<16xi32> to vector<1xi32>
      %squeeze3A_3336 = vector.extract %slice3A_3335[0] : i32 from vector<1xi32>
      %slice3A_3337 = vector.extract_strided_slice %get3A_2184 {offsets = [12], sizes = [1], strides = [1]} : vector<16xi32> to vector<1xi32>
      %squeeze3A_3338 = vector.extract %slice3A_3337[0] : i32 from vector<1xi32>
      %jit3A_3339 = arith.constant 128 : i32
      %div3A_3340 = arith.divsi %squeeze3A_3336, %jit3A_3339 : i32
      %sign3A_3341 = arith.constant 0 : i32
      %sign3A_3342 = arith.cmpi sgt, %squeeze3A_3336, %sign3A_3341 : i32
      %sign3A_3343 = arith.extui %sign3A_3342 : i1 to i32
      %sign3A_3344 = arith.constant 0 : i32
      %sign3A_3345 = arith.cmpi slt, %squeeze3A_3336, %sign3A_3344 : i32
      %sign3A_3346 = arith.extui %sign3A_3345 : i1 to i32
      %sign3A_3347 = arith.subi %sign3A_3343, %sign3A_3346 : i32
      %sign3A_3348 = arith.constant 0 : i32
      %sign3A_3349 = arith.cmpi sgt, %jit3A_3339, %sign3A_3348 : i32
      %sign3A_3350 = arith.extui %sign3A_3349 : i1 to i32
      %sign3A_3351 = arith.constant 0 : i32
      %sign3A_3352 = arith.cmpi slt, %jit3A_3339, %sign3A_3351 : i32
      %sign3A_3353 = arith.extui %sign3A_3352 : i1 to i32
      %sign3A_3354 = arith.subi %sign3A_3350, %sign3A_3353 : i32
      %ne3A_3355 = arith.cmpi ne, %sign3A_3347, %sign3A_3354 : i32
      %rem3A_3356 = arith.remsi %squeeze3A_3336, %jit3A_3339 : i32
      %ne3A_3357 = arith.constant 0 : i32
      %ne3A_3358 = arith.cmpi ne, %rem3A_3356, %ne3A_3357 : i32
      %and3A_3359 = arith.andi %ne3A_3355, %ne3A_3358 : i1
      %sub3A_3360 = arith.constant 1 : i32
      %sub3A_3361 = arith.subi %div3A_3340, %sub3A_3360 : i32
      %select_n3A_3362 = arith.select %and3A_3359, %sub3A_3361, %div3A_3340 : i32
      %mul3A_3363 = arith.constant 128 : i32
      %mul3A_3364 = arith.muli %select_n3A_3362, %mul3A_3363 : i32
      %multiple_of3A_3365 = tpu.assume_multiple %mul3A_3364, 128 : i32
      %jit3A_3366 = arith.constant 128 : i32
      %div3A_3367 = arith.divsi %squeeze3A_3338, %jit3A_3366 : i32
      %sign3A_3368 = arith.constant 0 : i32
      %sign3A_3369 = arith.cmpi sgt, %squeeze3A_3338, %sign3A_3368 : i32
      %sign3A_3370 = arith.extui %sign3A_3369 : i1 to i32
      %sign3A_3371 = arith.constant 0 : i32
      %sign3A_3372 = arith.cmpi slt, %squeeze3A_3338, %sign3A_3371 : i32
      %sign3A_3373 = arith.extui %sign3A_3372 : i1 to i32
      %sign3A_3374 = arith.subi %sign3A_3370, %sign3A_3373 : i32
      %sign3A_3375 = arith.constant 0 : i32
      %sign3A_3376 = arith.cmpi sgt, %jit3A_3366, %sign3A_3375 : i32
      %sign3A_3377 = arith.extui %sign3A_3376 : i1 to i32
      %sign3A_3378 = arith.constant 0 : i32
      %sign3A_3379 = arith.cmpi slt, %jit3A_3366, %sign3A_3378 : i32
      %sign3A_3380 = arith.extui %sign3A_3379 : i1 to i32
      %sign3A_3381 = arith.subi %sign3A_3377, %sign3A_3380 : i32
      %ne3A_3382 = arith.cmpi ne, %sign3A_3374, %sign3A_3381 : i32
      %rem3A_3383 = arith.remsi %squeeze3A_3338, %jit3A_3366 : i32
      %ne3A_3384 = arith.constant 0 : i32
      %ne3A_3385 = arith.cmpi ne, %rem3A_3383, %ne3A_3384 : i32
      %and3A_3386 = arith.andi %ne3A_3382, %ne3A_3385 : i1
      %sub3A_3387 = arith.constant 1 : i32
      %sub3A_3388 = arith.subi %div3A_3367, %sub3A_3387 : i32
      %select_n3A_3389 = arith.select %and3A_3386, %sub3A_3388, %div3A_3367 : i32
      %mul3A_3390 = arith.constant 128 : i32
      %mul3A_3391 = arith.muli %select_n3A_3389, %mul3A_3390 : i32
      %multiple_of3A_3392 = tpu.assume_multiple %mul3A_3391, 128 : i32
      %dma_start3A_3393 = arith.constant 4 : i32
      %dma_start3A_3394 = arith.constant 4 : i32
      %dma_start3A_3395 = arith.constant 0 : i32
      %dma_start3A_3396 = arith.constant 0 : i32
      %dma_start3A_3397 = tpu.memref_slice %arg10[%dma_start3A_3393, %dma_start3A_3395, %dma_start3A_3396] : memref<8x32x128xf32, #tpu.memory_space<vmem>> -> memref<1x32x128xf32, #tpu.memory_space<vmem>>
      %dma_start3A_3398 = tpu.memref_squeeze %dma_start3A_3397 : memref<1x32x128xf32, #tpu.memory_space<vmem>> -> memref<32x128xf32, #tpu.memory_space<vmem>>
      %dma_start3A_3399 = arith.constant 0 : i32
      %dma_start3A_3400 = tpu.memref_slice %arg4[%dma_start3A_3399, %multiple_of3A_3365] : memref<32x1000000xf32, #tpu.memory_space<hbm>> -> memref<32x128xf32, #tpu.memory_space<hbm>>
      %dma_start3A_3401 = tpu.memref_slice %arg16[%dma_start3A_3394] : memref<8x!tpu.dma_semaphore, #tpu.memory_space<semaphore_mem>> -> memref<1x!tpu.dma_semaphore, #tpu.memory_space<semaphore_mem>>
      %dma_start3A_3402 = tpu.memref_squeeze %dma_start3A_3401 : memref<1x!tpu.dma_semaphore, #tpu.memory_space<semaphore_mem>> -> memref<!tpu.dma_semaphore, #tpu.memory_space<semaphore_mem>>
      %dma_start3A_3403 = arith.constant 0 : i32
      %dma_start3A_3404 = arith.constant 0 : i32
      %dma_start3A_3405 = tpu.memref_slice %arg10[%dma_start3A_3393, %dma_start3A_3403, %dma_start3A_3404] : memref<8x32x128xf32, #tpu.memory_space<vmem>> -> memref<1x32x128xf32, #tpu.memory_space<vmem>>
      %dma_start3A_3406 = tpu.memref_squeeze %dma_start3A_3405 : memref<1x32x128xf32, #tpu.memory_space<vmem>> -> memref<32x128xf32, #tpu.memory_space<vmem>>
      %dma_start3A_3407 = arith.constant 0 : i32
      %dma_start3A_3408 = tpu.memref_slice %arg4[%dma_start3A_3407, %multiple_of3A_3365] : memref<32x1000000xf32, #tpu.memory_space<hbm>> -> memref<32x128xf32, #tpu.memory_space<hbm>>
      tpu.enqueue_dma source(%dma_start3A_3408 : memref<32x128xf32, #tpu.memory_space<hbm>>) target(%dma_start3A_3406 : memref<32x128xf32, #tpu.memory_space<vmem>>) target_semaphore(%dma_start3A_3402 : memref<!tpu.dma_semaphore, #tpu.memory_space<semaphore_mem>>)
      %dma_start3A_3409 = arith.constant 4 : i32
      %dma_start3A_3410 = arith.constant 4 : i32
      %dma_start3A_3411 = arith.constant 0 : i32
      %dma_start3A_3412 = arith.constant 0 : i32
      %dma_start3A_3413 = tpu.memref_slice %arg11[%dma_start3A_3409, %dma_start3A_3411, %dma_start3A_3412] : memref<8x32x128xf32, #tpu.memory_space<vmem>> -> memref<1x32x128xf32, #tpu.memory_space<vmem>>
      %dma_start3A_3414 = tpu.memref_squeeze %dma_start3A_3413 : memref<1x32x128xf32, #tpu.memory_space<vmem>> -> memref<32x128xf32, #tpu.memory_space<vmem>>
      %dma_start3A_3415 = arith.constant 0 : i32
      %dma_start3A_3416 = tpu.memref_slice %arg5[%dma_start3A_3415, %multiple_of3A_3392] : memref<32x1000000xf32, #tpu.memory_space<hbm>> -> memref<32x128xf32, #tpu.memory_space<hbm>>
      %dma_start3A_3417 = tpu.memref_slice %arg17[%dma_start3A_3410] : memref<8x!tpu.dma_semaphore, #tpu.memory_space<semaphore_mem>> -> memref<1x!tpu.dma_semaphore, #tpu.memory_space<semaphore_mem>>
      %dma_start3A_3418 = tpu.memref_squeeze %dma_start3A_3417 : memref<1x!tpu.dma_semaphore, #tpu.memory_space<semaphore_mem>> -> memref<!tpu.dma_semaphore, #tpu.memory_space<semaphore_mem>>
      %dma_start3A_3419 = arith.constant 0 : i32
      %dma_start3A_3420 = arith.constant 0 : i32
      %dma_start3A_3421 = tpu.memref_slice %arg11[%dma_start3A_3409, %dma_start3A_3419, %dma_start3A_3420] : memref<8x32x128xf32, #tpu.memory_space<vmem>> -> memref<1x32x128xf32, #tpu.memory_space<vmem>>
      %dma_start3A_3422 = tpu.memref_squeeze %dma_start3A_3421 : memref<1x32x128xf32, #tpu.memory_space<vmem>> -> memref<32x128xf32, #tpu.memory_space<vmem>>
      %dma_start3A_3423 = arith.constant 0 : i32
      %dma_start3A_3424 = tpu.memref_slice %arg5[%dma_start3A_3423, %multiple_of3A_3392] : memref<32x1000000xf32, #tpu.memory_space<hbm>> -> memref<32x128xf32, #tpu.memory_space<hbm>>
      tpu.enqueue_dma source(%dma_start3A_3424 : memref<32x128xf32, #tpu.memory_space<hbm>>) target(%dma_start3A_3422 : memref<32x128xf32, #tpu.memory_space<vmem>>) target_semaphore(%dma_start3A_3418 : memref<!tpu.dma_semaphore, #tpu.memory_space<semaphore_mem>>)
      %slice3A_3425 = vector.extract_strided_slice %get3A_2182 {offsets = [5], sizes = [1], strides = [1]} : vector<16xi32> to vector<1xi32>
      %squeeze3A_3426 = vector.extract %slice3A_3425[0] : i32 from vector<1xi32>
      %slice3A_3427 = vector.extract_strided_slice %get3A_2184 {offsets = [5], sizes = [1], strides = [1]} : vector<16xi32> to vector<1xi32>
      %squeeze3A_3428 = vector.extract %slice3A_3427[0] : i32 from vector<1xi32>
      %add3A_3429 = arith.constant 5 : i32
      %add3A_3430 = arith.addi %multiple_of3A_2180, %add3A_3429 : i32
      %dma_wait3A_3431 = arith.constant 5 : i32
      %dma_wait3A_3432 = arith.constant 5 : i32
      %dma_wait3A_3433 = arith.constant 0 : i32
      %dma_wait3A_3434 = arith.constant 0 : i32
      %dma_wait3A_3435 = tpu.memref_slice %arg10[%dma_wait3A_3431, %dma_wait3A_3433, %dma_wait3A_3434] : memref<8x32x128xf32, #tpu.memory_space<vmem>> -> memref<1x32x128xf32, #tpu.memory_space<vmem>>
      %dma_wait3A_3436 = tpu.memref_squeeze %dma_wait3A_3435 : memref<1x32x128xf32, #tpu.memory_space<vmem>> -> memref<32x128xf32, #tpu.memory_space<vmem>>
      %dma_wait3A_3437 = arith.constant 0 : i32
      %dma_wait3A_3438 = arith.constant 0 : i32
      %dma_wait3A_3439 = tpu.memref_slice %arg4[%dma_wait3A_3437, %dma_wait3A_3438] : memref<32x1000000xf32, #tpu.memory_space<hbm>> -> memref<32x128xf32, #tpu.memory_space<hbm>>
      %dma_wait3A_3440 = tpu.memref_slice %arg16[%dma_wait3A_3432] : memref<8x!tpu.dma_semaphore, #tpu.memory_space<semaphore_mem>> -> memref<1x!tpu.dma_semaphore, #tpu.memory_space<semaphore_mem>>
      %dma_wait3A_3441 = tpu.memref_squeeze %dma_wait3A_3440 : memref<1x!tpu.dma_semaphore, #tpu.memory_space<semaphore_mem>> -> memref<!tpu.dma_semaphore, #tpu.memory_space<semaphore_mem>>
      %dma_wait3A_3442 = arith.constant 0 : i32
      %dma_wait3A_3443 = arith.constant 0 : i32
      %dma_wait3A_3444 = tpu.memref_slice %arg10[%dma_wait3A_3431, %dma_wait3A_3442, %dma_wait3A_3443] : memref<8x32x128xf32, #tpu.memory_space<vmem>> -> memref<1x32x128xf32, #tpu.memory_space<vmem>>
      %dma_wait3A_3445 = tpu.memref_squeeze %dma_wait3A_3444 : memref<1x32x128xf32, #tpu.memory_space<vmem>> -> memref<32x128xf32, #tpu.memory_space<vmem>>
      %dma_wait3A_3446 = arith.constant 0 : i32
      %dma_wait3A_3447 = arith.constant 0 : i32
      %dma_wait3A_3448 = tpu.memref_slice %arg4[%dma_wait3A_3446, %dma_wait3A_3447] : memref<32x1000000xf32, #tpu.memory_space<hbm>> -> memref<32x128xf32, #tpu.memory_space<hbm>>
      tpu.wait_dma2 semaphore(%dma_wait3A_3441 : memref<!tpu.dma_semaphore, #tpu.memory_space<semaphore_mem>>) src(%dma_wait3A_3448 : memref<32x128xf32, #tpu.memory_space<hbm>>) dst(%dma_wait3A_3445 : memref<32x128xf32, #tpu.memory_space<vmem>>)
      %dma_wait3A_3449 = arith.constant 5 : i32
      %dma_wait3A_3450 = arith.constant 5 : i32
      %dma_wait3A_3451 = arith.constant 0 : i32
      %dma_wait3A_3452 = arith.constant 0 : i32
      %dma_wait3A_3453 = tpu.memref_slice %arg11[%dma_wait3A_3449, %dma_wait3A_3451, %dma_wait3A_3452] : memref<8x32x128xf32, #tpu.memory_space<vmem>> -> memref<1x32x128xf32, #tpu.memory_space<vmem>>
      %dma_wait3A_3454 = tpu.memref_squeeze %dma_wait3A_3453 : memref<1x32x128xf32, #tpu.memory_space<vmem>> -> memref<32x128xf32, #tpu.memory_space<vmem>>
      %dma_wait3A_3455 = arith.constant 0 : i32
      %dma_wait3A_3456 = arith.constant 0 : i32
      %dma_wait3A_3457 = tpu.memref_slice %arg5[%dma_wait3A_3455, %dma_wait3A_3456] : memref<32x1000000xf32, #tpu.memory_space<hbm>> -> memref<32x128xf32, #tpu.memory_space<hbm>>
      %dma_wait3A_3458 = tpu.memref_slice %arg17[%dma_wait3A_3450] : memref<8x!tpu.dma_semaphore, #tpu.memory_space<semaphore_mem>> -> memref<1x!tpu.dma_semaphore, #tpu.memory_space<semaphore_mem>>
      %dma_wait3A_3459 = tpu.memref_squeeze %dma_wait3A_3458 : memref<1x!tpu.dma_semaphore, #tpu.memory_space<semaphore_mem>> -> memref<!tpu.dma_semaphore, #tpu.memory_space<semaphore_mem>>
      %dma_wait3A_3460 = arith.constant 0 : i32
      %dma_wait3A_3461 = arith.constant 0 : i32
      %dma_wait3A_3462 = tpu.memref_slice %arg11[%dma_wait3A_3449, %dma_wait3A_3460, %dma_wait3A_3461] : memref<8x32x128xf32, #tpu.memory_space<vmem>> -> memref<1x32x128xf32, #tpu.memory_space<vmem>>
      %dma_wait3A_3463 = tpu.memref_squeeze %dma_wait3A_3462 : memref<1x32x128xf32, #tpu.memory_space<vmem>> -> memref<32x128xf32, #tpu.memory_space<vmem>>
      %dma_wait3A_3464 = arith.constant 0 : i32
      %dma_wait3A_3465 = arith.constant 0 : i32
      %dma_wait3A_3466 = tpu.memref_slice %arg5[%dma_wait3A_3464, %dma_wait3A_3465] : memref<32x1000000xf32, #tpu.memory_space<hbm>> -> memref<32x128xf32, #tpu.memory_space<hbm>>
      tpu.wait_dma2 semaphore(%dma_wait3A_3459 : memref<!tpu.dma_semaphore, #tpu.memory_space<semaphore_mem>>) src(%dma_wait3A_3466 : memref<32x128xf32, #tpu.memory_space<hbm>>) dst(%dma_wait3A_3463 : memref<32x128xf32, #tpu.memory_space<vmem>>)
      %rem3A_3467 = arith.constant 128 : i32
      %rem3A_3468 = arith.remsi %squeeze3A_3426, %rem3A_3467 : i32
      %jit3A_3469 = arith.constant 128 : i32
      %div3A_3470 = arith.divsi %add3A_3430, %jit3A_3469 : i32
      %sign3A_3471 = arith.constant 0 : i32
      %sign3A_3472 = arith.cmpi sgt, %add3A_3430, %sign3A_3471 : i32
      %sign3A_3473 = arith.extui %sign3A_3472 : i1 to i32
      %sign3A_3474 = arith.constant 0 : i32
      %sign3A_3475 = arith.cmpi slt, %add3A_3430, %sign3A_3474 : i32
      %sign3A_3476 = arith.extui %sign3A_3475 : i1 to i32
      %sign3A_3477 = arith.subi %sign3A_3473, %sign3A_3476 : i32
      %sign3A_3478 = arith.constant 0 : i32
      %sign3A_3479 = arith.cmpi sgt, %jit3A_3469, %sign3A_3478 : i32
      %sign3A_3480 = arith.extui %sign3A_3479 : i1 to i32
      %sign3A_3481 = arith.constant 0 : i32
      %sign3A_3482 = arith.cmpi slt, %jit3A_3469, %sign3A_3481 : i32
      %sign3A_3483 = arith.extui %sign3A_3482 : i1 to i32
      %sign3A_3484 = arith.subi %sign3A_3480, %sign3A_3483 : i32
      %ne3A_3485 = arith.cmpi ne, %sign3A_3477, %sign3A_3484 : i32
      %rem3A_3486 = arith.remsi %add3A_3430, %jit3A_3469 : i32
      %ne3A_3487 = arith.constant 0 : i32
      %ne3A_3488 = arith.cmpi ne, %rem3A_3486, %ne3A_3487 : i32
      %and3A_3489 = arith.andi %ne3A_3485, %ne3A_3488 : i1
      %sub3A_3490 = arith.constant 1 : i32
      %sub3A_3491 = arith.subi %div3A_3470, %sub3A_3490 : i32
      %select_n3A_3492 = arith.select %and3A_3489, %sub3A_3491, %div3A_3470 : i32
      %rem3A_3493 = arith.constant 128 : i32
      %rem3A_3494 = arith.remsi %add3A_3430, %rem3A_3493 : i32
      %broadcast_in_dim3A_3495 = arith.constant 5 : i32
      %broadcast_in_dim3A_3496 = vector.broadcast %broadcast_in_dim3A_3495 : i32 to vector<16xi32>
      %add3A_3497 = arith.constant 0 : i32
      %add3A_3498 = vector.broadcast %add3A_3497 : i32 to vector<16xi32>
      %add3A_3499 = arith.addi %iota3A, %add3A_3498 : vector<16xi32>
      %broadcast_in_dim3A_3500 = vector.broadcast %rem3A_3468 : i32 to vector<16xi32>
      %gather3A_3501 = tpu.vector_load_idx %arg10[%broadcast_in_dim3A_3496, %add3A_3499, %broadcast_in_dim3A_3500] : memref<8x32x128xf32, #tpu.memory_space<vmem>>[vector<16xi32>, vector<16xi32>, vector<16xi32>], vector<16xf32>,
      %mul3A_3502 = arith.constant 4 : i32
      %mul3A_3503 = vector.broadcast %mul3A_3502 : i32 to vector<16xi32>
      %mul3A_3504 = arith.muli %iota3A, %mul3A_3503 : vector<16xi32>
      %add3A_3505 = arith.constant 0 : i32
      %add3A_3506 = arith.addi %add3A_3505, %select_n3A_3492 : i32
      %add3A_3507 = vector.broadcast %add3A_3506 : i32 to vector<16xi32>
      %add3A_3508 = arith.addi %mul3A_3504, %add3A_3507 : vector<16xi32>
      %broadcast_in_dim3A_3509 = vector.broadcast %rem3A_3494 : i32 to vector<16xi32>
      tpu.vector_store_idx %arg12[%add3A_3508, %broadcast_in_dim3A_3509], %gather3A_3501 : memref<128x128xf32, #tpu.memory_space<vmem>>[vector<16xi32>, vector<16xi32>], vector<16xf32>,
      %broadcast_in_dim3A_3510 = arith.constant 5 : i32
      %broadcast_in_dim3A_3511 = vector.broadcast %broadcast_in_dim3A_3510 : i32 to vector<16xi32>
      %add3A_3512 = arith.constant 16 : i32
      %add3A_3513 = vector.broadcast %add3A_3512 : i32 to vector<16xi32>
      %add3A_3514 = arith.addi %iota3A, %add3A_3513 : vector<16xi32>
      %broadcast_in_dim3A_3515 = vector.broadcast %rem3A_3468 : i32 to vector<16xi32>
      %gather3A_3516 = tpu.vector_load_idx %arg10[%broadcast_in_dim3A_3511, %add3A_3514, %broadcast_in_dim3A_3515] : memref<8x32x128xf32, #tpu.memory_space<vmem>>[vector<16xi32>, vector<16xi32>, vector<16xi32>], vector<16xf32>,
      %mul3A_3517 = arith.constant 4 : i32
      %mul3A_3518 = vector.broadcast %mul3A_3517 : i32 to vector<16xi32>
      %mul3A_3519 = arith.muli %iota3A, %mul3A_3518 : vector<16xi32>
      %add3A_3520 = arith.constant 64 : i32
      %add3A_3521 = arith.addi %add3A_3520, %select_n3A_3492 : i32
      %add3A_3522 = vector.broadcast %add3A_3521 : i32 to vector<16xi32>
      %add3A_3523 = arith.addi %mul3A_3519, %add3A_3522 : vector<16xi32>
      %broadcast_in_dim3A_3524 = vector.broadcast %rem3A_3494 : i32 to vector<16xi32>
      tpu.vector_store_idx %arg12[%add3A_3523, %broadcast_in_dim3A_3524], %gather3A_3516 : memref<128x128xf32, #tpu.memory_space<vmem>>[vector<16xi32>, vector<16xi32>], vector<16xf32>,
      %rem3A_3525 = arith.constant 128 : i32
      %rem3A_3526 = arith.remsi %squeeze3A_3428, %rem3A_3525 : i32
      %jit3A_3527 = arith.constant 128 : i32
      %div3A_3528 = arith.divsi %add3A_3430, %jit3A_3527 : i32
      %sign3A_3529 = arith.constant 0 : i32
      %sign3A_3530 = arith.cmpi sgt, %add3A_3430, %sign3A_3529 : i32
      %sign3A_3531 = arith.extui %sign3A_3530 : i1 to i32
      %sign3A_3532 = arith.constant 0 : i32
      %sign3A_3533 = arith.cmpi slt, %add3A_3430, %sign3A_3532 : i32
      %sign3A_3534 = arith.extui %sign3A_3533 : i1 to i32
      %sign3A_3535 = arith.subi %sign3A_3531, %sign3A_3534 : i32
      %sign3A_3536 = arith.constant 0 : i32
      %sign3A_3537 = arith.cmpi sgt, %jit3A_3527, %sign3A_3536 : i32
      %sign3A_3538 = arith.extui %sign3A_3537 : i1 to i32
      %sign3A_3539 = arith.constant 0 : i32
      %sign3A_3540 = arith.cmpi slt, %jit3A_3527, %sign3A_3539 : i32
      %sign3A_3541 = arith.extui %sign3A_3540 : i1 to i32
      %sign3A_3542 = arith.subi %sign3A_3538, %sign3A_3541 : i32
      %ne3A_3543 = arith.cmpi ne, %sign3A_3535, %sign3A_3542 : i32
      %rem3A_3544 = arith.remsi %add3A_3430, %jit3A_3527 : i32
      %ne3A_3545 = arith.constant 0 : i32
      %ne3A_3546 = arith.cmpi ne, %rem3A_3544, %ne3A_3545 : i32
      %and3A_3547 = arith.andi %ne3A_3543, %ne3A_3546 : i1
      %sub3A_3548 = arith.constant 1 : i32
      %sub3A_3549 = arith.subi %div3A_3528, %sub3A_3548 : i32
      %select_n3A_3550 = arith.select %and3A_3547, %sub3A_3549, %div3A_3528 : i32
      %rem3A_3551 = arith.constant 128 : i32
      %rem3A_3552 = arith.remsi %add3A_3430, %rem3A_3551 : i32
      %broadcast_in_dim3A_3553 = arith.constant 5 : i32
      %broadcast_in_dim3A_3554 = vector.broadcast %broadcast_in_dim3A_3553 : i32 to vector<16xi32>
      %add3A_3555 = arith.constant 0 : i32
      %add3A_3556 = vector.broadcast %add3A_3555 : i32 to vector<16xi32>
      %add3A_3557 = arith.addi %iota3A, %add3A_3556 : vector<16xi32>
      %broadcast_in_dim3A_3558 = vector.broadcast %rem3A_3526 : i32 to vector<16xi32>
      %gather3A_3559 = tpu.vector_load_idx %arg11[%broadcast_in_dim3A_3554, %add3A_3557, %broadcast_in_dim3A_3558] : memref<8x32x128xf32, #tpu.memory_space<vmem>>[vector<16xi32>, vector<16xi32>, vector<16xi32>], vector<16xf32>,
      %mul3A_3560 = arith.constant 4 : i32
      %mul3A_3561 = vector.broadcast %mul3A_3560 : i32 to vector<16xi32>
      %mul3A_3562 = arith.muli %iota3A, %mul3A_3561 : vector<16xi32>
      %add3A_3563 = arith.constant 0 : i32
      %add3A_3564 = arith.addi %add3A_3563, %select_n3A_3550 : i32
      %add3A_3565 = vector.broadcast %add3A_3564 : i32 to vector<16xi32>
      %add3A_3566 = arith.addi %mul3A_3562, %add3A_3565 : vector<16xi32>
      %broadcast_in_dim3A_3567 = vector.broadcast %rem3A_3552 : i32 to vector<16xi32>
      tpu.vector_store_idx %arg13[%add3A_3566, %broadcast_in_dim3A_3567], %gather3A_3559 : memref<128x128xf32, #tpu.memory_space<vmem>>[vector<16xi32>, vector<16xi32>], vector<16xf32>,
      %broadcast_in_dim3A_3568 = arith.constant 5 : i32
      %broadcast_in_dim3A_3569 = vector.broadcast %broadcast_in_dim3A_3568 : i32 to vector<16xi32>
      %add3A_3570 = arith.constant 16 : i32
      %add3A_3571 = vector.broadcast %add3A_3570 : i32 to vector<16xi32>
      %add3A_3572 = arith.addi %iota3A, %add3A_3571 : vector<16xi32>
      %broadcast_in_dim3A_3573 = vector.broadcast %rem3A_3526 : i32 to vector<16xi32>
      %gather3A_3574 = tpu.vector_load_idx %arg11[%broadcast_in_dim3A_3569, %add3A_3572, %broadcast_in_dim3A_3573] : memref<8x32x128xf32, #tpu.memory_space<vmem>>[vector<16xi32>, vector<16xi32>, vector<16xi32>], vector<16xf32>,
      %mul3A_3575 = arith.constant 4 : i32
      %mul3A_3576 = vector.broadcast %mul3A_3575 : i32 to vector<16xi32>
      %mul3A_3577 = arith.muli %iota3A, %mul3A_3576 : vector<16xi32>
      %add3A_3578 = arith.constant 64 : i32
      %add3A_3579 = arith.addi %add3A_3578, %select_n3A_3550 : i32
      %add3A_3580 = vector.broadcast %add3A_3579 : i32 to vector<16xi32>
      %add3A_3581 = arith.addi %mul3A_3577, %add3A_3580 : vector<16xi32>
      %broadcast_in_dim3A_3582 = vector.broadcast %rem3A_3552 : i32 to vector<16xi32>
      tpu.vector_store_idx %arg13[%add3A_3581, %broadcast_in_dim3A_3582], %gather3A_3574 : memref<128x128xf32, #tpu.memory_space<vmem>>[vector<16xi32>, vector<16xi32>], vector<16xf32>,
      %slice3A_3583 = vector.extract_strided_slice %get3A_2182 {offsets = [13], sizes = [1], strides = [1]} : vector<16xi32> to vector<1xi32>
      %squeeze3A_3584 = vector.extract %slice3A_3583[0] : i32 from vector<1xi32>
      %slice3A_3585 = vector.extract_strided_slice %get3A_2184 {offsets = [13], sizes = [1], strides = [1]} : vector<16xi32> to vector<1xi32>
      %squeeze3A_3586 = vector.extract %slice3A_3585[0] : i32 from vector<1xi32>
      %jit3A_3587 = arith.constant 128 : i32
      %div3A_3588 = arith.divsi %squeeze3A_3584, %jit3A_3587 : i32
      %sign3A_3589 = arith.constant 0 : i32
      %sign3A_3590 = arith.cmpi sgt, %squeeze3A_3584, %sign3A_3589 : i32
      %sign3A_3591 = arith.extui %sign3A_3590 : i1 to i32
      %sign3A_3592 = arith.constant 0 : i32
      %sign3A_3593 = arith.cmpi slt, %squeeze3A_3584, %sign3A_3592 : i32
      %sign3A_3594 = arith.extui %sign3A_3593 : i1 to i32
      %sign3A_3595 = arith.subi %sign3A_3591, %sign3A_3594 : i32
      %sign3A_3596 = arith.constant 0 : i32
      %sign3A_3597 = arith.cmpi sgt, %jit3A_3587, %sign3A_3596 : i32
      %sign3A_3598 = arith.extui %sign3A_3597 : i1 to i32
      %sign3A_3599 = arith.constant 0 : i32
      %sign3A_3600 = arith.cmpi slt, %jit3A_3587, %sign3A_3599 : i32
      %sign3A_3601 = arith.extui %sign3A_3600 : i1 to i32
      %sign3A_3602 = arith.subi %sign3A_3598, %sign3A_3601 : i32
      %ne3A_3603 = arith.cmpi ne, %sign3A_3595, %sign3A_3602 : i32
      %rem3A_3604 = arith.remsi %squeeze3A_3584, %jit3A_3587 : i32
      %ne3A_3605 = arith.constant 0 : i32
      %ne3A_3606 = arith.cmpi ne, %rem3A_3604, %ne3A_3605 : i32
      %and3A_3607 = arith.andi %ne3A_3603, %ne3A_3606 : i1
      %sub3A_3608 = arith.constant 1 : i32
      %sub3A_3609 = arith.subi %div3A_3588, %sub3A_3608 : i32
      %select_n3A_3610 = arith.select %and3A_3607, %sub3A_3609, %div3A_3588 : i32
      %mul3A_3611 = arith.constant 128 : i32
      %mul3A_3612 = arith.muli %select_n3A_3610, %mul3A_3611 : i32
      %multiple_of3A_3613 = tpu.assume_multiple %mul3A_3612, 128 : i32
      %jit3A_3614 = arith.constant 128 : i32
      %div3A_3615 = arith.divsi %squeeze3A_3586, %jit3A_3614 : i32
      %sign3A_3616 = arith.constant 0 : i32
      %sign3A_3617 = arith.cmpi sgt, %squeeze3A_3586, %sign3A_3616 : i32
      %sign3A_3618 = arith.extui %sign3A_3617 : i1 to i32
      %sign3A_3619 = arith.constant 0 : i32
      %sign3A_3620 = arith.cmpi slt, %squeeze3A_3586, %sign3A_3619 : i32
      %sign3A_3621 = arith.extui %sign3A_3620 : i1 to i32
      %sign3A_3622 = arith.subi %sign3A_3618, %sign3A_3621 : i32
      %sign3A_3623 = arith.constant 0 : i32
      %sign3A_3624 = arith.cmpi sgt, %jit3A_3614, %sign3A_3623 : i32
      %sign3A_3625 = arith.extui %sign3A_3624 : i1 to i32
      %sign3A_3626 = arith.constant 0 : i32
      %sign3A_3627 = arith.cmpi slt, %jit3A_3614, %sign3A_3626 : i32
      %sign3A_3628 = arith.extui %sign3A_3627 : i1 to i32
      %sign3A_3629 = arith.subi %sign3A_3625, %sign3A_3628 : i32
      %ne3A_3630 = arith.cmpi ne, %sign3A_3622, %sign3A_3629 : i32
      %rem3A_3631 = arith.remsi %squeeze3A_3586, %jit3A_3614 : i32
      %ne3A_3632 = arith.constant 0 : i32
      %ne3A_3633 = arith.cmpi ne, %rem3A_3631, %ne3A_3632 : i32
      %and3A_3634 = arith.andi %ne3A_3630, %ne3A_3633 : i1
      %sub3A_3635 = arith.constant 1 : i32
      %sub3A_3636 = arith.subi %div3A_3615, %sub3A_3635 : i32
      %select_n3A_3637 = arith.select %and3A_3634, %sub3A_3636, %div3A_3615 : i32
      %mul3A_3638 = arith.constant 128 : i32
      %mul3A_3639 = arith.muli %select_n3A_3637, %mul3A_3638 : i32
      %multiple_of3A_3640 = tpu.assume_multiple %mul3A_3639, 128 : i32
      %dma_start3A_3641 = arith.constant 5 : i32
      %dma_start3A_3642 = arith.constant 5 : i32
      %dma_start3A_3643 = arith.constant 0 : i32
      %dma_start3A_3644 = arith.constant 0 : i32
      %dma_start3A_3645 = tpu.memref_slice %arg10[%dma_start3A_3641, %dma_start3A_3643, %dma_start3A_3644] : memref<8x32x128xf32, #tpu.memory_space<vmem>> -> memref<1x32x128xf32, #tpu.memory_space<vmem>>
      %dma_start3A_3646 = tpu.memref_squeeze %dma_start3A_3645 : memref<1x32x128xf32, #tpu.memory_space<vmem>> -> memref<32x128xf32, #tpu.memory_space<vmem>>
      %dma_start3A_3647 = arith.constant 0 : i32
      %dma_start3A_3648 = tpu.memref_slice %arg4[%dma_start3A_3647, %multiple_of3A_3613] : memref<32x1000000xf32, #tpu.memory_space<hbm>> -> memref<32x128xf32, #tpu.memory_space<hbm>>
      %dma_start3A_3649 = tpu.memref_slice %arg16[%dma_start3A_3642] : memref<8x!tpu.dma_semaphore, #tpu.memory_space<semaphore_mem>> -> memref<1x!tpu.dma_semaphore, #tpu.memory_space<semaphore_mem>>
      %dma_start3A_3650 = tpu.memref_squeeze %dma_start3A_3649 : memref<1x!tpu.dma_semaphore, #tpu.memory_space<semaphore_mem>> -> memref<!tpu.dma_semaphore, #tpu.memory_space<semaphore_mem>>
      %dma_start3A_3651 = arith.constant 0 : i32
      %dma_start3A_3652 = arith.constant 0 : i32
      %dma_start3A_3653 = tpu.memref_slice %arg10[%dma_start3A_3641, %dma_start3A_3651, %dma_start3A_3652] : memref<8x32x128xf32, #tpu.memory_space<vmem>> -> memref<1x32x128xf32, #tpu.memory_space<vmem>>
      %dma_start3A_3654 = tpu.memref_squeeze %dma_start3A_3653 : memref<1x32x128xf32, #tpu.memory_space<vmem>> -> memref<32x128xf32, #tpu.memory_space<vmem>>
      %dma_start3A_3655 = arith.constant 0 : i32
      %dma_start3A_3656 = tpu.memref_slice %arg4[%dma_start3A_3655, %multiple_of3A_3613] : memref<32x1000000xf32, #tpu.memory_space<hbm>> -> memref<32x128xf32, #tpu.memory_space<hbm>>
      tpu.enqueue_dma source(%dma_start3A_3656 : memref<32x128xf32, #tpu.memory_space<hbm>>) target(%dma_start3A_3654 : memref<32x128xf32, #tpu.memory_space<vmem>>) target_semaphore(%dma_start3A_3650 : memref<!tpu.dma_semaphore, #tpu.memory_space<semaphore_mem>>)
      %dma_start3A_3657 = arith.constant 5 : i32
      %dma_start3A_3658 = arith.constant 5 : i32
      %dma_start3A_3659 = arith.constant 0 : i32
      %dma_start3A_3660 = arith.constant 0 : i32
      %dma_start3A_3661 = tpu.memref_slice %arg11[%dma_start3A_3657, %dma_start3A_3659, %dma_start3A_3660] : memref<8x32x128xf32, #tpu.memory_space<vmem>> -> memref<1x32x128xf32, #tpu.memory_space<vmem>>
      %dma_start3A_3662 = tpu.memref_squeeze %dma_start3A_3661 : memref<1x32x128xf32, #tpu.memory_space<vmem>> -> memref<32x128xf32, #tpu.memory_space<vmem>>
      %dma_start3A_3663 = arith.constant 0 : i32
      %dma_start3A_3664 = tpu.memref_slice %arg5[%dma_start3A_3663, %multiple_of3A_3640] : memref<32x1000000xf32, #tpu.memory_space<hbm>> -> memref<32x128xf32, #tpu.memory_space<hbm>>
      %dma_start3A_3665 = tpu.memref_slice %arg17[%dma_start3A_3658] : memref<8x!tpu.dma_semaphore, #tpu.memory_space<semaphore_mem>> -> memref<1x!tpu.dma_semaphore, #tpu.memory_space<semaphore_mem>>
      %dma_start3A_3666 = tpu.memref_squeeze %dma_start3A_3665 : memref<1x!tpu.dma_semaphore, #tpu.memory_space<semaphore_mem>> -> memref<!tpu.dma_semaphore, #tpu.memory_space<semaphore_mem>>
      %dma_start3A_3667 = arith.constant 0 : i32
      %dma_start3A_3668 = arith.constant 0 : i32
      %dma_start3A_3669 = tpu.memref_slice %arg11[%dma_start3A_3657, %dma_start3A_3667, %dma_start3A_3668] : memref<8x32x128xf32, #tpu.memory_space<vmem>> -> memref<1x32x128xf32, #tpu.memory_space<vmem>>
      %dma_start3A_3670 = tpu.memref_squeeze %dma_start3A_3669 : memref<1x32x128xf32, #tpu.memory_space<vmem>> -> memref<32x128xf32, #tpu.memory_space<vmem>>
      %dma_start3A_3671 = arith.constant 0 : i32
      %dma_start3A_3672 = tpu.memref_slice %arg5[%dma_start3A_3671, %multiple_of3A_3640] : memref<32x1000000xf32, #tpu.memory_space<hbm>> -> memref<32x128xf32, #tpu.memory_space<hbm>>
      tpu.enqueue_dma source(%dma_start3A_3672 : memref<32x128xf32, #tpu.memory_space<hbm>>) target(%dma_start3A_3670 : memref<32x128xf32, #tpu.memory_space<vmem>>) target_semaphore(%dma_start3A_3666 : memref<!tpu.dma_semaphore, #tpu.memory_space<semaphore_mem>>)
      %slice3A_3673 = vector.extract_strided_slice %get3A_2182 {offsets = [6], sizes = [1], strides = [1]} : vector<16xi32> to vector<1xi32>
      %squeeze3A_3674 = vector.extract %slice3A_3673[0] : i32 from vector<1xi32>
      %slice3A_3675 = vector.extract_strided_slice %get3A_2184 {offsets = [6], sizes = [1], strides = [1]} : vector<16xi32> to vector<1xi32>
      %squeeze3A_3676 = vector.extract %slice3A_3675[0] : i32 from vector<1xi32>
      %add3A_3677 = arith.constant 6 : i32
      %add3A_3678 = arith.addi %multiple_of3A_2180, %add3A_3677 : i32
      %dma_wait3A_3679 = arith.constant 6 : i32
      %dma_wait3A_3680 = arith.constant 6 : i32
      %dma_wait3A_3681 = arith.constant 0 : i32
      %dma_wait3A_3682 = arith.constant 0 : i32
      %dma_wait3A_3683 = tpu.memref_slice %arg10[%dma_wait3A_3679, %dma_wait3A_3681, %dma_wait3A_3682] : memref<8x32x128xf32, #tpu.memory_space<vmem>> -> memref<1x32x128xf32, #tpu.memory_space<vmem>>
      %dma_wait3A_3684 = tpu.memref_squeeze %dma_wait3A_3683 : memref<1x32x128xf32, #tpu.memory_space<vmem>> -> memref<32x128xf32, #tpu.memory_space<vmem>>
      %dma_wait3A_3685 = arith.constant 0 : i32
      %dma_wait3A_3686 = arith.constant 0 : i32
      %dma_wait3A_3687 = tpu.memref_slice %arg4[%dma_wait3A_3685, %dma_wait3A_3686] : memref<32x1000000xf32, #tpu.memory_space<hbm>> -> memref<32x128xf32, #tpu.memory_space<hbm>>
      %dma_wait3A_3688 = tpu.memref_slice %arg16[%dma_wait3A_3680] : memref<8x!tpu.dma_semaphore, #tpu.memory_space<semaphore_mem>> -> memref<1x!tpu.dma_semaphore, #tpu.memory_space<semaphore_mem>>
      %dma_wait3A_3689 = tpu.memref_squeeze %dma_wait3A_3688 : memref<1x!tpu.dma_semaphore, #tpu.memory_space<semaphore_mem>> -> memref<!tpu.dma_semaphore, #tpu.memory_space<semaphore_mem>>
      %dma_wait3A_3690 = arith.constant 0 : i32
      %dma_wait3A_3691 = arith.constant 0 : i32
      %dma_wait3A_3692 = tpu.memref_slice %arg10[%dma_wait3A_3679, %dma_wait3A_3690, %dma_wait3A_3691] : memref<8x32x128xf32, #tpu.memory_space<vmem>> -> memref<1x32x128xf32, #tpu.memory_space<vmem>>
      %dma_wait3A_3693 = tpu.memref_squeeze %dma_wait3A_3692 : memref<1x32x128xf32, #tpu.memory_space<vmem>> -> memref<32x128xf32, #tpu.memory_space<vmem>>
      %dma_wait3A_3694 = arith.constant 0 : i32
      %dma_wait3A_3695 = arith.constant 0 : i32
      %dma_wait3A_3696 = tpu.memref_slice %arg4[%dma_wait3A_3694, %dma_wait3A_3695] : memref<32x1000000xf32, #tpu.memory_space<hbm>> -> memref<32x128xf32, #tpu.memory_space<hbm>>
      tpu.wait_dma2 semaphore(%dma_wait3A_3689 : memref<!tpu.dma_semaphore, #tpu.memory_space<semaphore_mem>>) src(%dma_wait3A_3696 : memref<32x128xf32, #tpu.memory_space<hbm>>) dst(%dma_wait3A_3693 : memref<32x128xf32, #tpu.memory_space<vmem>>)
      %dma_wait3A_3697 = arith.constant 6 : i32
      %dma_wait3A_3698 = arith.constant 6 : i32
      %dma_wait3A_3699 = arith.constant 0 : i32
      %dma_wait3A_3700 = arith.constant 0 : i32
      %dma_wait3A_3701 = tpu.memref_slice %arg11[%dma_wait3A_3697, %dma_wait3A_3699, %dma_wait3A_3700] : memref<8x32x128xf32, #tpu.memory_space<vmem>> -> memref<1x32x128xf32, #tpu.memory_space<vmem>>
      %dma_wait3A_3702 = tpu.memref_squeeze %dma_wait3A_3701 : memref<1x32x128xf32, #tpu.memory_space<vmem>> -> memref<32x128xf32, #tpu.memory_space<vmem>>
      %dma_wait3A_3703 = arith.constant 0 : i32
      %dma_wait3A_3704 = arith.constant 0 : i32
      %dma_wait3A_3705 = tpu.memref_slice %arg5[%dma_wait3A_3703, %dma_wait3A_3704] : memref<32x1000000xf32, #tpu.memory_space<hbm>> -> memref<32x128xf32, #tpu.memory_space<hbm>>
      %dma_wait3A_3706 = tpu.memref_slice %arg17[%dma_wait3A_3698] : memref<8x!tpu.dma_semaphore, #tpu.memory_space<semaphore_mem>> -> memref<1x!tpu.dma_semaphore, #tpu.memory_space<semaphore_mem>>
      %dma_wait3A_3707 = tpu.memref_squeeze %dma_wait3A_3706 : memref<1x!tpu.dma_semaphore, #tpu.memory_space<semaphore_mem>> -> memref<!tpu.dma_semaphore, #tpu.memory_space<semaphore_mem>>
      %dma_wait3A_3708 = arith.constant 0 : i32
      %dma_wait3A_3709 = arith.constant 0 : i32
      %dma_wait3A_3710 = tpu.memref_slice %arg11[%dma_wait3A_3697, %dma_wait3A_3708, %dma_wait3A_3709] : memref<8x32x128xf32, #tpu.memory_space<vmem>> -> memref<1x32x128xf32, #tpu.memory_space<vmem>>
      %dma_wait3A_3711 = tpu.memref_squeeze %dma_wait3A_3710 : memref<1x32x128xf32, #tpu.memory_space<vmem>> -> memref<32x128xf32, #tpu.memory_space<vmem>>
      %dma_wait3A_3712 = arith.constant 0 : i32
      %dma_wait3A_3713 = arith.constant 0 : i32
      %dma_wait3A_3714 = tpu.memref_slice %arg5[%dma_wait3A_3712, %dma_wait3A_3713] : memref<32x1000000xf32, #tpu.memory_space<hbm>> -> memref<32x128xf32, #tpu.memory_space<hbm>>
      tpu.wait_dma2 semaphore(%dma_wait3A_3707 : memref<!tpu.dma_semaphore, #tpu.memory_space<semaphore_mem>>) src(%dma_wait3A_3714 : memref<32x128xf32, #tpu.memory_space<hbm>>) dst(%dma_wait3A_3711 : memref<32x128xf32, #tpu.memory_space<vmem>>)
      %rem3A_3715 = arith.constant 128 : i32
      %rem3A_3716 = arith.remsi %squeeze3A_3674, %rem3A_3715 : i32
      %jit3A_3717 = arith.constant 128 : i32
      %div3A_3718 = arith.divsi %add3A_3678, %jit3A_3717 : i32
      %sign3A_3719 = arith.constant 0 : i32
      %sign3A_3720 = arith.cmpi sgt, %add3A_3678, %sign3A_3719 : i32
      %sign3A_3721 = arith.extui %sign3A_3720 : i1 to i32
      %sign3A_3722 = arith.constant 0 : i32
      %sign3A_3723 = arith.cmpi slt, %add3A_3678, %sign3A_3722 : i32
      %sign3A_3724 = arith.extui %sign3A_3723 : i1 to i32
      %sign3A_3725 = arith.subi %sign3A_3721, %sign3A_3724 : i32
      %sign3A_3726 = arith.constant 0 : i32
      %sign3A_3727 = arith.cmpi sgt, %jit3A_3717, %sign3A_3726 : i32
      %sign3A_3728 = arith.extui %sign3A_3727 : i1 to i32
      %sign3A_3729 = arith.constant 0 : i32
      %sign3A_3730 = arith.cmpi slt, %jit3A_3717, %sign3A_3729 : i32
      %sign3A_3731 = arith.extui %sign3A_3730 : i1 to i32
      %sign3A_3732 = arith.subi %sign3A_3728, %sign3A_3731 : i32
      %ne3A_3733 = arith.cmpi ne, %sign3A_3725, %sign3A_3732 : i32
      %rem3A_3734 = arith.remsi %add3A_3678, %jit3A_3717 : i32
      %ne3A_3735 = arith.constant 0 : i32
      %ne3A_3736 = arith.cmpi ne, %rem3A_3734, %ne3A_3735 : i32
      %and3A_3737 = arith.andi %ne3A_3733, %ne3A_3736 : i1
      %sub3A_3738 = arith.constant 1 : i32
      %sub3A_3739 = arith.subi %div3A_3718, %sub3A_3738 : i32
      %select_n3A_3740 = arith.select %and3A_3737, %sub3A_3739, %div3A_3718 : i32
      %rem3A_3741 = arith.constant 128 : i32
      %rem3A_3742 = arith.remsi %add3A_3678, %rem3A_3741 : i32
      %broadcast_in_dim3A_3743 = arith.constant 6 : i32
      %broadcast_in_dim3A_3744 = vector.broadcast %broadcast_in_dim3A_3743 : i32 to vector<16xi32>
      %add3A_3745 = arith.constant 0 : i32
      %add3A_3746 = vector.broadcast %add3A_3745 : i32 to vector<16xi32>
      %add3A_3747 = arith.addi %iota3A, %add3A_3746 : vector<16xi32>
      %broadcast_in_dim3A_3748 = vector.broadcast %rem3A_3716 : i32 to vector<16xi32>
      %gather3A_3749 = tpu.vector_load_idx %arg10[%broadcast_in_dim3A_3744, %add3A_3747, %broadcast_in_dim3A_3748] : memref<8x32x128xf32, #tpu.memory_space<vmem>>[vector<16xi32>, vector<16xi32>, vector<16xi32>], vector<16xf32>,
      %mul3A_3750 = arith.constant 4 : i32
      %mul3A_3751 = vector.broadcast %mul3A_3750 : i32 to vector<16xi32>
      %mul3A_3752 = arith.muli %iota3A, %mul3A_3751 : vector<16xi32>
      %add3A_3753 = arith.constant 0 : i32
      %add3A_3754 = arith.addi %add3A_3753, %select_n3A_3740 : i32
      %add3A_3755 = vector.broadcast %add3A_3754 : i32 to vector<16xi32>
      %add3A_3756 = arith.addi %mul3A_3752, %add3A_3755 : vector<16xi32>
      %broadcast_in_dim3A_3757 = vector.broadcast %rem3A_3742 : i32 to vector<16xi32>
      tpu.vector_store_idx %arg12[%add3A_3756, %broadcast_in_dim3A_3757], %gather3A_3749 : memref<128x128xf32, #tpu.memory_space<vmem>>[vector<16xi32>, vector<16xi32>], vector<16xf32>,
      %broadcast_in_dim3A_3758 = arith.constant 6 : i32
      %broadcast_in_dim3A_3759 = vector.broadcast %broadcast_in_dim3A_3758 : i32 to vector<16xi32>
      %add3A_3760 = arith.constant 16 : i32
      %add3A_3761 = vector.broadcast %add3A_3760 : i32 to vector<16xi32>
      %add3A_3762 = arith.addi %iota3A, %add3A_3761 : vector<16xi32>
      %broadcast_in_dim3A_3763 = vector.broadcast %rem3A_3716 : i32 to vector<16xi32>
      %gather3A_3764 = tpu.vector_load_idx %arg10[%broadcast_in_dim3A_3759, %add3A_3762, %broadcast_in_dim3A_3763] : memref<8x32x128xf32, #tpu.memory_space<vmem>>[vector<16xi32>, vector<16xi32>, vector<16xi32>], vector<16xf32>,
      %mul3A_3765 = arith.constant 4 : i32
      %mul3A_3766 = vector.broadcast %mul3A_3765 : i32 to vector<16xi32>
      %mul3A_3767 = arith.muli %iota3A, %mul3A_3766 : vector<16xi32>
      %add3A_3768 = arith.constant 64 : i32
      %add3A_3769 = arith.addi %add3A_3768, %select_n3A_3740 : i32
      %add3A_3770 = vector.broadcast %add3A_3769 : i32 to vector<16xi32>
      %add3A_3771 = arith.addi %mul3A_3767, %add3A_3770 : vector<16xi32>
      %broadcast_in_dim3A_3772 = vector.broadcast %rem3A_3742 : i32 to vector<16xi32>
      tpu.vector_store_idx %arg12[%add3A_3771, %broadcast_in_dim3A_3772], %gather3A_3764 : memref<128x128xf32, #tpu.memory_space<vmem>>[vector<16xi32>, vector<16xi32>], vector<16xf32>,
      %rem3A_3773 = arith.constant 128 : i32
      %rem3A_3774 = arith.remsi %squeeze3A_3676, %rem3A_3773 : i32
      %jit3A_3775 = arith.constant 128 : i32
      %div3A_3776 = arith.divsi %add3A_3678, %jit3A_3775 : i32
      %sign3A_3777 = arith.constant 0 : i32
      %sign3A_3778 = arith.cmpi sgt, %add3A_3678, %sign3A_3777 : i32
      %sign3A_3779 = arith.extui %sign3A_3778 : i1 to i32
      %sign3A_3780 = arith.constant 0 : i32
      %sign3A_3781 = arith.cmpi slt, %add3A_3678, %sign3A_3780 : i32
      %sign3A_3782 = arith.extui %sign3A_3781 : i1 to i32
      %sign3A_3783 = arith.subi %sign3A_3779, %sign3A_3782 : i32
      %sign3A_3784 = arith.constant 0 : i32
      %sign3A_3785 = arith.cmpi sgt, %jit3A_3775, %sign3A_3784 : i32
      %sign3A_3786 = arith.extui %sign3A_3785 : i1 to i32
      %sign3A_3787 = arith.constant 0 : i32
      %sign3A_3788 = arith.cmpi slt, %jit3A_3775, %sign3A_3787 : i32
      %sign3A_3789 = arith.extui %sign3A_3788 : i1 to i32
      %sign3A_3790 = arith.subi %sign3A_3786, %sign3A_3789 : i32
      %ne3A_3791 = arith.cmpi ne, %sign3A_3783, %sign3A_3790 : i32
      %rem3A_3792 = arith.remsi %add3A_3678, %jit3A_3775 : i32
      %ne3A_3793 = arith.constant 0 : i32
      %ne3A_3794 = arith.cmpi ne, %rem3A_3792, %ne3A_3793 : i32
      %and3A_3795 = arith.andi %ne3A_3791, %ne3A_3794 : i1
      %sub3A_3796 = arith.constant 1 : i32
      %sub3A_3797 = arith.subi %div3A_3776, %sub3A_3796 : i32
      %select_n3A_3798 = arith.select %and3A_3795, %sub3A_3797, %div3A_3776 : i32
      %rem3A_3799 = arith.constant 128 : i32
      %rem3A_3800 = arith.remsi %add3A_3678, %rem3A_3799 : i32
      %broadcast_in_dim3A_3801 = arith.constant 6 : i32
      %broadcast_in_dim3A_3802 = vector.broadcast %broadcast_in_dim3A_3801 : i32 to vector<16xi32>
      %add3A_3803 = arith.constant 0 : i32
      %add3A_3804 = vector.broadcast %add3A_3803 : i32 to vector<16xi32>
      %add3A_3805 = arith.addi %iota3A, %add3A_3804 : vector<16xi32>
      %broadcast_in_dim3A_3806 = vector.broadcast %rem3A_3774 : i32 to vector<16xi32>
      %gather3A_3807 = tpu.vector_load_idx %arg11[%broadcast_in_dim3A_3802, %add3A_3805, %broadcast_in_dim3A_3806] : memref<8x32x128xf32, #tpu.memory_space<vmem>>[vector<16xi32>, vector<16xi32>, vector<16xi32>], vector<16xf32>,
      %mul3A_3808 = arith.constant 4 : i32
      %mul3A_3809 = vector.broadcast %mul3A_3808 : i32 to vector<16xi32>
      %mul3A_3810 = arith.muli %iota3A, %mul3A_3809 : vector<16xi32>
      %add3A_3811 = arith.constant 0 : i32
      %add3A_3812 = arith.addi %add3A_3811, %select_n3A_3798 : i32
      %add3A_3813 = vector.broadcast %add3A_3812 : i32 to vector<16xi32>
      %add3A_3814 = arith.addi %mul3A_3810, %add3A_3813 : vector<16xi32>
      %broadcast_in_dim3A_3815 = vector.broadcast %rem3A_3800 : i32 to vector<16xi32>
      tpu.vector_store_idx %arg13[%add3A_3814, %broadcast_in_dim3A_3815], %gather3A_3807 : memref<128x128xf32, #tpu.memory_space<vmem>>[vector<16xi32>, vector<16xi32>], vector<16xf32>,
      %broadcast_in_dim3A_3816 = arith.constant 6 : i32
      %broadcast_in_dim3A_3817 = vector.broadcast %broadcast_in_dim3A_3816 : i32 to vector<16xi32>
      %add3A_3818 = arith.constant 16 : i32
      %add3A_3819 = vector.broadcast %add3A_3818 : i32 to vector<16xi32>
      %add3A_3820 = arith.addi %iota3A, %add3A_3819 : vector<16xi32>
      %broadcast_in_dim3A_3821 = vector.broadcast %rem3A_3774 : i32 to vector<16xi32>
      %gather3A_3822 = tpu.vector_load_idx %arg11[%broadcast_in_dim3A_3817, %add3A_3820, %broadcast_in_dim3A_3821] : memref<8x32x128xf32, #tpu.memory_space<vmem>>[vector<16xi32>, vector<16xi32>, vector<16xi32>], vector<16xf32>,
      %mul3A_3823 = arith.constant 4 : i32
      %mul3A_3824 = vector.broadcast %mul3A_3823 : i32 to vector<16xi32>
      %mul3A_3825 = arith.muli %iota3A, %mul3A_3824 : vector<16xi32>
      %add3A_3826 = arith.constant 64 : i32
      %add3A_3827 = arith.addi %add3A_3826, %select_n3A_3798 : i32
      %add3A_3828 = vector.broadcast %add3A_3827 : i32 to vector<16xi32>
      %add3A_3829 = arith.addi %mul3A_3825, %add3A_3828 : vector<16xi32>
      %broadcast_in_dim3A_3830 = vector.broadcast %rem3A_3800 : i32 to vector<16xi32>
      tpu.vector_store_idx %arg13[%add3A_3829, %broadcast_in_dim3A_3830], %gather3A_3822 : memref<128x128xf32, #tpu.memory_space<vmem>>[vector<16xi32>, vector<16xi32>], vector<16xf32>,
      %slice3A_3831 = vector.extract_strided_slice %get3A_2182 {offsets = [14], sizes = [1], strides = [1]} : vector<16xi32> to vector<1xi32>
      %squeeze3A_3832 = vector.extract %slice3A_3831[0] : i32 from vector<1xi32>
      %slice3A_3833 = vector.extract_strided_slice %get3A_2184 {offsets = [14], sizes = [1], strides = [1]} : vector<16xi32> to vector<1xi32>
      %squeeze3A_3834 = vector.extract %slice3A_3833[0] : i32 from vector<1xi32>
      %jit3A_3835 = arith.constant 128 : i32
      %div3A_3836 = arith.divsi %squeeze3A_3832, %jit3A_3835 : i32
      %sign3A_3837 = arith.constant 0 : i32
      %sign3A_3838 = arith.cmpi sgt, %squeeze3A_3832, %sign3A_3837 : i32
      %sign3A_3839 = arith.extui %sign3A_3838 : i1 to i32
      %sign3A_3840 = arith.constant 0 : i32
      %sign3A_3841 = arith.cmpi slt, %squeeze3A_3832, %sign3A_3840 : i32
      %sign3A_3842 = arith.extui %sign3A_3841 : i1 to i32
      %sign3A_3843 = arith.subi %sign3A_3839, %sign3A_3842 : i32
      %sign3A_3844 = arith.constant 0 : i32
      %sign3A_3845 = arith.cmpi sgt, %jit3A_3835, %sign3A_3844 : i32
      %sign3A_3846 = arith.extui %sign3A_3845 : i1 to i32
      %sign3A_3847 = arith.constant 0 : i32
      %sign3A_3848 = arith.cmpi slt, %jit3A_3835, %sign3A_3847 : i32
      %sign3A_3849 = arith.extui %sign3A_3848 : i1 to i32
      %sign3A_3850 = arith.subi %sign3A_3846, %sign3A_3849 : i32
      %ne3A_3851 = arith.cmpi ne, %sign3A_3843, %sign3A_3850 : i32
      %rem3A_3852 = arith.remsi %squeeze3A_3832, %jit3A_3835 : i32
      %ne3A_3853 = arith.constant 0 : i32
      %ne3A_3854 = arith.cmpi ne, %rem3A_3852, %ne3A_3853 : i32
      %and3A_3855 = arith.andi %ne3A_3851, %ne3A_3854 : i1
      %sub3A_3856 = arith.constant 1 : i32
      %sub3A_3857 = arith.subi %div3A_3836, %sub3A_3856 : i32
      %select_n3A_3858 = arith.select %and3A_3855, %sub3A_3857, %div3A_3836 : i32
      %mul3A_3859 = arith.constant 128 : i32
      %mul3A_3860 = arith.muli %select_n3A_3858, %mul3A_3859 : i32
      %multiple_of3A_3861 = tpu.assume_multiple %mul3A_3860, 128 : i32
      %jit3A_3862 = arith.constant 128 : i32
      %div3A_3863 = arith.divsi %squeeze3A_3834, %jit3A_3862 : i32
      %sign3A_3864 = arith.constant 0 : i32
      %sign3A_3865 = arith.cmpi sgt, %squeeze3A_3834, %sign3A_3864 : i32
      %sign3A_3866 = arith.extui %sign3A_3865 : i1 to i32
      %sign3A_3867 = arith.constant 0 : i32
      %sign3A_3868 = arith.cmpi slt, %squeeze3A_3834, %sign3A_3867 : i32
      %sign3A_3869 = arith.extui %sign3A_3868 : i1 to i32
      %sign3A_3870 = arith.subi %sign3A_3866, %sign3A_3869 : i32
      %sign3A_3871 = arith.constant 0 : i32
      %sign3A_3872 = arith.cmpi sgt, %jit3A_3862, %sign3A_3871 : i32
      %sign3A_3873 = arith.extui %sign3A_3872 : i1 to i32
      %sign3A_3874 = arith.constant 0 : i32
      %sign3A_3875 = arith.cmpi slt, %jit3A_3862, %sign3A_3874 : i32
      %sign3A_3876 = arith.extui %sign3A_3875 : i1 to i32
      %sign3A_3877 = arith.subi %sign3A_3873, %sign3A_3876 : i32
      %ne3A_3878 = arith.cmpi ne, %sign3A_3870, %sign3A_3877 : i32
      %rem3A_3879 = arith.remsi %squeeze3A_3834, %jit3A_3862 : i32
      %ne3A_3880 = arith.constant 0 : i32
      %ne3A_3881 = arith.cmpi ne, %rem3A_3879, %ne3A_3880 : i32
      %and3A_3882 = arith.andi %ne3A_3878, %ne3A_3881 : i1
      %sub3A_3883 = arith.constant 1 : i32
      %sub3A_3884 = arith.subi %div3A_3863, %sub3A_3883 : i32
      %select_n3A_3885 = arith.select %and3A_3882, %sub3A_3884, %div3A_3863 : i32
      %mul3A_3886 = arith.constant 128 : i32
      %mul3A_3887 = arith.muli %select_n3A_3885, %mul3A_3886 : i32
      %multiple_of3A_3888 = tpu.assume_multiple %mul3A_3887, 128 : i32
      %dma_start3A_3889 = arith.constant 6 : i32
      %dma_start3A_3890 = arith.constant 6 : i32
      %dma_start3A_3891 = arith.constant 0 : i32
      %dma_start3A_3892 = arith.constant 0 : i32
      %dma_start3A_3893 = tpu.memref_slice %arg10[%dma_start3A_3889, %dma_start3A_3891, %dma_start3A_3892] : memref<8x32x128xf32, #tpu.memory_space<vmem>> -> memref<1x32x128xf32, #tpu.memory_space<vmem>>
      %dma_start3A_3894 = tpu.memref_squeeze %dma_start3A_3893 : memref<1x32x128xf32, #tpu.memory_space<vmem>> -> memref<32x128xf32, #tpu.memory_space<vmem>>
      %dma_start3A_3895 = arith.constant 0 : i32
      %dma_start3A_3896 = tpu.memref_slice %arg4[%dma_start3A_3895, %multiple_of3A_3861] : memref<32x1000000xf32, #tpu.memory_space<hbm>> -> memref<32x128xf32, #tpu.memory_space<hbm>>
      %dma_start3A_3897 = tpu.memref_slice %arg16[%dma_start3A_3890] : memref<8x!tpu.dma_semaphore, #tpu.memory_space<semaphore_mem>> -> memref<1x!tpu.dma_semaphore, #tpu.memory_space<semaphore_mem>>
      %dma_start3A_3898 = tpu.memref_squeeze %dma_start3A_3897 : memref<1x!tpu.dma_semaphore, #tpu.memory_space<semaphore_mem>> -> memref<!tpu.dma_semaphore, #tpu.memory_space<semaphore_mem>>
      %dma_start3A_3899 = arith.constant 0 : i32
      %dma_start3A_3900 = arith.constant 0 : i32
      %dma_start3A_3901 = tpu.memref_slice %arg10[%dma_start3A_3889, %dma_start3A_3899, %dma_start3A_3900] : memref<8x32x128xf32, #tpu.memory_space<vmem>> -> memref<1x32x128xf32, #tpu.memory_space<vmem>>
      %dma_start3A_3902 = tpu.memref_squeeze %dma_start3A_3901 : memref<1x32x128xf32, #tpu.memory_space<vmem>> -> memref<32x128xf32, #tpu.memory_space<vmem>>
      %dma_start3A_3903 = arith.constant 0 : i32
      %dma_start3A_3904 = tpu.memref_slice %arg4[%dma_start3A_3903, %multiple_of3A_3861] : memref<32x1000000xf32, #tpu.memory_space<hbm>> -> memref<32x128xf32, #tpu.memory_space<hbm>>
      tpu.enqueue_dma source(%dma_start3A_3904 : memref<32x128xf32, #tpu.memory_space<hbm>>) target(%dma_start3A_3902 : memref<32x128xf32, #tpu.memory_space<vmem>>) target_semaphore(%dma_start3A_3898 : memref<!tpu.dma_semaphore, #tpu.memory_space<semaphore_mem>>)
      %dma_start3A_3905 = arith.constant 6 : i32
      %dma_start3A_3906 = arith.constant 6 : i32
      %dma_start3A_3907 = arith.constant 0 : i32
      %dma_start3A_3908 = arith.constant 0 : i32
      %dma_start3A_3909 = tpu.memref_slice %arg11[%dma_start3A_3905, %dma_start3A_3907, %dma_start3A_3908] : memref<8x32x128xf32, #tpu.memory_space<vmem>> -> memref<1x32x128xf32, #tpu.memory_space<vmem>>
      %dma_start3A_3910 = tpu.memref_squeeze %dma_start3A_3909 : memref<1x32x128xf32, #tpu.memory_space<vmem>> -> memref<32x128xf32, #tpu.memory_space<vmem>>
      %dma_start3A_3911 = arith.constant 0 : i32
      %dma_start3A_3912 = tpu.memref_slice %arg5[%dma_start3A_3911, %multiple_of3A_3888] : memref<32x1000000xf32, #tpu.memory_space<hbm>> -> memref<32x128xf32, #tpu.memory_space<hbm>>
      %dma_start3A_3913 = tpu.memref_slice %arg17[%dma_start3A_3906] : memref<8x!tpu.dma_semaphore, #tpu.memory_space<semaphore_mem>> -> memref<1x!tpu.dma_semaphore, #tpu.memory_space<semaphore_mem>>
      %dma_start3A_3914 = tpu.memref_squeeze %dma_start3A_3913 : memref<1x!tpu.dma_semaphore, #tpu.memory_space<semaphore_mem>> -> memref<!tpu.dma_semaphore, #tpu.memory_space<semaphore_mem>>
      %dma_start3A_3915 = arith.constant 0 : i32
      %dma_start3A_3916 = arith.constant 0 : i32
      %dma_start3A_3917 = tpu.memref_slice %arg11[%dma_start3A_3905, %dma_start3A_3915, %dma_start3A_3916] : memref<8x32x128xf32, #tpu.memory_space<vmem>> -> memref<1x32x128xf32, #tpu.memory_space<vmem>>
      %dma_start3A_3918 = tpu.memref_squeeze %dma_start3A_3917 : memref<1x32x128xf32, #tpu.memory_space<vmem>> -> memref<32x128xf32, #tpu.memory_space<vmem>>
      %dma_start3A_3919 = arith.constant 0 : i32
      %dma_start3A_3920 = tpu.memref_slice %arg5[%dma_start3A_3919, %multiple_of3A_3888] : memref<32x1000000xf32, #tpu.memory_space<hbm>> -> memref<32x128xf32, #tpu.memory_space<hbm>>
      tpu.enqueue_dma source(%dma_start3A_3920 : memref<32x128xf32, #tpu.memory_space<hbm>>) target(%dma_start3A_3918 : memref<32x128xf32, #tpu.memory_space<vmem>>) target_semaphore(%dma_start3A_3914 : memref<!tpu.dma_semaphore, #tpu.memory_space<semaphore_mem>>)
      %slice3A_3921 = vector.extract_strided_slice %get3A_2182 {offsets = [7], sizes = [1], strides = [1]} : vector<16xi32> to vector<1xi32>
      %squeeze3A_3922 = vector.extract %slice3A_3921[0] : i32 from vector<1xi32>
      %slice3A_3923 = vector.extract_strided_slice %get3A_2184 {offsets = [7], sizes = [1], strides = [1]} : vector<16xi32> to vector<1xi32>
      %squeeze3A_3924 = vector.extract %slice3A_3923[0] : i32 from vector<1xi32>
      %add3A_3925 = arith.constant 7 : i32
      %add3A_3926 = arith.addi %multiple_of3A_2180, %add3A_3925 : i32
      %dma_wait3A_3927 = arith.constant 7 : i32
      %dma_wait3A_3928 = arith.constant 7 : i32
      %dma_wait3A_3929 = arith.constant 0 : i32
      %dma_wait3A_3930 = arith.constant 0 : i32
      %dma_wait3A_3931 = tpu.memref_slice %arg10[%dma_wait3A_3927, %dma_wait3A_3929, %dma_wait3A_3930] : memref<8x32x128xf32, #tpu.memory_space<vmem>> -> memref<1x32x128xf32, #tpu.memory_space<vmem>>
      %dma_wait3A_3932 = tpu.memref_squeeze %dma_wait3A_3931 : memref<1x32x128xf32, #tpu.memory_space<vmem>> -> memref<32x128xf32, #tpu.memory_space<vmem>>
      %dma_wait3A_3933 = arith.constant 0 : i32
      %dma_wait3A_3934 = arith.constant 0 : i32
      %dma_wait3A_3935 = tpu.memref_slice %arg4[%dma_wait3A_3933, %dma_wait3A_3934] : memref<32x1000000xf32, #tpu.memory_space<hbm>> -> memref<32x128xf32, #tpu.memory_space<hbm>>
      %dma_wait3A_3936 = tpu.memref_slice %arg16[%dma_wait3A_3928] : memref<8x!tpu.dma_semaphore, #tpu.memory_space<semaphore_mem>> -> memref<1x!tpu.dma_semaphore, #tpu.memory_space<semaphore_mem>>
      %dma_wait3A_3937 = tpu.memref_squeeze %dma_wait3A_3936 : memref<1x!tpu.dma_semaphore, #tpu.memory_space<semaphore_mem>> -> memref<!tpu.dma_semaphore, #tpu.memory_space<semaphore_mem>>
      %dma_wait3A_3938 = arith.constant 0 : i32
      %dma_wait3A_3939 = arith.constant 0 : i32
      %dma_wait3A_3940 = tpu.memref_slice %arg10[%dma_wait3A_3927, %dma_wait3A_3938, %dma_wait3A_3939] : memref<8x32x128xf32, #tpu.memory_space<vmem>> -> memref<1x32x128xf32, #tpu.memory_space<vmem>>
      %dma_wait3A_3941 = tpu.memref_squeeze %dma_wait3A_3940 : memref<1x32x128xf32, #tpu.memory_space<vmem>> -> memref<32x128xf32, #tpu.memory_space<vmem>>
      %dma_wait3A_3942 = arith.constant 0 : i32
      %dma_wait3A_3943 = arith.constant 0 : i32
      %dma_wait3A_3944 = tpu.memref_slice %arg4[%dma_wait3A_3942, %dma_wait3A_3943] : memref<32x1000000xf32, #tpu.memory_space<hbm>> -> memref<32x128xf32, #tpu.memory_space<hbm>>
      tpu.wait_dma2 semaphore(%dma_wait3A_3937 : memref<!tpu.dma_semaphore, #tpu.memory_space<semaphore_mem>>) src(%dma_wait3A_3944 : memref<32x128xf32, #tpu.memory_space<hbm>>) dst(%dma_wait3A_3941 : memref<32x128xf32, #tpu.memory_space<vmem>>)
      %dma_wait3A_3945 = arith.constant 7 : i32
      %dma_wait3A_3946 = arith.constant 7 : i32
      %dma_wait3A_3947 = arith.constant 0 : i32
      %dma_wait3A_3948 = arith.constant 0 : i32
      %dma_wait3A_3949 = tpu.memref_slice %arg11[%dma_wait3A_3945, %dma_wait3A_3947, %dma_wait3A_3948] : memref<8x32x128xf32, #tpu.memory_space<vmem>> -> memref<1x32x128xf32, #tpu.memory_space<vmem>>
      %dma_wait3A_3950 = tpu.memref_squeeze %dma_wait3A_3949 : memref<1x32x128xf32, #tpu.memory_space<vmem>> -> memref<32x128xf32, #tpu.memory_space<vmem>>
      %dma_wait3A_3951 = arith.constant 0 : i32
      %dma_wait3A_3952 = arith.constant 0 : i32
      %dma_wait3A_3953 = tpu.memref_slice %arg5[%dma_wait3A_3951, %dma_wait3A_3952] : memref<32x1000000xf32, #tpu.memory_space<hbm>> -> memref<32x128xf32, #tpu.memory_space<hbm>>
      %dma_wait3A_3954 = tpu.memref_slice %arg17[%dma_wait3A_3946] : memref<8x!tpu.dma_semaphore, #tpu.memory_space<semaphore_mem>> -> memref<1x!tpu.dma_semaphore, #tpu.memory_space<semaphore_mem>>
      %dma_wait3A_3955 = tpu.memref_squeeze %dma_wait3A_3954 : memref<1x!tpu.dma_semaphore, #tpu.memory_space<semaphore_mem>> -> memref<!tpu.dma_semaphore, #tpu.memory_space<semaphore_mem>>
      %dma_wait3A_3956 = arith.constant 0 : i32
      %dma_wait3A_3957 = arith.constant 0 : i32
      %dma_wait3A_3958 = tpu.memref_slice %arg11[%dma_wait3A_3945, %dma_wait3A_3956, %dma_wait3A_3957] : memref<8x32x128xf32, #tpu.memory_space<vmem>> -> memref<1x32x128xf32, #tpu.memory_space<vmem>>
      %dma_wait3A_3959 = tpu.memref_squeeze %dma_wait3A_3958 : memref<1x32x128xf32, #tpu.memory_space<vmem>> -> memref<32x128xf32, #tpu.memory_space<vmem>>
      %dma_wait3A_3960 = arith.constant 0 : i32
      %dma_wait3A_3961 = arith.constant 0 : i32
      %dma_wait3A_3962 = tpu.memref_slice %arg5[%dma_wait3A_3960, %dma_wait3A_3961] : memref<32x1000000xf32, #tpu.memory_space<hbm>> -> memref<32x128xf32, #tpu.memory_space<hbm>>
      tpu.wait_dma2 semaphore(%dma_wait3A_3955 : memref<!tpu.dma_semaphore, #tpu.memory_space<semaphore_mem>>) src(%dma_wait3A_3962 : memref<32x128xf32, #tpu.memory_space<hbm>>) dst(%dma_wait3A_3959 : memref<32x128xf32, #tpu.memory_space<vmem>>)
      %rem3A_3963 = arith.constant 128 : i32
      %rem3A_3964 = arith.remsi %squeeze3A_3922, %rem3A_3963 : i32
      %jit3A_3965 = arith.constant 128 : i32
      %div3A_3966 = arith.divsi %add3A_3926, %jit3A_3965 : i32
      %sign3A_3967 = arith.constant 0 : i32
      %sign3A_3968 = arith.cmpi sgt, %add3A_3926, %sign3A_3967 : i32
      %sign3A_3969 = arith.extui %sign3A_3968 : i1 to i32
      %sign3A_3970 = arith.constant 0 : i32
      %sign3A_3971 = arith.cmpi slt, %add3A_3926, %sign3A_3970 : i32
      %sign3A_3972 = arith.extui %sign3A_3971 : i1 to i32
      %sign3A_3973 = arith.subi %sign3A_3969, %sign3A_3972 : i32
      %sign3A_3974 = arith.constant 0 : i32
      %sign3A_3975 = arith.cmpi sgt, %jit3A_3965, %sign3A_3974 : i32
      %sign3A_3976 = arith.extui %sign3A_3975 : i1 to i32
      %sign3A_3977 = arith.constant 0 : i32
      %sign3A_3978 = arith.cmpi slt, %jit3A_3965, %sign3A_3977 : i32
      %sign3A_3979 = arith.extui %sign3A_3978 : i1 to i32
      %sign3A_3980 = arith.subi %sign3A_3976, %sign3A_3979 : i32
      %ne3A_3981 = arith.cmpi ne, %sign3A_3973, %sign3A_3980 : i32
      %rem3A_3982 = arith.remsi %add3A_3926, %jit3A_3965 : i32
      %ne3A_3983 = arith.constant 0 : i32
      %ne3A_3984 = arith.cmpi ne, %rem3A_3982, %ne3A_3983 : i32
      %and3A_3985 = arith.andi %ne3A_3981, %ne3A_3984 : i1
      %sub3A_3986 = arith.constant 1 : i32
      %sub3A_3987 = arith.subi %div3A_3966, %sub3A_3986 : i32
      %select_n3A_3988 = arith.select %and3A_3985, %sub3A_3987, %div3A_3966 : i32
      %rem3A_3989 = arith.constant 128 : i32
      %rem3A_3990 = arith.remsi %add3A_3926, %rem3A_3989 : i32
      %broadcast_in_dim3A_3991 = arith.constant 7 : i32
      %broadcast_in_dim3A_3992 = vector.broadcast %broadcast_in_dim3A_3991 : i32 to vector<16xi32>
      %add3A_3993 = arith.constant 0 : i32
      %add3A_3994 = vector.broadcast %add3A_3993 : i32 to vector<16xi32>
      %add3A_3995 = arith.addi %iota3A, %add3A_3994 : vector<16xi32>
      %broadcast_in_dim3A_3996 = vector.broadcast %rem3A_3964 : i32 to vector<16xi32>
      %gather3A_3997 = tpu.vector_load_idx %arg10[%broadcast_in_dim3A_3992, %add3A_3995, %broadcast_in_dim3A_3996] : memref<8x32x128xf32, #tpu.memory_space<vmem>>[vector<16xi32>, vector<16xi32>, vector<16xi32>], vector<16xf32>,
      %mul3A_3998 = arith.constant 4 : i32
      %mul3A_3999 = vector.broadcast %mul3A_3998 : i32 to vector<16xi32>
      %mul3A_4000 = arith.muli %iota3A, %mul3A_3999 : vector<16xi32>
      %add3A_4001 = arith.constant 0 : i32
      %add3A_4002 = arith.addi %add3A_4001, %select_n3A_3988 : i32
      %add3A_4003 = vector.broadcast %add3A_4002 : i32 to vector<16xi32>
      %add3A_4004 = arith.addi %mul3A_4000, %add3A_4003 : vector<16xi32>
      %broadcast_in_dim3A_4005 = vector.broadcast %rem3A_3990 : i32 to vector<16xi32>
      tpu.vector_store_idx %arg12[%add3A_4004, %broadcast_in_dim3A_4005], %gather3A_3997 : memref<128x128xf32, #tpu.memory_space<vmem>>[vector<16xi32>, vector<16xi32>], vector<16xf32>,
      %broadcast_in_dim3A_4006 = arith.constant 7 : i32
      %broadcast_in_dim3A_4007 = vector.broadcast %broadcast_in_dim3A_4006 : i32 to vector<16xi32>
      %add3A_4008 = arith.constant 16 : i32
      %add3A_4009 = vector.broadcast %add3A_4008 : i32 to vector<16xi32>
      %add3A_4010 = arith.addi %iota3A, %add3A_4009 : vector<16xi32>
      %broadcast_in_dim3A_4011 = vector.broadcast %rem3A_3964 : i32 to vector<16xi32>
      %gather3A_4012 = tpu.vector_load_idx %arg10[%broadcast_in_dim3A_4007, %add3A_4010, %broadcast_in_dim3A_4011] : memref<8x32x128xf32, #tpu.memory_space<vmem>>[vector<16xi32>, vector<16xi32>, vector<16xi32>], vector<16xf32>,
      %mul3A_4013 = arith.constant 4 : i32
      %mul3A_4014 = vector.broadcast %mul3A_4013 : i32 to vector<16xi32>
      %mul3A_4015 = arith.muli %iota3A, %mul3A_4014 : vector<16xi32>
      %add3A_4016 = arith.constant 64 : i32
      %add3A_4017 = arith.addi %add3A_4016, %select_n3A_3988 : i32
      %add3A_4018 = vector.broadcast %add3A_4017 : i32 to vector<16xi32>
      %add3A_4019 = arith.addi %mul3A_4015, %add3A_4018 : vector<16xi32>
      %broadcast_in_dim3A_4020 = vector.broadcast %rem3A_3990 : i32 to vector<16xi32>
      tpu.vector_store_idx %arg12[%add3A_4019, %broadcast_in_dim3A_4020], %gather3A_4012 : memref<128x128xf32, #tpu.memory_space<vmem>>[vector<16xi32>, vector<16xi32>], vector<16xf32>,
      %rem3A_4021 = arith.constant 128 : i32
      %rem3A_4022 = arith.remsi %squeeze3A_3924, %rem3A_4021 : i32
      %jit3A_4023 = arith.constant 128 : i32
      %div3A_4024 = arith.divsi %add3A_3926, %jit3A_4023 : i32
      %sign3A_4025 = arith.constant 0 : i32
      %sign3A_4026 = arith.cmpi sgt, %add3A_3926, %sign3A_4025 : i32
      %sign3A_4027 = arith.extui %sign3A_4026 : i1 to i32
      %sign3A_4028 = arith.constant 0 : i32
      %sign3A_4029 = arith.cmpi slt, %add3A_3926, %sign3A_4028 : i32
      %sign3A_4030 = arith.extui %sign3A_4029 : i1 to i32
      %sign3A_4031 = arith.subi %sign3A_4027, %sign3A_4030 : i32
      %sign3A_4032 = arith.constant 0 : i32
      %sign3A_4033 = arith.cmpi sgt, %jit3A_4023, %sign3A_4032 : i32
      %sign3A_4034 = arith.extui %sign3A_4033 : i1 to i32
      %sign3A_4035 = arith.constant 0 : i32
      %sign3A_4036 = arith.cmpi slt, %jit3A_4023, %sign3A_4035 : i32
      %sign3A_4037 = arith.extui %sign3A_4036 : i1 to i32
      %sign3A_4038 = arith.subi %sign3A_4034, %sign3A_4037 : i32
      %ne3A_4039 = arith.cmpi ne, %sign3A_4031, %sign3A_4038 : i32
      %rem3A_4040 = arith.remsi %add3A_3926, %jit3A_4023 : i32
      %ne3A_4041 = arith.constant 0 : i32
      %ne3A_4042 = arith.cmpi ne, %rem3A_4040, %ne3A_4041 : i32
      %and3A_4043 = arith.andi %ne3A_4039, %ne3A_4042 : i1
      %sub3A_4044 = arith.constant 1 : i32
      %sub3A_4045 = arith.subi %div3A_4024, %sub3A_4044 : i32
      %select_n3A_4046 = arith.select %and3A_4043, %sub3A_4045, %div3A_4024 : i32
      %rem3A_4047 = arith.constant 128 : i32
      %rem3A_4048 = arith.remsi %add3A_3926, %rem3A_4047 : i32
      %broadcast_in_dim3A_4049 = arith.constant 7 : i32
      %broadcast_in_dim3A_4050 = vector.broadcast %broadcast_in_dim3A_4049 : i32 to vector<16xi32>
      %add3A_4051 = arith.constant 0 : i32
      %add3A_4052 = vector.broadcast %add3A_4051 : i32 to vector<16xi32>
      %add3A_4053 = arith.addi %iota3A, %add3A_4052 : vector<16xi32>
      %broadcast_in_dim3A_4054 = vector.broadcast %rem3A_4022 : i32 to vector<16xi32>
      %gather3A_4055 = tpu.vector_load_idx %arg11[%broadcast_in_dim3A_4050, %add3A_4053, %broadcast_in_dim3A_4054] : memref<8x32x128xf32, #tpu.memory_space<vmem>>[vector<16xi32>, vector<16xi32>, vector<16xi32>], vector<16xf32>,
      %mul3A_4056 = arith.constant 4 : i32
      %mul3A_4057 = vector.broadcast %mul3A_4056 : i32 to vector<16xi32>
      %mul3A_4058 = arith.muli %iota3A, %mul3A_4057 : vector<16xi32>
      %add3A_4059 = arith.constant 0 : i32
      %add3A_4060 = arith.addi %add3A_4059, %select_n3A_4046 : i32
      %add3A_4061 = vector.broadcast %add3A_4060 : i32 to vector<16xi32>
      %add3A_4062 = arith.addi %mul3A_4058, %add3A_4061 : vector<16xi32>
      %broadcast_in_dim3A_4063 = vector.broadcast %rem3A_4048 : i32 to vector<16xi32>
      tpu.vector_store_idx %arg13[%add3A_4062, %broadcast_in_dim3A_4063], %gather3A_4055 : memref<128x128xf32, #tpu.memory_space<vmem>>[vector<16xi32>, vector<16xi32>], vector<16xf32>,
      %broadcast_in_dim3A_4064 = arith.constant 7 : i32
      %broadcast_in_dim3A_4065 = vector.broadcast %broadcast_in_dim3A_4064 : i32 to vector<16xi32>
      %add3A_4066 = arith.constant 16 : i32
      %add3A_4067 = vector.broadcast %add3A_4066 : i32 to vector<16xi32>
      %add3A_4068 = arith.addi %iota3A, %add3A_4067 : vector<16xi32>
      %broadcast_in_dim3A_4069 = vector.broadcast %rem3A_4022 : i32 to vector<16xi32>
      %gather3A_4070 = tpu.vector_load_idx %arg11[%broadcast_in_dim3A_4065, %add3A_4068, %broadcast_in_dim3A_4069] : memref<8x32x128xf32, #tpu.memory_space<vmem>>[vector<16xi32>, vector<16xi32>, vector<16xi32>], vector<16xf32>,
      %mul3A_4071 = arith.constant 4 : i32
      %mul3A_4072 = vector.broadcast %mul3A_4071 : i32 to vector<16xi32>
      %mul3A_4073 = arith.muli %iota3A, %mul3A_4072 : vector<16xi32>
      %add3A_4074 = arith.constant 64 : i32
      %add3A_4075 = arith.addi %add3A_4074, %select_n3A_4046 : i32
      %add3A_4076 = vector.broadcast %add3A_4075 : i32 to vector<16xi32>
      %add3A_4077 = arith.addi %mul3A_4073, %add3A_4076 : vector<16xi32>
      %broadcast_in_dim3A_4078 = vector.broadcast %rem3A_4048 : i32 to vector<16xi32>
      tpu.vector_store_idx %arg13[%add3A_4077, %broadcast_in_dim3A_4078], %gather3A_4070 : memref<128x128xf32, #tpu.memory_space<vmem>>[vector<16xi32>, vector<16xi32>], vector<16xf32>,
      %slice3A_4079 = vector.extract_strided_slice %get3A_2182 {offsets = [15], sizes = [1], strides = [1]} : vector<16xi32> to vector<1xi32>
      %squeeze3A_4080 = vector.extract %slice3A_4079[0] : i32 from vector<1xi32>
      %slice3A_4081 = vector.extract_strided_slice %get3A_2184 {offsets = [15], sizes = [1], strides = [1]} : vector<16xi32> to vector<1xi32>
      %squeeze3A_4082 = vector.extract %slice3A_4081[0] : i32 from vector<1xi32>
      %jit3A_4083 = arith.constant 128 : i32
      %div3A_4084 = arith.divsi %squeeze3A_4080, %jit3A_4083 : i32
      %sign3A_4085 = arith.constant 0 : i32
      %sign3A_4086 = arith.cmpi sgt, %squeeze3A_4080, %sign3A_4085 : i32
      %sign3A_4087 = arith.extui %sign3A_4086 : i1 to i32
      %sign3A_4088 = arith.constant 0 : i32
      %sign3A_4089 = arith.cmpi slt, %squeeze3A_4080, %sign3A_4088 : i32
      %sign3A_4090 = arith.extui %sign3A_4089 : i1 to i32
      %sign3A_4091 = arith.subi %sign3A_4087, %sign3A_4090 : i32
      %sign3A_4092 = arith.constant 0 : i32
      %sign3A_4093 = arith.cmpi sgt, %jit3A_4083, %sign3A_4092 : i32
      %sign3A_4094 = arith.extui %sign3A_4093 : i1 to i32
      %sign3A_4095 = arith.constant 0 : i32
      %sign3A_4096 = arith.cmpi slt, %jit3A_4083, %sign3A_4095 : i32
      %sign3A_4097 = arith.extui %sign3A_4096 : i1 to i32
      %sign3A_4098 = arith.subi %sign3A_4094, %sign3A_4097 : i32
      %ne3A_4099 = arith.cmpi ne, %sign3A_4091, %sign3A_4098 : i32
      %rem3A_4100 = arith.remsi %squeeze3A_4080, %jit3A_4083 : i32
      %ne3A_4101 = arith.constant 0 : i32
      %ne3A_4102 = arith.cmpi ne, %rem3A_4100, %ne3A_4101 : i32
      %and3A_4103 = arith.andi %ne3A_4099, %ne3A_4102 : i1
      %sub3A_4104 = arith.constant 1 : i32
      %sub3A_4105 = arith.subi %div3A_4084, %sub3A_4104 : i32
      %select_n3A_4106 = arith.select %and3A_4103, %sub3A_4105, %div3A_4084 : i32
      %mul3A_4107 = arith.constant 128 : i32
      %mul3A_4108 = arith.muli %select_n3A_4106, %mul3A_4107 : i32
      %multiple_of3A_4109 = tpu.assume_multiple %mul3A_4108, 128 : i32
      %jit3A_4110 = arith.constant 128 : i32
      %div3A_4111 = arith.divsi %squeeze3A_4082, %jit3A_4110 : i32
      %sign3A_4112 = arith.constant 0 : i32
      %sign3A_4113 = arith.cmpi sgt, %squeeze3A_4082, %sign3A_4112 : i32
      %sign3A_4114 = arith.extui %sign3A_4113 : i1 to i32
      %sign3A_4115 = arith.constant 0 : i32
      %sign3A_4116 = arith.cmpi slt, %squeeze3A_4082, %sign3A_4115 : i32
      %sign3A_4117 = arith.extui %sign3A_4116 : i1 to i32
      %sign3A_4118 = arith.subi %sign3A_4114, %sign3A_4117 : i32
      %sign3A_4119 = arith.constant 0 : i32
      %sign3A_4120 = arith.cmpi sgt, %jit3A_4110, %sign3A_4119 : i32
      %sign3A_4121 = arith.extui %sign3A_4120 : i1 to i32
      %sign3A_4122 = arith.constant 0 : i32
      %sign3A_4123 = arith.cmpi slt, %jit3A_4110, %sign3A_4122 : i32
      %sign3A_4124 = arith.extui %sign3A_4123 : i1 to i32
      %sign3A_4125 = arith.subi %sign3A_4121, %sign3A_4124 : i32
      %ne3A_4126 = arith.cmpi ne, %sign3A_4118, %sign3A_4125 : i32
      %rem3A_4127 = arith.remsi %squeeze3A_4082, %jit3A_4110 : i32
      %ne3A_4128 = arith.constant 0 : i32
      %ne3A_4129 = arith.cmpi ne, %rem3A_4127, %ne3A_4128 : i32
      %and3A_4130 = arith.andi %ne3A_4126, %ne3A_4129 : i1
      %sub3A_4131 = arith.constant 1 : i32
      %sub3A_4132 = arith.subi %div3A_4111, %sub3A_4131 : i32
      %select_n3A_4133 = arith.select %and3A_4130, %sub3A_4132, %div3A_4111 : i32
      %mul3A_4134 = arith.constant 128 : i32
      %mul3A_4135 = arith.muli %select_n3A_4133, %mul3A_4134 : i32
      %multiple_of3A_4136 = tpu.assume_multiple %mul3A_4135, 128 : i32
      %dma_start3A_4137 = arith.constant 7 : i32
      %dma_start3A_4138 = arith.constant 7 : i32
      %dma_start3A_4139 = arith.constant 0 : i32
      %dma_start3A_4140 = arith.constant 0 : i32
      %dma_start3A_4141 = tpu.memref_slice %arg10[%dma_start3A_4137, %dma_start3A_4139, %dma_start3A_4140] : memref<8x32x128xf32, #tpu.memory_space<vmem>> -> memref<1x32x128xf32, #tpu.memory_space<vmem>>
      %dma_start3A_4142 = tpu.memref_squeeze %dma_start3A_4141 : memref<1x32x128xf32, #tpu.memory_space<vmem>> -> memref<32x128xf32, #tpu.memory_space<vmem>>
      %dma_start3A_4143 = arith.constant 0 : i32
      %dma_start3A_4144 = tpu.memref_slice %arg4[%dma_start3A_4143, %multiple_of3A_4109] : memref<32x1000000xf32, #tpu.memory_space<hbm>> -> memref<32x128xf32, #tpu.memory_space<hbm>>
      %dma_start3A_4145 = tpu.memref_slice %arg16[%dma_start3A_4138] : memref<8x!tpu.dma_semaphore, #tpu.memory_space<semaphore_mem>> -> memref<1x!tpu.dma_semaphore, #tpu.memory_space<semaphore_mem>>
      %dma_start3A_4146 = tpu.memref_squeeze %dma_start3A_4145 : memref<1x!tpu.dma_semaphore, #tpu.memory_space<semaphore_mem>> -> memref<!tpu.dma_semaphore, #tpu.memory_space<semaphore_mem>>
      %dma_start3A_4147 = arith.constant 0 : i32
      %dma_start3A_4148 = arith.constant 0 : i32
      %dma_start3A_4149 = tpu.memref_slice %arg10[%dma_start3A_4137, %dma_start3A_4147, %dma_start3A_4148] : memref<8x32x128xf32, #tpu.memory_space<vmem>> -> memref<1x32x128xf32, #tpu.memory_space<vmem>>
      %dma_start3A_4150 = tpu.memref_squeeze %dma_start3A_4149 : memref<1x32x128xf32, #tpu.memory_space<vmem>> -> memref<32x128xf32, #tpu.memory_space<vmem>>
      %dma_start3A_4151 = arith.constant 0 : i32
      %dma_start3A_4152 = tpu.memref_slice %arg4[%dma_start3A_4151, %multiple_of3A_4109] : memref<32x1000000xf32, #tpu.memory_space<hbm>> -> memref<32x128xf32, #tpu.memory_space<hbm>>
      tpu.enqueue_dma source(%dma_start3A_4152 : memref<32x128xf32, #tpu.memory_space<hbm>>) target(%dma_start3A_4150 : memref<32x128xf32, #tpu.memory_space<vmem>>) target_semaphore(%dma_start3A_4146 : memref<!tpu.dma_semaphore, #tpu.memory_space<semaphore_mem>>)
      %dma_start3A_4153 = arith.constant 7 : i32
      %dma_start3A_4154 = arith.constant 7 : i32
      %dma_start3A_4155 = arith.constant 0 : i32
      %dma_start3A_4156 = arith.constant 0 : i32
      %dma_start3A_4157 = tpu.memref_slice %arg11[%dma_start3A_4153, %dma_start3A_4155, %dma_start3A_4156] : memref<8x32x128xf32, #tpu.memory_space<vmem>> -> memref<1x32x128xf32, #tpu.memory_space<vmem>>
      %dma_start3A_4158 = tpu.memref_squeeze %dma_start3A_4157 : memref<1x32x128xf32, #tpu.memory_space<vmem>> -> memref<32x128xf32, #tpu.memory_space<vmem>>
      %dma_start3A_4159 = arith.constant 0 : i32
      %dma_start3A_4160 = tpu.memref_slice %arg5[%dma_start3A_4159, %multiple_of3A_4136] : memref<32x1000000xf32, #tpu.memory_space<hbm>> -> memref<32x128xf32, #tpu.memory_space<hbm>>
      %dma_start3A_4161 = tpu.memref_slice %arg17[%dma_start3A_4154] : memref<8x!tpu.dma_semaphore, #tpu.memory_space<semaphore_mem>> -> memref<1x!tpu.dma_semaphore, #tpu.memory_space<semaphore_mem>>
      %dma_start3A_4162 = tpu.memref_squeeze %dma_start3A_4161 : memref<1x!tpu.dma_semaphore, #tpu.memory_space<semaphore_mem>> -> memref<!tpu.dma_semaphore, #tpu.memory_space<semaphore_mem>>
      %dma_start3A_4163 = arith.constant 0 : i32
      %dma_start3A_4164 = arith.constant 0 : i32
      %dma_start3A_4165 = tpu.memref_slice %arg11[%dma_start3A_4153, %dma_start3A_4163, %dma_start3A_4164] : memref<8x32x128xf32, #tpu.memory_space<vmem>> -> memref<1x32x128xf32, #tpu.memory_space<vmem>>
      %dma_start3A_4166 = tpu.memref_squeeze %dma_start3A_4165 : memref<1x32x128xf32, #tpu.memory_space<vmem>> -> memref<32x128xf32, #tpu.memory_space<vmem>>
      %dma_start3A_4167 = arith.constant 0 : i32
      %dma_start3A_4168 = tpu.memref_slice %arg5[%dma_start3A_4167, %multiple_of3A_4136] : memref<32x1000000xf32, #tpu.memory_space<hbm>> -> memref<32x128xf32, #tpu.memory_space<hbm>>
      tpu.enqueue_dma source(%dma_start3A_4168 : memref<32x128xf32, #tpu.memory_space<hbm>>) target(%dma_start3A_4166 : memref<32x128xf32, #tpu.memory_space<vmem>>) target_semaphore(%dma_start3A_4162 : memref<!tpu.dma_semaphore, #tpu.memory_space<semaphore_mem>>)
      %rem3A_4169 = arith.constant 2 : i32
      %rem3A_4170 = arith.remsi %scan3A_2175, %rem3A_4169 : i32
      %eq3A = arith.constant 0 : i32
      %eq3A_4171 = arith.cmpi eq, %rem3A_4170, %eq3A : i32
      %convert_element_type3A = arith.extui %eq3A_4171 : i1 to i32
      %cond3A = arith.constant 0 : i32
      %cond3A_4172 = arith.cmpi ne, %convert_element_type3A, %cond3A : i32
      scf.if %cond3A_4172 {
        %jit3A_4173 = arith.constant 2 : i32
        %div3A_4174 = arith.divsi %scan3A_2175, %jit3A_4173 : i32
        %sign3A_4175 = arith.constant 0 : i32
        %sign3A_4176 = arith.cmpi sgt, %scan3A_2175, %sign3A_4175 : i32
        %sign3A_4177 = arith.extui %sign3A_4176 : i1 to i32
        %sign3A_4178 = arith.constant 0 : i32
        %sign3A_4179 = arith.cmpi slt, %scan3A_2175, %sign3A_4178 : i32
        %sign3A_4180 = arith.extui %sign3A_4179 : i1 to i32
        %sign3A_4181 = arith.subi %sign3A_4177, %sign3A_4180 : i32
        %sign3A_4182 = arith.constant 0 : i32
        %sign3A_4183 = arith.cmpi sgt, %jit3A_4173, %sign3A_4182 : i32
        %sign3A_4184 = arith.extui %sign3A_4183 : i1 to i32
        %sign3A_4185 = arith.constant 0 : i32
        %sign3A_4186 = arith.cmpi slt, %jit3A_4173, %sign3A_4185 : i32
        %sign3A_4187 = arith.extui %sign3A_4186 : i1 to i32
        %sign3A_4188 = arith.subi %sign3A_4184, %sign3A_4187 : i32
        %ne3A_4189 = arith.cmpi ne, %sign3A_4181, %sign3A_4188 : i32
        %rem3A_4190 = arith.remsi %scan3A_2175, %jit3A_4173 : i32
        %ne3A_4191 = arith.constant 0 : i32
        %ne3A_4192 = arith.cmpi ne, %rem3A_4190, %ne3A_4191 : i32
        %and3A_4193 = arith.andi %ne3A_4189, %ne3A_4192 : i1
        %sub3A_4194 = arith.constant 1 : i32
        %sub3A_4195 = arith.subi %div3A_4174, %sub3A_4194 : i32
        %select_n3A_4196 = arith.select %and3A_4193, %sub3A_4195, %div3A_4174 : i32
        %sub3A_4197 = arith.constant 1 : i32
        %sub3A_4198 = arith.subi %select_n3A_4196, %sub3A_4197 : i32
        %jit3A_4199 = arith.constant 8 : i32
        %div3A_4200 = arith.divsi %sub3A_4198, %jit3A_4199 : i32
        %sign3A_4201 = arith.constant 0 : i32
        %sign3A_4202 = arith.cmpi sgt, %sub3A_4198, %sign3A_4201 : i32
        %sign3A_4203 = arith.extui %sign3A_4202 : i1 to i32
        %sign3A_4204 = arith.constant 0 : i32
        %sign3A_4205 = arith.cmpi slt, %sub3A_4198, %sign3A_4204 : i32
        %sign3A_4206 = arith.extui %sign3A_4205 : i1 to i32
        %sign3A_4207 = arith.subi %sign3A_4203, %sign3A_4206 : i32
        %sign3A_4208 = arith.constant 0 : i32
        %sign3A_4209 = arith.cmpi sgt, %jit3A_4199, %sign3A_4208 : i32
        %sign3A_4210 = arith.extui %sign3A_4209 : i1 to i32
        %sign3A_4211 = arith.constant 0 : i32
        %sign3A_4212 = arith.cmpi slt, %jit3A_4199, %sign3A_4211 : i32
        %sign3A_4213 = arith.extui %sign3A_4212 : i1 to i32
        %sign3A_4214 = arith.subi %sign3A_4210, %sign3A_4213 : i32
        %ne3A_4215 = arith.cmpi ne, %sign3A_4207, %sign3A_4214 : i32
        %rem3A_4216 = arith.remsi %sub3A_4198, %jit3A_4199 : i32
        %ne3A_4217 = arith.constant 0 : i32
        %ne3A_4218 = arith.cmpi ne, %rem3A_4216, %ne3A_4217 : i32
        %and3A_4219 = arith.andi %ne3A_4215, %ne3A_4218 : i1
        %sub3A_4220 = arith.constant 1 : i32
        %sub3A_4221 = arith.subi %div3A_4200, %sub3A_4220 : i32
        %select_n3A_4222 = arith.select %and3A_4219, %sub3A_4221, %div3A_4200 : i32
        %rem3A_4223 = arith.constant 8 : i32
        %rem3A_4224 = arith.remsi %sub3A_4198, %rem3A_4223 : i32
        %mul3A_4225 = arith.constant 16 : i32
        %mul3A_4226 = arith.muli %rem3A_4224, %mul3A_4225 : i32
        %multiple_of3A_4227 = tpu.assume_multiple %mul3A_4226, 16 : i32
        %add3A_4228 = arith.constant 0 : i32
        %add3A_4229 = arith.addi %add3A_4228, %select_n3A_4222 : i32
        %get3A_4230 = arith.index_cast %add3A_4229 : i32 to index
        %get3A_4231 = arith.index_cast %multiple_of3A_4227 : i32 to index
        %get3A_4232 = tpu.vector_load %arg12[%get3A_4230, %get3A_4231] {strides = array<i32>} : memref<128x128xf32, #tpu.memory_space<vmem>>, vector<16xf32>,
        %add3A_4233 = arith.constant 0 : i32
        %add3A_4234 = arith.addi %add3A_4233, %select_n3A_4222 : i32
        %get3A_4235 = arith.index_cast %add3A_4234 : i32 to index
        %get3A_4236 = arith.index_cast %multiple_of3A_4227 : i32 to index
        %get3A_4237 = tpu.vector_load %arg13[%get3A_4235, %get3A_4236] {strides = array<i32>} : memref<128x128xf32, #tpu.memory_space<vmem>>, vector<16xf32>,
        %get3A_4238 = arith.constant 0 : i32
        %get3A_4239 = arith.index_cast %get3A_4238 : i32 to index
        %get3A_4240 = arith.constant 0 : index
        %get3A_4241 = tpu.vector_load %arg14[%get3A_4239, %get3A_4240] {strides = array<i32>} : memref<33x16xf32, #tpu.memory_space<vmem>>, vector<16xf32>,
        %mul3A_4242 = arith.mulf %get3A_4232, %get3A_4237 : vector<16xf32>
        %mul3A_4243 = arith.mulf %mul3A_4242, %get3A_4241 : vector<16xf32>
        %add3A_4244 = arith.addf %get3A_11, %mul3A_4243 : vector<16xf32>
        %add3A_4245 = arith.constant 4 : i32
        %add3A_4246 = arith.addi %add3A_4245, %select_n3A_4222 : i32
        %get3A_4247 = arith.index_cast %add3A_4246 : i32 to index
        %get3A_4248 = arith.index_cast %multiple_of3A_4227 : i32 to index
        %get3A_4249 = tpu.vector_load %arg12[%get3A_4247, %get3A_4248] {strides = array<i32>} : memref<128x128xf32, #tpu.memory_space<vmem>>, vector<16xf32>,
        %add3A_4250 = arith.constant 4 : i32
        %add3A_4251 = arith.addi %add3A_4250, %select_n3A_4222 : i32
        %get3A_4252 = arith.index_cast %add3A_4251 : i32 to index
        %get3A_4253 = arith.index_cast %multiple_of3A_4227 : i32 to index
        %get3A_4254 = tpu.vector_load %arg13[%get3A_4252, %get3A_4253] {strides = array<i32>} : memref<128x128xf32, #tpu.memory_space<vmem>>, vector<16xf32>,
        %get3A_4255 = arith.constant 1 : i32
        %get3A_4256 = arith.index_cast %get3A_4255 : i32 to index
        %get3A_4257 = arith.constant 0 : index
        %get3A_4258 = tpu.vector_load %arg14[%get3A_4256, %get3A_4257] {strides = array<i32>} : memref<33x16xf32, #tpu.memory_space<vmem>>, vector<16xf32>,
        %mul3A_4259 = arith.mulf %get3A_4249, %get3A_4254 : vector<16xf32>
        %mul3A_4260 = arith.mulf %mul3A_4259, %get3A_4258 : vector<16xf32>
        %add3A_4261 = arith.addf %add3A_4244, %mul3A_4260 : vector<16xf32>
        %add3A_4262 = arith.constant 8 : i32
        %add3A_4263 = arith.addi %add3A_4262, %select_n3A_4222 : i32
        %get3A_4264 = arith.index_cast %add3A_4263 : i32 to index
        %get3A_4265 = arith.index_cast %multiple_of3A_4227 : i32 to index
        %get3A_4266 = tpu.vector_load %arg12[%get3A_4264, %get3A_4265] {strides = array<i32>} : memref<128x128xf32, #tpu.memory_space<vmem>>, vector<16xf32>,
        %add3A_4267 = arith.constant 8 : i32
        %add3A_4268 = arith.addi %add3A_4267, %select_n3A_4222 : i32
        %get3A_4269 = arith.index_cast %add3A_4268 : i32 to index
        %get3A_4270 = arith.index_cast %multiple_of3A_4227 : i32 to index
        %get3A_4271 = tpu.vector_load %arg13[%get3A_4269, %get3A_4270] {strides = array<i32>} : memref<128x128xf32, #tpu.memory_space<vmem>>, vector<16xf32>,
        %get3A_4272 = arith.constant 2 : i32
        %get3A_4273 = arith.index_cast %get3A_4272 : i32 to index
        %get3A_4274 = arith.constant 0 : index
        %get3A_4275 = tpu.vector_load %arg14[%get3A_4273, %get3A_4274] {strides = array<i32>} : memref<33x16xf32, #tpu.memory_space<vmem>>, vector<16xf32>,
        %mul3A_4276 = arith.mulf %get3A_4266, %get3A_4271 : vector<16xf32>
        %mul3A_4277 = arith.mulf %mul3A_4276, %get3A_4275 : vector<16xf32>
        %add3A_4278 = arith.addf %add3A_4261, %mul3A_4277 : vector<16xf32>
        %add3A_4279 = arith.constant 12 : i32
        %add3A_4280 = arith.addi %add3A_4279, %select_n3A_4222 : i32
        %get3A_4281 = arith.index_cast %add3A_4280 : i32 to index
        %get3A_4282 = arith.index_cast %multiple_of3A_4227 : i32 to index
        %get3A_4283 = tpu.vector_load %arg12[%get3A_4281, %get3A_4282] {strides = array<i32>} : memref<128x128xf32, #tpu.memory_space<vmem>>, vector<16xf32>,
        %add3A_4284 = arith.constant 12 : i32
        %add3A_4285 = arith.addi %add3A_4284, %select_n3A_4222 : i32
        %get3A_4286 = arith.index_cast %add3A_4285 : i32 to index
        %get3A_4287 = arith.index_cast %multiple_of3A_4227 : i32 to index
        %get3A_4288 = tpu.vector_load %arg13[%get3A_4286, %get3A_4287] {strides = array<i32>} : memref<128x128xf32, #tpu.memory_space<vmem>>, vector<16xf32>,
        %get3A_4289 = arith.constant 3 : i32
        %get3A_4290 = arith.index_cast %get3A_4289 : i32 to index
        %get3A_4291 = arith.constant 0 : index
        %get3A_4292 = tpu.vector_load %arg14[%get3A_4290, %get3A_4291] {strides = array<i32>} : memref<33x16xf32, #tpu.memory_space<vmem>>, vector<16xf32>,
        %mul3A_4293 = arith.mulf %get3A_4283, %get3A_4288 : vector<16xf32>
        %mul3A_4294 = arith.mulf %mul3A_4293, %get3A_4292 : vector<16xf32>
        %add3A_4295 = arith.addf %add3A_4278, %mul3A_4294 : vector<16xf32>
        %add3A_4296 = arith.constant 16 : i32
        %add3A_4297 = arith.addi %add3A_4296, %select_n3A_4222 : i32
        %get3A_4298 = arith.index_cast %add3A_4297 : i32 to index
        %get3A_4299 = arith.index_cast %multiple_of3A_4227 : i32 to index
        %get3A_4300 = tpu.vector_load %arg12[%get3A_4298, %get3A_4299] {strides = array<i32>} : memref<128x128xf32, #tpu.memory_space<vmem>>, vector<16xf32>,
        %add3A_4301 = arith.constant 16 : i32
        %add3A_4302 = arith.addi %add3A_4301, %select_n3A_4222 : i32
        %get3A_4303 = arith.index_cast %add3A_4302 : i32 to index
        %get3A_4304 = arith.index_cast %multiple_of3A_4227 : i32 to index
        %get3A_4305 = tpu.vector_load %arg13[%get3A_4303, %get3A_4304] {strides = array<i32>} : memref<128x128xf32, #tpu.memory_space<vmem>>, vector<16xf32>,
        %get3A_4306 = arith.constant 4 : i32
        %get3A_4307 = arith.index_cast %get3A_4306 : i32 to index
        %get3A_4308 = arith.constant 0 : index
        %get3A_4309 = tpu.vector_load %arg14[%get3A_4307, %get3A_4308] {strides = array<i32>} : memref<33x16xf32, #tpu.memory_space<vmem>>, vector<16xf32>,
        %mul3A_4310 = arith.mulf %get3A_4300, %get3A_4305 : vector<16xf32>
        %mul3A_4311 = arith.mulf %mul3A_4310, %get3A_4309 : vector<16xf32>
        %add3A_4312 = arith.addf %add3A_4295, %mul3A_4311 : vector<16xf32>
        %add3A_4313 = arith.constant 20 : i32
        %add3A_4314 = arith.addi %add3A_4313, %select_n3A_4222 : i32
        %get3A_4315 = arith.index_cast %add3A_4314 : i32 to index
        %get3A_4316 = arith.index_cast %multiple_of3A_4227 : i32 to index
        %get3A_4317 = tpu.vector_load %arg12[%get3A_4315, %get3A_4316] {strides = array<i32>} : memref<128x128xf32, #tpu.memory_space<vmem>>, vector<16xf32>,
        %add3A_4318 = arith.constant 20 : i32
        %add3A_4319 = arith.addi %add3A_4318, %select_n3A_4222 : i32
        %get3A_4320 = arith.index_cast %add3A_4319 : i32 to index
        %get3A_4321 = arith.index_cast %multiple_of3A_4227 : i32 to index
        %get3A_4322 = tpu.vector_load %arg13[%get3A_4320, %get3A_4321] {strides = array<i32>} : memref<128x128xf32, #tpu.memory_space<vmem>>, vector<16xf32>,
        %get3A_4323 = arith.constant 5 : i32
        %get3A_4324 = arith.index_cast %get3A_4323 : i32 to index
        %get3A_4325 = arith.constant 0 : index
        %get3A_4326 = tpu.vector_load %arg14[%get3A_4324, %get3A_4325] {strides = array<i32>} : memref<33x16xf32, #tpu.memory_space<vmem>>, vector<16xf32>,
        %mul3A_4327 = arith.mulf %get3A_4317, %get3A_4322 : vector<16xf32>
        %mul3A_4328 = arith.mulf %mul3A_4327, %get3A_4326 : vector<16xf32>
        %add3A_4329 = arith.addf %add3A_4312, %mul3A_4328 : vector<16xf32>
        %add3A_4330 = arith.constant 24 : i32
        %add3A_4331 = arith.addi %add3A_4330, %select_n3A_4222 : i32
        %get3A_4332 = arith.index_cast %add3A_4331 : i32 to index
        %get3A_4333 = arith.index_cast %multiple_of3A_4227 : i32 to index
        %get3A_4334 = tpu.vector_load %arg12[%get3A_4332, %get3A_4333] {strides = array<i32>} : memref<128x128xf32, #tpu.memory_space<vmem>>, vector<16xf32>,
        %add3A_4335 = arith.constant 24 : i32
        %add3A_4336 = arith.addi %add3A_4335, %select_n3A_4222 : i32
        %get3A_4337 = arith.index_cast %add3A_4336 : i32 to index
        %get3A_4338 = arith.index_cast %multiple_of3A_4227 : i32 to index
        %get3A_4339 = tpu.vector_load %arg13[%get3A_4337, %get3A_4338] {strides = array<i32>} : memref<128x128xf32, #tpu.memory_space<vmem>>, vector<16xf32>,
        %get3A_4340 = arith.constant 6 : i32
        %get3A_4341 = arith.index_cast %get3A_4340 : i32 to index
        %get3A_4342 = arith.constant 0 : index
        %get3A_4343 = tpu.vector_load %arg14[%get3A_4341, %get3A_4342] {strides = array<i32>} : memref<33x16xf32, #tpu.memory_space<vmem>>, vector<16xf32>,
        %mul3A_4344 = arith.mulf %get3A_4334, %get3A_4339 : vector<16xf32>
        %mul3A_4345 = arith.mulf %mul3A_4344, %get3A_4343 : vector<16xf32>
        %add3A_4346 = arith.addf %add3A_4329, %mul3A_4345 : vector<16xf32>
        %add3A_4347 = arith.constant 28 : i32
        %add3A_4348 = arith.addi %add3A_4347, %select_n3A_4222 : i32
        %get3A_4349 = arith.index_cast %add3A_4348 : i32 to index
        %get3A_4350 = arith.index_cast %multiple_of3A_4227 : i32 to index
        %get3A_4351 = tpu.vector_load %arg12[%get3A_4349, %get3A_4350] {strides = array<i32>} : memref<128x128xf32, #tpu.memory_space<vmem>>, vector<16xf32>,
        %add3A_4352 = arith.constant 28 : i32
        %add3A_4353 = arith.addi %add3A_4352, %select_n3A_4222 : i32
        %get3A_4354 = arith.index_cast %add3A_4353 : i32 to index
        %get3A_4355 = arith.index_cast %multiple_of3A_4227 : i32 to index
        %get3A_4356 = tpu.vector_load %arg13[%get3A_4354, %get3A_4355] {strides = array<i32>} : memref<128x128xf32, #tpu.memory_space<vmem>>, vector<16xf32>,
        %get3A_4357 = arith.constant 7 : i32
        %get3A_4358 = arith.index_cast %get3A_4357 : i32 to index
        %get3A_4359 = arith.constant 0 : index
        %get3A_4360 = tpu.vector_load %arg14[%get3A_4358, %get3A_4359] {strides = array<i32>} : memref<33x16xf32, #tpu.memory_space<vmem>>, vector<16xf32>,
        %mul3A_4361 = arith.mulf %get3A_4351, %get3A_4356 : vector<16xf32>
        %mul3A_4362 = arith.mulf %mul3A_4361, %get3A_4360 : vector<16xf32>
        %add3A_4363 = arith.addf %add3A_4346, %mul3A_4362 : vector<16xf32>
        %add3A_4364 = arith.constant 32 : i32
        %add3A_4365 = arith.addi %add3A_4364, %select_n3A_4222 : i32
        %get3A_4366 = arith.index_cast %add3A_4365 : i32 to index
        %get3A_4367 = arith.index_cast %multiple_of3A_4227 : i32 to index
        %get3A_4368 = tpu.vector_load %arg12[%get3A_4366, %get3A_4367] {strides = array<i32>} : memref<128x128xf32, #tpu.memory_space<vmem>>, vector<16xf32>,
        %add3A_4369 = arith.constant 32 : i32
        %add3A_4370 = arith.addi %add3A_4369, %select_n3A_4222 : i32
        %get3A_4371 = arith.index_cast %add3A_4370 : i32 to index
        %get3A_4372 = arith.index_cast %multiple_of3A_4227 : i32 to index
        %get3A_4373 = tpu.vector_load %arg13[%get3A_4371, %get3A_4372] {strides = array<i32>} : memref<128x128xf32, #tpu.memory_space<vmem>>, vector<16xf32>,
        %get3A_4374 = arith.constant 8 : i32
        %get3A_4375 = arith.index_cast %get3A_4374 : i32 to index
        %get3A_4376 = arith.constant 0 : index
        %get3A_4377 = tpu.vector_load %arg14[%get3A_4375, %get3A_4376] {strides = array<i32>} : memref<33x16xf32, #tpu.memory_space<vmem>>, vector<16xf32>,
        %mul3A_4378 = arith.mulf %get3A_4368, %get3A_4373 : vector<16xf32>
        %mul3A_4379 = arith.mulf %mul3A_4378, %get3A_4377 : vector<16xf32>
        %add3A_4380 = arith.addf %add3A_4363, %mul3A_4379 : vector<16xf32>
        %add3A_4381 = arith.constant 36 : i32
        %add3A_4382 = arith.addi %add3A_4381, %select_n3A_4222 : i32
        %get3A_4383 = arith.index_cast %add3A_4382 : i32 to index
        %get3A_4384 = arith.index_cast %multiple_of3A_4227 : i32 to index
        %get3A_4385 = tpu.vector_load %arg12[%get3A_4383, %get3A_4384] {strides = array<i32>} : memref<128x128xf32, #tpu.memory_space<vmem>>, vector<16xf32>,
        %add3A_4386 = arith.constant 36 : i32
        %add3A_4387 = arith.addi %add3A_4386, %select_n3A_4222 : i32
        %get3A_4388 = arith.index_cast %add3A_4387 : i32 to index
        %get3A_4389 = arith.index_cast %multiple_of3A_4227 : i32 to index
        %get3A_4390 = tpu.vector_load %arg13[%get3A_4388, %get3A_4389] {strides = array<i32>} : memref<128x128xf32, #tpu.memory_space<vmem>>, vector<16xf32>,
        %get3A_4391 = arith.constant 9 : i32
        %get3A_4392 = arith.index_cast %get3A_4391 : i32 to index
        %get3A_4393 = arith.constant 0 : index
        %get3A_4394 = tpu.vector_load %arg14[%get3A_4392, %get3A_4393] {strides = array<i32>} : memref<33x16xf32, #tpu.memory_space<vmem>>, vector<16xf32>,
        %mul3A_4395 = arith.mulf %get3A_4385, %get3A_4390 : vector<16xf32>
        %mul3A_4396 = arith.mulf %mul3A_4395, %get3A_4394 : vector<16xf32>
        %add3A_4397 = arith.addf %add3A_4380, %mul3A_4396 : vector<16xf32>
        %add3A_4398 = arith.constant 40 : i32
        %add3A_4399 = arith.addi %add3A_4398, %select_n3A_4222 : i32
        %get3A_4400 = arith.index_cast %add3A_4399 : i32 to index
        %get3A_4401 = arith.index_cast %multiple_of3A_4227 : i32 to index
        %get3A_4402 = tpu.vector_load %arg12[%get3A_4400, %get3A_4401] {strides = array<i32>} : memref<128x128xf32, #tpu.memory_space<vmem>>, vector<16xf32>,
        %add3A_4403 = arith.constant 40 : i32
        %add3A_4404 = arith.addi %add3A_4403, %select_n3A_4222 : i32
        %get3A_4405 = arith.index_cast %add3A_4404 : i32 to index
        %get3A_4406 = arith.index_cast %multiple_of3A_4227 : i32 to index
        %get3A_4407 = tpu.vector_load %arg13[%get3A_4405, %get3A_4406] {strides = array<i32>} : memref<128x128xf32, #tpu.memory_space<vmem>>, vector<16xf32>,
        %get3A_4408 = arith.constant 10 : i32
        %get3A_4409 = arith.index_cast %get3A_4408 : i32 to index
        %get3A_4410 = arith.constant 0 : index
        %get3A_4411 = tpu.vector_load %arg14[%get3A_4409, %get3A_4410] {strides = array<i32>} : memref<33x16xf32, #tpu.memory_space<vmem>>, vector<16xf32>,
        %mul3A_4412 = arith.mulf %get3A_4402, %get3A_4407 : vector<16xf32>
        %mul3A_4413 = arith.mulf %mul3A_4412, %get3A_4411 : vector<16xf32>
        %add3A_4414 = arith.addf %add3A_4397, %mul3A_4413 : vector<16xf32>
        %add3A_4415 = arith.constant 44 : i32
        %add3A_4416 = arith.addi %add3A_4415, %select_n3A_4222 : i32
        %get3A_4417 = arith.index_cast %add3A_4416 : i32 to index
        %get3A_4418 = arith.index_cast %multiple_of3A_4227 : i32 to index
        %get3A_4419 = tpu.vector_load %arg12[%get3A_4417, %get3A_4418] {strides = array<i32>} : memref<128x128xf32, #tpu.memory_space<vmem>>, vector<16xf32>,
        %add3A_4420 = arith.constant 44 : i32
        %add3A_4421 = arith.addi %add3A_4420, %select_n3A_4222 : i32
        %get3A_4422 = arith.index_cast %add3A_4421 : i32 to index
        %get3A_4423 = arith.index_cast %multiple_of3A_4227 : i32 to index
        %get3A_4424 = tpu.vector_load %arg13[%get3A_4422, %get3A_4423] {strides = array<i32>} : memref<128x128xf32, #tpu.memory_space<vmem>>, vector<16xf32>,
        %get3A_4425 = arith.constant 11 : i32
        %get3A_4426 = arith.index_cast %get3A_4425 : i32 to index
        %get3A_4427 = arith.constant 0 : index
        %get3A_4428 = tpu.vector_load %arg14[%get3A_4426, %get3A_4427] {strides = array<i32>} : memref<33x16xf32, #tpu.memory_space<vmem>>, vector<16xf32>,
        %mul3A_4429 = arith.mulf %get3A_4419, %get3A_4424 : vector<16xf32>
        %mul3A_4430 = arith.mulf %mul3A_4429, %get3A_4428 : vector<16xf32>
        %add3A_4431 = arith.addf %add3A_4414, %mul3A_4430 : vector<16xf32>
        %add3A_4432 = arith.constant 48 : i32
        %add3A_4433 = arith.addi %add3A_4432, %select_n3A_4222 : i32
        %get3A_4434 = arith.index_cast %add3A_4433 : i32 to index
        %get3A_4435 = arith.index_cast %multiple_of3A_4227 : i32 to index
        %get3A_4436 = tpu.vector_load %arg12[%get3A_4434, %get3A_4435] {strides = array<i32>} : memref<128x128xf32, #tpu.memory_space<vmem>>, vector<16xf32>,
        %add3A_4437 = arith.constant 48 : i32
        %add3A_4438 = arith.addi %add3A_4437, %select_n3A_4222 : i32
        %get3A_4439 = arith.index_cast %add3A_4438 : i32 to index
        %get3A_4440 = arith.index_cast %multiple_of3A_4227 : i32 to index
        %get3A_4441 = tpu.vector_load %arg13[%get3A_4439, %get3A_4440] {strides = array<i32>} : memref<128x128xf32, #tpu.memory_space<vmem>>, vector<16xf32>,
        %get3A_4442 = arith.constant 12 : i32
        %get3A_4443 = arith.index_cast %get3A_4442 : i32 to index
        %get3A_4444 = arith.constant 0 : index
        %get3A_4445 = tpu.vector_load %arg14[%get3A_4443, %get3A_4444] {strides = array<i32>} : memref<33x16xf32, #tpu.memory_space<vmem>>, vector<16xf32>,
        %mul3A_4446 = arith.mulf %get3A_4436, %get3A_4441 : vector<16xf32>
        %mul3A_4447 = arith.mulf %mul3A_4446, %get3A_4445 : vector<16xf32>
        %add3A_4448 = arith.addf %add3A_4431, %mul3A_4447 : vector<16xf32>
        %add3A_4449 = arith.constant 52 : i32
        %add3A_4450 = arith.addi %add3A_4449, %select_n3A_4222 : i32
        %get3A_4451 = arith.index_cast %add3A_4450 : i32 to index
        %get3A_4452 = arith.index_cast %multiple_of3A_4227 : i32 to index
        %get3A_4453 = tpu.vector_load %arg12[%get3A_4451, %get3A_4452] {strides = array<i32>} : memref<128x128xf32, #tpu.memory_space<vmem>>, vector<16xf32>,
        %add3A_4454 = arith.constant 52 : i32
        %add3A_4455 = arith.addi %add3A_4454, %select_n3A_4222 : i32
        %get3A_4456 = arith.index_cast %add3A_4455 : i32 to index
        %get3A_4457 = arith.index_cast %multiple_of3A_4227 : i32 to index
        %get3A_4458 = tpu.vector_load %arg13[%get3A_4456, %get3A_4457] {strides = array<i32>} : memref<128x128xf32, #tpu.memory_space<vmem>>, vector<16xf32>,
        %get3A_4459 = arith.constant 13 : i32
        %get3A_4460 = arith.index_cast %get3A_4459 : i32 to index
        %get3A_4461 = arith.constant 0 : index
        %get3A_4462 = tpu.vector_load %arg14[%get3A_4460, %get3A_4461] {strides = array<i32>} : memref<33x16xf32, #tpu.memory_space<vmem>>, vector<16xf32>,
        %mul3A_4463 = arith.mulf %get3A_4453, %get3A_4458 : vector<16xf32>
        %mul3A_4464 = arith.mulf %mul3A_4463, %get3A_4462 : vector<16xf32>
        %add3A_4465 = arith.addf %add3A_4448, %mul3A_4464 : vector<16xf32>
        %add3A_4466 = arith.constant 56 : i32
        %add3A_4467 = arith.addi %add3A_4466, %select_n3A_4222 : i32
        %get3A_4468 = arith.index_cast %add3A_4467 : i32 to index
        %get3A_4469 = arith.index_cast %multiple_of3A_4227 : i32 to index
        %get3A_4470 = tpu.vector_load %arg12[%get3A_4468, %get3A_4469] {strides = array<i32>} : memref<128x128xf32, #tpu.memory_space<vmem>>, vector<16xf32>,
        %add3A_4471 = arith.constant 56 : i32
        %add3A_4472 = arith.addi %add3A_4471, %select_n3A_4222 : i32
        %get3A_4473 = arith.index_cast %add3A_4472 : i32 to index
        %get3A_4474 = arith.index_cast %multiple_of3A_4227 : i32 to index
        %get3A_4475 = tpu.vector_load %arg13[%get3A_4473, %get3A_4474] {strides = array<i32>} : memref<128x128xf32, #tpu.memory_space<vmem>>, vector<16xf32>,
        %get3A_4476 = arith.constant 14 : i32
        %get3A_4477 = arith.index_cast %get3A_4476 : i32 to index
        %get3A_4478 = arith.constant 0 : index
        %get3A_4479 = tpu.vector_load %arg14[%get3A_4477, %get3A_4478] {strides = array<i32>} : memref<33x16xf32, #tpu.memory_space<vmem>>, vector<16xf32>,
        %mul3A_4480 = arith.mulf %get3A_4470, %get3A_4475 : vector<16xf32>
        %mul3A_4481 = arith.mulf %mul3A_4480, %get3A_4479 : vector<16xf32>
        %add3A_4482 = arith.addf %add3A_4465, %mul3A_4481 : vector<16xf32>
        %add3A_4483 = arith.constant 60 : i32
        %add3A_4484 = arith.addi %add3A_4483, %select_n3A_4222 : i32
        %get3A_4485 = arith.index_cast %add3A_4484 : i32 to index
        %get3A_4486 = arith.index_cast %multiple_of3A_4227 : i32 to index
        %get3A_4487 = tpu.vector_load %arg12[%get3A_4485, %get3A_4486] {strides = array<i32>} : memref<128x128xf32, #tpu.memory_space<vmem>>, vector<16xf32>,
        %add3A_4488 = arith.constant 60 : i32
        %add3A_4489 = arith.addi %add3A_4488, %select_n3A_4222 : i32
        %get3A_4490 = arith.index_cast %add3A_4489 : i32 to index
        %get3A_4491 = arith.index_cast %multiple_of3A_4227 : i32 to index
        %get3A_4492 = tpu.vector_load %arg13[%get3A_4490, %get3A_4491] {strides = array<i32>} : memref<128x128xf32, #tpu.memory_space<vmem>>, vector<16xf32>,
        %get3A_4493 = arith.constant 15 : i32
        %get3A_4494 = arith.index_cast %get3A_4493 : i32 to index
        %get3A_4495 = arith.constant 0 : index
        %get3A_4496 = tpu.vector_load %arg14[%get3A_4494, %get3A_4495] {strides = array<i32>} : memref<33x16xf32, #tpu.memory_space<vmem>>, vector<16xf32>,
        %mul3A_4497 = arith.mulf %get3A_4487, %get3A_4492 : vector<16xf32>
        %mul3A_4498 = arith.mulf %mul3A_4497, %get3A_4496 : vector<16xf32>
        %add3A_4499 = arith.addf %add3A_4482, %mul3A_4498 : vector<16xf32>
        %add3A_4500 = arith.constant 64 : i32
        %add3A_4501 = arith.addi %add3A_4500, %select_n3A_4222 : i32
        %get3A_4502 = arith.index_cast %add3A_4501 : i32 to index
        %get3A_4503 = arith.index_cast %multiple_of3A_4227 : i32 to index
        %get3A_4504 = tpu.vector_load %arg12[%get3A_4502, %get3A_4503] {strides = array<i32>} : memref<128x128xf32, #tpu.memory_space<vmem>>, vector<16xf32>,
        %add3A_4505 = arith.constant 64 : i32
        %add3A_4506 = arith.addi %add3A_4505, %select_n3A_4222 : i32
        %get3A_4507 = arith.index_cast %add3A_4506 : i32 to index
        %get3A_4508 = arith.index_cast %multiple_of3A_4227 : i32 to index
        %get3A_4509 = tpu.vector_load %arg13[%get3A_4507, %get3A_4508] {strides = array<i32>} : memref<128x128xf32, #tpu.memory_space<vmem>>, vector<16xf32>,
        %get3A_4510 = arith.constant 16 : i32
        %get3A_4511 = arith.index_cast %get3A_4510 : i32 to index
        %get3A_4512 = arith.constant 0 : index
        %get3A_4513 = tpu.vector_load %arg14[%get3A_4511, %get3A_4512] {strides = array<i32>} : memref<33x16xf32, #tpu.memory_space<vmem>>, vector<16xf32>,
        %mul3A_4514 = arith.mulf %get3A_4504, %get3A_4509 : vector<16xf32>
        %mul3A_4515 = arith.mulf %mul3A_4514, %get3A_4513 : vector<16xf32>
        %add3A_4516 = arith.addf %add3A_4499, %mul3A_4515 : vector<16xf32>
        %add3A_4517 = arith.constant 68 : i32
        %add3A_4518 = arith.addi %add3A_4517, %select_n3A_4222 : i32
        %get3A_4519 = arith.index_cast %add3A_4518 : i32 to index
        %get3A_4520 = arith.index_cast %multiple_of3A_4227 : i32 to index
        %get3A_4521 = tpu.vector_load %arg12[%get3A_4519, %get3A_4520] {strides = array<i32>} : memref<128x128xf32, #tpu.memory_space<vmem>>, vector<16xf32>,
        %add3A_4522 = arith.constant 68 : i32
        %add3A_4523 = arith.addi %add3A_4522, %select_n3A_4222 : i32
        %get3A_4524 = arith.index_cast %add3A_4523 : i32 to index
        %get3A_4525 = arith.index_cast %multiple_of3A_4227 : i32 to index
        %get3A_4526 = tpu.vector_load %arg13[%get3A_4524, %get3A_4525] {strides = array<i32>} : memref<128x128xf32, #tpu.memory_space<vmem>>, vector<16xf32>,
        %get3A_4527 = arith.constant 17 : i32
        %get3A_4528 = arith.index_cast %get3A_4527 : i32 to index
        %get3A_4529 = arith.constant 0 : index
        %get3A_4530 = tpu.vector_load %arg14[%get3A_4528, %get3A_4529] {strides = array<i32>} : memref<33x16xf32, #tpu.memory_space<vmem>>, vector<16xf32>,
        %mul3A_4531 = arith.mulf %get3A_4521, %get3A_4526 : vector<16xf32>
        %mul3A_4532 = arith.mulf %mul3A_4531, %get3A_4530 : vector<16xf32>
        %add3A_4533 = arith.addf %add3A_4516, %mul3A_4532 : vector<16xf32>
        %add3A_4534 = arith.constant 72 : i32
        %add3A_4535 = arith.addi %add3A_4534, %select_n3A_4222 : i32
        %get3A_4536 = arith.index_cast %add3A_4535 : i32 to index
        %get3A_4537 = arith.index_cast %multiple_of3A_4227 : i32 to index
        %get3A_4538 = tpu.vector_load %arg12[%get3A_4536, %get3A_4537] {strides = array<i32>} : memref<128x128xf32, #tpu.memory_space<vmem>>, vector<16xf32>,
        %add3A_4539 = arith.constant 72 : i32
        %add3A_4540 = arith.addi %add3A_4539, %select_n3A_4222 : i32
        %get3A_4541 = arith.index_cast %add3A_4540 : i32 to index
        %get3A_4542 = arith.index_cast %multiple_of3A_4227 : i32 to index
        %get3A_4543 = tpu.vector_load %arg13[%get3A_4541, %get3A_4542] {strides = array<i32>} : memref<128x128xf32, #tpu.memory_space<vmem>>, vector<16xf32>,
        %get3A_4544 = arith.constant 18 : i32
        %get3A_4545 = arith.index_cast %get3A_4544 : i32 to index
        %get3A_4546 = arith.constant 0 : index
        %get3A_4547 = tpu.vector_load %arg14[%get3A_4545, %get3A_4546] {strides = array<i32>} : memref<33x16xf32, #tpu.memory_space<vmem>>, vector<16xf32>,
        %mul3A_4548 = arith.mulf %get3A_4538, %get3A_4543 : vector<16xf32>
        %mul3A_4549 = arith.mulf %mul3A_4548, %get3A_4547 : vector<16xf32>
        %add3A_4550 = arith.addf %add3A_4533, %mul3A_4549 : vector<16xf32>
        %add3A_4551 = arith.constant 76 : i32
        %add3A_4552 = arith.addi %add3A_4551, %select_n3A_4222 : i32
        %get3A_4553 = arith.index_cast %add3A_4552 : i32 to index
        %get3A_4554 = arith.index_cast %multiple_of3A_4227 : i32 to index
        %get3A_4555 = tpu.vector_load %arg12[%get3A_4553, %get3A_4554] {strides = array<i32>} : memref<128x128xf32, #tpu.memory_space<vmem>>, vector<16xf32>,
        %add3A_4556 = arith.constant 76 : i32
        %add3A_4557 = arith.addi %add3A_4556, %select_n3A_4222 : i32
        %get3A_4558 = arith.index_cast %add3A_4557 : i32 to index
        %get3A_4559 = arith.index_cast %multiple_of3A_4227 : i32 to index
        %get3A_4560 = tpu.vector_load %arg13[%get3A_4558, %get3A_4559] {strides = array<i32>} : memref<128x128xf32, #tpu.memory_space<vmem>>, vector<16xf32>,
        %get3A_4561 = arith.constant 19 : i32
        %get3A_4562 = arith.index_cast %get3A_4561 : i32 to index
        %get3A_4563 = arith.constant 0 : index
        %get3A_4564 = tpu.vector_load %arg14[%get3A_4562, %get3A_4563] {strides = array<i32>} : memref<33x16xf32, #tpu.memory_space<vmem>>, vector<16xf32>,
        %mul3A_4565 = arith.mulf %get3A_4555, %get3A_4560 : vector<16xf32>
        %mul3A_4566 = arith.mulf %mul3A_4565, %get3A_4564 : vector<16xf32>
        %add3A_4567 = arith.addf %add3A_4550, %mul3A_4566 : vector<16xf32>
        %add3A_4568 = arith.constant 80 : i32
        %add3A_4569 = arith.addi %add3A_4568, %select_n3A_4222 : i32
        %get3A_4570 = arith.index_cast %add3A_4569 : i32 to index
        %get3A_4571 = arith.index_cast %multiple_of3A_4227 : i32 to index
        %get3A_4572 = tpu.vector_load %arg12[%get3A_4570, %get3A_4571] {strides = array<i32>} : memref<128x128xf32, #tpu.memory_space<vmem>>, vector<16xf32>,
        %add3A_4573 = arith.constant 80 : i32
        %add3A_4574 = arith.addi %add3A_4573, %select_n3A_4222 : i32
        %get3A_4575 = arith.index_cast %add3A_4574 : i32 to index
        %get3A_4576 = arith.index_cast %multiple_of3A_4227 : i32 to index
        %get3A_4577 = tpu.vector_load %arg13[%get3A_4575, %get3A_4576] {strides = array<i32>} : memref<128x128xf32, #tpu.memory_space<vmem>>, vector<16xf32>,
        %get3A_4578 = arith.constant 20 : i32
        %get3A_4579 = arith.index_cast %get3A_4578 : i32 to index
        %get3A_4580 = arith.constant 0 : index
        %get3A_4581 = tpu.vector_load %arg14[%get3A_4579, %get3A_4580] {strides = array<i32>} : memref<33x16xf32, #tpu.memory_space<vmem>>, vector<16xf32>,
        %mul3A_4582 = arith.mulf %get3A_4572, %get3A_4577 : vector<16xf32>
        %mul3A_4583 = arith.mulf %mul3A_4582, %get3A_4581 : vector<16xf32>
        %add3A_4584 = arith.addf %add3A_4567, %mul3A_4583 : vector<16xf32>
        %add3A_4585 = arith.constant 84 : i32
        %add3A_4586 = arith.addi %add3A_4585, %select_n3A_4222 : i32
        %get3A_4587 = arith.index_cast %add3A_4586 : i32 to index
        %get3A_4588 = arith.index_cast %multiple_of3A_4227 : i32 to index
        %get3A_4589 = tpu.vector_load %arg12[%get3A_4587, %get3A_4588] {strides = array<i32>} : memref<128x128xf32, #tpu.memory_space<vmem>>, vector<16xf32>,
        %add3A_4590 = arith.constant 84 : i32
        %add3A_4591 = arith.addi %add3A_4590, %select_n3A_4222 : i32
        %get3A_4592 = arith.index_cast %add3A_4591 : i32 to index
        %get3A_4593 = arith.index_cast %multiple_of3A_4227 : i32 to index
        %get3A_4594 = tpu.vector_load %arg13[%get3A_4592, %get3A_4593] {strides = array<i32>} : memref<128x128xf32, #tpu.memory_space<vmem>>, vector<16xf32>,
        %get3A_4595 = arith.constant 21 : i32
        %get3A_4596 = arith.index_cast %get3A_4595 : i32 to index
        %get3A_4597 = arith.constant 0 : index
        %get3A_4598 = tpu.vector_load %arg14[%get3A_4596, %get3A_4597] {strides = array<i32>} : memref<33x16xf32, #tpu.memory_space<vmem>>, vector<16xf32>,
        %mul3A_4599 = arith.mulf %get3A_4589, %get3A_4594 : vector<16xf32>
        %mul3A_4600 = arith.mulf %mul3A_4599, %get3A_4598 : vector<16xf32>
        %add3A_4601 = arith.addf %add3A_4584, %mul3A_4600 : vector<16xf32>
        %add3A_4602 = arith.constant 88 : i32
        %add3A_4603 = arith.addi %add3A_4602, %select_n3A_4222 : i32
        %get3A_4604 = arith.index_cast %add3A_4603 : i32 to index
        %get3A_4605 = arith.index_cast %multiple_of3A_4227 : i32 to index
        %get3A_4606 = tpu.vector_load %arg12[%get3A_4604, %get3A_4605] {strides = array<i32>} : memref<128x128xf32, #tpu.memory_space<vmem>>, vector<16xf32>,
        %add3A_4607 = arith.constant 88 : i32
        %add3A_4608 = arith.addi %add3A_4607, %select_n3A_4222 : i32
        %get3A_4609 = arith.index_cast %add3A_4608 : i32 to index
        %get3A_4610 = arith.index_cast %multiple_of3A_4227 : i32 to index
        %get3A_4611 = tpu.vector_load %arg13[%get3A_4609, %get3A_4610] {strides = array<i32>} : memref<128x128xf32, #tpu.memory_space<vmem>>, vector<16xf32>,
        %get3A_4612 = arith.constant 22 : i32
        %get3A_4613 = arith.index_cast %get3A_4612 : i32 to index
        %get3A_4614 = arith.constant 0 : index
        %get3A_4615 = tpu.vector_load %arg14[%get3A_4613, %get3A_4614] {strides = array<i32>} : memref<33x16xf32, #tpu.memory_space<vmem>>, vector<16xf32>,
        %mul3A_4616 = arith.mulf %get3A_4606, %get3A_4611 : vector<16xf32>
        %mul3A_4617 = arith.mulf %mul3A_4616, %get3A_4615 : vector<16xf32>
        %add3A_4618 = arith.addf %add3A_4601, %mul3A_4617 : vector<16xf32>
        %add3A_4619 = arith.constant 92 : i32
        %add3A_4620 = arith.addi %add3A_4619, %select_n3A_4222 : i32
        %get3A_4621 = arith.index_cast %add3A_4620 : i32 to index
        %get3A_4622 = arith.index_cast %multiple_of3A_4227 : i32 to index
        %get3A_4623 = tpu.vector_load %arg12[%get3A_4621, %get3A_4622] {strides = array<i32>} : memref<128x128xf32, #tpu.memory_space<vmem>>, vector<16xf32>,
        %add3A_4624 = arith.constant 92 : i32
        %add3A_4625 = arith.addi %add3A_4624, %select_n3A_4222 : i32
        %get3A_4626 = arith.index_cast %add3A_4625 : i32 to index
        %get3A_4627 = arith.index_cast %multiple_of3A_4227 : i32 to index
        %get3A_4628 = tpu.vector_load %arg13[%get3A_4626, %get3A_4627] {strides = array<i32>} : memref<128x128xf32, #tpu.memory_space<vmem>>, vector<16xf32>,
        %get3A_4629 = arith.constant 23 : i32
        %get3A_4630 = arith.index_cast %get3A_4629 : i32 to index
        %get3A_4631 = arith.constant 0 : index
        %get3A_4632 = tpu.vector_load %arg14[%get3A_4630, %get3A_4631] {strides = array<i32>} : memref<33x16xf32, #tpu.memory_space<vmem>>, vector<16xf32>,
        %mul3A_4633 = arith.mulf %get3A_4623, %get3A_4628 : vector<16xf32>
        %mul3A_4634 = arith.mulf %mul3A_4633, %get3A_4632 : vector<16xf32>
        %add3A_4635 = arith.addf %add3A_4618, %mul3A_4634 : vector<16xf32>
        %add3A_4636 = arith.constant 96 : i32
        %add3A_4637 = arith.addi %add3A_4636, %select_n3A_4222 : i32
        %get3A_4638 = arith.index_cast %add3A_4637 : i32 to index
        %get3A_4639 = arith.index_cast %multiple_of3A_4227 : i32 to index
        %get3A_4640 = tpu.vector_load %arg12[%get3A_4638, %get3A_4639] {strides = array<i32>} : memref<128x128xf32, #tpu.memory_space<vmem>>, vector<16xf32>,
        %add3A_4641 = arith.constant 96 : i32
        %add3A_4642 = arith.addi %add3A_4641, %select_n3A_4222 : i32
        %get3A_4643 = arith.index_cast %add3A_4642 : i32 to index
        %get3A_4644 = arith.index_cast %multiple_of3A_4227 : i32 to index
        %get3A_4645 = tpu.vector_load %arg13[%get3A_4643, %get3A_4644] {strides = array<i32>} : memref<128x128xf32, #tpu.memory_space<vmem>>, vector<16xf32>,
        %get3A_4646 = arith.constant 24 : i32
        %get3A_4647 = arith.index_cast %get3A_4646 : i32 to index
        %get3A_4648 = arith.constant 0 : index
        %get3A_4649 = tpu.vector_load %arg14[%get3A_4647, %get3A_4648] {strides = array<i32>} : memref<33x16xf32, #tpu.memory_space<vmem>>, vector<16xf32>,
        %mul3A_4650 = arith.mulf %get3A_4640, %get3A_4645 : vector<16xf32>
        %mul3A_4651 = arith.mulf %mul3A_4650, %get3A_4649 : vector<16xf32>
        %add3A_4652 = arith.addf %add3A_4635, %mul3A_4651 : vector<16xf32>
        %add3A_4653 = arith.constant 100 : i32
        %add3A_4654 = arith.addi %add3A_4653, %select_n3A_4222 : i32
        %get3A_4655 = arith.index_cast %add3A_4654 : i32 to index
        %get3A_4656 = arith.index_cast %multiple_of3A_4227 : i32 to index
        %get3A_4657 = tpu.vector_load %arg12[%get3A_4655, %get3A_4656] {strides = array<i32>} : memref<128x128xf32, #tpu.memory_space<vmem>>, vector<16xf32>,
        %add3A_4658 = arith.constant 100 : i32
        %add3A_4659 = arith.addi %add3A_4658, %select_n3A_4222 : i32
        %get3A_4660 = arith.index_cast %add3A_4659 : i32 to index
        %get3A_4661 = arith.index_cast %multiple_of3A_4227 : i32 to index
        %get3A_4662 = tpu.vector_load %arg13[%get3A_4660, %get3A_4661] {strides = array<i32>} : memref<128x128xf32, #tpu.memory_space<vmem>>, vector<16xf32>,
        %get3A_4663 = arith.constant 25 : i32
        %get3A_4664 = arith.index_cast %get3A_4663 : i32 to index
        %get3A_4665 = arith.constant 0 : index
        %get3A_4666 = tpu.vector_load %arg14[%get3A_4664, %get3A_4665] {strides = array<i32>} : memref<33x16xf32, #tpu.memory_space<vmem>>, vector<16xf32>,
        %mul3A_4667 = arith.mulf %get3A_4657, %get3A_4662 : vector<16xf32>
        %mul3A_4668 = arith.mulf %mul3A_4667, %get3A_4666 : vector<16xf32>
        %add3A_4669 = arith.addf %add3A_4652, %mul3A_4668 : vector<16xf32>
        %add3A_4670 = arith.constant 104 : i32
        %add3A_4671 = arith.addi %add3A_4670, %select_n3A_4222 : i32
        %get3A_4672 = arith.index_cast %add3A_4671 : i32 to index
        %get3A_4673 = arith.index_cast %multiple_of3A_4227 : i32 to index
        %get3A_4674 = tpu.vector_load %arg12[%get3A_4672, %get3A_4673] {strides = array<i32>} : memref<128x128xf32, #tpu.memory_space<vmem>>, vector<16xf32>,
        %add3A_4675 = arith.constant 104 : i32
        %add3A_4676 = arith.addi %add3A_4675, %select_n3A_4222 : i32
        %get3A_4677 = arith.index_cast %add3A_4676 : i32 to index
        %get3A_4678 = arith.index_cast %multiple_of3A_4227 : i32 to index
        %get3A_4679 = tpu.vector_load %arg13[%get3A_4677, %get3A_4678] {strides = array<i32>} : memref<128x128xf32, #tpu.memory_space<vmem>>, vector<16xf32>,
        %get3A_4680 = arith.constant 26 : i32
        %get3A_4681 = arith.index_cast %get3A_4680 : i32 to index
        %get3A_4682 = arith.constant 0 : index
        %get3A_4683 = tpu.vector_load %arg14[%get3A_4681, %get3A_4682] {strides = array<i32>} : memref<33x16xf32, #tpu.memory_space<vmem>>, vector<16xf32>,
        %mul3A_4684 = arith.mulf %get3A_4674, %get3A_4679 : vector<16xf32>
        %mul3A_4685 = arith.mulf %mul3A_4684, %get3A_4683 : vector<16xf32>
        %add3A_4686 = arith.addf %add3A_4669, %mul3A_4685 : vector<16xf32>
        %add3A_4687 = arith.constant 108 : i32
        %add3A_4688 = arith.addi %add3A_4687, %select_n3A_4222 : i32
        %get3A_4689 = arith.index_cast %add3A_4688 : i32 to index
        %get3A_4690 = arith.index_cast %multiple_of3A_4227 : i32 to index
        %get3A_4691 = tpu.vector_load %arg12[%get3A_4689, %get3A_4690] {strides = array<i32>} : memref<128x128xf32, #tpu.memory_space<vmem>>, vector<16xf32>,
        %add3A_4692 = arith.constant 108 : i32
        %add3A_4693 = arith.addi %add3A_4692, %select_n3A_4222 : i32
        %get3A_4694 = arith.index_cast %add3A_4693 : i32 to index
        %get3A_4695 = arith.index_cast %multiple_of3A_4227 : i32 to index
        %get3A_4696 = tpu.vector_load %arg13[%get3A_4694, %get3A_4695] {strides = array<i32>} : memref<128x128xf32, #tpu.memory_space<vmem>>, vector<16xf32>,
        %get3A_4697 = arith.constant 27 : i32
        %get3A_4698 = arith.index_cast %get3A_4697 : i32 to index
        %get3A_4699 = arith.constant 0 : index
        %get3A_4700 = tpu.vector_load %arg14[%get3A_4698, %get3A_4699] {strides = array<i32>} : memref<33x16xf32, #tpu.memory_space<vmem>>, vector<16xf32>,
        %mul3A_4701 = arith.mulf %get3A_4691, %get3A_4696 : vector<16xf32>
        %mul3A_4702 = arith.mulf %mul3A_4701, %get3A_4700 : vector<16xf32>
        %add3A_4703 = arith.addf %add3A_4686, %mul3A_4702 : vector<16xf32>
        %add3A_4704 = arith.constant 112 : i32
        %add3A_4705 = arith.addi %add3A_4704, %select_n3A_4222 : i32
        %get3A_4706 = arith.index_cast %add3A_4705 : i32 to index
        %get3A_4707 = arith.index_cast %multiple_of3A_4227 : i32 to index
        %get3A_4708 = tpu.vector_load %arg12[%get3A_4706, %get3A_4707] {strides = array<i32>} : memref<128x128xf32, #tpu.memory_space<vmem>>, vector<16xf32>,
        %add3A_4709 = arith.constant 112 : i32
        %add3A_4710 = arith.addi %add3A_4709, %select_n3A_4222 : i32
        %get3A_4711 = arith.index_cast %add3A_4710 : i32 to index
        %get3A_4712 = arith.index_cast %multiple_of3A_4227 : i32 to index
        %get3A_4713 = tpu.vector_load %arg13[%get3A_4711, %get3A_4712] {strides = array<i32>} : memref<128x128xf32, #tpu.memory_space<vmem>>, vector<16xf32>,
        %get3A_4714 = arith.constant 28 : i32
        %get3A_4715 = arith.index_cast %get3A_4714 : i32 to index
        %get3A_4716 = arith.constant 0 : index
        %get3A_4717 = tpu.vector_load %arg14[%get3A_4715, %get3A_4716] {strides = array<i32>} : memref<33x16xf32, #tpu.memory_space<vmem>>, vector<16xf32>,
        %mul3A_4718 = arith.mulf %get3A_4708, %get3A_4713 : vector<16xf32>
        %mul3A_4719 = arith.mulf %mul3A_4718, %get3A_4717 : vector<16xf32>
        %add3A_4720 = arith.addf %add3A_4703, %mul3A_4719 : vector<16xf32>
        %add3A_4721 = arith.constant 116 : i32
        %add3A_4722 = arith.addi %add3A_4721, %select_n3A_4222 : i32
        %get3A_4723 = arith.index_cast %add3A_4722 : i32 to index
        %get3A_4724 = arith.index_cast %multiple_of3A_4227 : i32 to index
        %get3A_4725 = tpu.vector_load %arg12[%get3A_4723, %get3A_4724] {strides = array<i32>} : memref<128x128xf32, #tpu.memory_space<vmem>>, vector<16xf32>,
        %add3A_4726 = arith.constant 116 : i32
        %add3A_4727 = arith.addi %add3A_4726, %select_n3A_4222 : i32
        %get3A_4728 = arith.index_cast %add3A_4727 : i32 to index
        %get3A_4729 = arith.index_cast %multiple_of3A_4227 : i32 to index
        %get3A_4730 = tpu.vector_load %arg13[%get3A_4728, %get3A_4729] {strides = array<i32>} : memref<128x128xf32, #tpu.memory_space<vmem>>, vector<16xf32>,
        %get3A_4731 = arith.constant 29 : i32
        %get3A_4732 = arith.index_cast %get3A_4731 : i32 to index
        %get3A_4733 = arith.constant 0 : index
        %get3A_4734 = tpu.vector_load %arg14[%get3A_4732, %get3A_4733] {strides = array<i32>} : memref<33x16xf32, #tpu.memory_space<vmem>>, vector<16xf32>,
        %mul3A_4735 = arith.mulf %get3A_4725, %get3A_4730 : vector<16xf32>
        %mul3A_4736 = arith.mulf %mul3A_4735, %get3A_4734 : vector<16xf32>
        %add3A_4737 = arith.addf %add3A_4720, %mul3A_4736 : vector<16xf32>
        %add3A_4738 = arith.constant 120 : i32
        %add3A_4739 = arith.addi %add3A_4738, %select_n3A_4222 : i32
        %get3A_4740 = arith.index_cast %add3A_4739 : i32 to index
        %get3A_4741 = arith.index_cast %multiple_of3A_4227 : i32 to index
        %get3A_4742 = tpu.vector_load %arg12[%get3A_4740, %get3A_4741] {strides = array<i32>} : memref<128x128xf32, #tpu.memory_space<vmem>>, vector<16xf32>,
        %add3A_4743 = arith.constant 120 : i32
        %add3A_4744 = arith.addi %add3A_4743, %select_n3A_4222 : i32
        %get3A_4745 = arith.index_cast %add3A_4744 : i32 to index
        %get3A_4746 = arith.index_cast %multiple_of3A_4227 : i32 to index
        %get3A_4747 = tpu.vector_load %arg13[%get3A_4745, %get3A_4746] {strides = array<i32>} : memref<128x128xf32, #tpu.memory_space<vmem>>, vector<16xf32>,
        %get3A_4748 = arith.constant 30 : i32
        %get3A_4749 = arith.index_cast %get3A_4748 : i32 to index
        %get3A_4750 = arith.constant 0 : index
        %get3A_4751 = tpu.vector_load %arg14[%get3A_4749, %get3A_4750] {strides = array<i32>} : memref<33x16xf32, #tpu.memory_space<vmem>>, vector<16xf32>,
        %mul3A_4752 = arith.mulf %get3A_4742, %get3A_4747 : vector<16xf32>
        %mul3A_4753 = arith.mulf %mul3A_4752, %get3A_4751 : vector<16xf32>
        %add3A_4754 = arith.addf %add3A_4737, %mul3A_4753 : vector<16xf32>
        %add3A_4755 = arith.constant 124 : i32
        %add3A_4756 = arith.addi %add3A_4755, %select_n3A_4222 : i32
        %get3A_4757 = arith.index_cast %add3A_4756 : i32 to index
        %get3A_4758 = arith.index_cast %multiple_of3A_4227 : i32 to index
        %get3A_4759 = tpu.vector_load %arg12[%get3A_4757, %get3A_4758] {strides = array<i32>} : memref<128x128xf32, #tpu.memory_space<vmem>>, vector<16xf32>,
        %add3A_4760 = arith.constant 124 : i32
        %add3A_4761 = arith.addi %add3A_4760, %select_n3A_4222 : i32
        %get3A_4762 = arith.index_cast %add3A_4761 : i32 to index
        %get3A_4763 = arith.index_cast %multiple_of3A_4227 : i32 to index
        %get3A_4764 = tpu.vector_load %arg13[%get3A_4762, %get3A_4763] {strides = array<i32>} : memref<128x128xf32, #tpu.memory_space<vmem>>, vector<16xf32>,
        %get3A_4765 = arith.constant 31 : i32
        %get3A_4766 = arith.index_cast %get3A_4765 : i32 to index
        %get3A_4767 = arith.constant 0 : index
        %get3A_4768 = tpu.vector_load %arg14[%get3A_4766, %get3A_4767] {strides = array<i32>} : memref<33x16xf32, #tpu.memory_space<vmem>>, vector<16xf32>,
        %mul3A_4769 = arith.mulf %get3A_4759, %get3A_4764 : vector<16xf32>
        %mul3A_4770 = arith.mulf %mul3A_4769, %get3A_4768 : vector<16xf32>
        %add3A_4771 = arith.addf %add3A_4754, %mul3A_4770 : vector<16xf32>
        %neg3A_4772 = arith.constant 0.000000e+00 : f32
        %neg3A_4773 = vector.broadcast %neg3A_4772 : f32 to vector<16xf32>
        %neg3A_4774 = arith.subf %neg3A_4773, %add3A_4771 : vector<16xf32>
        %exp3A_4775 = math.exp %neg3A_4774 : vector<16xf32>
        %add3A_4776 = arith.constant 1.000000e+00 : f32
        %add3A_4777 = vector.broadcast %add3A_4776 : f32 to vector<16xf32>
        %add3A_4778 = arith.addf %add3A_4777, %exp3A_4775 : vector<16xf32>
        %div3A_4779 = arith.constant 1.000000e+00 : f32
        %div3A_4780 = vector.broadcast %div3A_4779 : f32 to vector<16xf32>
        %div3A_4781 = arith.divf %div3A_4780, %add3A_4778 : vector<16xf32>
        %mul3A_4782 = arith.constant 16 : i32
        %mul3A_4783 = arith.muli %sub3A_4198, %mul3A_4782 : i32
        %multiple_of3A_4784 = tpu.assume_multiple %mul3A_4783, 16 : i32
        %swap3A_4785 = arith.index_cast %multiple_of3A_4784 : i32 to index
        %swap3A_4786 = tpu.vector_load %arg15[%swap3A_4785] {strides = array<i32>} : memref<512xf32, #tpu.memory_space<vmem>>, vector<16xf32>,
        tpu.vector_store %arg15[%swap3A_4785], %div3A_4781 {strides = array<i32>} : memref<512xf32, #tpu.memory_space<vmem>>, vector<16xf32>,
      } else {
      }
    }
    %scan3A_732 = arith.constant 63 : i32
    %scan3A_733 = arith.constant 0 : i32
    %scan3A_734 = arith.constant 0 : i32
    %get3A_735 = arith.constant 504 : index
    %get3A_736 = tpu.vector_load %arg8[%get3A_735] {strides = array<i32>} : memref<528xi32, #tpu.memory_space<vmem>>, vector<16xi32>,
    %get3A_737 = arith.constant 504 : index
    %get3A_738 = tpu.vector_load %arg9[%get3A_737] {strides = array<i32>} : memref<528xi32, #tpu.memory_space<vmem>>, vector<16xi32>,
    %slice3A_739 = vector.extract_strided_slice %get3A_736 {offsets = [0], sizes = [1], strides = [1]} : vector<16xi32> to vector<1xi32>
    %squeeze3A_740 = vector.extract %slice3A_739[0] : i32 from vector<1xi32>
    %slice3A_741 = vector.extract_strided_slice %get3A_738 {offsets = [0], sizes = [1], strides = [1]} : vector<16xi32> to vector<1xi32>
    %squeeze3A_742 = vector.extract %slice3A_741[0] : i32 from vector<1xi32>
    %dma_wait3A = arith.constant 0 : i32
    %dma_wait3A_743 = arith.constant 0 : i32
    %dma_wait3A_744 = arith.constant 0 : i32
    %dma_wait3A_745 = arith.constant 0 : i32
    %dma_wait3A_746 = tpu.memref_slice %arg10[%dma_wait3A, %dma_wait3A_744, %dma_wait3A_745] : memref<8x32x128xf32, #tpu.memory_space<vmem>> -> memref<1x32x128xf32, #tpu.memory_space<vmem>>
    %dma_wait3A_747 = tpu.memref_squeeze %dma_wait3A_746 : memref<1x32x128xf32, #tpu.memory_space<vmem>> -> memref<32x128xf32, #tpu.memory_space<vmem>>
    %dma_wait3A_748 = arith.constant 0 : i32
    %dma_wait3A_749 = arith.constant 0 : i32
    %dma_wait3A_750 = tpu.memref_slice %arg4[%dma_wait3A_748, %dma_wait3A_749] : memref<32x1000000xf32, #tpu.memory_space<hbm>> -> memref<32x128xf32, #tpu.memory_space<hbm>>
    %dma_wait3A_751 = tpu.memref_slice %arg16[%dma_wait3A_743] : memref<8x!tpu.dma_semaphore, #tpu.memory_space<semaphore_mem>> -> memref<1x!tpu.dma_semaphore, #tpu.memory_space<semaphore_mem>>
    %dma_wait3A_752 = tpu.memref_squeeze %dma_wait3A_751 : memref<1x!tpu.dma_semaphore, #tpu.memory_space<semaphore_mem>> -> memref<!tpu.dma_semaphore, #tpu.memory_space<semaphore_mem>>
    %dma_wait3A_753 = arith.constant 0 : i32
    %dma_wait3A_754 = arith.constant 0 : i32
    %dma_wait3A_755 = tpu.memref_slice %arg10[%dma_wait3A, %dma_wait3A_753, %dma_wait3A_754] : memref<8x32x128xf32, #tpu.memory_space<vmem>> -> memref<1x32x128xf32, #tpu.memory_space<vmem>>
    %dma_wait3A_756 = tpu.memref_squeeze %dma_wait3A_755 : memref<1x32x128xf32, #tpu.memory_space<vmem>> -> memref<32x128xf32, #tpu.memory_space<vmem>>
    %dma_wait3A_757 = arith.constant 0 : i32
    %dma_wait3A_758 = arith.constant 0 : i32
    %dma_wait3A_759 = tpu.memref_slice %arg4[%dma_wait3A_757, %dma_wait3A_758] : memref<32x1000000xf32, #tpu.memory_space<hbm>> -> memref<32x128xf32, #tpu.memory_space<hbm>>
    tpu.wait_dma2 semaphore(%dma_wait3A_752 : memref<!tpu.dma_semaphore, #tpu.memory_space<semaphore_mem>>) src(%dma_wait3A_759 : memref<32x128xf32, #tpu.memory_space<hbm>>) dst(%dma_wait3A_756 : memref<32x128xf32, #tpu.memory_space<vmem>>)
    %dma_wait3A_760 = arith.constant 0 : i32
    %dma_wait3A_761 = arith.constant 0 : i32
    %dma_wait3A_762 = arith.constant 0 : i32
    %dma_wait3A_763 = arith.constant 0 : i32
    %dma_wait3A_764 = tpu.memref_slice %arg11[%dma_wait3A_760, %dma_wait3A_762, %dma_wait3A_763] : memref<8x32x128xf32, #tpu.memory_space<vmem>> -> memref<1x32x128xf32, #tpu.memory_space<vmem>>
    %dma_wait3A_765 = tpu.memref_squeeze %dma_wait3A_764 : memref<1x32x128xf32, #tpu.memory_space<vmem>> -> memref<32x128xf32, #tpu.memory_space<vmem>>
    %dma_wait3A_766 = arith.constant 0 : i32
    %dma_wait3A_767 = arith.constant 0 : i32
    %dma_wait3A_768 = tpu.memref_slice %arg5[%dma_wait3A_766, %dma_wait3A_767] : memref<32x1000000xf32, #tpu.memory_space<hbm>> -> memref<32x128xf32, #tpu.memory_space<hbm>>
    %dma_wait3A_769 = tpu.memref_slice %arg17[%dma_wait3A_761] : memref<8x!tpu.dma_semaphore, #tpu.memory_space<semaphore_mem>> -> memref<1x!tpu.dma_semaphore, #tpu.memory_space<semaphore_mem>>
    %dma_wait3A_770 = tpu.memref_squeeze %dma_wait3A_769 : memref<1x!tpu.dma_semaphore, #tpu.memory_space<semaphore_mem>> -> memref<!tpu.dma_semaphore, #tpu.memory_space<semaphore_mem>>
    %dma_wait3A_771 = arith.constant 0 : i32
    %dma_wait3A_772 = arith.constant 0 : i32
    %dma_wait3A_773 = tpu.memref_slice %arg11[%dma_wait3A_760, %dma_wait3A_771, %dma_wait3A_772] : memref<8x32x128xf32, #tpu.memory_space<vmem>> -> memref<1x32x128xf32, #tpu.memory_space<vmem>>
    %dma_wait3A_774 = tpu.memref_squeeze %dma_wait3A_773 : memref<1x32x128xf32, #tpu.memory_space<vmem>> -> memref<32x128xf32, #tpu.memory_space<vmem>>
    %dma_wait3A_775 = arith.constant 0 : i32
    %dma_wait3A_776 = arith.constant 0 : i32
    %dma_wait3A_777 = tpu.memref_slice %arg5[%dma_wait3A_775, %dma_wait3A_776] : memref<32x1000000xf32, #tpu.memory_space<hbm>> -> memref<32x128xf32, #tpu.memory_space<hbm>>
    tpu.wait_dma2 semaphore(%dma_wait3A_770 : memref<!tpu.dma_semaphore, #tpu.memory_space<semaphore_mem>>) src(%dma_wait3A_777 : memref<32x128xf32, #tpu.memory_space<hbm>>) dst(%dma_wait3A_774 : memref<32x128xf32, #tpu.memory_space<vmem>>)
    %rem3A_778 = arith.constant 128 : i32
    %rem3A_779 = arith.remsi %squeeze3A_740, %rem3A_778 : i32
    %rem3A_780 = arith.constant 504 : i32
    %rem3A_781 = arith.constant 128 : i32
    %rem3A_782 = arith.remsi %rem3A_780, %rem3A_781 : i32
    %broadcast_in_dim3A_783 = arith.constant 0 : i32
    %broadcast_in_dim3A_784 = vector.broadcast %broadcast_in_dim3A_783 : i32 to vector<16xi32>
    %add3A_785 = arith.constant 0 : i32
    %add3A_786 = vector.broadcast %add3A_785 : i32 to vector<16xi32>
    %add3A_787 = arith.addi %iota3A, %add3A_786 : vector<16xi32>
    %broadcast_in_dim3A_788 = vector.broadcast %rem3A_779 : i32 to vector<16xi32>
    %gather3A = tpu.vector_load_idx %arg10[%broadcast_in_dim3A_784, %add3A_787, %broadcast_in_dim3A_788] : memref<8x32x128xf32, #tpu.memory_space<vmem>>[vector<16xi32>, vector<16xi32>, vector<16xi32>], vector<16xf32>,
    %mul3A_789 = arith.constant 4 : i32
    %mul3A_790 = vector.broadcast %mul3A_789 : i32 to vector<16xi32>
    %mul3A_791 = arith.muli %iota3A, %mul3A_790 : vector<16xi32>
    %add3A_792 = arith.constant 3 : i32
    %add3A_793 = vector.broadcast %add3A_792 : i32 to vector<16xi32>
    %add3A_794 = arith.addi %mul3A_791, %add3A_793 : vector<16xi32>
    %broadcast_in_dim3A_795 = vector.broadcast %rem3A_782 : i32 to vector<16xi32>
    tpu.vector_store_idx %arg12[%add3A_794, %broadcast_in_dim3A_795], %gather3A : memref<128x128xf32, #tpu.memory_space<vmem>>[vector<16xi32>, vector<16xi32>], vector<16xf32>,
    %broadcast_in_dim3A_796 = arith.constant 0 : i32
    %broadcast_in_dim3A_797 = vector.broadcast %broadcast_in_dim3A_796 : i32 to vector<16xi32>
    %add3A_798 = arith.constant 16 : i32
    %add3A_799 = vector.broadcast %add3A_798 : i32 to vector<16xi32>
    %add3A_800 = arith.addi %iota3A, %add3A_799 : vector<16xi32>
    %broadcast_in_dim3A_801 = vector.broadcast %rem3A_779 : i32 to vector<16xi32>
    %gather3A_802 = tpu.vector_load_idx %arg10[%broadcast_in_dim3A_797, %add3A_800, %broadcast_in_dim3A_801] : memref<8x32x128xf32, #tpu.memory_space<vmem>>[vector<16xi32>, vector<16xi32>, vector<16xi32>], vector<16xf32>,
    %mul3A_803 = arith.constant 4 : i32
    %mul3A_804 = vector.broadcast %mul3A_803 : i32 to vector<16xi32>
    %mul3A_805 = arith.muli %iota3A, %mul3A_804 : vector<16xi32>
    %add3A_806 = arith.constant 67 : i32
    %add3A_807 = vector.broadcast %add3A_806 : i32 to vector<16xi32>
    %add3A_808 = arith.addi %mul3A_805, %add3A_807 : vector<16xi32>
    %broadcast_in_dim3A_809 = vector.broadcast %rem3A_782 : i32 to vector<16xi32>
    tpu.vector_store_idx %arg12[%add3A_808, %broadcast_in_dim3A_809], %gather3A_802 : memref<128x128xf32, #tpu.memory_space<vmem>>[vector<16xi32>, vector<16xi32>], vector<16xf32>,
    %rem3A_810 = arith.constant 128 : i32
    %rem3A_811 = arith.remsi %squeeze3A_742, %rem3A_810 : i32
    %rem3A_812 = arith.constant 504 : i32
    %rem3A_813 = arith.constant 128 : i32
    %rem3A_814 = arith.remsi %rem3A_812, %rem3A_813 : i32
    %broadcast_in_dim3A_815 = arith.constant 0 : i32
    %broadcast_in_dim3A_816 = vector.broadcast %broadcast_in_dim3A_815 : i32 to vector<16xi32>
    %add3A_817 = arith.constant 0 : i32
    %add3A_818 = vector.broadcast %add3A_817 : i32 to vector<16xi32>
    %add3A_819 = arith.addi %iota3A, %add3A_818 : vector<16xi32>
    %broadcast_in_dim3A_820 = vector.broadcast %rem3A_811 : i32 to vector<16xi32>
    %gather3A_821 = tpu.vector_load_idx %arg11[%broadcast_in_dim3A_816, %add3A_819, %broadcast_in_dim3A_820] : memref<8x32x128xf32, #tpu.memory_space<vmem>>[vector<16xi32>, vector<16xi32>, vector<16xi32>], vector<16xf32>,
    %mul3A_822 = arith.constant 4 : i32
    %mul3A_823 = vector.broadcast %mul3A_822 : i32 to vector<16xi32>
    %mul3A_824 = arith.muli %iota3A, %mul3A_823 : vector<16xi32>
    %add3A_825 = arith.constant 3 : i32
    %add3A_826 = vector.broadcast %add3A_825 : i32 to vector<16xi32>
    %add3A_827 = arith.addi %mul3A_824, %add3A_826 : vector<16xi32>
    %broadcast_in_dim3A_828 = vector.broadcast %rem3A_814 : i32 to vector<16xi32>
    tpu.vector_store_idx %arg13[%add3A_827, %broadcast_in_dim3A_828], %gather3A_821 : memref<128x128xf32, #tpu.memory_space<vmem>>[vector<16xi32>, vector<16xi32>], vector<16xf32>,
    %broadcast_in_dim3A_829 = arith.constant 0 : i32
    %broadcast_in_dim3A_830 = vector.broadcast %broadcast_in_dim3A_829 : i32 to vector<16xi32>
    %add3A_831 = arith.constant 16 : i32
    %add3A_832 = vector.broadcast %add3A_831 : i32 to vector<16xi32>
    %add3A_833 = arith.addi %iota3A, %add3A_832 : vector<16xi32>
    %broadcast_in_dim3A_834 = vector.broadcast %rem3A_811 : i32 to vector<16xi32>
    %gather3A_835 = tpu.vector_load_idx %arg11[%broadcast_in_dim3A_830, %add3A_833, %broadcast_in_dim3A_834] : memref<8x32x128xf32, #tpu.memory_space<vmem>>[vector<16xi32>, vector<16xi32>, vector<16xi32>], vector<16xf32>,
    %mul3A_836 = arith.constant 4 : i32
    %mul3A_837 = vector.broadcast %mul3A_836 : i32 to vector<16xi32>
    %mul3A_838 = arith.muli %iota3A, %mul3A_837 : vector<16xi32>
    %add3A_839 = arith.constant 67 : i32
    %add3A_840 = vector.broadcast %add3A_839 : i32 to vector<16xi32>
    %add3A_841 = arith.addi %mul3A_838, %add3A_840 : vector<16xi32>
    %broadcast_in_dim3A_842 = vector.broadcast %rem3A_814 : i32 to vector<16xi32>
    tpu.vector_store_idx %arg13[%add3A_841, %broadcast_in_dim3A_842], %gather3A_835 : memref<128x128xf32, #tpu.memory_space<vmem>>[vector<16xi32>, vector<16xi32>], vector<16xf32>,
    %slice3A_843 = vector.extract_strided_slice %get3A_736 {offsets = [1], sizes = [1], strides = [1]} : vector<16xi32> to vector<1xi32>
    %squeeze3A_844 = vector.extract %slice3A_843[0] : i32 from vector<1xi32>
    %slice3A_845 = vector.extract_strided_slice %get3A_738 {offsets = [1], sizes = [1], strides = [1]} : vector<16xi32> to vector<1xi32>
    %squeeze3A_846 = vector.extract %slice3A_845[0] : i32 from vector<1xi32>
    %dma_wait3A_847 = arith.constant 1 : i32
    %dma_wait3A_848 = arith.constant 1 : i32
    %dma_wait3A_849 = arith.constant 0 : i32
    %dma_wait3A_850 = arith.constant 0 : i32
    %dma_wait3A_851 = tpu.memref_slice %arg10[%dma_wait3A_847, %dma_wait3A_849, %dma_wait3A_850] : memref<8x32x128xf32, #tpu.memory_space<vmem>> -> memref<1x32x128xf32, #tpu.memory_space<vmem>>
    %dma_wait3A_852 = tpu.memref_squeeze %dma_wait3A_851 : memref<1x32x128xf32, #tpu.memory_space<vmem>> -> memref<32x128xf32, #tpu.memory_space<vmem>>
    %dma_wait3A_853 = arith.constant 0 : i32
    %dma_wait3A_854 = arith.constant 0 : i32
    %dma_wait3A_855 = tpu.memref_slice %arg4[%dma_wait3A_853, %dma_wait3A_854] : memref<32x1000000xf32, #tpu.memory_space<hbm>> -> memref<32x128xf32, #tpu.memory_space<hbm>>
    %dma_wait3A_856 = tpu.memref_slice %arg16[%dma_wait3A_848] : memref<8x!tpu.dma_semaphore, #tpu.memory_space<semaphore_mem>> -> memref<1x!tpu.dma_semaphore, #tpu.memory_space<semaphore_mem>>
    %dma_wait3A_857 = tpu.memref_squeeze %dma_wait3A_856 : memref<1x!tpu.dma_semaphore, #tpu.memory_space<semaphore_mem>> -> memref<!tpu.dma_semaphore, #tpu.memory_space<semaphore_mem>>
    %dma_wait3A_858 = arith.constant 0 : i32
    %dma_wait3A_859 = arith.constant 0 : i32
    %dma_wait3A_860 = tpu.memref_slice %arg10[%dma_wait3A_847, %dma_wait3A_858, %dma_wait3A_859] : memref<8x32x128xf32, #tpu.memory_space<vmem>> -> memref<1x32x128xf32, #tpu.memory_space<vmem>>
    %dma_wait3A_861 = tpu.memref_squeeze %dma_wait3A_860 : memref<1x32x128xf32, #tpu.memory_space<vmem>> -> memref<32x128xf32, #tpu.memory_space<vmem>>
    %dma_wait3A_862 = arith.constant 0 : i32
    %dma_wait3A_863 = arith.constant 0 : i32
    %dma_wait3A_864 = tpu.memref_slice %arg4[%dma_wait3A_862, %dma_wait3A_863] : memref<32x1000000xf32, #tpu.memory_space<hbm>> -> memref<32x128xf32, #tpu.memory_space<hbm>>
    tpu.wait_dma2 semaphore(%dma_wait3A_857 : memref<!tpu.dma_semaphore, #tpu.memory_space<semaphore_mem>>) src(%dma_wait3A_864 : memref<32x128xf32, #tpu.memory_space<hbm>>) dst(%dma_wait3A_861 : memref<32x128xf32, #tpu.memory_space<vmem>>)
    %dma_wait3A_865 = arith.constant 1 : i32
    %dma_wait3A_866 = arith.constant 1 : i32
    %dma_wait3A_867 = arith.constant 0 : i32
    %dma_wait3A_868 = arith.constant 0 : i32
    %dma_wait3A_869 = tpu.memref_slice %arg11[%dma_wait3A_865, %dma_wait3A_867, %dma_wait3A_868] : memref<8x32x128xf32, #tpu.memory_space<vmem>> -> memref<1x32x128xf32, #tpu.memory_space<vmem>>
    %dma_wait3A_870 = tpu.memref_squeeze %dma_wait3A_869 : memref<1x32x128xf32, #tpu.memory_space<vmem>> -> memref<32x128xf32, #tpu.memory_space<vmem>>
    %dma_wait3A_871 = arith.constant 0 : i32
    %dma_wait3A_872 = arith.constant 0 : i32
    %dma_wait3A_873 = tpu.memref_slice %arg5[%dma_wait3A_871, %dma_wait3A_872] : memref<32x1000000xf32, #tpu.memory_space<hbm>> -> memref<32x128xf32, #tpu.memory_space<hbm>>
    %dma_wait3A_874 = tpu.memref_slice %arg17[%dma_wait3A_866] : memref<8x!tpu.dma_semaphore, #tpu.memory_space<semaphore_mem>> -> memref<1x!tpu.dma_semaphore, #tpu.memory_space<semaphore_mem>>
    %dma_wait3A_875 = tpu.memref_squeeze %dma_wait3A_874 : memref<1x!tpu.dma_semaphore, #tpu.memory_space<semaphore_mem>> -> memref<!tpu.dma_semaphore, #tpu.memory_space<semaphore_mem>>
    %dma_wait3A_876 = arith.constant 0 : i32
    %dma_wait3A_877 = arith.constant 0 : i32
    %dma_wait3A_878 = tpu.memref_slice %arg11[%dma_wait3A_865, %dma_wait3A_876, %dma_wait3A_877] : memref<8x32x128xf32, #tpu.memory_space<vmem>> -> memref<1x32x128xf32, #tpu.memory_space<vmem>>
    %dma_wait3A_879 = tpu.memref_squeeze %dma_wait3A_878 : memref<1x32x128xf32, #tpu.memory_space<vmem>> -> memref<32x128xf32, #tpu.memory_space<vmem>>
    %dma_wait3A_880 = arith.constant 0 : i32
    %dma_wait3A_881 = arith.constant 0 : i32
    %dma_wait3A_882 = tpu.memref_slice %arg5[%dma_wait3A_880, %dma_wait3A_881] : memref<32x1000000xf32, #tpu.memory_space<hbm>> -> memref<32x128xf32, #tpu.memory_space<hbm>>
    tpu.wait_dma2 semaphore(%dma_wait3A_875 : memref<!tpu.dma_semaphore, #tpu.memory_space<semaphore_mem>>) src(%dma_wait3A_882 : memref<32x128xf32, #tpu.memory_space<hbm>>) dst(%dma_wait3A_879 : memref<32x128xf32, #tpu.memory_space<vmem>>)
    %rem3A_883 = arith.constant 128 : i32
    %rem3A_884 = arith.remsi %squeeze3A_844, %rem3A_883 : i32
    %rem3A_885 = arith.constant 505 : i32
    %rem3A_886 = arith.constant 128 : i32
    %rem3A_887 = arith.remsi %rem3A_885, %rem3A_886 : i32
    %broadcast_in_dim3A_888 = arith.constant 1 : i32
    %broadcast_in_dim3A_889 = vector.broadcast %broadcast_in_dim3A_888 : i32 to vector<16xi32>
    %add3A_890 = arith.constant 0 : i32
    %add3A_891 = vector.broadcast %add3A_890 : i32 to vector<16xi32>
    %add3A_892 = arith.addi %iota3A, %add3A_891 : vector<16xi32>
    %broadcast_in_dim3A_893 = vector.broadcast %rem3A_884 : i32 to vector<16xi32>
    %gather3A_894 = tpu.vector_load_idx %arg10[%broadcast_in_dim3A_889, %add3A_892, %broadcast_in_dim3A_893] : memref<8x32x128xf32, #tpu.memory_space<vmem>>[vector<16xi32>, vector<16xi32>, vector<16xi32>], vector<16xf32>,
    %mul3A_895 = arith.constant 4 : i32
    %mul3A_896 = vector.broadcast %mul3A_895 : i32 to vector<16xi32>
    %mul3A_897 = arith.muli %iota3A, %mul3A_896 : vector<16xi32>
    %add3A_898 = arith.constant 3 : i32
    %add3A_899 = vector.broadcast %add3A_898 : i32 to vector<16xi32>
    %add3A_900 = arith.addi %mul3A_897, %add3A_899 : vector<16xi32>
    %broadcast_in_dim3A_901 = vector.broadcast %rem3A_887 : i32 to vector<16xi32>
    tpu.vector_store_idx %arg12[%add3A_900, %broadcast_in_dim3A_901], %gather3A_894 : memref<128x128xf32, #tpu.memory_space<vmem>>[vector<16xi32>, vector<16xi32>], vector<16xf32>,
    %broadcast_in_dim3A_902 = arith.constant 1 : i32
    %broadcast_in_dim3A_903 = vector.broadcast %broadcast_in_dim3A_902 : i32 to vector<16xi32>
    %add3A_904 = arith.constant 16 : i32
    %add3A_905 = vector.broadcast %add3A_904 : i32 to vector<16xi32>
    %add3A_906 = arith.addi %iota3A, %add3A_905 : vector<16xi32>
    %broadcast_in_dim3A_907 = vector.broadcast %rem3A_884 : i32 to vector<16xi32>
    %gather3A_908 = tpu.vector_load_idx %arg10[%broadcast_in_dim3A_903, %add3A_906, %broadcast_in_dim3A_907] : memref<8x32x128xf32, #tpu.memory_space<vmem>>[vector<16xi32>, vector<16xi32>, vector<16xi32>], vector<16xf32>,
    %mul3A_909 = arith.constant 4 : i32
    %mul3A_910 = vector.broadcast %mul3A_909 : i32 to vector<16xi32>
    %mul3A_911 = arith.muli %iota3A, %mul3A_910 : vector<16xi32>
    %add3A_912 = arith.constant 67 : i32
    %add3A_913 = vector.broadcast %add3A_912 : i32 to vector<16xi32>
    %add3A_914 = arith.addi %mul3A_911, %add3A_913 : vector<16xi32>
    %broadcast_in_dim3A_915 = vector.broadcast %rem3A_887 : i32 to vector<16xi32>
    tpu.vector_store_idx %arg12[%add3A_914, %broadcast_in_dim3A_915], %gather3A_908 : memref<128x128xf32, #tpu.memory_space<vmem>>[vector<16xi32>, vector<16xi32>], vector<16xf32>,
    %rem3A_916 = arith.constant 128 : i32
    %rem3A_917 = arith.remsi %squeeze3A_846, %rem3A_916 : i32
    %rem3A_918 = arith.constant 505 : i32
    %rem3A_919 = arith.constant 128 : i32
    %rem3A_920 = arith.remsi %rem3A_918, %rem3A_919 : i32
    %broadcast_in_dim3A_921 = arith.constant 1 : i32
    %broadcast_in_dim3A_922 = vector.broadcast %broadcast_in_dim3A_921 : i32 to vector<16xi32>
    %add3A_923 = arith.constant 0 : i32
    %add3A_924 = vector.broadcast %add3A_923 : i32 to vector<16xi32>
    %add3A_925 = arith.addi %iota3A, %add3A_924 : vector<16xi32>
    %broadcast_in_dim3A_926 = vector.broadcast %rem3A_917 : i32 to vector<16xi32>
    %gather3A_927 = tpu.vector_load_idx %arg11[%broadcast_in_dim3A_922, %add3A_925, %broadcast_in_dim3A_926] : memref<8x32x128xf32, #tpu.memory_space<vmem>>[vector<16xi32>, vector<16xi32>, vector<16xi32>], vector<16xf32>,
    %mul3A_928 = arith.constant 4 : i32
    %mul3A_929 = vector.broadcast %mul3A_928 : i32 to vector<16xi32>
    %mul3A_930 = arith.muli %iota3A, %mul3A_929 : vector<16xi32>
    %add3A_931 = arith.constant 3 : i32
    %add3A_932 = vector.broadcast %add3A_931 : i32 to vector<16xi32>
    %add3A_933 = arith.addi %mul3A_930, %add3A_932 : vector<16xi32>
    %broadcast_in_dim3A_934 = vector.broadcast %rem3A_920 : i32 to vector<16xi32>
    tpu.vector_store_idx %arg13[%add3A_933, %broadcast_in_dim3A_934], %gather3A_927 : memref<128x128xf32, #tpu.memory_space<vmem>>[vector<16xi32>, vector<16xi32>], vector<16xf32>,
    %broadcast_in_dim3A_935 = arith.constant 1 : i32
    %broadcast_in_dim3A_936 = vector.broadcast %broadcast_in_dim3A_935 : i32 to vector<16xi32>
    %add3A_937 = arith.constant 16 : i32
    %add3A_938 = vector.broadcast %add3A_937 : i32 to vector<16xi32>
    %add3A_939 = arith.addi %iota3A, %add3A_938 : vector<16xi32>
    %broadcast_in_dim3A_940 = vector.broadcast %rem3A_917 : i32 to vector<16xi32>
    %gather3A_941 = tpu.vector_load_idx %arg11[%broadcast_in_dim3A_936, %add3A_939, %broadcast_in_dim3A_940] : memref<8x32x128xf32, #tpu.memory_space<vmem>>[vector<16xi32>, vector<16xi32>, vector<16xi32>], vector<16xf32>,
    %mul3A_942 = arith.constant 4 : i32
    %mul3A_943 = vector.broadcast %mul3A_942 : i32 to vector<16xi32>
    %mul3A_944 = arith.muli %iota3A, %mul3A_943 : vector<16xi32>
    %add3A_945 = arith.constant 67 : i32
    %add3A_946 = vector.broadcast %add3A_945 : i32 to vector<16xi32>
    %add3A_947 = arith.addi %mul3A_944, %add3A_946 : vector<16xi32>
    %broadcast_in_dim3A_948 = vector.broadcast %rem3A_920 : i32 to vector<16xi32>
    tpu.vector_store_idx %arg13[%add3A_947, %broadcast_in_dim3A_948], %gather3A_941 : memref<128x128xf32, #tpu.memory_space<vmem>>[vector<16xi32>, vector<16xi32>], vector<16xf32>,
    %slice3A_949 = vector.extract_strided_slice %get3A_736 {offsets = [2], sizes = [1], strides = [1]} : vector<16xi32> to vector<1xi32>
    %squeeze3A_950 = vector.extract %slice3A_949[0] : i32 from vector<1xi32>
    %slice3A_951 = vector.extract_strided_slice %get3A_738 {offsets = [2], sizes = [1], strides = [1]} : vector<16xi32> to vector<1xi32>
    %squeeze3A_952 = vector.extract %slice3A_951[0] : i32 from vector<1xi32>
    %dma_wait3A_953 = arith.constant 2 : i32
    %dma_wait3A_954 = arith.constant 2 : i32
    %dma_wait3A_955 = arith.constant 0 : i32
    %dma_wait3A_956 = arith.constant 0 : i32
    %dma_wait3A_957 = tpu.memref_slice %arg10[%dma_wait3A_953, %dma_wait3A_955, %dma_wait3A_956] : memref<8x32x128xf32, #tpu.memory_space<vmem>> -> memref<1x32x128xf32, #tpu.memory_space<vmem>>
    %dma_wait3A_958 = tpu.memref_squeeze %dma_wait3A_957 : memref<1x32x128xf32, #tpu.memory_space<vmem>> -> memref<32x128xf32, #tpu.memory_space<vmem>>
    %dma_wait3A_959 = arith.constant 0 : i32
    %dma_wait3A_960 = arith.constant 0 : i32
    %dma_wait3A_961 = tpu.memref_slice %arg4[%dma_wait3A_959, %dma_wait3A_960] : memref<32x1000000xf32, #tpu.memory_space<hbm>> -> memref<32x128xf32, #tpu.memory_space<hbm>>
    %dma_wait3A_962 = tpu.memref_slice %arg16[%dma_wait3A_954] : memref<8x!tpu.dma_semaphore, #tpu.memory_space<semaphore_mem>> -> memref<1x!tpu.dma_semaphore, #tpu.memory_space<semaphore_mem>>
    %dma_wait3A_963 = tpu.memref_squeeze %dma_wait3A_962 : memref<1x!tpu.dma_semaphore, #tpu.memory_space<semaphore_mem>> -> memref<!tpu.dma_semaphore, #tpu.memory_space<semaphore_mem>>
    %dma_wait3A_964 = arith.constant 0 : i32
    %dma_wait3A_965 = arith.constant 0 : i32
    %dma_wait3A_966 = tpu.memref_slice %arg10[%dma_wait3A_953, %dma_wait3A_964, %dma_wait3A_965] : memref<8x32x128xf32, #tpu.memory_space<vmem>> -> memref<1x32x128xf32, #tpu.memory_space<vmem>>
    %dma_wait3A_967 = tpu.memref_squeeze %dma_wait3A_966 : memref<1x32x128xf32, #tpu.memory_space<vmem>> -> memref<32x128xf32, #tpu.memory_space<vmem>>
    %dma_wait3A_968 = arith.constant 0 : i32
    %dma_wait3A_969 = arith.constant 0 : i32
    %dma_wait3A_970 = tpu.memref_slice %arg4[%dma_wait3A_968, %dma_wait3A_969] : memref<32x1000000xf32, #tpu.memory_space<hbm>> -> memref<32x128xf32, #tpu.memory_space<hbm>>
    tpu.wait_dma2 semaphore(%dma_wait3A_963 : memref<!tpu.dma_semaphore, #tpu.memory_space<semaphore_mem>>) src(%dma_wait3A_970 : memref<32x128xf32, #tpu.memory_space<hbm>>) dst(%dma_wait3A_967 : memref<32x128xf32, #tpu.memory_space<vmem>>)
    %dma_wait3A_971 = arith.constant 2 : i32
    %dma_wait3A_972 = arith.constant 2 : i32
    %dma_wait3A_973 = arith.constant 0 : i32
    %dma_wait3A_974 = arith.constant 0 : i32
    %dma_wait3A_975 = tpu.memref_slice %arg11[%dma_wait3A_971, %dma_wait3A_973, %dma_wait3A_974] : memref<8x32x128xf32, #tpu.memory_space<vmem>> -> memref<1x32x128xf32, #tpu.memory_space<vmem>>
    %dma_wait3A_976 = tpu.memref_squeeze %dma_wait3A_975 : memref<1x32x128xf32, #tpu.memory_space<vmem>> -> memref<32x128xf32, #tpu.memory_space<vmem>>
    %dma_wait3A_977 = arith.constant 0 : i32
    %dma_wait3A_978 = arith.constant 0 : i32
    %dma_wait3A_979 = tpu.memref_slice %arg5[%dma_wait3A_977, %dma_wait3A_978] : memref<32x1000000xf32, #tpu.memory_space<hbm>> -> memref<32x128xf32, #tpu.memory_space<hbm>>
    %dma_wait3A_980 = tpu.memref_slice %arg17[%dma_wait3A_972] : memref<8x!tpu.dma_semaphore, #tpu.memory_space<semaphore_mem>> -> memref<1x!tpu.dma_semaphore, #tpu.memory_space<semaphore_mem>>
    %dma_wait3A_981 = tpu.memref_squeeze %dma_wait3A_980 : memref<1x!tpu.dma_semaphore, #tpu.memory_space<semaphore_mem>> -> memref<!tpu.dma_semaphore, #tpu.memory_space<semaphore_mem>>
    %dma_wait3A_982 = arith.constant 0 : i32
    %dma_wait3A_983 = arith.constant 0 : i32
    %dma_wait3A_984 = tpu.memref_slice %arg11[%dma_wait3A_971, %dma_wait3A_982, %dma_wait3A_983] : memref<8x32x128xf32, #tpu.memory_space<vmem>> -> memref<1x32x128xf32, #tpu.memory_space<vmem>>
    %dma_wait3A_985 = tpu.memref_squeeze %dma_wait3A_984 : memref<1x32x128xf32, #tpu.memory_space<vmem>> -> memref<32x128xf32, #tpu.memory_space<vmem>>
    %dma_wait3A_986 = arith.constant 0 : i32
    %dma_wait3A_987 = arith.constant 0 : i32
    %dma_wait3A_988 = tpu.memref_slice %arg5[%dma_wait3A_986, %dma_wait3A_987] : memref<32x1000000xf32, #tpu.memory_space<hbm>> -> memref<32x128xf32, #tpu.memory_space<hbm>>
    tpu.wait_dma2 semaphore(%dma_wait3A_981 : memref<!tpu.dma_semaphore, #tpu.memory_space<semaphore_mem>>) src(%dma_wait3A_988 : memref<32x128xf32, #tpu.memory_space<hbm>>) dst(%dma_wait3A_985 : memref<32x128xf32, #tpu.memory_space<vmem>>)
    %rem3A_989 = arith.constant 128 : i32
    %rem3A_990 = arith.remsi %squeeze3A_950, %rem3A_989 : i32
    %rem3A_991 = arith.constant 506 : i32
    %rem3A_992 = arith.constant 128 : i32
    %rem3A_993 = arith.remsi %rem3A_991, %rem3A_992 : i32
    %broadcast_in_dim3A_994 = arith.constant 2 : i32
    %broadcast_in_dim3A_995 = vector.broadcast %broadcast_in_dim3A_994 : i32 to vector<16xi32>
    %add3A_996 = arith.constant 0 : i32
    %add3A_997 = vector.broadcast %add3A_996 : i32 to vector<16xi32>
    %add3A_998 = arith.addi %iota3A, %add3A_997 : vector<16xi32>
    %broadcast_in_dim3A_999 = vector.broadcast %rem3A_990 : i32 to vector<16xi32>
    %gather3A_1000 = tpu.vector_load_idx %arg10[%broadcast_in_dim3A_995, %add3A_998, %broadcast_in_dim3A_999] : memref<8x32x128xf32, #tpu.memory_space<vmem>>[vector<16xi32>, vector<16xi32>, vector<16xi32>], vector<16xf32>,
    %mul3A_1001 = arith.constant 4 : i32
    %mul3A_1002 = vector.broadcast %mul3A_1001 : i32 to vector<16xi32>
    %mul3A_1003 = arith.muli %iota3A, %mul3A_1002 : vector<16xi32>
    %add3A_1004 = arith.constant 3 : i32
    %add3A_1005 = vector.broadcast %add3A_1004 : i32 to vector<16xi32>
    %add3A_1006 = arith.addi %mul3A_1003, %add3A_1005 : vector<16xi32>
    %broadcast_in_dim3A_1007 = vector.broadcast %rem3A_993 : i32 to vector<16xi32>
    tpu.vector_store_idx %arg12[%add3A_1006, %broadcast_in_dim3A_1007], %gather3A_1000 : memref<128x128xf32, #tpu.memory_space<vmem>>[vector<16xi32>, vector<16xi32>], vector<16xf32>,
    %broadcast_in_dim3A_1008 = arith.constant 2 : i32
    %broadcast_in_dim3A_1009 = vector.broadcast %broadcast_in_dim3A_1008 : i32 to vector<16xi32>
    %add3A_1010 = arith.constant 16 : i32
    %add3A_1011 = vector.broadcast %add3A_1010 : i32 to vector<16xi32>
    %add3A_1012 = arith.addi %iota3A, %add3A_1011 : vector<16xi32>
    %broadcast_in_dim3A_1013 = vector.broadcast %rem3A_990 : i32 to vector<16xi32>
    %gather3A_1014 = tpu.vector_load_idx %arg10[%broadcast_in_dim3A_1009, %add3A_1012, %broadcast_in_dim3A_1013] : memref<8x32x128xf32, #tpu.memory_space<vmem>>[vector<16xi32>, vector<16xi32>, vector<16xi32>], vector<16xf32>,
    %mul3A_1015 = arith.constant 4 : i32
    %mul3A_1016 = vector.broadcast %mul3A_1015 : i32 to vector<16xi32>
    %mul3A_1017 = arith.muli %iota3A, %mul3A_1016 : vector<16xi32>
    %add3A_1018 = arith.constant 67 : i32
    %add3A_1019 = vector.broadcast %add3A_1018 : i32 to vector<16xi32>
    %add3A_1020 = arith.addi %mul3A_1017, %add3A_1019 : vector<16xi32>
    %broadcast_in_dim3A_1021 = vector.broadcast %rem3A_993 : i32 to vector<16xi32>
    tpu.vector_store_idx %arg12[%add3A_1020, %broadcast_in_dim3A_1021], %gather3A_1014 : memref<128x128xf32, #tpu.memory_space<vmem>>[vector<16xi32>, vector<16xi32>], vector<16xf32>,
    %rem3A_1022 = arith.constant 128 : i32
    %rem3A_1023 = arith.remsi %squeeze3A_952, %rem3A_1022 : i32
    %rem3A_1024 = arith.constant 506 : i32
    %rem3A_1025 = arith.constant 128 : i32
    %rem3A_1026 = arith.remsi %rem3A_1024, %rem3A_1025 : i32
    %broadcast_in_dim3A_1027 = arith.constant 2 : i32
    %broadcast_in_dim3A_1028 = vector.broadcast %broadcast_in_dim3A_1027 : i32 to vector<16xi32>
    %add3A_1029 = arith.constant 0 : i32
    %add3A_1030 = vector.broadcast %add3A_1029 : i32 to vector<16xi32>
    %add3A_1031 = arith.addi %iota3A, %add3A_1030 : vector<16xi32>
    %broadcast_in_dim3A_1032 = vector.broadcast %rem3A_1023 : i32 to vector<16xi32>
    %gather3A_1033 = tpu.vector_load_idx %arg11[%broadcast_in_dim3A_1028, %add3A_1031, %broadcast_in_dim3A_1032] : memref<8x32x128xf32, #tpu.memory_space<vmem>>[vector<16xi32>, vector<16xi32>, vector<16xi32>], vector<16xf32>,
    %mul3A_1034 = arith.constant 4 : i32
    %mul3A_1035 = vector.broadcast %mul3A_1034 : i32 to vector<16xi32>
    %mul3A_1036 = arith.muli %iota3A, %mul3A_1035 : vector<16xi32>
    %add3A_1037 = arith.constant 3 : i32
    %add3A_1038 = vector.broadcast %add3A_1037 : i32 to vector<16xi32>
    %add3A_1039 = arith.addi %mul3A_1036, %add3A_1038 : vector<16xi32>
    %broadcast_in_dim3A_1040 = vector.broadcast %rem3A_1026 : i32 to vector<16xi32>
    tpu.vector_store_idx %arg13[%add3A_1039, %broadcast_in_dim3A_1040], %gather3A_1033 : memref<128x128xf32, #tpu.memory_space<vmem>>[vector<16xi32>, vector<16xi32>], vector<16xf32>,
    %broadcast_in_dim3A_1041 = arith.constant 2 : i32
    %broadcast_in_dim3A_1042 = vector.broadcast %broadcast_in_dim3A_1041 : i32 to vector<16xi32>
    %add3A_1043 = arith.constant 16 : i32
    %add3A_1044 = vector.broadcast %add3A_1043 : i32 to vector<16xi32>
    %add3A_1045 = arith.addi %iota3A, %add3A_1044 : vector<16xi32>
    %broadcast_in_dim3A_1046 = vector.broadcast %rem3A_1023 : i32 to vector<16xi32>
    %gather3A_1047 = tpu.vector_load_idx %arg11[%broadcast_in_dim3A_1042, %add3A_1045, %broadcast_in_dim3A_1046] : memref<8x32x128xf32, #tpu.memory_space<vmem>>[vector<16xi32>, vector<16xi32>, vector<16xi32>], vector<16xf32>,
    %mul3A_1048 = arith.constant 4 : i32
    %mul3A_1049 = vector.broadcast %mul3A_1048 : i32 to vector<16xi32>
    %mul3A_1050 = arith.muli %iota3A, %mul3A_1049 : vector<16xi32>
    %add3A_1051 = arith.constant 67 : i32
    %add3A_1052 = vector.broadcast %add3A_1051 : i32 to vector<16xi32>
    %add3A_1053 = arith.addi %mul3A_1050, %add3A_1052 : vector<16xi32>
    %broadcast_in_dim3A_1054 = vector.broadcast %rem3A_1026 : i32 to vector<16xi32>
    tpu.vector_store_idx %arg13[%add3A_1053, %broadcast_in_dim3A_1054], %gather3A_1047 : memref<128x128xf32, #tpu.memory_space<vmem>>[vector<16xi32>, vector<16xi32>], vector<16xf32>,
    %slice3A_1055 = vector.extract_strided_slice %get3A_736 {offsets = [3], sizes = [1], strides = [1]} : vector<16xi32> to vector<1xi32>
    %squeeze3A_1056 = vector.extract %slice3A_1055[0] : i32 from vector<1xi32>
    %slice3A_1057 = vector.extract_strided_slice %get3A_738 {offsets = [3], sizes = [1], strides = [1]} : vector<16xi32> to vector<1xi32>
    %squeeze3A_1058 = vector.extract %slice3A_1057[0] : i32 from vector<1xi32>
    %dma_wait3A_1059 = arith.constant 3 : i32
    %dma_wait3A_1060 = arith.constant 3 : i32
    %dma_wait3A_1061 = arith.constant 0 : i32
    %dma_wait3A_1062 = arith.constant 0 : i32
    %dma_wait3A_1063 = tpu.memref_slice %arg10[%dma_wait3A_1059, %dma_wait3A_1061, %dma_wait3A_1062] : memref<8x32x128xf32, #tpu.memory_space<vmem>> -> memref<1x32x128xf32, #tpu.memory_space<vmem>>
    %dma_wait3A_1064 = tpu.memref_squeeze %dma_wait3A_1063 : memref<1x32x128xf32, #tpu.memory_space<vmem>> -> memref<32x128xf32, #tpu.memory_space<vmem>>
    %dma_wait3A_1065 = arith.constant 0 : i32
    %dma_wait3A_1066 = arith.constant 0 : i32
    %dma_wait3A_1067 = tpu.memref_slice %arg4[%dma_wait3A_1065, %dma_wait3A_1066] : memref<32x1000000xf32, #tpu.memory_space<hbm>> -> memref<32x128xf32, #tpu.memory_space<hbm>>
    %dma_wait3A_1068 = tpu.memref_slice %arg16[%dma_wait3A_1060] : memref<8x!tpu.dma_semaphore, #tpu.memory_space<semaphore_mem>> -> memref<1x!tpu.dma_semaphore, #tpu.memory_space<semaphore_mem>>
    %dma_wait3A_1069 = tpu.memref_squeeze %dma_wait3A_1068 : memref<1x!tpu.dma_semaphore, #tpu.memory_space<semaphore_mem>> -> memref<!tpu.dma_semaphore, #tpu.memory_space<semaphore_mem>>
    %dma_wait3A_1070 = arith.constant 0 : i32
    %dma_wait3A_1071 = arith.constant 0 : i32
    %dma_wait3A_1072 = tpu.memref_slice %arg10[%dma_wait3A_1059, %dma_wait3A_1070, %dma_wait3A_1071] : memref<8x32x128xf32, #tpu.memory_space<vmem>> -> memref<1x32x128xf32, #tpu.memory_space<vmem>>
    %dma_wait3A_1073 = tpu.memref_squeeze %dma_wait3A_1072 : memref<1x32x128xf32, #tpu.memory_space<vmem>> -> memref<32x128xf32, #tpu.memory_space<vmem>>
    %dma_wait3A_1074 = arith.constant 0 : i32
    %dma_wait3A_1075 = arith.constant 0 : i32
    %dma_wait3A_1076 = tpu.memref_slice %arg4[%dma_wait3A_1074, %dma_wait3A_1075] : memref<32x1000000xf32, #tpu.memory_space<hbm>> -> memref<32x128xf32, #tpu.memory_space<hbm>>
    tpu.wait_dma2 semaphore(%dma_wait3A_1069 : memref<!tpu.dma_semaphore, #tpu.memory_space<semaphore_mem>>) src(%dma_wait3A_1076 : memref<32x128xf32, #tpu.memory_space<hbm>>) dst(%dma_wait3A_1073 : memref<32x128xf32, #tpu.memory_space<vmem>>)
    %dma_wait3A_1077 = arith.constant 3 : i32
    %dma_wait3A_1078 = arith.constant 3 : i32
    %dma_wait3A_1079 = arith.constant 0 : i32
    %dma_wait3A_1080 = arith.constant 0 : i32
    %dma_wait3A_1081 = tpu.memref_slice %arg11[%dma_wait3A_1077, %dma_wait3A_1079, %dma_wait3A_1080] : memref<8x32x128xf32, #tpu.memory_space<vmem>> -> memref<1x32x128xf32, #tpu.memory_space<vmem>>
    %dma_wait3A_1082 = tpu.memref_squeeze %dma_wait3A_1081 : memref<1x32x128xf32, #tpu.memory_space<vmem>> -> memref<32x128xf32, #tpu.memory_space<vmem>>
    %dma_wait3A_1083 = arith.constant 0 : i32
    %dma_wait3A_1084 = arith.constant 0 : i32
    %dma_wait3A_1085 = tpu.memref_slice %arg5[%dma_wait3A_1083, %dma_wait3A_1084] : memref<32x1000000xf32, #tpu.memory_space<hbm>> -> memref<32x128xf32, #tpu.memory_space<hbm>>
    %dma_wait3A_1086 = tpu.memref_slice %arg17[%dma_wait3A_1078] : memref<8x!tpu.dma_semaphore, #tpu.memory_space<semaphore_mem>> -> memref<1x!tpu.dma_semaphore, #tpu.memory_space<semaphore_mem>>
    %dma_wait3A_1087 = tpu.memref_squeeze %dma_wait3A_1086 : memref<1x!tpu.dma_semaphore, #tpu.memory_space<semaphore_mem>> -> memref<!tpu.dma_semaphore, #tpu.memory_space<semaphore_mem>>
    %dma_wait3A_1088 = arith.constant 0 : i32
    %dma_wait3A_1089 = arith.constant 0 : i32
    %dma_wait3A_1090 = tpu.memref_slice %arg11[%dma_wait3A_1077, %dma_wait3A_1088, %dma_wait3A_1089] : memref<8x32x128xf32, #tpu.memory_space<vmem>> -> memref<1x32x128xf32, #tpu.memory_space<vmem>>
    %dma_wait3A_1091 = tpu.memref_squeeze %dma_wait3A_1090 : memref<1x32x128xf32, #tpu.memory_space<vmem>> -> memref<32x128xf32, #tpu.memory_space<vmem>>
    %dma_wait3A_1092 = arith.constant 0 : i32
    %dma_wait3A_1093 = arith.constant 0 : i32
    %dma_wait3A_1094 = tpu.memref_slice %arg5[%dma_wait3A_1092, %dma_wait3A_1093] : memref<32x1000000xf32, #tpu.memory_space<hbm>> -> memref<32x128xf32, #tpu.memory_space<hbm>>
    tpu.wait_dma2 semaphore(%dma_wait3A_1087 : memref<!tpu.dma_semaphore, #tpu.memory_space<semaphore_mem>>) src(%dma_wait3A_1094 : memref<32x128xf32, #tpu.memory_space<hbm>>) dst(%dma_wait3A_1091 : memref<32x128xf32, #tpu.memory_space<vmem>>)
    %rem3A_1095 = arith.constant 128 : i32
    %rem3A_1096 = arith.remsi %squeeze3A_1056, %rem3A_1095 : i32
    %rem3A_1097 = arith.constant 507 : i32
    %rem3A_1098 = arith.constant 128 : i32
    %rem3A_1099 = arith.remsi %rem3A_1097, %rem3A_1098 : i32
    %broadcast_in_dim3A_1100 = arith.constant 3 : i32
    %broadcast_in_dim3A_1101 = vector.broadcast %broadcast_in_dim3A_1100 : i32 to vector<16xi32>
    %add3A_1102 = arith.constant 0 : i32
    %add3A_1103 = vector.broadcast %add3A_1102 : i32 to vector<16xi32>
    %add3A_1104 = arith.addi %iota3A, %add3A_1103 : vector<16xi32>
    %broadcast_in_dim3A_1105 = vector.broadcast %rem3A_1096 : i32 to vector<16xi32>
    %gather3A_1106 = tpu.vector_load_idx %arg10[%broadcast_in_dim3A_1101, %add3A_1104, %broadcast_in_dim3A_1105] : memref<8x32x128xf32, #tpu.memory_space<vmem>>[vector<16xi32>, vector<16xi32>, vector<16xi32>], vector<16xf32>,
    %mul3A_1107 = arith.constant 4 : i32
    %mul3A_1108 = vector.broadcast %mul3A_1107 : i32 to vector<16xi32>
    %mul3A_1109 = arith.muli %iota3A, %mul3A_1108 : vector<16xi32>
    %add3A_1110 = arith.constant 3 : i32
    %add3A_1111 = vector.broadcast %add3A_1110 : i32 to vector<16xi32>
    %add3A_1112 = arith.addi %mul3A_1109, %add3A_1111 : vector<16xi32>
    %broadcast_in_dim3A_1113 = vector.broadcast %rem3A_1099 : i32 to vector<16xi32>
    tpu.vector_store_idx %arg12[%add3A_1112, %broadcast_in_dim3A_1113], %gather3A_1106 : memref<128x128xf32, #tpu.memory_space<vmem>>[vector<16xi32>, vector<16xi32>], vector<16xf32>,
    %broadcast_in_dim3A_1114 = arith.constant 3 : i32
    %broadcast_in_dim3A_1115 = vector.broadcast %broadcast_in_dim3A_1114 : i32 to vector<16xi32>
    %add3A_1116 = arith.constant 16 : i32
    %add3A_1117 = vector.broadcast %add3A_1116 : i32 to vector<16xi32>
    %add3A_1118 = arith.addi %iota3A, %add3A_1117 : vector<16xi32>
    %broadcast_in_dim3A_1119 = vector.broadcast %rem3A_1096 : i32 to vector<16xi32>
    %gather3A_1120 = tpu.vector_load_idx %arg10[%broadcast_in_dim3A_1115, %add3A_1118, %broadcast_in_dim3A_1119] : memref<8x32x128xf32, #tpu.memory_space<vmem>>[vector<16xi32>, vector<16xi32>, vector<16xi32>], vector<16xf32>,
    %mul3A_1121 = arith.constant 4 : i32
    %mul3A_1122 = vector.broadcast %mul3A_1121 : i32 to vector<16xi32>
    %mul3A_1123 = arith.muli %iota3A, %mul3A_1122 : vector<16xi32>
    %add3A_1124 = arith.constant 67 : i32
    %add3A_1125 = vector.broadcast %add3A_1124 : i32 to vector<16xi32>
    %add3A_1126 = arith.addi %mul3A_1123, %add3A_1125 : vector<16xi32>
    %broadcast_in_dim3A_1127 = vector.broadcast %rem3A_1099 : i32 to vector<16xi32>
    tpu.vector_store_idx %arg12[%add3A_1126, %broadcast_in_dim3A_1127], %gather3A_1120 : memref<128x128xf32, #tpu.memory_space<vmem>>[vector<16xi32>, vector<16xi32>], vector<16xf32>,
    %rem3A_1128 = arith.constant 128 : i32
    %rem3A_1129 = arith.remsi %squeeze3A_1058, %rem3A_1128 : i32
    %rem3A_1130 = arith.constant 507 : i32
    %rem3A_1131 = arith.constant 128 : i32
    %rem3A_1132 = arith.remsi %rem3A_1130, %rem3A_1131 : i32
    %broadcast_in_dim3A_1133 = arith.constant 3 : i32
    %broadcast_in_dim3A_1134 = vector.broadcast %broadcast_in_dim3A_1133 : i32 to vector<16xi32>
    %add3A_1135 = arith.constant 0 : i32
    %add3A_1136 = vector.broadcast %add3A_1135 : i32 to vector<16xi32>
    %add3A_1137 = arith.addi %iota3A, %add3A_1136 : vector<16xi32>
    %broadcast_in_dim3A_1138 = vector.broadcast %rem3A_1129 : i32 to vector<16xi32>
    %gather3A_1139 = tpu.vector_load_idx %arg11[%broadcast_in_dim3A_1134, %add3A_1137, %broadcast_in_dim3A_1138] : memref<8x32x128xf32, #tpu.memory_space<vmem>>[vector<16xi32>, vector<16xi32>, vector<16xi32>], vector<16xf32>,
    %mul3A_1140 = arith.constant 4 : i32
    %mul3A_1141 = vector.broadcast %mul3A_1140 : i32 to vector<16xi32>
    %mul3A_1142 = arith.muli %iota3A, %mul3A_1141 : vector<16xi32>
    %add3A_1143 = arith.constant 3 : i32
    %add3A_1144 = vector.broadcast %add3A_1143 : i32 to vector<16xi32>
    %add3A_1145 = arith.addi %mul3A_1142, %add3A_1144 : vector<16xi32>
    %broadcast_in_dim3A_1146 = vector.broadcast %rem3A_1132 : i32 to vector<16xi32>
    tpu.vector_store_idx %arg13[%add3A_1145, %broadcast_in_dim3A_1146], %gather3A_1139 : memref<128x128xf32, #tpu.memory_space<vmem>>[vector<16xi32>, vector<16xi32>], vector<16xf32>,
    %broadcast_in_dim3A_1147 = arith.constant 3 : i32
    %broadcast_in_dim3A_1148 = vector.broadcast %broadcast_in_dim3A_1147 : i32 to vector<16xi32>
    %add3A_1149 = arith.constant 16 : i32
    %add3A_1150 = vector.broadcast %add3A_1149 : i32 to vector<16xi32>
    %add3A_1151 = arith.addi %iota3A, %add3A_1150 : vector<16xi32>
    %broadcast_in_dim3A_1152 = vector.broadcast %rem3A_1129 : i32 to vector<16xi32>
    %gather3A_1153 = tpu.vector_load_idx %arg11[%broadcast_in_dim3A_1148, %add3A_1151, %broadcast_in_dim3A_1152] : memref<8x32x128xf32, #tpu.memory_space<vmem>>[vector<16xi32>, vector<16xi32>, vector<16xi32>], vector<16xf32>,
    %mul3A_1154 = arith.constant 4 : i32
    %mul3A_1155 = vector.broadcast %mul3A_1154 : i32 to vector<16xi32>
    %mul3A_1156 = arith.muli %iota3A, %mul3A_1155 : vector<16xi32>
    %add3A_1157 = arith.constant 67 : i32
    %add3A_1158 = vector.broadcast %add3A_1157 : i32 to vector<16xi32>
    %add3A_1159 = arith.addi %mul3A_1156, %add3A_1158 : vector<16xi32>
    %broadcast_in_dim3A_1160 = vector.broadcast %rem3A_1132 : i32 to vector<16xi32>
    tpu.vector_store_idx %arg13[%add3A_1159, %broadcast_in_dim3A_1160], %gather3A_1153 : memref<128x128xf32, #tpu.memory_space<vmem>>[vector<16xi32>, vector<16xi32>], vector<16xf32>,
    %slice3A_1161 = vector.extract_strided_slice %get3A_736 {offsets = [4], sizes = [1], strides = [1]} : vector<16xi32> to vector<1xi32>
    %squeeze3A_1162 = vector.extract %slice3A_1161[0] : i32 from vector<1xi32>
    %slice3A_1163 = vector.extract_strided_slice %get3A_738 {offsets = [4], sizes = [1], strides = [1]} : vector<16xi32> to vector<1xi32>
    %squeeze3A_1164 = vector.extract %slice3A_1163[0] : i32 from vector<1xi32>
    %dma_wait3A_1165 = arith.constant 4 : i32
    %dma_wait3A_1166 = arith.constant 4 : i32
    %dma_wait3A_1167 = arith.constant 0 : i32
    %dma_wait3A_1168 = arith.constant 0 : i32
    %dma_wait3A_1169 = tpu.memref_slice %arg10[%dma_wait3A_1165, %dma_wait3A_1167, %dma_wait3A_1168] : memref<8x32x128xf32, #tpu.memory_space<vmem>> -> memref<1x32x128xf32, #tpu.memory_space<vmem>>
    %dma_wait3A_1170 = tpu.memref_squeeze %dma_wait3A_1169 : memref<1x32x128xf32, #tpu.memory_space<vmem>> -> memref<32x128xf32, #tpu.memory_space<vmem>>
    %dma_wait3A_1171 = arith.constant 0 : i32
    %dma_wait3A_1172 = arith.constant 0 : i32
    %dma_wait3A_1173 = tpu.memref_slice %arg4[%dma_wait3A_1171, %dma_wait3A_1172] : memref<32x1000000xf32, #tpu.memory_space<hbm>> -> memref<32x128xf32, #tpu.memory_space<hbm>>
    %dma_wait3A_1174 = tpu.memref_slice %arg16[%dma_wait3A_1166] : memref<8x!tpu.dma_semaphore, #tpu.memory_space<semaphore_mem>> -> memref<1x!tpu.dma_semaphore, #tpu.memory_space<semaphore_mem>>
    %dma_wait3A_1175 = tpu.memref_squeeze %dma_wait3A_1174 : memref<1x!tpu.dma_semaphore, #tpu.memory_space<semaphore_mem>> -> memref<!tpu.dma_semaphore, #tpu.memory_space<semaphore_mem>>
    %dma_wait3A_1176 = arith.constant 0 : i32
    %dma_wait3A_1177 = arith.constant 0 : i32
    %dma_wait3A_1178 = tpu.memref_slice %arg10[%dma_wait3A_1165, %dma_wait3A_1176, %dma_wait3A_1177] : memref<8x32x128xf32, #tpu.memory_space<vmem>> -> memref<1x32x128xf32, #tpu.memory_space<vmem>>
    %dma_wait3A_1179 = tpu.memref_squeeze %dma_wait3A_1178 : memref<1x32x128xf32, #tpu.memory_space<vmem>> -> memref<32x128xf32, #tpu.memory_space<vmem>>
    %dma_wait3A_1180 = arith.constant 0 : i32
    %dma_wait3A_1181 = arith.constant 0 : i32
    %dma_wait3A_1182 = tpu.memref_slice %arg4[%dma_wait3A_1180, %dma_wait3A_1181] : memref<32x1000000xf32, #tpu.memory_space<hbm>> -> memref<32x128xf32, #tpu.memory_space<hbm>>
    tpu.wait_dma2 semaphore(%dma_wait3A_1175 : memref<!tpu.dma_semaphore, #tpu.memory_space<semaphore_mem>>) src(%dma_wait3A_1182 : memref<32x128xf32, #tpu.memory_space<hbm>>) dst(%dma_wait3A_1179 : memref<32x128xf32, #tpu.memory_space<vmem>>)
    %dma_wait3A_1183 = arith.constant 4 : i32
    %dma_wait3A_1184 = arith.constant 4 : i32
    %dma_wait3A_1185 = arith.constant 0 : i32
    %dma_wait3A_1186 = arith.constant 0 : i32
    %dma_wait3A_1187 = tpu.memref_slice %arg11[%dma_wait3A_1183, %dma_wait3A_1185, %dma_wait3A_1186] : memref<8x32x128xf32, #tpu.memory_space<vmem>> -> memref<1x32x128xf32, #tpu.memory_space<vmem>>
    %dma_wait3A_1188 = tpu.memref_squeeze %dma_wait3A_1187 : memref<1x32x128xf32, #tpu.memory_space<vmem>> -> memref<32x128xf32, #tpu.memory_space<vmem>>
    %dma_wait3A_1189 = arith.constant 0 : i32
    %dma_wait3A_1190 = arith.constant 0 : i32
    %dma_wait3A_1191 = tpu.memref_slice %arg5[%dma_wait3A_1189, %dma_wait3A_1190] : memref<32x1000000xf32, #tpu.memory_space<hbm>> -> memref<32x128xf32, #tpu.memory_space<hbm>>
    %dma_wait3A_1192 = tpu.memref_slice %arg17[%dma_wait3A_1184] : memref<8x!tpu.dma_semaphore, #tpu.memory_space<semaphore_mem>> -> memref<1x!tpu.dma_semaphore, #tpu.memory_space<semaphore_mem>>
    %dma_wait3A_1193 = tpu.memref_squeeze %dma_wait3A_1192 : memref<1x!tpu.dma_semaphore, #tpu.memory_space<semaphore_mem>> -> memref<!tpu.dma_semaphore, #tpu.memory_space<semaphore_mem>>
    %dma_wait3A_1194 = arith.constant 0 : i32
    %dma_wait3A_1195 = arith.constant 0 : i32
    %dma_wait3A_1196 = tpu.memref_slice %arg11[%dma_wait3A_1183, %dma_wait3A_1194, %dma_wait3A_1195] : memref<8x32x128xf32, #tpu.memory_space<vmem>> -> memref<1x32x128xf32, #tpu.memory_space<vmem>>
    %dma_wait3A_1197 = tpu.memref_squeeze %dma_wait3A_1196 : memref<1x32x128xf32, #tpu.memory_space<vmem>> -> memref<32x128xf32, #tpu.memory_space<vmem>>
    %dma_wait3A_1198 = arith.constant 0 : i32
    %dma_wait3A_1199 = arith.constant 0 : i32
    %dma_wait3A_1200 = tpu.memref_slice %arg5[%dma_wait3A_1198, %dma_wait3A_1199] : memref<32x1000000xf32, #tpu.memory_space<hbm>> -> memref<32x128xf32, #tpu.memory_space<hbm>>
    tpu.wait_dma2 semaphore(%dma_wait3A_1193 : memref<!tpu.dma_semaphore, #tpu.memory_space<semaphore_mem>>) src(%dma_wait3A_1200 : memref<32x128xf32, #tpu.memory_space<hbm>>) dst(%dma_wait3A_1197 : memref<32x128xf32, #tpu.memory_space<vmem>>)
    %rem3A_1201 = arith.constant 128 : i32
    %rem3A_1202 = arith.remsi %squeeze3A_1162, %rem3A_1201 : i32
    %rem3A_1203 = arith.constant 508 : i32
    %rem3A_1204 = arith.constant 128 : i32
    %rem3A_1205 = arith.remsi %rem3A_1203, %rem3A_1204 : i32
    %broadcast_in_dim3A_1206 = arith.constant 4 : i32
    %broadcast_in_dim3A_1207 = vector.broadcast %broadcast_in_dim3A_1206 : i32 to vector<16xi32>
    %add3A_1208 = arith.constant 0 : i32
    %add3A_1209 = vector.broadcast %add3A_1208 : i32 to vector<16xi32>
    %add3A_1210 = arith.addi %iota3A, %add3A_1209 : vector<16xi32>
    %broadcast_in_dim3A_1211 = vector.broadcast %rem3A_1202 : i32 to vector<16xi32>
    %gather3A_1212 = tpu.vector_load_idx %arg10[%broadcast_in_dim3A_1207, %add3A_1210, %broadcast_in_dim3A_1211] : memref<8x32x128xf32, #tpu.memory_space<vmem>>[vector<16xi32>, vector<16xi32>, vector<16xi32>], vector<16xf32>,
    %mul3A_1213 = arith.constant 4 : i32
    %mul3A_1214 = vector.broadcast %mul3A_1213 : i32 to vector<16xi32>
    %mul3A_1215 = arith.muli %iota3A, %mul3A_1214 : vector<16xi32>
    %add3A_1216 = arith.constant 3 : i32
    %add3A_1217 = vector.broadcast %add3A_1216 : i32 to vector<16xi32>
    %add3A_1218 = arith.addi %mul3A_1215, %add3A_1217 : vector<16xi32>
    %broadcast_in_dim3A_1219 = vector.broadcast %rem3A_1205 : i32 to vector<16xi32>
    tpu.vector_store_idx %arg12[%add3A_1218, %broadcast_in_dim3A_1219], %gather3A_1212 : memref<128x128xf32, #tpu.memory_space<vmem>>[vector<16xi32>, vector<16xi32>], vector<16xf32>,
    %broadcast_in_dim3A_1220 = arith.constant 4 : i32
    %broadcast_in_dim3A_1221 = vector.broadcast %broadcast_in_dim3A_1220 : i32 to vector<16xi32>
    %add3A_1222 = arith.constant 16 : i32
    %add3A_1223 = vector.broadcast %add3A_1222 : i32 to vector<16xi32>
    %add3A_1224 = arith.addi %iota3A, %add3A_1223 : vector<16xi32>
    %broadcast_in_dim3A_1225 = vector.broadcast %rem3A_1202 : i32 to vector<16xi32>
    %gather3A_1226 = tpu.vector_load_idx %arg10[%broadcast_in_dim3A_1221, %add3A_1224, %broadcast_in_dim3A_1225] : memref<8x32x128xf32, #tpu.memory_space<vmem>>[vector<16xi32>, vector<16xi32>, vector<16xi32>], vector<16xf32>,
    %mul3A_1227 = arith.constant 4 : i32
    %mul3A_1228 = vector.broadcast %mul3A_1227 : i32 to vector<16xi32>
    %mul3A_1229 = arith.muli %iota3A, %mul3A_1228 : vector<16xi32>
    %add3A_1230 = arith.constant 67 : i32
    %add3A_1231 = vector.broadcast %add3A_1230 : i32 to vector<16xi32>
    %add3A_1232 = arith.addi %mul3A_1229, %add3A_1231 : vector<16xi32>
    %broadcast_in_dim3A_1233 = vector.broadcast %rem3A_1205 : i32 to vector<16xi32>
    tpu.vector_store_idx %arg12[%add3A_1232, %broadcast_in_dim3A_1233], %gather3A_1226 : memref<128x128xf32, #tpu.memory_space<vmem>>[vector<16xi32>, vector<16xi32>], vector<16xf32>,
    %rem3A_1234 = arith.constant 128 : i32
    %rem3A_1235 = arith.remsi %squeeze3A_1164, %rem3A_1234 : i32
    %rem3A_1236 = arith.constant 508 : i32
    %rem3A_1237 = arith.constant 128 : i32
    %rem3A_1238 = arith.remsi %rem3A_1236, %rem3A_1237 : i32
    %broadcast_in_dim3A_1239 = arith.constant 4 : i32
    %broadcast_in_dim3A_1240 = vector.broadcast %broadcast_in_dim3A_1239 : i32 to vector<16xi32>
    %add3A_1241 = arith.constant 0 : i32
    %add3A_1242 = vector.broadcast %add3A_1241 : i32 to vector<16xi32>
    %add3A_1243 = arith.addi %iota3A, %add3A_1242 : vector<16xi32>
    %broadcast_in_dim3A_1244 = vector.broadcast %rem3A_1235 : i32 to vector<16xi32>
    %gather3A_1245 = tpu.vector_load_idx %arg11[%broadcast_in_dim3A_1240, %add3A_1243, %broadcast_in_dim3A_1244] : memref<8x32x128xf32, #tpu.memory_space<vmem>>[vector<16xi32>, vector<16xi32>, vector<16xi32>], vector<16xf32>,
    %mul3A_1246 = arith.constant 4 : i32
    %mul3A_1247 = vector.broadcast %mul3A_1246 : i32 to vector<16xi32>
    %mul3A_1248 = arith.muli %iota3A, %mul3A_1247 : vector<16xi32>
    %add3A_1249 = arith.constant 3 : i32
    %add3A_1250 = vector.broadcast %add3A_1249 : i32 to vector<16xi32>
    %add3A_1251 = arith.addi %mul3A_1248, %add3A_1250 : vector<16xi32>
    %broadcast_in_dim3A_1252 = vector.broadcast %rem3A_1238 : i32 to vector<16xi32>
    tpu.vector_store_idx %arg13[%add3A_1251, %broadcast_in_dim3A_1252], %gather3A_1245 : memref<128x128xf32, #tpu.memory_space<vmem>>[vector<16xi32>, vector<16xi32>], vector<16xf32>,
    %broadcast_in_dim3A_1253 = arith.constant 4 : i32
    %broadcast_in_dim3A_1254 = vector.broadcast %broadcast_in_dim3A_1253 : i32 to vector<16xi32>
    %add3A_1255 = arith.constant 16 : i32
    %add3A_1256 = vector.broadcast %add3A_1255 : i32 to vector<16xi32>
    %add3A_1257 = arith.addi %iota3A, %add3A_1256 : vector<16xi32>
    %broadcast_in_dim3A_1258 = vector.broadcast %rem3A_1235 : i32 to vector<16xi32>
    %gather3A_1259 = tpu.vector_load_idx %arg11[%broadcast_in_dim3A_1254, %add3A_1257, %broadcast_in_dim3A_1258] : memref<8x32x128xf32, #tpu.memory_space<vmem>>[vector<16xi32>, vector<16xi32>, vector<16xi32>], vector<16xf32>,
    %mul3A_1260 = arith.constant 4 : i32
    %mul3A_1261 = vector.broadcast %mul3A_1260 : i32 to vector<16xi32>
    %mul3A_1262 = arith.muli %iota3A, %mul3A_1261 : vector<16xi32>
    %add3A_1263 = arith.constant 67 : i32
    %add3A_1264 = vector.broadcast %add3A_1263 : i32 to vector<16xi32>
    %add3A_1265 = arith.addi %mul3A_1262, %add3A_1264 : vector<16xi32>
    %broadcast_in_dim3A_1266 = vector.broadcast %rem3A_1238 : i32 to vector<16xi32>
    tpu.vector_store_idx %arg13[%add3A_1265, %broadcast_in_dim3A_1266], %gather3A_1259 : memref<128x128xf32, #tpu.memory_space<vmem>>[vector<16xi32>, vector<16xi32>], vector<16xf32>,
    %slice3A_1267 = vector.extract_strided_slice %get3A_736 {offsets = [5], sizes = [1], strides = [1]} : vector<16xi32> to vector<1xi32>
    %squeeze3A_1268 = vector.extract %slice3A_1267[0] : i32 from vector<1xi32>
    %slice3A_1269 = vector.extract_strided_slice %get3A_738 {offsets = [5], sizes = [1], strides = [1]} : vector<16xi32> to vector<1xi32>
    %squeeze3A_1270 = vector.extract %slice3A_1269[0] : i32 from vector<1xi32>
    %dma_wait3A_1271 = arith.constant 5 : i32
    %dma_wait3A_1272 = arith.constant 5 : i32
    %dma_wait3A_1273 = arith.constant 0 : i32
    %dma_wait3A_1274 = arith.constant 0 : i32
    %dma_wait3A_1275 = tpu.memref_slice %arg10[%dma_wait3A_1271, %dma_wait3A_1273, %dma_wait3A_1274] : memref<8x32x128xf32, #tpu.memory_space<vmem>> -> memref<1x32x128xf32, #tpu.memory_space<vmem>>
    %dma_wait3A_1276 = tpu.memref_squeeze %dma_wait3A_1275 : memref<1x32x128xf32, #tpu.memory_space<vmem>> -> memref<32x128xf32, #tpu.memory_space<vmem>>
    %dma_wait3A_1277 = arith.constant 0 : i32
    %dma_wait3A_1278 = arith.constant 0 : i32
    %dma_wait3A_1279 = tpu.memref_slice %arg4[%dma_wait3A_1277, %dma_wait3A_1278] : memref<32x1000000xf32, #tpu.memory_space<hbm>> -> memref<32x128xf32, #tpu.memory_space<hbm>>
    %dma_wait3A_1280 = tpu.memref_slice %arg16[%dma_wait3A_1272] : memref<8x!tpu.dma_semaphore, #tpu.memory_space<semaphore_mem>> -> memref<1x!tpu.dma_semaphore, #tpu.memory_space<semaphore_mem>>
    %dma_wait3A_1281 = tpu.memref_squeeze %dma_wait3A_1280 : memref<1x!tpu.dma_semaphore, #tpu.memory_space<semaphore_mem>> -> memref<!tpu.dma_semaphore, #tpu.memory_space<semaphore_mem>>
    %dma_wait3A_1282 = arith.constant 0 : i32
    %dma_wait3A_1283 = arith.constant 0 : i32
    %dma_wait3A_1284 = tpu.memref_slice %arg10[%dma_wait3A_1271, %dma_wait3A_1282, %dma_wait3A_1283] : memref<8x32x128xf32, #tpu.memory_space<vmem>> -> memref<1x32x128xf32, #tpu.memory_space<vmem>>
    %dma_wait3A_1285 = tpu.memref_squeeze %dma_wait3A_1284 : memref<1x32x128xf32, #tpu.memory_space<vmem>> -> memref<32x128xf32, #tpu.memory_space<vmem>>
    %dma_wait3A_1286 = arith.constant 0 : i32
    %dma_wait3A_1287 = arith.constant 0 : i32
    %dma_wait3A_1288 = tpu.memref_slice %arg4[%dma_wait3A_1286, %dma_wait3A_1287] : memref<32x1000000xf32, #tpu.memory_space<hbm>> -> memref<32x128xf32, #tpu.memory_space<hbm>>
    tpu.wait_dma2 semaphore(%dma_wait3A_1281 : memref<!tpu.dma_semaphore, #tpu.memory_space<semaphore_mem>>) src(%dma_wait3A_1288 : memref<32x128xf32, #tpu.memory_space<hbm>>) dst(%dma_wait3A_1285 : memref<32x128xf32, #tpu.memory_space<vmem>>)
    %dma_wait3A_1289 = arith.constant 5 : i32
    %dma_wait3A_1290 = arith.constant 5 : i32
    %dma_wait3A_1291 = arith.constant 0 : i32
    %dma_wait3A_1292 = arith.constant 0 : i32
    %dma_wait3A_1293 = tpu.memref_slice %arg11[%dma_wait3A_1289, %dma_wait3A_1291, %dma_wait3A_1292] : memref<8x32x128xf32, #tpu.memory_space<vmem>> -> memref<1x32x128xf32, #tpu.memory_space<vmem>>
    %dma_wait3A_1294 = tpu.memref_squeeze %dma_wait3A_1293 : memref<1x32x128xf32, #tpu.memory_space<vmem>> -> memref<32x128xf32, #tpu.memory_space<vmem>>
    %dma_wait3A_1295 = arith.constant 0 : i32
    %dma_wait3A_1296 = arith.constant 0 : i32
    %dma_wait3A_1297 = tpu.memref_slice %arg5[%dma_wait3A_1295, %dma_wait3A_1296] : memref<32x1000000xf32, #tpu.memory_space<hbm>> -> memref<32x128xf32, #tpu.memory_space<hbm>>
    %dma_wait3A_1298 = tpu.memref_slice %arg17[%dma_wait3A_1290] : memref<8x!tpu.dma_semaphore, #tpu.memory_space<semaphore_mem>> -> memref<1x!tpu.dma_semaphore, #tpu.memory_space<semaphore_mem>>
    %dma_wait3A_1299 = tpu.memref_squeeze %dma_wait3A_1298 : memref<1x!tpu.dma_semaphore, #tpu.memory_space<semaphore_mem>> -> memref<!tpu.dma_semaphore, #tpu.memory_space<semaphore_mem>>
    %dma_wait3A_1300 = arith.constant 0 : i32
    %dma_wait3A_1301 = arith.constant 0 : i32
    %dma_wait3A_1302 = tpu.memref_slice %arg11[%dma_wait3A_1289, %dma_wait3A_1300, %dma_wait3A_1301] : memref<8x32x128xf32, #tpu.memory_space<vmem>> -> memref<1x32x128xf32, #tpu.memory_space<vmem>>
    %dma_wait3A_1303 = tpu.memref_squeeze %dma_wait3A_1302 : memref<1x32x128xf32, #tpu.memory_space<vmem>> -> memref<32x128xf32, #tpu.memory_space<vmem>>
    %dma_wait3A_1304 = arith.constant 0 : i32
    %dma_wait3A_1305 = arith.constant 0 : i32
    %dma_wait3A_1306 = tpu.memref_slice %arg5[%dma_wait3A_1304, %dma_wait3A_1305] : memref<32x1000000xf32, #tpu.memory_space<hbm>> -> memref<32x128xf32, #tpu.memory_space<hbm>>
    tpu.wait_dma2 semaphore(%dma_wait3A_1299 : memref<!tpu.dma_semaphore, #tpu.memory_space<semaphore_mem>>) src(%dma_wait3A_1306 : memref<32x128xf32, #tpu.memory_space<hbm>>) dst(%dma_wait3A_1303 : memref<32x128xf32, #tpu.memory_space<vmem>>)
    %rem3A_1307 = arith.constant 128 : i32
    %rem3A_1308 = arith.remsi %squeeze3A_1268, %rem3A_1307 : i32
    %rem3A_1309 = arith.constant 509 : i32
    %rem3A_1310 = arith.constant 128 : i32
    %rem3A_1311 = arith.remsi %rem3A_1309, %rem3A_1310 : i32
    %broadcast_in_dim3A_1312 = arith.constant 5 : i32
    %broadcast_in_dim3A_1313 = vector.broadcast %broadcast_in_dim3A_1312 : i32 to vector<16xi32>
    %add3A_1314 = arith.constant 0 : i32
    %add3A_1315 = vector.broadcast %add3A_1314 : i32 to vector<16xi32>
    %add3A_1316 = arith.addi %iota3A, %add3A_1315 : vector<16xi32>
    %broadcast_in_dim3A_1317 = vector.broadcast %rem3A_1308 : i32 to vector<16xi32>
    %gather3A_1318 = tpu.vector_load_idx %arg10[%broadcast_in_dim3A_1313, %add3A_1316, %broadcast_in_dim3A_1317] : memref<8x32x128xf32, #tpu.memory_space<vmem>>[vector<16xi32>, vector<16xi32>, vector<16xi32>], vector<16xf32>,
    %mul3A_1319 = arith.constant 4 : i32
    %mul3A_1320 = vector.broadcast %mul3A_1319 : i32 to vector<16xi32>
    %mul3A_1321 = arith.muli %iota3A, %mul3A_1320 : vector<16xi32>
    %add3A_1322 = arith.constant 3 : i32
    %add3A_1323 = vector.broadcast %add3A_1322 : i32 to vector<16xi32>
    %add3A_1324 = arith.addi %mul3A_1321, %add3A_1323 : vector<16xi32>
    %broadcast_in_dim3A_1325 = vector.broadcast %rem3A_1311 : i32 to vector<16xi32>
    tpu.vector_store_idx %arg12[%add3A_1324, %broadcast_in_dim3A_1325], %gather3A_1318 : memref<128x128xf32, #tpu.memory_space<vmem>>[vector<16xi32>, vector<16xi32>], vector<16xf32>,
    %broadcast_in_dim3A_1326 = arith.constant 5 : i32
    %broadcast_in_dim3A_1327 = vector.broadcast %broadcast_in_dim3A_1326 : i32 to vector<16xi32>
    %add3A_1328 = arith.constant 16 : i32
    %add3A_1329 = vector.broadcast %add3A_1328 : i32 to vector<16xi32>
    %add3A_1330 = arith.addi %iota3A, %add3A_1329 : vector<16xi32>
    %broadcast_in_dim3A_1331 = vector.broadcast %rem3A_1308 : i32 to vector<16xi32>
    %gather3A_1332 = tpu.vector_load_idx %arg10[%broadcast_in_dim3A_1327, %add3A_1330, %broadcast_in_dim3A_1331] : memref<8x32x128xf32, #tpu.memory_space<vmem>>[vector<16xi32>, vector<16xi32>, vector<16xi32>], vector<16xf32>,
    %mul3A_1333 = arith.constant 4 : i32
    %mul3A_1334 = vector.broadcast %mul3A_1333 : i32 to vector<16xi32>
    %mul3A_1335 = arith.muli %iota3A, %mul3A_1334 : vector<16xi32>
    %add3A_1336 = arith.constant 67 : i32
    %add3A_1337 = vector.broadcast %add3A_1336 : i32 to vector<16xi32>
    %add3A_1338 = arith.addi %mul3A_1335, %add3A_1337 : vector<16xi32>
    %broadcast_in_dim3A_1339 = vector.broadcast %rem3A_1311 : i32 to vector<16xi32>
    tpu.vector_store_idx %arg12[%add3A_1338, %broadcast_in_dim3A_1339], %gather3A_1332 : memref<128x128xf32, #tpu.memory_space<vmem>>[vector<16xi32>, vector<16xi32>], vector<16xf32>,
    %rem3A_1340 = arith.constant 128 : i32
    %rem3A_1341 = arith.remsi %squeeze3A_1270, %rem3A_1340 : i32
    %rem3A_1342 = arith.constant 509 : i32
    %rem3A_1343 = arith.constant 128 : i32
    %rem3A_1344 = arith.remsi %rem3A_1342, %rem3A_1343 : i32
    %broadcast_in_dim3A_1345 = arith.constant 5 : i32
    %broadcast_in_dim3A_1346 = vector.broadcast %broadcast_in_dim3A_1345 : i32 to vector<16xi32>
    %add3A_1347 = arith.constant 0 : i32
    %add3A_1348 = vector.broadcast %add3A_1347 : i32 to vector<16xi32>
    %add3A_1349 = arith.addi %iota3A, %add3A_1348 : vector<16xi32>
    %broadcast_in_dim3A_1350 = vector.broadcast %rem3A_1341 : i32 to vector<16xi32>
    %gather3A_1351 = tpu.vector_load_idx %arg11[%broadcast_in_dim3A_1346, %add3A_1349, %broadcast_in_dim3A_1350] : memref<8x32x128xf32, #tpu.memory_space<vmem>>[vector<16xi32>, vector<16xi32>, vector<16xi32>], vector<16xf32>,
    %mul3A_1352 = arith.constant 4 : i32
    %mul3A_1353 = vector.broadcast %mul3A_1352 : i32 to vector<16xi32>
    %mul3A_1354 = arith.muli %iota3A, %mul3A_1353 : vector<16xi32>
    %add3A_1355 = arith.constant 3 : i32
    %add3A_1356 = vector.broadcast %add3A_1355 : i32 to vector<16xi32>
    %add3A_1357 = arith.addi %mul3A_1354, %add3A_1356 : vector<16xi32>
    %broadcast_in_dim3A_1358 = vector.broadcast %rem3A_1344 : i32 to vector<16xi32>
    tpu.vector_store_idx %arg13[%add3A_1357, %broadcast_in_dim3A_1358], %gather3A_1351 : memref<128x128xf32, #tpu.memory_space<vmem>>[vector<16xi32>, vector<16xi32>], vector<16xf32>,
    %broadcast_in_dim3A_1359 = arith.constant 5 : i32
    %broadcast_in_dim3A_1360 = vector.broadcast %broadcast_in_dim3A_1359 : i32 to vector<16xi32>
    %add3A_1361 = arith.constant 16 : i32
    %add3A_1362 = vector.broadcast %add3A_1361 : i32 to vector<16xi32>
    %add3A_1363 = arith.addi %iota3A, %add3A_1362 : vector<16xi32>
    %broadcast_in_dim3A_1364 = vector.broadcast %rem3A_1341 : i32 to vector<16xi32>
    %gather3A_1365 = tpu.vector_load_idx %arg11[%broadcast_in_dim3A_1360, %add3A_1363, %broadcast_in_dim3A_1364] : memref<8x32x128xf32, #tpu.memory_space<vmem>>[vector<16xi32>, vector<16xi32>, vector<16xi32>], vector<16xf32>,
    %mul3A_1366 = arith.constant 4 : i32
    %mul3A_1367 = vector.broadcast %mul3A_1366 : i32 to vector<16xi32>
    %mul3A_1368 = arith.muli %iota3A, %mul3A_1367 : vector<16xi32>
    %add3A_1369 = arith.constant 67 : i32
    %add3A_1370 = vector.broadcast %add3A_1369 : i32 to vector<16xi32>
    %add3A_1371 = arith.addi %mul3A_1368, %add3A_1370 : vector<16xi32>
    %broadcast_in_dim3A_1372 = vector.broadcast %rem3A_1344 : i32 to vector<16xi32>
    tpu.vector_store_idx %arg13[%add3A_1371, %broadcast_in_dim3A_1372], %gather3A_1365 : memref<128x128xf32, #tpu.memory_space<vmem>>[vector<16xi32>, vector<16xi32>], vector<16xf32>,
    %slice3A_1373 = vector.extract_strided_slice %get3A_736 {offsets = [6], sizes = [1], strides = [1]} : vector<16xi32> to vector<1xi32>
    %squeeze3A_1374 = vector.extract %slice3A_1373[0] : i32 from vector<1xi32>
    %slice3A_1375 = vector.extract_strided_slice %get3A_738 {offsets = [6], sizes = [1], strides = [1]} : vector<16xi32> to vector<1xi32>
    %squeeze3A_1376 = vector.extract %slice3A_1375[0] : i32 from vector<1xi32>
    %dma_wait3A_1377 = arith.constant 6 : i32
    %dma_wait3A_1378 = arith.constant 6 : i32
    %dma_wait3A_1379 = arith.constant 0 : i32
    %dma_wait3A_1380 = arith.constant 0 : i32
    %dma_wait3A_1381 = tpu.memref_slice %arg10[%dma_wait3A_1377, %dma_wait3A_1379, %dma_wait3A_1380] : memref<8x32x128xf32, #tpu.memory_space<vmem>> -> memref<1x32x128xf32, #tpu.memory_space<vmem>>
    %dma_wait3A_1382 = tpu.memref_squeeze %dma_wait3A_1381 : memref<1x32x128xf32, #tpu.memory_space<vmem>> -> memref<32x128xf32, #tpu.memory_space<vmem>>
    %dma_wait3A_1383 = arith.constant 0 : i32
    %dma_wait3A_1384 = arith.constant 0 : i32
    %dma_wait3A_1385 = tpu.memref_slice %arg4[%dma_wait3A_1383, %dma_wait3A_1384] : memref<32x1000000xf32, #tpu.memory_space<hbm>> -> memref<32x128xf32, #tpu.memory_space<hbm>>
    %dma_wait3A_1386 = tpu.memref_slice %arg16[%dma_wait3A_1378] : memref<8x!tpu.dma_semaphore, #tpu.memory_space<semaphore_mem>> -> memref<1x!tpu.dma_semaphore, #tpu.memory_space<semaphore_mem>>
    %dma_wait3A_1387 = tpu.memref_squeeze %dma_wait3A_1386 : memref<1x!tpu.dma_semaphore, #tpu.memory_space<semaphore_mem>> -> memref<!tpu.dma_semaphore, #tpu.memory_space<semaphore_mem>>
    %dma_wait3A_1388 = arith.constant 0 : i32
    %dma_wait3A_1389 = arith.constant 0 : i32
    %dma_wait3A_1390 = tpu.memref_slice %arg10[%dma_wait3A_1377, %dma_wait3A_1388, %dma_wait3A_1389] : memref<8x32x128xf32, #tpu.memory_space<vmem>> -> memref<1x32x128xf32, #tpu.memory_space<vmem>>
    %dma_wait3A_1391 = tpu.memref_squeeze %dma_wait3A_1390 : memref<1x32x128xf32, #tpu.memory_space<vmem>> -> memref<32x128xf32, #tpu.memory_space<vmem>>
    %dma_wait3A_1392 = arith.constant 0 : i32
    %dma_wait3A_1393 = arith.constant 0 : i32
    %dma_wait3A_1394 = tpu.memref_slice %arg4[%dma_wait3A_1392, %dma_wait3A_1393] : memref<32x1000000xf32, #tpu.memory_space<hbm>> -> memref<32x128xf32, #tpu.memory_space<hbm>>
    tpu.wait_dma2 semaphore(%dma_wait3A_1387 : memref<!tpu.dma_semaphore, #tpu.memory_space<semaphore_mem>>) src(%dma_wait3A_1394 : memref<32x128xf32, #tpu.memory_space<hbm>>) dst(%dma_wait3A_1391 : memref<32x128xf32, #tpu.memory_space<vmem>>)
    %dma_wait3A_1395 = arith.constant 6 : i32
    %dma_wait3A_1396 = arith.constant 6 : i32
    %dma_wait3A_1397 = arith.constant 0 : i32
    %dma_wait3A_1398 = arith.constant 0 : i32
    %dma_wait3A_1399 = tpu.memref_slice %arg11[%dma_wait3A_1395, %dma_wait3A_1397, %dma_wait3A_1398] : memref<8x32x128xf32, #tpu.memory_space<vmem>> -> memref<1x32x128xf32, #tpu.memory_space<vmem>>
    %dma_wait3A_1400 = tpu.memref_squeeze %dma_wait3A_1399 : memref<1x32x128xf32, #tpu.memory_space<vmem>> -> memref<32x128xf32, #tpu.memory_space<vmem>>
    %dma_wait3A_1401 = arith.constant 0 : i32
    %dma_wait3A_1402 = arith.constant 0 : i32
    %dma_wait3A_1403 = tpu.memref_slice %arg5[%dma_wait3A_1401, %dma_wait3A_1402] : memref<32x1000000xf32, #tpu.memory_space<hbm>> -> memref<32x128xf32, #tpu.memory_space<hbm>>
    %dma_wait3A_1404 = tpu.memref_slice %arg17[%dma_wait3A_1396] : memref<8x!tpu.dma_semaphore, #tpu.memory_space<semaphore_mem>> -> memref<1x!tpu.dma_semaphore, #tpu.memory_space<semaphore_mem>>
    %dma_wait3A_1405 = tpu.memref_squeeze %dma_wait3A_1404 : memref<1x!tpu.dma_semaphore, #tpu.memory_space<semaphore_mem>> -> memref<!tpu.dma_semaphore, #tpu.memory_space<semaphore_mem>>
    %dma_wait3A_1406 = arith.constant 0 : i32
    %dma_wait3A_1407 = arith.constant 0 : i32
    %dma_wait3A_1408 = tpu.memref_slice %arg11[%dma_wait3A_1395, %dma_wait3A_1406, %dma_wait3A_1407] : memref<8x32x128xf32, #tpu.memory_space<vmem>> -> memref<1x32x128xf32, #tpu.memory_space<vmem>>
    %dma_wait3A_1409 = tpu.memref_squeeze %dma_wait3A_1408 : memref<1x32x128xf32, #tpu.memory_space<vmem>> -> memref<32x128xf32, #tpu.memory_space<vmem>>
    %dma_wait3A_1410 = arith.constant 0 : i32
    %dma_wait3A_1411 = arith.constant 0 : i32
    %dma_wait3A_1412 = tpu.memref_slice %arg5[%dma_wait3A_1410, %dma_wait3A_1411] : memref<32x1000000xf32, #tpu.memory_space<hbm>> -> memref<32x128xf32, #tpu.memory_space<hbm>>
    tpu.wait_dma2 semaphore(%dma_wait3A_1405 : memref<!tpu.dma_semaphore, #tpu.memory_space<semaphore_mem>>) src(%dma_wait3A_1412 : memref<32x128xf32, #tpu.memory_space<hbm>>) dst(%dma_wait3A_1409 : memref<32x128xf32, #tpu.memory_space<vmem>>)
    %rem3A_1413 = arith.constant 128 : i32
    %rem3A_1414 = arith.remsi %squeeze3A_1374, %rem3A_1413 : i32
    %rem3A_1415 = arith.constant 510 : i32
    %rem3A_1416 = arith.constant 128 : i32
    %rem3A_1417 = arith.remsi %rem3A_1415, %rem3A_1416 : i32
    %broadcast_in_dim3A_1418 = arith.constant 6 : i32
    %broadcast_in_dim3A_1419 = vector.broadcast %broadcast_in_dim3A_1418 : i32 to vector<16xi32>
    %add3A_1420 = arith.constant 0 : i32
    %add3A_1421 = vector.broadcast %add3A_1420 : i32 to vector<16xi32>
    %add3A_1422 = arith.addi %iota3A, %add3A_1421 : vector<16xi32>
    %broadcast_in_dim3A_1423 = vector.broadcast %rem3A_1414 : i32 to vector<16xi32>
    %gather3A_1424 = tpu.vector_load_idx %arg10[%broadcast_in_dim3A_1419, %add3A_1422, %broadcast_in_dim3A_1423] : memref<8x32x128xf32, #tpu.memory_space<vmem>>[vector<16xi32>, vector<16xi32>, vector<16xi32>], vector<16xf32>,
    %mul3A_1425 = arith.constant 4 : i32
    %mul3A_1426 = vector.broadcast %mul3A_1425 : i32 to vector<16xi32>
    %mul3A_1427 = arith.muli %iota3A, %mul3A_1426 : vector<16xi32>
    %add3A_1428 = arith.constant 3 : i32
    %add3A_1429 = vector.broadcast %add3A_1428 : i32 to vector<16xi32>
    %add3A_1430 = arith.addi %mul3A_1427, %add3A_1429 : vector<16xi32>
    %broadcast_in_dim3A_1431 = vector.broadcast %rem3A_1417 : i32 to vector<16xi32>
    tpu.vector_store_idx %arg12[%add3A_1430, %broadcast_in_dim3A_1431], %gather3A_1424 : memref<128x128xf32, #tpu.memory_space<vmem>>[vector<16xi32>, vector<16xi32>], vector<16xf32>,
    %broadcast_in_dim3A_1432 = arith.constant 6 : i32
    %broadcast_in_dim3A_1433 = vector.broadcast %broadcast_in_dim3A_1432 : i32 to vector<16xi32>
    %add3A_1434 = arith.constant 16 : i32
    %add3A_1435 = vector.broadcast %add3A_1434 : i32 to vector<16xi32>
    %add3A_1436 = arith.addi %iota3A, %add3A_1435 : vector<16xi32>
    %broadcast_in_dim3A_1437 = vector.broadcast %rem3A_1414 : i32 to vector<16xi32>
    %gather3A_1438 = tpu.vector_load_idx %arg10[%broadcast_in_dim3A_1433, %add3A_1436, %broadcast_in_dim3A_1437] : memref<8x32x128xf32, #tpu.memory_space<vmem>>[vector<16xi32>, vector<16xi32>, vector<16xi32>], vector<16xf32>,
    %mul3A_1439 = arith.constant 4 : i32
    %mul3A_1440 = vector.broadcast %mul3A_1439 : i32 to vector<16xi32>
    %mul3A_1441 = arith.muli %iota3A, %mul3A_1440 : vector<16xi32>
    %add3A_1442 = arith.constant 67 : i32
    %add3A_1443 = vector.broadcast %add3A_1442 : i32 to vector<16xi32>
    %add3A_1444 = arith.addi %mul3A_1441, %add3A_1443 : vector<16xi32>
    %broadcast_in_dim3A_1445 = vector.broadcast %rem3A_1417 : i32 to vector<16xi32>
    tpu.vector_store_idx %arg12[%add3A_1444, %broadcast_in_dim3A_1445], %gather3A_1438 : memref<128x128xf32, #tpu.memory_space<vmem>>[vector<16xi32>, vector<16xi32>], vector<16xf32>,
    %rem3A_1446 = arith.constant 128 : i32
    %rem3A_1447 = arith.remsi %squeeze3A_1376, %rem3A_1446 : i32
    %rem3A_1448 = arith.constant 510 : i32
    %rem3A_1449 = arith.constant 128 : i32
    %rem3A_1450 = arith.remsi %rem3A_1448, %rem3A_1449 : i32
    %broadcast_in_dim3A_1451 = arith.constant 6 : i32
    %broadcast_in_dim3A_1452 = vector.broadcast %broadcast_in_dim3A_1451 : i32 to vector<16xi32>
    %add3A_1453 = arith.constant 0 : i32
    %add3A_1454 = vector.broadcast %add3A_1453 : i32 to vector<16xi32>
    %add3A_1455 = arith.addi %iota3A, %add3A_1454 : vector<16xi32>
    %broadcast_in_dim3A_1456 = vector.broadcast %rem3A_1447 : i32 to vector<16xi32>
    %gather3A_1457 = tpu.vector_load_idx %arg11[%broadcast_in_dim3A_1452, %add3A_1455, %broadcast_in_dim3A_1456] : memref<8x32x128xf32, #tpu.memory_space<vmem>>[vector<16xi32>, vector<16xi32>, vector<16xi32>], vector<16xf32>,
    %mul3A_1458 = arith.constant 4 : i32
    %mul3A_1459 = vector.broadcast %mul3A_1458 : i32 to vector<16xi32>
    %mul3A_1460 = arith.muli %iota3A, %mul3A_1459 : vector<16xi32>
    %add3A_1461 = arith.constant 3 : i32
    %add3A_1462 = vector.broadcast %add3A_1461 : i32 to vector<16xi32>
    %add3A_1463 = arith.addi %mul3A_1460, %add3A_1462 : vector<16xi32>
    %broadcast_in_dim3A_1464 = vector.broadcast %rem3A_1450 : i32 to vector<16xi32>
    tpu.vector_store_idx %arg13[%add3A_1463, %broadcast_in_dim3A_1464], %gather3A_1457 : memref<128x128xf32, #tpu.memory_space<vmem>>[vector<16xi32>, vector<16xi32>], vector<16xf32>,
    %broadcast_in_dim3A_1465 = arith.constant 6 : i32
    %broadcast_in_dim3A_1466 = vector.broadcast %broadcast_in_dim3A_1465 : i32 to vector<16xi32>
    %add3A_1467 = arith.constant 16 : i32
    %add3A_1468 = vector.broadcast %add3A_1467 : i32 to vector<16xi32>
    %add3A_1469 = arith.addi %iota3A, %add3A_1468 : vector<16xi32>
    %broadcast_in_dim3A_1470 = vector.broadcast %rem3A_1447 : i32 to vector<16xi32>
    %gather3A_1471 = tpu.vector_load_idx %arg11[%broadcast_in_dim3A_1466, %add3A_1469, %broadcast_in_dim3A_1470] : memref<8x32x128xf32, #tpu.memory_space<vmem>>[vector<16xi32>, vector<16xi32>, vector<16xi32>], vector<16xf32>,
    %mul3A_1472 = arith.constant 4 : i32
    %mul3A_1473 = vector.broadcast %mul3A_1472 : i32 to vector<16xi32>
    %mul3A_1474 = arith.muli %iota3A, %mul3A_1473 : vector<16xi32>
    %add3A_1475 = arith.constant 67 : i32
    %add3A_1476 = vector.broadcast %add3A_1475 : i32 to vector<16xi32>
    %add3A_1477 = arith.addi %mul3A_1474, %add3A_1476 : vector<16xi32>
    %broadcast_in_dim3A_1478 = vector.broadcast %rem3A_1450 : i32 to vector<16xi32>
    tpu.vector_store_idx %arg13[%add3A_1477, %broadcast_in_dim3A_1478], %gather3A_1471 : memref<128x128xf32, #tpu.memory_space<vmem>>[vector<16xi32>, vector<16xi32>], vector<16xf32>,
    %slice3A_1479 = vector.extract_strided_slice %get3A_736 {offsets = [7], sizes = [1], strides = [1]} : vector<16xi32> to vector<1xi32>
    %squeeze3A_1480 = vector.extract %slice3A_1479[0] : i32 from vector<1xi32>
    %slice3A_1481 = vector.extract_strided_slice %get3A_738 {offsets = [7], sizes = [1], strides = [1]} : vector<16xi32> to vector<1xi32>
    %squeeze3A_1482 = vector.extract %slice3A_1481[0] : i32 from vector<1xi32>
    %dma_wait3A_1483 = arith.constant 7 : i32
    %dma_wait3A_1484 = arith.constant 7 : i32
    %dma_wait3A_1485 = arith.constant 0 : i32
    %dma_wait3A_1486 = arith.constant 0 : i32
    %dma_wait3A_1487 = tpu.memref_slice %arg10[%dma_wait3A_1483, %dma_wait3A_1485, %dma_wait3A_1486] : memref<8x32x128xf32, #tpu.memory_space<vmem>> -> memref<1x32x128xf32, #tpu.memory_space<vmem>>
    %dma_wait3A_1488 = tpu.memref_squeeze %dma_wait3A_1487 : memref<1x32x128xf32, #tpu.memory_space<vmem>> -> memref<32x128xf32, #tpu.memory_space<vmem>>
    %dma_wait3A_1489 = arith.constant 0 : i32
    %dma_wait3A_1490 = arith.constant 0 : i32
    %dma_wait3A_1491 = tpu.memref_slice %arg4[%dma_wait3A_1489, %dma_wait3A_1490] : memref<32x1000000xf32, #tpu.memory_space<hbm>> -> memref<32x128xf32, #tpu.memory_space<hbm>>
    %dma_wait3A_1492 = tpu.memref_slice %arg16[%dma_wait3A_1484] : memref<8x!tpu.dma_semaphore, #tpu.memory_space<semaphore_mem>> -> memref<1x!tpu.dma_semaphore, #tpu.memory_space<semaphore_mem>>
    %dma_wait3A_1493 = tpu.memref_squeeze %dma_wait3A_1492 : memref<1x!tpu.dma_semaphore, #tpu.memory_space<semaphore_mem>> -> memref<!tpu.dma_semaphore, #tpu.memory_space<semaphore_mem>>
    %dma_wait3A_1494 = arith.constant 0 : i32
    %dma_wait3A_1495 = arith.constant 0 : i32
    %dma_wait3A_1496 = tpu.memref_slice %arg10[%dma_wait3A_1483, %dma_wait3A_1494, %dma_wait3A_1495] : memref<8x32x128xf32, #tpu.memory_space<vmem>> -> memref<1x32x128xf32, #tpu.memory_space<vmem>>
    %dma_wait3A_1497 = tpu.memref_squeeze %dma_wait3A_1496 : memref<1x32x128xf32, #tpu.memory_space<vmem>> -> memref<32x128xf32, #tpu.memory_space<vmem>>
    %dma_wait3A_1498 = arith.constant 0 : i32
    %dma_wait3A_1499 = arith.constant 0 : i32
    %dma_wait3A_1500 = tpu.memref_slice %arg4[%dma_wait3A_1498, %dma_wait3A_1499] : memref<32x1000000xf32, #tpu.memory_space<hbm>> -> memref<32x128xf32, #tpu.memory_space<hbm>>
    tpu.wait_dma2 semaphore(%dma_wait3A_1493 : memref<!tpu.dma_semaphore, #tpu.memory_space<semaphore_mem>>) src(%dma_wait3A_1500 : memref<32x128xf32, #tpu.memory_space<hbm>>) dst(%dma_wait3A_1497 : memref<32x128xf32, #tpu.memory_space<vmem>>)
    %dma_wait3A_1501 = arith.constant 7 : i32
    %dma_wait3A_1502 = arith.constant 7 : i32
    %dma_wait3A_1503 = arith.constant 0 : i32
    %dma_wait3A_1504 = arith.constant 0 : i32
    %dma_wait3A_1505 = tpu.memref_slice %arg11[%dma_wait3A_1501, %dma_wait3A_1503, %dma_wait3A_1504] : memref<8x32x128xf32, #tpu.memory_space<vmem>> -> memref<1x32x128xf32, #tpu.memory_space<vmem>>
    %dma_wait3A_1506 = tpu.memref_squeeze %dma_wait3A_1505 : memref<1x32x128xf32, #tpu.memory_space<vmem>> -> memref<32x128xf32, #tpu.memory_space<vmem>>
    %dma_wait3A_1507 = arith.constant 0 : i32
    %dma_wait3A_1508 = arith.constant 0 : i32
    %dma_wait3A_1509 = tpu.memref_slice %arg5[%dma_wait3A_1507, %dma_wait3A_1508] : memref<32x1000000xf32, #tpu.memory_space<hbm>> -> memref<32x128xf32, #tpu.memory_space<hbm>>
    %dma_wait3A_1510 = tpu.memref_slice %arg17[%dma_wait3A_1502] : memref<8x!tpu.dma_semaphore, #tpu.memory_space<semaphore_mem>> -> memref<1x!tpu.dma_semaphore, #tpu.memory_space<semaphore_mem>>
    %dma_wait3A_1511 = tpu.memref_squeeze %dma_wait3A_1510 : memref<1x!tpu.dma_semaphore, #tpu.memory_space<semaphore_mem>> -> memref<!tpu.dma_semaphore, #tpu.memory_space<semaphore_mem>>
    %dma_wait3A_1512 = arith.constant 0 : i32
    %dma_wait3A_1513 = arith.constant 0 : i32
    %dma_wait3A_1514 = tpu.memref_slice %arg11[%dma_wait3A_1501, %dma_wait3A_1512, %dma_wait3A_1513] : memref<8x32x128xf32, #tpu.memory_space<vmem>> -> memref<1x32x128xf32, #tpu.memory_space<vmem>>
    %dma_wait3A_1515 = tpu.memref_squeeze %dma_wait3A_1514 : memref<1x32x128xf32, #tpu.memory_space<vmem>> -> memref<32x128xf32, #tpu.memory_space<vmem>>
    %dma_wait3A_1516 = arith.constant 0 : i32
    %dma_wait3A_1517 = arith.constant 0 : i32
    %dma_wait3A_1518 = tpu.memref_slice %arg5[%dma_wait3A_1516, %dma_wait3A_1517] : memref<32x1000000xf32, #tpu.memory_space<hbm>> -> memref<32x128xf32, #tpu.memory_space<hbm>>
    tpu.wait_dma2 semaphore(%dma_wait3A_1511 : memref<!tpu.dma_semaphore, #tpu.memory_space<semaphore_mem>>) src(%dma_wait3A_1518 : memref<32x128xf32, #tpu.memory_space<hbm>>) dst(%dma_wait3A_1515 : memref<32x128xf32, #tpu.memory_space<vmem>>)
    %rem3A_1519 = arith.constant 128 : i32
    %rem3A_1520 = arith.remsi %squeeze3A_1480, %rem3A_1519 : i32
    %rem3A_1521 = arith.constant 511 : i32
    %rem3A_1522 = arith.constant 128 : i32
    %rem3A_1523 = arith.remsi %rem3A_1521, %rem3A_1522 : i32
    %broadcast_in_dim3A_1524 = arith.constant 7 : i32
    %broadcast_in_dim3A_1525 = vector.broadcast %broadcast_in_dim3A_1524 : i32 to vector<16xi32>
    %add3A_1526 = arith.constant 0 : i32
    %add3A_1527 = vector.broadcast %add3A_1526 : i32 to vector<16xi32>
    %add3A_1528 = arith.addi %iota3A, %add3A_1527 : vector<16xi32>
    %broadcast_in_dim3A_1529 = vector.broadcast %rem3A_1520 : i32 to vector<16xi32>
    %gather3A_1530 = tpu.vector_load_idx %arg10[%broadcast_in_dim3A_1525, %add3A_1528, %broadcast_in_dim3A_1529] : memref<8x32x128xf32, #tpu.memory_space<vmem>>[vector<16xi32>, vector<16xi32>, vector<16xi32>], vector<16xf32>,
    %mul3A_1531 = arith.constant 4 : i32
    %mul3A_1532 = vector.broadcast %mul3A_1531 : i32 to vector<16xi32>
    %mul3A_1533 = arith.muli %iota3A, %mul3A_1532 : vector<16xi32>
    %add3A_1534 = arith.constant 3 : i32
    %add3A_1535 = vector.broadcast %add3A_1534 : i32 to vector<16xi32>
    %add3A_1536 = arith.addi %mul3A_1533, %add3A_1535 : vector<16xi32>
    %broadcast_in_dim3A_1537 = vector.broadcast %rem3A_1523 : i32 to vector<16xi32>
    tpu.vector_store_idx %arg12[%add3A_1536, %broadcast_in_dim3A_1537], %gather3A_1530 : memref<128x128xf32, #tpu.memory_space<vmem>>[vector<16xi32>, vector<16xi32>], vector<16xf32>,
    %broadcast_in_dim3A_1538 = arith.constant 7 : i32
    %broadcast_in_dim3A_1539 = vector.broadcast %broadcast_in_dim3A_1538 : i32 to vector<16xi32>
    %add3A_1540 = arith.constant 16 : i32
    %add3A_1541 = vector.broadcast %add3A_1540 : i32 to vector<16xi32>
    %add3A_1542 = arith.addi %iota3A, %add3A_1541 : vector<16xi32>
    %broadcast_in_dim3A_1543 = vector.broadcast %rem3A_1520 : i32 to vector<16xi32>
    %gather3A_1544 = tpu.vector_load_idx %arg10[%broadcast_in_dim3A_1539, %add3A_1542, %broadcast_in_dim3A_1543] : memref<8x32x128xf32, #tpu.memory_space<vmem>>[vector<16xi32>, vector<16xi32>, vector<16xi32>], vector<16xf32>,
    %mul3A_1545 = arith.constant 4 : i32
    %mul3A_1546 = vector.broadcast %mul3A_1545 : i32 to vector<16xi32>
    %mul3A_1547 = arith.muli %iota3A, %mul3A_1546 : vector<16xi32>
    %add3A_1548 = arith.constant 67 : i32
    %add3A_1549 = vector.broadcast %add3A_1548 : i32 to vector<16xi32>
    %add3A_1550 = arith.addi %mul3A_1547, %add3A_1549 : vector<16xi32>
    %broadcast_in_dim3A_1551 = vector.broadcast %rem3A_1523 : i32 to vector<16xi32>
    tpu.vector_store_idx %arg12[%add3A_1550, %broadcast_in_dim3A_1551], %gather3A_1544 : memref<128x128xf32, #tpu.memory_space<vmem>>[vector<16xi32>, vector<16xi32>], vector<16xf32>,
    %rem3A_1552 = arith.constant 128 : i32
    %rem3A_1553 = arith.remsi %squeeze3A_1482, %rem3A_1552 : i32
    %rem3A_1554 = arith.constant 511 : i32
    %rem3A_1555 = arith.constant 128 : i32
    %rem3A_1556 = arith.remsi %rem3A_1554, %rem3A_1555 : i32
    %broadcast_in_dim3A_1557 = arith.constant 7 : i32
    %broadcast_in_dim3A_1558 = vector.broadcast %broadcast_in_dim3A_1557 : i32 to vector<16xi32>
    %add3A_1559 = arith.constant 0 : i32
    %add3A_1560 = vector.broadcast %add3A_1559 : i32 to vector<16xi32>
    %add3A_1561 = arith.addi %iota3A, %add3A_1560 : vector<16xi32>
    %broadcast_in_dim3A_1562 = vector.broadcast %rem3A_1553 : i32 to vector<16xi32>
    %gather3A_1563 = tpu.vector_load_idx %arg11[%broadcast_in_dim3A_1558, %add3A_1561, %broadcast_in_dim3A_1562] : memref<8x32x128xf32, #tpu.memory_space<vmem>>[vector<16xi32>, vector<16xi32>, vector<16xi32>], vector<16xf32>,
    %mul3A_1564 = arith.constant 4 : i32
    %mul3A_1565 = vector.broadcast %mul3A_1564 : i32 to vector<16xi32>
    %mul3A_1566 = arith.muli %iota3A, %mul3A_1565 : vector<16xi32>
    %add3A_1567 = arith.constant 3 : i32
    %add3A_1568 = vector.broadcast %add3A_1567 : i32 to vector<16xi32>
    %add3A_1569 = arith.addi %mul3A_1566, %add3A_1568 : vector<16xi32>
    %broadcast_in_dim3A_1570 = vector.broadcast %rem3A_1556 : i32 to vector<16xi32>
    tpu.vector_store_idx %arg13[%add3A_1569, %broadcast_in_dim3A_1570], %gather3A_1563 : memref<128x128xf32, #tpu.memory_space<vmem>>[vector<16xi32>, vector<16xi32>], vector<16xf32>,
    %broadcast_in_dim3A_1571 = arith.constant 7 : i32
    %broadcast_in_dim3A_1572 = vector.broadcast %broadcast_in_dim3A_1571 : i32 to vector<16xi32>
    %add3A_1573 = arith.constant 16 : i32
    %add3A_1574 = vector.broadcast %add3A_1573 : i32 to vector<16xi32>
    %add3A_1575 = arith.addi %iota3A, %add3A_1574 : vector<16xi32>
    %broadcast_in_dim3A_1576 = vector.broadcast %rem3A_1553 : i32 to vector<16xi32>
    %gather3A_1577 = tpu.vector_load_idx %arg11[%broadcast_in_dim3A_1572, %add3A_1575, %broadcast_in_dim3A_1576] : memref<8x32x128xf32, #tpu.memory_space<vmem>>[vector<16xi32>, vector<16xi32>, vector<16xi32>], vector<16xf32>,
    %mul3A_1578 = arith.constant 4 : i32
    %mul3A_1579 = vector.broadcast %mul3A_1578 : i32 to vector<16xi32>
    %mul3A_1580 = arith.muli %iota3A, %mul3A_1579 : vector<16xi32>
    %add3A_1581 = arith.constant 67 : i32
    %add3A_1582 = vector.broadcast %add3A_1581 : i32 to vector<16xi32>
    %add3A_1583 = arith.addi %mul3A_1580, %add3A_1582 : vector<16xi32>
    %broadcast_in_dim3A_1584 = vector.broadcast %rem3A_1556 : i32 to vector<16xi32>
    tpu.vector_store_idx %arg13[%add3A_1583, %broadcast_in_dim3A_1584], %gather3A_1577 : memref<128x128xf32, #tpu.memory_space<vmem>>[vector<16xi32>, vector<16xi32>], vector<16xf32>,
    %scan3A_1585 = arith.constant 1 : i32
    %scan3A_1586 = arith.constant 0 : i32
    %scan3A_1587 = arith.constant 31 : i32
    %jit3A_1588 = arith.constant 8 : i32
    %div3A_1589 = arith.divsi %scan3A_1587, %jit3A_1588 : i32
    %sign3A_1590 = arith.constant 0 : i32
    %sign3A_1591 = arith.cmpi sgt, %scan3A_1587, %sign3A_1590 : i32
    %sign3A_1592 = arith.extui %sign3A_1591 : i1 to i32
    %sign3A_1593 = arith.constant 0 : i32
    %sign3A_1594 = arith.cmpi slt, %scan3A_1587, %sign3A_1593 : i32
    %sign3A_1595 = arith.extui %sign3A_1594 : i1 to i32
    %sign3A_1596 = arith.subi %sign3A_1592, %sign3A_1595 : i32
    %sign3A_1597 = arith.constant 0 : i32
    %sign3A_1598 = arith.cmpi sgt, %jit3A_1588, %sign3A_1597 : i32
    %sign3A_1599 = arith.extui %sign3A_1598 : i1 to i32
    %sign3A_1600 = arith.constant 0 : i32
    %sign3A_1601 = arith.cmpi slt, %jit3A_1588, %sign3A_1600 : i32
    %sign3A_1602 = arith.extui %sign3A_1601 : i1 to i32
    %sign3A_1603 = arith.subi %sign3A_1599, %sign3A_1602 : i32
    %ne3A_1604 = arith.cmpi ne, %sign3A_1596, %sign3A_1603 : i32
    %rem3A_1605 = arith.remsi %scan3A_1587, %jit3A_1588 : i32
    %ne3A_1606 = arith.constant 0 : i32
    %ne3A_1607 = arith.cmpi ne, %rem3A_1605, %ne3A_1606 : i32
    %and3A_1608 = arith.andi %ne3A_1604, %ne3A_1607 : i1
    %sub3A_1609 = arith.constant 1 : i32
    %sub3A_1610 = arith.subi %div3A_1589, %sub3A_1609 : i32
    %select_n3A_1611 = arith.select %and3A_1608, %sub3A_1610, %div3A_1589 : i32
    %rem3A_1612 = arith.constant 8 : i32
    %rem3A_1613 = arith.remsi %scan3A_1587, %rem3A_1612 : i32
    %mul3A_1614 = arith.constant 16 : i32
    %mul3A_1615 = arith.muli %rem3A_1613, %mul3A_1614 : i32
    %multiple_of3A_1616 = tpu.assume_multiple %mul3A_1615, 16 : i32
    %add3A_1617 = arith.constant 0 : i32
    %add3A_1618 = arith.addi %add3A_1617, %select_n3A_1611 : i32
    %get3A_1619 = arith.index_cast %add3A_1618 : i32 to index
    %get3A_1620 = arith.index_cast %multiple_of3A_1616 : i32 to index
    %get3A_1621 = tpu.vector_load %arg12[%get3A_1619, %get3A_1620] {strides = array<i32>} : memref<128x128xf32, #tpu.memory_space<vmem>>, vector<16xf32>,
    %add3A_1622 = arith.constant 0 : i32
    %add3A_1623 = arith.addi %add3A_1622, %select_n3A_1611 : i32
    %get3A_1624 = arith.index_cast %add3A_1623 : i32 to index
    %get3A_1625 = arith.index_cast %multiple_of3A_1616 : i32 to index
    %get3A_1626 = tpu.vector_load %arg13[%get3A_1624, %get3A_1625] {strides = array<i32>} : memref<128x128xf32, #tpu.memory_space<vmem>>, vector<16xf32>,
    %get3A_1627 = arith.constant 0 : i32
    %get3A_1628 = arith.index_cast %get3A_1627 : i32 to index
    %get3A_1629 = arith.constant 0 : index
    %get3A_1630 = tpu.vector_load %arg14[%get3A_1628, %get3A_1629] {strides = array<i32>} : memref<33x16xf32, #tpu.memory_space<vmem>>, vector<16xf32>,
    %mul3A_1631 = arith.mulf %get3A_1621, %get3A_1626 : vector<16xf32>
    %mul3A_1632 = arith.mulf %mul3A_1631, %get3A_1630 : vector<16xf32>
    %add3A_1633 = arith.addf %get3A_11, %mul3A_1632 : vector<16xf32>
    %add3A_1634 = arith.constant 4 : i32
    %add3A_1635 = arith.addi %add3A_1634, %select_n3A_1611 : i32
    %get3A_1636 = arith.index_cast %add3A_1635 : i32 to index
    %get3A_1637 = arith.index_cast %multiple_of3A_1616 : i32 to index
    %get3A_1638 = tpu.vector_load %arg12[%get3A_1636, %get3A_1637] {strides = array<i32>} : memref<128x128xf32, #tpu.memory_space<vmem>>, vector<16xf32>,
    %add3A_1639 = arith.constant 4 : i32
    %add3A_1640 = arith.addi %add3A_1639, %select_n3A_1611 : i32
    %get3A_1641 = arith.index_cast %add3A_1640 : i32 to index
    %get3A_1642 = arith.index_cast %multiple_of3A_1616 : i32 to index
    %get3A_1643 = tpu.vector_load %arg13[%get3A_1641, %get3A_1642] {strides = array<i32>} : memref<128x128xf32, #tpu.memory_space<vmem>>, vector<16xf32>,
    %get3A_1644 = arith.constant 1 : i32
    %get3A_1645 = arith.index_cast %get3A_1644 : i32 to index
    %get3A_1646 = arith.constant 0 : index
    %get3A_1647 = tpu.vector_load %arg14[%get3A_1645, %get3A_1646] {strides = array<i32>} : memref<33x16xf32, #tpu.memory_space<vmem>>, vector<16xf32>,
    %mul3A_1648 = arith.mulf %get3A_1638, %get3A_1643 : vector<16xf32>
    %mul3A_1649 = arith.mulf %mul3A_1648, %get3A_1647 : vector<16xf32>
    %add3A_1650 = arith.addf %add3A_1633, %mul3A_1649 : vector<16xf32>
    %add3A_1651 = arith.constant 8 : i32
    %add3A_1652 = arith.addi %add3A_1651, %select_n3A_1611 : i32
    %get3A_1653 = arith.index_cast %add3A_1652 : i32 to index
    %get3A_1654 = arith.index_cast %multiple_of3A_1616 : i32 to index
    %get3A_1655 = tpu.vector_load %arg12[%get3A_1653, %get3A_1654] {strides = array<i32>} : memref<128x128xf32, #tpu.memory_space<vmem>>, vector<16xf32>,
    %add3A_1656 = arith.constant 8 : i32
    %add3A_1657 = arith.addi %add3A_1656, %select_n3A_1611 : i32
    %get3A_1658 = arith.index_cast %add3A_1657 : i32 to index
    %get3A_1659 = arith.index_cast %multiple_of3A_1616 : i32 to index
    %get3A_1660 = tpu.vector_load %arg13[%get3A_1658, %get3A_1659] {strides = array<i32>} : memref<128x128xf32, #tpu.memory_space<vmem>>, vector<16xf32>,
    %get3A_1661 = arith.constant 2 : i32
    %get3A_1662 = arith.index_cast %get3A_1661 : i32 to index
    %get3A_1663 = arith.constant 0 : index
    %get3A_1664 = tpu.vector_load %arg14[%get3A_1662, %get3A_1663] {strides = array<i32>} : memref<33x16xf32, #tpu.memory_space<vmem>>, vector<16xf32>,
    %mul3A_1665 = arith.mulf %get3A_1655, %get3A_1660 : vector<16xf32>
    %mul3A_1666 = arith.mulf %mul3A_1665, %get3A_1664 : vector<16xf32>
    %add3A_1667 = arith.addf %add3A_1650, %mul3A_1666 : vector<16xf32>
    %add3A_1668 = arith.constant 12 : i32
    %add3A_1669 = arith.addi %add3A_1668, %select_n3A_1611 : i32
    %get3A_1670 = arith.index_cast %add3A_1669 : i32 to index
    %get3A_1671 = arith.index_cast %multiple_of3A_1616 : i32 to index
    %get3A_1672 = tpu.vector_load %arg12[%get3A_1670, %get3A_1671] {strides = array<i32>} : memref<128x128xf32, #tpu.memory_space<vmem>>, vector<16xf32>,
    %add3A_1673 = arith.constant 12 : i32
    %add3A_1674 = arith.addi %add3A_1673, %select_n3A_1611 : i32
    %get3A_1675 = arith.index_cast %add3A_1674 : i32 to index
    %get3A_1676 = arith.index_cast %multiple_of3A_1616 : i32 to index
    %get3A_1677 = tpu.vector_load %arg13[%get3A_1675, %get3A_1676] {strides = array<i32>} : memref<128x128xf32, #tpu.memory_space<vmem>>, vector<16xf32>,
    %get3A_1678 = arith.constant 3 : i32
    %get3A_1679 = arith.index_cast %get3A_1678 : i32 to index
    %get3A_1680 = arith.constant 0 : index
    %get3A_1681 = tpu.vector_load %arg14[%get3A_1679, %get3A_1680] {strides = array<i32>} : memref<33x16xf32, #tpu.memory_space<vmem>>, vector<16xf32>,
    %mul3A_1682 = arith.mulf %get3A_1672, %get3A_1677 : vector<16xf32>
    %mul3A_1683 = arith.mulf %mul3A_1682, %get3A_1681 : vector<16xf32>
    %add3A_1684 = arith.addf %add3A_1667, %mul3A_1683 : vector<16xf32>
    %add3A_1685 = arith.constant 16 : i32
    %add3A_1686 = arith.addi %add3A_1685, %select_n3A_1611 : i32
    %get3A_1687 = arith.index_cast %add3A_1686 : i32 to index
    %get3A_1688 = arith.index_cast %multiple_of3A_1616 : i32 to index
    %get3A_1689 = tpu.vector_load %arg12[%get3A_1687, %get3A_1688] {strides = array<i32>} : memref<128x128xf32, #tpu.memory_space<vmem>>, vector<16xf32>,
    %add3A_1690 = arith.constant 16 : i32
    %add3A_1691 = arith.addi %add3A_1690, %select_n3A_1611 : i32
    %get3A_1692 = arith.index_cast %add3A_1691 : i32 to index
    %get3A_1693 = arith.index_cast %multiple_of3A_1616 : i32 to index
    %get3A_1694 = tpu.vector_load %arg13[%get3A_1692, %get3A_1693] {strides = array<i32>} : memref<128x128xf32, #tpu.memory_space<vmem>>, vector<16xf32>,
    %get3A_1695 = arith.constant 4 : i32
    %get3A_1696 = arith.index_cast %get3A_1695 : i32 to index
    %get3A_1697 = arith.constant 0 : index
    %get3A_1698 = tpu.vector_load %arg14[%get3A_1696, %get3A_1697] {strides = array<i32>} : memref<33x16xf32, #tpu.memory_space<vmem>>, vector<16xf32>,
    %mul3A_1699 = arith.mulf %get3A_1689, %get3A_1694 : vector<16xf32>
    %mul3A_1700 = arith.mulf %mul3A_1699, %get3A_1698 : vector<16xf32>
    %add3A_1701 = arith.addf %add3A_1684, %mul3A_1700 : vector<16xf32>
    %add3A_1702 = arith.constant 20 : i32
    %add3A_1703 = arith.addi %add3A_1702, %select_n3A_1611 : i32
    %get3A_1704 = arith.index_cast %add3A_1703 : i32 to index
    %get3A_1705 = arith.index_cast %multiple_of3A_1616 : i32 to index
    %get3A_1706 = tpu.vector_load %arg12[%get3A_1704, %get3A_1705] {strides = array<i32>} : memref<128x128xf32, #tpu.memory_space<vmem>>, vector<16xf32>,
    %add3A_1707 = arith.constant 20 : i32
    %add3A_1708 = arith.addi %add3A_1707, %select_n3A_1611 : i32
    %get3A_1709 = arith.index_cast %add3A_1708 : i32 to index
    %get3A_1710 = arith.index_cast %multiple_of3A_1616 : i32 to index
    %get3A_1711 = tpu.vector_load %arg13[%get3A_1709, %get3A_1710] {strides = array<i32>} : memref<128x128xf32, #tpu.memory_space<vmem>>, vector<16xf32>,
    %get3A_1712 = arith.constant 5 : i32
    %get3A_1713 = arith.index_cast %get3A_1712 : i32 to index
    %get3A_1714 = arith.constant 0 : index
    %get3A_1715 = tpu.vector_load %arg14[%get3A_1713, %get3A_1714] {strides = array<i32>} : memref<33x16xf32, #tpu.memory_space<vmem>>, vector<16xf32>,
    %mul3A_1716 = arith.mulf %get3A_1706, %get3A_1711 : vector<16xf32>
    %mul3A_1717 = arith.mulf %mul3A_1716, %get3A_1715 : vector<16xf32>
    %add3A_1718 = arith.addf %add3A_1701, %mul3A_1717 : vector<16xf32>
    %add3A_1719 = arith.constant 24 : i32
    %add3A_1720 = arith.addi %add3A_1719, %select_n3A_1611 : i32
    %get3A_1721 = arith.index_cast %add3A_1720 : i32 to index
    %get3A_1722 = arith.index_cast %multiple_of3A_1616 : i32 to index
    %get3A_1723 = tpu.vector_load %arg12[%get3A_1721, %get3A_1722] {strides = array<i32>} : memref<128x128xf32, #tpu.memory_space<vmem>>, vector<16xf32>,
    %add3A_1724 = arith.constant 24 : i32
    %add3A_1725 = arith.addi %add3A_1724, %select_n3A_1611 : i32
    %get3A_1726 = arith.index_cast %add3A_1725 : i32 to index
    %get3A_1727 = arith.index_cast %multiple_of3A_1616 : i32 to index
    %get3A_1728 = tpu.vector_load %arg13[%get3A_1726, %get3A_1727] {strides = array<i32>} : memref<128x128xf32, #tpu.memory_space<vmem>>, vector<16xf32>,
    %get3A_1729 = arith.constant 6 : i32
    %get3A_1730 = arith.index_cast %get3A_1729 : i32 to index
    %get3A_1731 = arith.constant 0 : index
    %get3A_1732 = tpu.vector_load %arg14[%get3A_1730, %get3A_1731] {strides = array<i32>} : memref<33x16xf32, #tpu.memory_space<vmem>>, vector<16xf32>,
    %mul3A_1733 = arith.mulf %get3A_1723, %get3A_1728 : vector<16xf32>
    %mul3A_1734 = arith.mulf %mul3A_1733, %get3A_1732 : vector<16xf32>
    %add3A_1735 = arith.addf %add3A_1718, %mul3A_1734 : vector<16xf32>
    %add3A_1736 = arith.constant 28 : i32
    %add3A_1737 = arith.addi %add3A_1736, %select_n3A_1611 : i32
    %get3A_1738 = arith.index_cast %add3A_1737 : i32 to index
    %get3A_1739 = arith.index_cast %multiple_of3A_1616 : i32 to index
    %get3A_1740 = tpu.vector_load %arg12[%get3A_1738, %get3A_1739] {strides = array<i32>} : memref<128x128xf32, #tpu.memory_space<vmem>>, vector<16xf32>,
    %add3A_1741 = arith.constant 28 : i32
    %add3A_1742 = arith.addi %add3A_1741, %select_n3A_1611 : i32
    %get3A_1743 = arith.index_cast %add3A_1742 : i32 to index
    %get3A_1744 = arith.index_cast %multiple_of3A_1616 : i32 to index
    %get3A_1745 = tpu.vector_load %arg13[%get3A_1743, %get3A_1744] {strides = array<i32>} : memref<128x128xf32, #tpu.memory_space<vmem>>, vector<16xf32>,
    %get3A_1746 = arith.constant 7 : i32
    %get3A_1747 = arith.index_cast %get3A_1746 : i32 to index
    %get3A_1748 = arith.constant 0 : index
    %get3A_1749 = tpu.vector_load %arg14[%get3A_1747, %get3A_1748] {strides = array<i32>} : memref<33x16xf32, #tpu.memory_space<vmem>>, vector<16xf32>,
    %mul3A_1750 = arith.mulf %get3A_1740, %get3A_1745 : vector<16xf32>
    %mul3A_1751 = arith.mulf %mul3A_1750, %get3A_1749 : vector<16xf32>
    %add3A_1752 = arith.addf %add3A_1735, %mul3A_1751 : vector<16xf32>
    %add3A_1753 = arith.constant 32 : i32
    %add3A_1754 = arith.addi %add3A_1753, %select_n3A_1611 : i32
    %get3A_1755 = arith.index_cast %add3A_1754 : i32 to index
    %get3A_1756 = arith.index_cast %multiple_of3A_1616 : i32 to index
    %get3A_1757 = tpu.vector_load %arg12[%get3A_1755, %get3A_1756] {strides = array<i32>} : memref<128x128xf32, #tpu.memory_space<vmem>>, vector<16xf32>,
    %add3A_1758 = arith.constant 32 : i32
    %add3A_1759 = arith.addi %add3A_1758, %select_n3A_1611 : i32
    %get3A_1760 = arith.index_cast %add3A_1759 : i32 to index
    %get3A_1761 = arith.index_cast %multiple_of3A_1616 : i32 to index
    %get3A_1762 = tpu.vector_load %arg13[%get3A_1760, %get3A_1761] {strides = array<i32>} : memref<128x128xf32, #tpu.memory_space<vmem>>, vector<16xf32>,
    %get3A_1763 = arith.constant 8 : i32
    %get3A_1764 = arith.index_cast %get3A_1763 : i32 to index
    %get3A_1765 = arith.constant 0 : index
    %get3A_1766 = tpu.vector_load %arg14[%get3A_1764, %get3A_1765] {strides = array<i32>} : memref<33x16xf32, #tpu.memory_space<vmem>>, vector<16xf32>,
    %mul3A_1767 = arith.mulf %get3A_1757, %get3A_1762 : vector<16xf32>
    %mul3A_1768 = arith.mulf %mul3A_1767, %get3A_1766 : vector<16xf32>
    %add3A_1769 = arith.addf %add3A_1752, %mul3A_1768 : vector<16xf32>
    %add3A_1770 = arith.constant 36 : i32
    %add3A_1771 = arith.addi %add3A_1770, %select_n3A_1611 : i32
    %get3A_1772 = arith.index_cast %add3A_1771 : i32 to index
    %get3A_1773 = arith.index_cast %multiple_of3A_1616 : i32 to index
    %get3A_1774 = tpu.vector_load %arg12[%get3A_1772, %get3A_1773] {strides = array<i32>} : memref<128x128xf32, #tpu.memory_space<vmem>>, vector<16xf32>,
    %add3A_1775 = arith.constant 36 : i32
    %add3A_1776 = arith.addi %add3A_1775, %select_n3A_1611 : i32
    %get3A_1777 = arith.index_cast %add3A_1776 : i32 to index
    %get3A_1778 = arith.index_cast %multiple_of3A_1616 : i32 to index
    %get3A_1779 = tpu.vector_load %arg13[%get3A_1777, %get3A_1778] {strides = array<i32>} : memref<128x128xf32, #tpu.memory_space<vmem>>, vector<16xf32>,
    %get3A_1780 = arith.constant 9 : i32
    %get3A_1781 = arith.index_cast %get3A_1780 : i32 to index
    %get3A_1782 = arith.constant 0 : index
    %get3A_1783 = tpu.vector_load %arg14[%get3A_1781, %get3A_1782] {strides = array<i32>} : memref<33x16xf32, #tpu.memory_space<vmem>>, vector<16xf32>,
    %mul3A_1784 = arith.mulf %get3A_1774, %get3A_1779 : vector<16xf32>
    %mul3A_1785 = arith.mulf %mul3A_1784, %get3A_1783 : vector<16xf32>
    %add3A_1786 = arith.addf %add3A_1769, %mul3A_1785 : vector<16xf32>
    %add3A_1787 = arith.constant 40 : i32
    %add3A_1788 = arith.addi %add3A_1787, %select_n3A_1611 : i32
    %get3A_1789 = arith.index_cast %add3A_1788 : i32 to index
    %get3A_1790 = arith.index_cast %multiple_of3A_1616 : i32 to index
    %get3A_1791 = tpu.vector_load %arg12[%get3A_1789, %get3A_1790] {strides = array<i32>} : memref<128x128xf32, #tpu.memory_space<vmem>>, vector<16xf32>,
    %add3A_1792 = arith.constant 40 : i32
    %add3A_1793 = arith.addi %add3A_1792, %select_n3A_1611 : i32
    %get3A_1794 = arith.index_cast %add3A_1793 : i32 to index
    %get3A_1795 = arith.index_cast %multiple_of3A_1616 : i32 to index
    %get3A_1796 = tpu.vector_load %arg13[%get3A_1794, %get3A_1795] {strides = array<i32>} : memref<128x128xf32, #tpu.memory_space<vmem>>, vector<16xf32>,
    %get3A_1797 = arith.constant 10 : i32
    %get3A_1798 = arith.index_cast %get3A_1797 : i32 to index
    %get3A_1799 = arith.constant 0 : index
    %get3A_1800 = tpu.vector_load %arg14[%get3A_1798, %get3A_1799] {strides = array<i32>} : memref<33x16xf32, #tpu.memory_space<vmem>>, vector<16xf32>,
    %mul3A_1801 = arith.mulf %get3A_1791, %get3A_1796 : vector<16xf32>
    %mul3A_1802 = arith.mulf %mul3A_1801, %get3A_1800 : vector<16xf32>
    %add3A_1803 = arith.addf %add3A_1786, %mul3A_1802 : vector<16xf32>
    %add3A_1804 = arith.constant 44 : i32
    %add3A_1805 = arith.addi %add3A_1804, %select_n3A_1611 : i32
    %get3A_1806 = arith.index_cast %add3A_1805 : i32 to index
    %get3A_1807 = arith.index_cast %multiple_of3A_1616 : i32 to index
    %get3A_1808 = tpu.vector_load %arg12[%get3A_1806, %get3A_1807] {strides = array<i32>} : memref<128x128xf32, #tpu.memory_space<vmem>>, vector<16xf32>,
    %add3A_1809 = arith.constant 44 : i32
    %add3A_1810 = arith.addi %add3A_1809, %select_n3A_1611 : i32
    %get3A_1811 = arith.index_cast %add3A_1810 : i32 to index
    %get3A_1812 = arith.index_cast %multiple_of3A_1616 : i32 to index
    %get3A_1813 = tpu.vector_load %arg13[%get3A_1811, %get3A_1812] {strides = array<i32>} : memref<128x128xf32, #tpu.memory_space<vmem>>, vector<16xf32>,
    %get3A_1814 = arith.constant 11 : i32
    %get3A_1815 = arith.index_cast %get3A_1814 : i32 to index
    %get3A_1816 = arith.constant 0 : index
    %get3A_1817 = tpu.vector_load %arg14[%get3A_1815, %get3A_1816] {strides = array<i32>} : memref<33x16xf32, #tpu.memory_space<vmem>>, vector<16xf32>,
    %mul3A_1818 = arith.mulf %get3A_1808, %get3A_1813 : vector<16xf32>
    %mul3A_1819 = arith.mulf %mul3A_1818, %get3A_1817 : vector<16xf32>
    %add3A_1820 = arith.addf %add3A_1803, %mul3A_1819 : vector<16xf32>
    %add3A_1821 = arith.constant 48 : i32
    %add3A_1822 = arith.addi %add3A_1821, %select_n3A_1611 : i32
    %get3A_1823 = arith.index_cast %add3A_1822 : i32 to index
    %get3A_1824 = arith.index_cast %multiple_of3A_1616 : i32 to index
    %get3A_1825 = tpu.vector_load %arg12[%get3A_1823, %get3A_1824] {strides = array<i32>} : memref<128x128xf32, #tpu.memory_space<vmem>>, vector<16xf32>,
    %add3A_1826 = arith.constant 48 : i32
    %add3A_1827 = arith.addi %add3A_1826, %select_n3A_1611 : i32
    %get3A_1828 = arith.index_cast %add3A_1827 : i32 to index
    %get3A_1829 = arith.index_cast %multiple_of3A_1616 : i32 to index
    %get3A_1830 = tpu.vector_load %arg13[%get3A_1828, %get3A_1829] {strides = array<i32>} : memref<128x128xf32, #tpu.memory_space<vmem>>, vector<16xf32>,
    %get3A_1831 = arith.constant 12 : i32
    %get3A_1832 = arith.index_cast %get3A_1831 : i32 to index
    %get3A_1833 = arith.constant 0 : index
    %get3A_1834 = tpu.vector_load %arg14[%get3A_1832, %get3A_1833] {strides = array<i32>} : memref<33x16xf32, #tpu.memory_space<vmem>>, vector<16xf32>,
    %mul3A_1835 = arith.mulf %get3A_1825, %get3A_1830 : vector<16xf32>
    %mul3A_1836 = arith.mulf %mul3A_1835, %get3A_1834 : vector<16xf32>
    %add3A_1837 = arith.addf %add3A_1820, %mul3A_1836 : vector<16xf32>
    %add3A_1838 = arith.constant 52 : i32
    %add3A_1839 = arith.addi %add3A_1838, %select_n3A_1611 : i32
    %get3A_1840 = arith.index_cast %add3A_1839 : i32 to index
    %get3A_1841 = arith.index_cast %multiple_of3A_1616 : i32 to index
    %get3A_1842 = tpu.vector_load %arg12[%get3A_1840, %get3A_1841] {strides = array<i32>} : memref<128x128xf32, #tpu.memory_space<vmem>>, vector<16xf32>,
    %add3A_1843 = arith.constant 52 : i32
    %add3A_1844 = arith.addi %add3A_1843, %select_n3A_1611 : i32
    %get3A_1845 = arith.index_cast %add3A_1844 : i32 to index
    %get3A_1846 = arith.index_cast %multiple_of3A_1616 : i32 to index
    %get3A_1847 = tpu.vector_load %arg13[%get3A_1845, %get3A_1846] {strides = array<i32>} : memref<128x128xf32, #tpu.memory_space<vmem>>, vector<16xf32>,
    %get3A_1848 = arith.constant 13 : i32
    %get3A_1849 = arith.index_cast %get3A_1848 : i32 to index
    %get3A_1850 = arith.constant 0 : index
    %get3A_1851 = tpu.vector_load %arg14[%get3A_1849, %get3A_1850] {strides = array<i32>} : memref<33x16xf32, #tpu.memory_space<vmem>>, vector<16xf32>,
    %mul3A_1852 = arith.mulf %get3A_1842, %get3A_1847 : vector<16xf32>
    %mul3A_1853 = arith.mulf %mul3A_1852, %get3A_1851 : vector<16xf32>
    %add3A_1854 = arith.addf %add3A_1837, %mul3A_1853 : vector<16xf32>
    %add3A_1855 = arith.constant 56 : i32
    %add3A_1856 = arith.addi %add3A_1855, %select_n3A_1611 : i32
    %get3A_1857 = arith.index_cast %add3A_1856 : i32 to index
    %get3A_1858 = arith.index_cast %multiple_of3A_1616 : i32 to index
    %get3A_1859 = tpu.vector_load %arg12[%get3A_1857, %get3A_1858] {strides = array<i32>} : memref<128x128xf32, #tpu.memory_space<vmem>>, vector<16xf32>,
    %add3A_1860 = arith.constant 56 : i32
    %add3A_1861 = arith.addi %add3A_1860, %select_n3A_1611 : i32
    %get3A_1862 = arith.index_cast %add3A_1861 : i32 to index
    %get3A_1863 = arith.index_cast %multiple_of3A_1616 : i32 to index
    %get3A_1864 = tpu.vector_load %arg13[%get3A_1862, %get3A_1863] {strides = array<i32>} : memref<128x128xf32, #tpu.memory_space<vmem>>, vector<16xf32>,
    %get3A_1865 = arith.constant 14 : i32
    %get3A_1866 = arith.index_cast %get3A_1865 : i32 to index
    %get3A_1867 = arith.constant 0 : index
    %get3A_1868 = tpu.vector_load %arg14[%get3A_1866, %get3A_1867] {strides = array<i32>} : memref<33x16xf32, #tpu.memory_space<vmem>>, vector<16xf32>,
    %mul3A_1869 = arith.mulf %get3A_1859, %get3A_1864 : vector<16xf32>
    %mul3A_1870 = arith.mulf %mul3A_1869, %get3A_1868 : vector<16xf32>
    %add3A_1871 = arith.addf %add3A_1854, %mul3A_1870 : vector<16xf32>
    %add3A_1872 = arith.constant 60 : i32
    %add3A_1873 = arith.addi %add3A_1872, %select_n3A_1611 : i32
    %get3A_1874 = arith.index_cast %add3A_1873 : i32 to index
    %get3A_1875 = arith.index_cast %multiple_of3A_1616 : i32 to index
    %get3A_1876 = tpu.vector_load %arg12[%get3A_1874, %get3A_1875] {strides = array<i32>} : memref<128x128xf32, #tpu.memory_space<vmem>>, vector<16xf32>,
    %add3A_1877 = arith.constant 60 : i32
    %add3A_1878 = arith.addi %add3A_1877, %select_n3A_1611 : i32
    %get3A_1879 = arith.index_cast %add3A_1878 : i32 to index
    %get3A_1880 = arith.index_cast %multiple_of3A_1616 : i32 to index
    %get3A_1881 = tpu.vector_load %arg13[%get3A_1879, %get3A_1880] {strides = array<i32>} : memref<128x128xf32, #tpu.memory_space<vmem>>, vector<16xf32>,
    %get3A_1882 = arith.constant 15 : i32
    %get3A_1883 = arith.index_cast %get3A_1882 : i32 to index
    %get3A_1884 = arith.constant 0 : index
    %get3A_1885 = tpu.vector_load %arg14[%get3A_1883, %get3A_1884] {strides = array<i32>} : memref<33x16xf32, #tpu.memory_space<vmem>>, vector<16xf32>,
    %mul3A_1886 = arith.mulf %get3A_1876, %get3A_1881 : vector<16xf32>
    %mul3A_1887 = arith.mulf %mul3A_1886, %get3A_1885 : vector<16xf32>
    %add3A_1888 = arith.addf %add3A_1871, %mul3A_1887 : vector<16xf32>
    %add3A_1889 = arith.constant 64 : i32
    %add3A_1890 = arith.addi %add3A_1889, %select_n3A_1611 : i32
    %get3A_1891 = arith.index_cast %add3A_1890 : i32 to index
    %get3A_1892 = arith.index_cast %multiple_of3A_1616 : i32 to index
    %get3A_1893 = tpu.vector_load %arg12[%get3A_1891, %get3A_1892] {strides = array<i32>} : memref<128x128xf32, #tpu.memory_space<vmem>>, vector<16xf32>,
    %add3A_1894 = arith.constant 64 : i32
    %add3A_1895 = arith.addi %add3A_1894, %select_n3A_1611 : i32
    %get3A_1896 = arith.index_cast %add3A_1895 : i32 to index
    %get3A_1897 = arith.index_cast %multiple_of3A_1616 : i32 to index
    %get3A_1898 = tpu.vector_load %arg13[%get3A_1896, %get3A_1897] {strides = array<i32>} : memref<128x128xf32, #tpu.memory_space<vmem>>, vector<16xf32>,
    %get3A_1899 = arith.constant 16 : i32
    %get3A_1900 = arith.index_cast %get3A_1899 : i32 to index
    %get3A_1901 = arith.constant 0 : index
    %get3A_1902 = tpu.vector_load %arg14[%get3A_1900, %get3A_1901] {strides = array<i32>} : memref<33x16xf32, #tpu.memory_space<vmem>>, vector<16xf32>,
    %mul3A_1903 = arith.mulf %get3A_1893, %get3A_1898 : vector<16xf32>
    %mul3A_1904 = arith.mulf %mul3A_1903, %get3A_1902 : vector<16xf32>
    %add3A_1905 = arith.addf %add3A_1888, %mul3A_1904 : vector<16xf32>
    %add3A_1906 = arith.constant 68 : i32
    %add3A_1907 = arith.addi %add3A_1906, %select_n3A_1611 : i32
    %get3A_1908 = arith.index_cast %add3A_1907 : i32 to index
    %get3A_1909 = arith.index_cast %multiple_of3A_1616 : i32 to index
    %get3A_1910 = tpu.vector_load %arg12[%get3A_1908, %get3A_1909] {strides = array<i32>} : memref<128x128xf32, #tpu.memory_space<vmem>>, vector<16xf32>,
    %add3A_1911 = arith.constant 68 : i32
    %add3A_1912 = arith.addi %add3A_1911, %select_n3A_1611 : i32
    %get3A_1913 = arith.index_cast %add3A_1912 : i32 to index
    %get3A_1914 = arith.index_cast %multiple_of3A_1616 : i32 to index
    %get3A_1915 = tpu.vector_load %arg13[%get3A_1913, %get3A_1914] {strides = array<i32>} : memref<128x128xf32, #tpu.memory_space<vmem>>, vector<16xf32>,
    %get3A_1916 = arith.constant 17 : i32
    %get3A_1917 = arith.index_cast %get3A_1916 : i32 to index
    %get3A_1918 = arith.constant 0 : index
    %get3A_1919 = tpu.vector_load %arg14[%get3A_1917, %get3A_1918] {strides = array<i32>} : memref<33x16xf32, #tpu.memory_space<vmem>>, vector<16xf32>,
    %mul3A_1920 = arith.mulf %get3A_1910, %get3A_1915 : vector<16xf32>
    %mul3A_1921 = arith.mulf %mul3A_1920, %get3A_1919 : vector<16xf32>
    %add3A_1922 = arith.addf %add3A_1905, %mul3A_1921 : vector<16xf32>
    %add3A_1923 = arith.constant 72 : i32
    %add3A_1924 = arith.addi %add3A_1923, %select_n3A_1611 : i32
    %get3A_1925 = arith.index_cast %add3A_1924 : i32 to index
    %get3A_1926 = arith.index_cast %multiple_of3A_1616 : i32 to index
    %get3A_1927 = tpu.vector_load %arg12[%get3A_1925, %get3A_1926] {strides = array<i32>} : memref<128x128xf32, #tpu.memory_space<vmem>>, vector<16xf32>,
    %add3A_1928 = arith.constant 72 : i32
    %add3A_1929 = arith.addi %add3A_1928, %select_n3A_1611 : i32
    %get3A_1930 = arith.index_cast %add3A_1929 : i32 to index
    %get3A_1931 = arith.index_cast %multiple_of3A_1616 : i32 to index
    %get3A_1932 = tpu.vector_load %arg13[%get3A_1930, %get3A_1931] {strides = array<i32>} : memref<128x128xf32, #tpu.memory_space<vmem>>, vector<16xf32>,
    %get3A_1933 = arith.constant 18 : i32
    %get3A_1934 = arith.index_cast %get3A_1933 : i32 to index
    %get3A_1935 = arith.constant 0 : index
    %get3A_1936 = tpu.vector_load %arg14[%get3A_1934, %get3A_1935] {strides = array<i32>} : memref<33x16xf32, #tpu.memory_space<vmem>>, vector<16xf32>,
    %mul3A_1937 = arith.mulf %get3A_1927, %get3A_1932 : vector<16xf32>
    %mul3A_1938 = arith.mulf %mul3A_1937, %get3A_1936 : vector<16xf32>
    %add3A_1939 = arith.addf %add3A_1922, %mul3A_1938 : vector<16xf32>
    %add3A_1940 = arith.constant 76 : i32
    %add3A_1941 = arith.addi %add3A_1940, %select_n3A_1611 : i32
    %get3A_1942 = arith.index_cast %add3A_1941 : i32 to index
    %get3A_1943 = arith.index_cast %multiple_of3A_1616 : i32 to index
    %get3A_1944 = tpu.vector_load %arg12[%get3A_1942, %get3A_1943] {strides = array<i32>} : memref<128x128xf32, #tpu.memory_space<vmem>>, vector<16xf32>,
    %add3A_1945 = arith.constant 76 : i32
    %add3A_1946 = arith.addi %add3A_1945, %select_n3A_1611 : i32
    %get3A_1947 = arith.index_cast %add3A_1946 : i32 to index
    %get3A_1948 = arith.index_cast %multiple_of3A_1616 : i32 to index
    %get3A_1949 = tpu.vector_load %arg13[%get3A_1947, %get3A_1948] {strides = array<i32>} : memref<128x128xf32, #tpu.memory_space<vmem>>, vector<16xf32>,
    %get3A_1950 = arith.constant 19 : i32
    %get3A_1951 = arith.index_cast %get3A_1950 : i32 to index
    %get3A_1952 = arith.constant 0 : index
    %get3A_1953 = tpu.vector_load %arg14[%get3A_1951, %get3A_1952] {strides = array<i32>} : memref<33x16xf32, #tpu.memory_space<vmem>>, vector<16xf32>,
    %mul3A_1954 = arith.mulf %get3A_1944, %get3A_1949 : vector<16xf32>
    %mul3A_1955 = arith.mulf %mul3A_1954, %get3A_1953 : vector<16xf32>
    %add3A_1956 = arith.addf %add3A_1939, %mul3A_1955 : vector<16xf32>
    %add3A_1957 = arith.constant 80 : i32
    %add3A_1958 = arith.addi %add3A_1957, %select_n3A_1611 : i32
    %get3A_1959 = arith.index_cast %add3A_1958 : i32 to index
    %get3A_1960 = arith.index_cast %multiple_of3A_1616 : i32 to index
    %get3A_1961 = tpu.vector_load %arg12[%get3A_1959, %get3A_1960] {strides = array<i32>} : memref<128x128xf32, #tpu.memory_space<vmem>>, vector<16xf32>,
    %add3A_1962 = arith.constant 80 : i32
    %add3A_1963 = arith.addi %add3A_1962, %select_n3A_1611 : i32
    %get3A_1964 = arith.index_cast %add3A_1963 : i32 to index
    %get3A_1965 = arith.index_cast %multiple_of3A_1616 : i32 to index
    %get3A_1966 = tpu.vector_load %arg13[%get3A_1964, %get3A_1965] {strides = array<i32>} : memref<128x128xf32, #tpu.memory_space<vmem>>, vector<16xf32>,
    %get3A_1967 = arith.constant 20 : i32
    %get3A_1968 = arith.index_cast %get3A_1967 : i32 to index
    %get3A_1969 = arith.constant 0 : index
    %get3A_1970 = tpu.vector_load %arg14[%get3A_1968, %get3A_1969] {strides = array<i32>} : memref<33x16xf32, #tpu.memory_space<vmem>>, vector<16xf32>,
    %mul3A_1971 = arith.mulf %get3A_1961, %get3A_1966 : vector<16xf32>
    %mul3A_1972 = arith.mulf %mul3A_1971, %get3A_1970 : vector<16xf32>
    %add3A_1973 = arith.addf %add3A_1956, %mul3A_1972 : vector<16xf32>
    %add3A_1974 = arith.constant 84 : i32
    %add3A_1975 = arith.addi %add3A_1974, %select_n3A_1611 : i32
    %get3A_1976 = arith.index_cast %add3A_1975 : i32 to index
    %get3A_1977 = arith.index_cast %multiple_of3A_1616 : i32 to index
    %get3A_1978 = tpu.vector_load %arg12[%get3A_1976, %get3A_1977] {strides = array<i32>} : memref<128x128xf32, #tpu.memory_space<vmem>>, vector<16xf32>,
    %add3A_1979 = arith.constant 84 : i32
    %add3A_1980 = arith.addi %add3A_1979, %select_n3A_1611 : i32
    %get3A_1981 = arith.index_cast %add3A_1980 : i32 to index
    %get3A_1982 = arith.index_cast %multiple_of3A_1616 : i32 to index
    %get3A_1983 = tpu.vector_load %arg13[%get3A_1981, %get3A_1982] {strides = array<i32>} : memref<128x128xf32, #tpu.memory_space<vmem>>, vector<16xf32>,
    %get3A_1984 = arith.constant 21 : i32
    %get3A_1985 = arith.index_cast %get3A_1984 : i32 to index
    %get3A_1986 = arith.constant 0 : index
    %get3A_1987 = tpu.vector_load %arg14[%get3A_1985, %get3A_1986] {strides = array<i32>} : memref<33x16xf32, #tpu.memory_space<vmem>>, vector<16xf32>,
    %mul3A_1988 = arith.mulf %get3A_1978, %get3A_1983 : vector<16xf32>
    %mul3A_1989 = arith.mulf %mul3A_1988, %get3A_1987 : vector<16xf32>
    %add3A_1990 = arith.addf %add3A_1973, %mul3A_1989 : vector<16xf32>
    %add3A_1991 = arith.constant 88 : i32
    %add3A_1992 = arith.addi %add3A_1991, %select_n3A_1611 : i32
    %get3A_1993 = arith.index_cast %add3A_1992 : i32 to index
    %get3A_1994 = arith.index_cast %multiple_of3A_1616 : i32 to index
    %get3A_1995 = tpu.vector_load %arg12[%get3A_1993, %get3A_1994] {strides = array<i32>} : memref<128x128xf32, #tpu.memory_space<vmem>>, vector<16xf32>,
    %add3A_1996 = arith.constant 88 : i32
    %add3A_1997 = arith.addi %add3A_1996, %select_n3A_1611 : i32
    %get3A_1998 = arith.index_cast %add3A_1997 : i32 to index
    %get3A_1999 = arith.index_cast %multiple_of3A_1616 : i32 to index
    %get3A_2000 = tpu.vector_load %arg13[%get3A_1998, %get3A_1999] {strides = array<i32>} : memref<128x128xf32, #tpu.memory_space<vmem>>, vector<16xf32>,
    %get3A_2001 = arith.constant 22 : i32
    %get3A_2002 = arith.index_cast %get3A_2001 : i32 to index
    %get3A_2003 = arith.constant 0 : index
    %get3A_2004 = tpu.vector_load %arg14[%get3A_2002, %get3A_2003] {strides = array<i32>} : memref<33x16xf32, #tpu.memory_space<vmem>>, vector<16xf32>,
    %mul3A_2005 = arith.mulf %get3A_1995, %get3A_2000 : vector<16xf32>
    %mul3A_2006 = arith.mulf %mul3A_2005, %get3A_2004 : vector<16xf32>
    %add3A_2007 = arith.addf %add3A_1990, %mul3A_2006 : vector<16xf32>
    %add3A_2008 = arith.constant 92 : i32
    %add3A_2009 = arith.addi %add3A_2008, %select_n3A_1611 : i32
    %get3A_2010 = arith.index_cast %add3A_2009 : i32 to index
    %get3A_2011 = arith.index_cast %multiple_of3A_1616 : i32 to index
    %get3A_2012 = tpu.vector_load %arg12[%get3A_2010, %get3A_2011] {strides = array<i32>} : memref<128x128xf32, #tpu.memory_space<vmem>>, vector<16xf32>,
    %add3A_2013 = arith.constant 92 : i32
    %add3A_2014 = arith.addi %add3A_2013, %select_n3A_1611 : i32
    %get3A_2015 = arith.index_cast %add3A_2014 : i32 to index
    %get3A_2016 = arith.index_cast %multiple_of3A_1616 : i32 to index
    %get3A_2017 = tpu.vector_load %arg13[%get3A_2015, %get3A_2016] {strides = array<i32>} : memref<128x128xf32, #tpu.memory_space<vmem>>, vector<16xf32>,
    %get3A_2018 = arith.constant 23 : i32
    %get3A_2019 = arith.index_cast %get3A_2018 : i32 to index
    %get3A_2020 = arith.constant 0 : index
    %get3A_2021 = tpu.vector_load %arg14[%get3A_2019, %get3A_2020] {strides = array<i32>} : memref<33x16xf32, #tpu.memory_space<vmem>>, vector<16xf32>,
    %mul3A_2022 = arith.mulf %get3A_2012, %get3A_2017 : vector<16xf32>
    %mul3A_2023 = arith.mulf %mul3A_2022, %get3A_2021 : vector<16xf32>
    %add3A_2024 = arith.addf %add3A_2007, %mul3A_2023 : vector<16xf32>
    %add3A_2025 = arith.constant 96 : i32
    %add3A_2026 = arith.addi %add3A_2025, %select_n3A_1611 : i32
    %get3A_2027 = arith.index_cast %add3A_2026 : i32 to index
    %get3A_2028 = arith.index_cast %multiple_of3A_1616 : i32 to index
    %get3A_2029 = tpu.vector_load %arg12[%get3A_2027, %get3A_2028] {strides = array<i32>} : memref<128x128xf32, #tpu.memory_space<vmem>>, vector<16xf32>,
    %add3A_2030 = arith.constant 96 : i32
    %add3A_2031 = arith.addi %add3A_2030, %select_n3A_1611 : i32
    %get3A_2032 = arith.index_cast %add3A_2031 : i32 to index
    %get3A_2033 = arith.index_cast %multiple_of3A_1616 : i32 to index
    %get3A_2034 = tpu.vector_load %arg13[%get3A_2032, %get3A_2033] {strides = array<i32>} : memref<128x128xf32, #tpu.memory_space<vmem>>, vector<16xf32>,
    %get3A_2035 = arith.constant 24 : i32
    %get3A_2036 = arith.index_cast %get3A_2035 : i32 to index
    %get3A_2037 = arith.constant 0 : index
    %get3A_2038 = tpu.vector_load %arg14[%get3A_2036, %get3A_2037] {strides = array<i32>} : memref<33x16xf32, #tpu.memory_space<vmem>>, vector<16xf32>,
    %mul3A_2039 = arith.mulf %get3A_2029, %get3A_2034 : vector<16xf32>
    %mul3A_2040 = arith.mulf %mul3A_2039, %get3A_2038 : vector<16xf32>
    %add3A_2041 = arith.addf %add3A_2024, %mul3A_2040 : vector<16xf32>
    %add3A_2042 = arith.constant 100 : i32
    %add3A_2043 = arith.addi %add3A_2042, %select_n3A_1611 : i32
    %get3A_2044 = arith.index_cast %add3A_2043 : i32 to index
    %get3A_2045 = arith.index_cast %multiple_of3A_1616 : i32 to index
    %get3A_2046 = tpu.vector_load %arg12[%get3A_2044, %get3A_2045] {strides = array<i32>} : memref<128x128xf32, #tpu.memory_space<vmem>>, vector<16xf32>,
    %add3A_2047 = arith.constant 100 : i32
    %add3A_2048 = arith.addi %add3A_2047, %select_n3A_1611 : i32
    %get3A_2049 = arith.index_cast %add3A_2048 : i32 to index
    %get3A_2050 = arith.index_cast %multiple_of3A_1616 : i32 to index
    %get3A_2051 = tpu.vector_load %arg13[%get3A_2049, %get3A_2050] {strides = array<i32>} : memref<128x128xf32, #tpu.memory_space<vmem>>, vector<16xf32>,
    %get3A_2052 = arith.constant 25 : i32
    %get3A_2053 = arith.index_cast %get3A_2052 : i32 to index
    %get3A_2054 = arith.constant 0 : index
    %get3A_2055 = tpu.vector_load %arg14[%get3A_2053, %get3A_2054] {strides = array<i32>} : memref<33x16xf32, #tpu.memory_space<vmem>>, vector<16xf32>,
    %mul3A_2056 = arith.mulf %get3A_2046, %get3A_2051 : vector<16xf32>
    %mul3A_2057 = arith.mulf %mul3A_2056, %get3A_2055 : vector<16xf32>
    %add3A_2058 = arith.addf %add3A_2041, %mul3A_2057 : vector<16xf32>
    %add3A_2059 = arith.constant 104 : i32
    %add3A_2060 = arith.addi %add3A_2059, %select_n3A_1611 : i32
    %get3A_2061 = arith.index_cast %add3A_2060 : i32 to index
    %get3A_2062 = arith.index_cast %multiple_of3A_1616 : i32 to index
    %get3A_2063 = tpu.vector_load %arg12[%get3A_2061, %get3A_2062] {strides = array<i32>} : memref<128x128xf32, #tpu.memory_space<vmem>>, vector<16xf32>,
    %add3A_2064 = arith.constant 104 : i32
    %add3A_2065 = arith.addi %add3A_2064, %select_n3A_1611 : i32
    %get3A_2066 = arith.index_cast %add3A_2065 : i32 to index
    %get3A_2067 = arith.index_cast %multiple_of3A_1616 : i32 to index
    %get3A_2068 = tpu.vector_load %arg13[%get3A_2066, %get3A_2067] {strides = array<i32>} : memref<128x128xf32, #tpu.memory_space<vmem>>, vector<16xf32>,
    %get3A_2069 = arith.constant 26 : i32
    %get3A_2070 = arith.index_cast %get3A_2069 : i32 to index
    %get3A_2071 = arith.constant 0 : index
    %get3A_2072 = tpu.vector_load %arg14[%get3A_2070, %get3A_2071] {strides = array<i32>} : memref<33x16xf32, #tpu.memory_space<vmem>>, vector<16xf32>,
    %mul3A_2073 = arith.mulf %get3A_2063, %get3A_2068 : vector<16xf32>
    %mul3A_2074 = arith.mulf %mul3A_2073, %get3A_2072 : vector<16xf32>
    %add3A_2075 = arith.addf %add3A_2058, %mul3A_2074 : vector<16xf32>
    %add3A_2076 = arith.constant 108 : i32
    %add3A_2077 = arith.addi %add3A_2076, %select_n3A_1611 : i32
    %get3A_2078 = arith.index_cast %add3A_2077 : i32 to index
    %get3A_2079 = arith.index_cast %multiple_of3A_1616 : i32 to index
    %get3A_2080 = tpu.vector_load %arg12[%get3A_2078, %get3A_2079] {strides = array<i32>} : memref<128x128xf32, #tpu.memory_space<vmem>>, vector<16xf32>,
    %add3A_2081 = arith.constant 108 : i32
    %add3A_2082 = arith.addi %add3A_2081, %select_n3A_1611 : i32
    %get3A_2083 = arith.index_cast %add3A_2082 : i32 to index
    %get3A_2084 = arith.index_cast %multiple_of3A_1616 : i32 to index
    %get3A_2085 = tpu.vector_load %arg13[%get3A_2083, %get3A_2084] {strides = array<i32>} : memref<128x128xf32, #tpu.memory_space<vmem>>, vector<16xf32>,
    %get3A_2086 = arith.constant 27 : i32
    %get3A_2087 = arith.index_cast %get3A_2086 : i32 to index
    %get3A_2088 = arith.constant 0 : index
    %get3A_2089 = tpu.vector_load %arg14[%get3A_2087, %get3A_2088] {strides = array<i32>} : memref<33x16xf32, #tpu.memory_space<vmem>>, vector<16xf32>,
    %mul3A_2090 = arith.mulf %get3A_2080, %get3A_2085 : vector<16xf32>
    %mul3A_2091 = arith.mulf %mul3A_2090, %get3A_2089 : vector<16xf32>
    %add3A_2092 = arith.addf %add3A_2075, %mul3A_2091 : vector<16xf32>
    %add3A_2093 = arith.constant 112 : i32
    %add3A_2094 = arith.addi %add3A_2093, %select_n3A_1611 : i32
    %get3A_2095 = arith.index_cast %add3A_2094 : i32 to index
    %get3A_2096 = arith.index_cast %multiple_of3A_1616 : i32 to index
    %get3A_2097 = tpu.vector_load %arg12[%get3A_2095, %get3A_2096] {strides = array<i32>} : memref<128x128xf32, #tpu.memory_space<vmem>>, vector<16xf32>,
    %add3A_2098 = arith.constant 112 : i32
    %add3A_2099 = arith.addi %add3A_2098, %select_n3A_1611 : i32
    %get3A_2100 = arith.index_cast %add3A_2099 : i32 to index
    %get3A_2101 = arith.index_cast %multiple_of3A_1616 : i32 to index
    %get3A_2102 = tpu.vector_load %arg13[%get3A_2100, %get3A_2101] {strides = array<i32>} : memref<128x128xf32, #tpu.memory_space<vmem>>, vector<16xf32>,
    %get3A_2103 = arith.constant 28 : i32
    %get3A_2104 = arith.index_cast %get3A_2103 : i32 to index
    %get3A_2105 = arith.constant 0 : index
    %get3A_2106 = tpu.vector_load %arg14[%get3A_2104, %get3A_2105] {strides = array<i32>} : memref<33x16xf32, #tpu.memory_space<vmem>>, vector<16xf32>,
    %mul3A_2107 = arith.mulf %get3A_2097, %get3A_2102 : vector<16xf32>
    %mul3A_2108 = arith.mulf %mul3A_2107, %get3A_2106 : vector<16xf32>
    %add3A_2109 = arith.addf %add3A_2092, %mul3A_2108 : vector<16xf32>
    %add3A_2110 = arith.constant 116 : i32
    %add3A_2111 = arith.addi %add3A_2110, %select_n3A_1611 : i32
    %get3A_2112 = arith.index_cast %add3A_2111 : i32 to index
    %get3A_2113 = arith.index_cast %multiple_of3A_1616 : i32 to index
    %get3A_2114 = tpu.vector_load %arg12[%get3A_2112, %get3A_2113] {strides = array<i32>} : memref<128x128xf32, #tpu.memory_space<vmem>>, vector<16xf32>,
    %add3A_2115 = arith.constant 116 : i32
    %add3A_2116 = arith.addi %add3A_2115, %select_n3A_1611 : i32
    %get3A_2117 = arith.index_cast %add3A_2116 : i32 to index
    %get3A_2118 = arith.index_cast %multiple_of3A_1616 : i32 to index
    %get3A_2119 = tpu.vector_load %arg13[%get3A_2117, %get3A_2118] {strides = array<i32>} : memref<128x128xf32, #tpu.memory_space<vmem>>, vector<16xf32>,
    %get3A_2120 = arith.constant 29 : i32
    %get3A_2121 = arith.index_cast %get3A_2120 : i32 to index
    %get3A_2122 = arith.constant 0 : index
    %get3A_2123 = tpu.vector_load %arg14[%get3A_2121, %get3A_2122] {strides = array<i32>} : memref<33x16xf32, #tpu.memory_space<vmem>>, vector<16xf32>,
    %mul3A_2124 = arith.mulf %get3A_2114, %get3A_2119 : vector<16xf32>
    %mul3A_2125 = arith.mulf %mul3A_2124, %get3A_2123 : vector<16xf32>
    %add3A_2126 = arith.addf %add3A_2109, %mul3A_2125 : vector<16xf32>
    %add3A_2127 = arith.constant 120 : i32
    %add3A_2128 = arith.addi %add3A_2127, %select_n3A_1611 : i32
    %get3A_2129 = arith.index_cast %add3A_2128 : i32 to index
    %get3A_2130 = arith.index_cast %multiple_of3A_1616 : i32 to index
    %get3A_2131 = tpu.vector_load %arg12[%get3A_2129, %get3A_2130] {strides = array<i32>} : memref<128x128xf32, #tpu.memory_space<vmem>>, vector<16xf32>,
    %add3A_2132 = arith.constant 120 : i32
    %add3A_2133 = arith.addi %add3A_2132, %select_n3A_1611 : i32
    %get3A_2134 = arith.index_cast %add3A_2133 : i32 to index
    %get3A_2135 = arith.index_cast %multiple_of3A_1616 : i32 to index
    %get3A_2136 = tpu.vector_load %arg13[%get3A_2134, %get3A_2135] {strides = array<i32>} : memref<128x128xf32, #tpu.memory_space<vmem>>, vector<16xf32>,
    %get3A_2137 = arith.constant 30 : i32
    %get3A_2138 = arith.index_cast %get3A_2137 : i32 to index
    %get3A_2139 = arith.constant 0 : index
    %get3A_2140 = tpu.vector_load %arg14[%get3A_2138, %get3A_2139] {strides = array<i32>} : memref<33x16xf32, #tpu.memory_space<vmem>>, vector<16xf32>,
    %mul3A_2141 = arith.mulf %get3A_2131, %get3A_2136 : vector<16xf32>
    %mul3A_2142 = arith.mulf %mul3A_2141, %get3A_2140 : vector<16xf32>
    %add3A_2143 = arith.addf %add3A_2126, %mul3A_2142 : vector<16xf32>
    %add3A_2144 = arith.constant 124 : i32
    %add3A_2145 = arith.addi %add3A_2144, %select_n3A_1611 : i32
    %get3A_2146 = arith.index_cast %add3A_2145 : i32 to index
    %get3A_2147 = arith.index_cast %multiple_of3A_1616 : i32 to index
    %get3A_2148 = tpu.vector_load %arg12[%get3A_2146, %get3A_2147] {strides = array<i32>} : memref<128x128xf32, #tpu.memory_space<vmem>>, vector<16xf32>,
    %add3A_2149 = arith.constant 124 : i32
    %add3A_2150 = arith.addi %add3A_2149, %select_n3A_1611 : i32
    %get3A_2151 = arith.index_cast %add3A_2150 : i32 to index
    %get3A_2152 = arith.index_cast %multiple_of3A_1616 : i32 to index
    %get3A_2153 = tpu.vector_load %arg13[%get3A_2151, %get3A_2152] {strides = array<i32>} : memref<128x128xf32, #tpu.memory_space<vmem>>, vector<16xf32>,
    %get3A_2154 = arith.constant 31 : i32
    %get3A_2155 = arith.index_cast %get3A_2154 : i32 to index
    %get3A_2156 = arith.constant 0 : index
    %get3A_2157 = tpu.vector_load %arg14[%get3A_2155, %get3A_2156] {strides = array<i32>} : memref<33x16xf32, #tpu.memory_space<vmem>>, vector<16xf32>,
    %mul3A_2158 = arith.mulf %get3A_2148, %get3A_2153 : vector<16xf32>
    %mul3A_2159 = arith.mulf %mul3A_2158, %get3A_2157 : vector<16xf32>
    %add3A_2160 = arith.addf %add3A_2143, %mul3A_2159 : vector<16xf32>
    %neg3A = arith.constant 0.000000e+00 : f32
    %neg3A_2161 = vector.broadcast %neg3A : f32 to vector<16xf32>
    %neg3A_2162 = arith.subf %neg3A_2161, %add3A_2160 : vector<16xf32>
    %exp3A = math.exp %neg3A_2162 : vector<16xf32>
    %add3A_2163 = arith.constant 1.000000e+00 : f32
    %add3A_2164 = vector.broadcast %add3A_2163 : f32 to vector<16xf32>
    %add3A_2165 = arith.addf %add3A_2164, %exp3A : vector<16xf32>
    %div3A_2166 = arith.constant 1.000000e+00 : f32
    %div3A_2167 = vector.broadcast %div3A_2166 : f32 to vector<16xf32>
    %div3A_2168 = arith.divf %div3A_2167, %add3A_2165 : vector<16xf32>
    %mul3A_2169 = arith.constant 16 : i32
    %mul3A_2170 = arith.muli %scan3A_1587, %mul3A_2169 : i32
    %multiple_of3A_2171 = tpu.assume_multiple %mul3A_2170, 16 : i32
    %swap3A_2172 = arith.index_cast %multiple_of3A_2171 : i32 to index
    %swap3A_2173 = tpu.vector_load %arg15[%swap3A_2172] {strides = array<i32>} : memref<512xf32, #tpu.memory_space<vmem>>, vector<16xf32>,
    tpu.vector_store %arg15[%swap3A_2172], %div3A_2168 {strides = array<i32>} : memref<512xf32, #tpu.memory_space<vmem>>, vector<16xf32>,
    %scan3A_2174 = arith.constant 1 : i32
    "tpu.region"() ({
      %run_scoped3A = tpu.sem_alloc : memref<!tpu.dma_semaphore, #tpu.memory_space<semaphore_mem>>
      %dma_start3A_2175 = tpu.memref_slice %arg7[%multiple_of3A] : memref<16384xf32, #tpu.memory_space<hbm>> -> memref<512xf32, #tpu.memory_space<hbm>>
      %dma_start3A_2176 = tpu.memref_slice %arg7[%multiple_of3A] : memref<16384xf32, #tpu.memory_space<hbm>> -> memref<512xf32, #tpu.memory_space<hbm>>
      tpu.enqueue_dma source(%arg15 : memref<512xf32, #tpu.memory_space<vmem>>) target(%dma_start3A_2176 : memref<512xf32, #tpu.memory_space<hbm>>) target_semaphore(%run_scoped3A : memref<!tpu.dma_semaphore, #tpu.memory_space<semaphore_mem>>)
      %dma_wait3A_2177 = tpu.memref_slice %arg7[%multiple_of3A] : memref<16384xf32, #tpu.memory_space<hbm>> -> memref<512xf32, #tpu.memory_space<hbm>>
      %dma_wait3A_2178 = tpu.memref_slice %arg7[%multiple_of3A] : memref<16384xf32, #tpu.memory_space<hbm>> -> memref<512xf32, #tpu.memory_space<hbm>>
      tpu.wait_dma2 semaphore(%run_scoped3A : memref<!tpu.dma_semaphore, #tpu.memory_space<semaphore_mem>>) src(%arg15 : memref<512xf32, #tpu.memory_space<vmem>>) dst(%dma_wait3A_2178 : memref<512xf32, #tpu.memory_space<hbm>>)
      tpu.yield
    }) : () -> ()
    return
  }
}

</mosaic_0001>

<sc_bundles>
// kernel: _gmf_call.3.cloned.1.call-start
scs
__scs_entry_jumppad:
0x0: {  	(pc) =	sbr.rel $0x88, $3  }
0x1: {  	(tag) =	ssettag $0x0;
	lr =	simm.s32 $0x1  }
0x2: {  	[smem:$0x3F9C] =	sst lr;
	_ =	strace $0xD0000000  }
0x3: {  	_ = 	snop  }
0x4: {  	_ = 	snop  }
0x5: {  	_ = 	snop  }
0x6: {  	_ = 	snop  }
0x7: {  	_ = 	snop  }
__scs_overlays_trampoline_lowered:
0x8: {  	[smem:$0x3FAB] =	sst s0  }
0x9: {  	[smem:$0x3FAC] =	sst s1  }
0xa: {  	[smem:$0x3FAD] =	sst s2  }
0xb: {  	[smem:$0x3FAE] =	sst s3  }
0xc: {  	[smem:$0x3FAF] =	sst s4  }
0xd: {  	[smem:$0x3FB0] =	sst s5  }
0xe: {  	[smem:$0x3FB1] =	sst s6  }
0xf: {  	[smem:$0x3FB2] =	sst s7  }
0x10: {  	[smem:$0x3FB3] =	sst s8  }
0x11: {  	[smem:$0x3FB4] =	sst s9;
	s0 =	simm.s32 @!p0 $0x0  }
0x12: {  	s1 =	sld [smem:$0x3F9A];
	s0 =	simm.s32 @p0 $0x1  }
0x13: {  	[smem:$0x3FB5] =	sst s0;
	s0 =	simm.s32 @!p1 $0x0  }
0x14: {  	s2 =	sld [smem:$0x3F99];
	s0 =	simm.s32 @p1 $0x1  }
0x15: {  	[smem:$0x3FB6] =	sst s0;
	s0 =	simm.s32 @!p2 $0x0  }
0x16: {  	s3 =	sld [smem:$0x3FDB];
	s0 =	simm.s32 @p2 $0x1  }
0x17: {  	s4 =	simm.s32 $0x1BF5;
	[smem:$0x3FB8] =	sst s0  }
0x18: {  	s0 =	sld [smem:$0x3F9B];
	_ =	swait.ge [sflag:s4], $0x0  }
0x19: {  	s7 =	sld [smem:$0x3F9C]  }
0x1a: {  	s8 =	sadd.s32 $0xFFFFE003, lr  }
0x1b: {  	s9 =	sadd.s32 $0xFFFFFEF7, lr;
	s5 =	simm.s32 $0xFFFFFFFF;
	p2 =	slt.u32 s8, $0xFFFFF086  }
0x1c: {  	p1 =	slt.u32 s9, $0xF7A;
	s5 =	simm.s32 @!p2 $0x0  }
0x1d: {  	s5 =	simm.s32 @p1 $0x1;
	p0 =	seq.s32 s7, s2  }
0x1e: {  	s7 =	smul.u32 @!p0 $0xF7A, s2;
	p2 =	seq.s32 @!p0 s5, $0x0  }
0x1f: {  	s9 =	smul.u32 $0xF7A, s1;
	s8 =	simm.s32 @!p0 $0x1BF5;
	p2 =	por !p2, p0  }
0x20: {  	[sflag:s8] =	ssyncset.s32 @!p0 $0xFFFFF086;
	s6 =	sadd.s32 @!p0 s3, s7;
	s7 =	simm.s32 @!p0 $0x108  }
0x21: {  	s3 =	sadd.s32 s3, s9;
	s6 =	sadd.s32 @!p0 $0x88, s6;
	s7 =	simm.s32 @p2 $0x1082  }
0x22: {  	[simem:s7], [sflag:s8] =	dma.local @!p0 [hbm:s6], $0xF7A  }
0x23: {  	s9 =	sor.u32 $0xD0000000, s2;
	s6 =	simm.s32 $0x108;
	_ =	swait.ge @!p0 [sflag:s8], $0x0  }
0x24: {  	s3 =	sadd.s32 $0x88, s3;
	s6 =	simm.s32 @!p1 $0x1082;
	[sflag:s4] =	ssyncset.s32 $0xFFFFF086  }
0x25: {  	[simem:s6], [sflag:s4] =	dma.local [hbm:s3], $0xF7A  }
0x26: {  	[smem:$0x3F9C] =	sst s1;
	(tag) =	ssettag s2;
	_ =	strace s9  }
0x27: {  	s1 =	sld [smem:$0x3FAC]  }
0x28: {  	s2 =	sld [smem:$0x3FAD]  }
0x29: {  	s4 =	sld [smem:$0x3FAF]  }
0x2a: {  	p0 =	seq.s32 s5, $0x0;
	s5 =	sld [smem:$0x3FB0]  }
0x2b: {  	s6 =	sld [smem:$0x3FB1]  }
0x2c: {  	s7 =	sld [smem:$0x3FB2]  }
0x2d: {  	s3 =	simm.s32 $0x108;
	s8 =	sld [smem:$0x3FB3]  }
0x2e: {  	s3 =	simm.s32 @!p0 $0x1082;
	s9 =	sld [smem:$0x3FB4]  }
0x2f: {  	lr =	sadd.s32 s0, s3;
	s0 =	sld [smem:$0x3FAB]  }
0x30: {  	s3 =	sld [smem:$0x3FAE]  }
0x31: {  	[smem:$0x3FB7] =	sst s10  }
0x32: {  	s10 =	sld [smem:$0x3FB5];
	_ =	sdelay $0x3  }
0x33: {  	p0 =	seq.s32 s10, $0x1;
	s10 =	sld [smem:$0x3FB7];
	_ =	sdelay $0x3  }
0x34: {  	[smem:$0x3FB7] =	sst s10  }
0x35: {  	s10 =	sld [smem:$0x3FB6];
	_ =	sdelay $0x3  }
0x36: {  	p1 =	seq.s32 s10, $0x1;
	s10 =	sld [smem:$0x3FB7];
	_ =	sdelay $0x3  }
0x37: {  	[smem:$0x3FB7] =	sst s10  }
0x38: {  	s10 =	sld [smem:$0x3FB8]  }
0x39: {  	_ = 	snop;
	(pc) =	sbr.ind lr, $3  }
0x3a: {  	_ = 	snop  }
0x3b: {  	_ = 	snop  }
0x3c: {  	p2 =	seq.s32 s10, $0x1;
	s10 =	sld [smem:$0x3FB7]  }
0x3d: {  	_ =	shalt  }
0x3e: {  	_ =	shalt  }
0x3f: {  	_ =	shalt  }
0x40: {  	_ =	shalt  }
0x41: {  	_ =	shalt  }
0x42: {  	_ =	shalt  }
0x43: {  	_ =	shalt  }
0x44: {  	_ =	shalt  }
0x45: {  	_ =	shalt  }
0x46: {  	_ =	shalt  }
0x47: {  	_ =	shalt  }
0x48: {  	_ =	shalt  }
0x49: {  	_ =	shalt  }
0x4a: {  	_ =	shalt  }
0x4b: {  	_ =	shalt  }
0x4c: {  	_ =	shalt  }
0x4d: {  	_ =	shalt  }
0x4e: {  	_ =	shalt  }
0x4f: {  	_ =	shalt  }
0x50: {  	_ =	shalt  }
0x51: {  	_ =	shalt  }
0x52: {  	_ =	shalt  }
0x53: {  	_ =	shalt  }
0x54: {  	_ =	shalt  }
0x55: {  	_ =	shalt  }
0x56: {  	_ =	shalt  }
0x57: {  	_ =	shalt  }
0x58: {  	_ =	shalt  }
0x59: {  	_ =	shalt  }
0x5a: {  	_ =	shalt  }
0x5b: {  	_ =	shalt  }
0x5c: {  	_ =	shalt  }
0x5d: {  	_ =	shalt  }
0x5e: {  	_ =	shalt  }
0x5f: {  	_ =	shalt  }
0x60: {  	_ =	shalt  }
0x61: {  	_ =	shalt  }
0x62: {  	_ =	shalt  }
0x63: {  	_ =	shalt  }
0x64: {  	_ =	shalt  }
0x65: {  	_ =	shalt  }
0x66: {  	_ =	shalt  }
0x67: {  	_ =	shalt  }
0x68: {  	_ =	shalt  }
0x69: {  	_ =	shalt  }
0x6a: {  	_ =	shalt  }
0x6b: {  	_ =	shalt  }
0x6c: {  	_ =	shalt  }
0x6d: {  	_ =	shalt  }
0x6e: {  	_ =	shalt  }
0x6f: {  	_ =	shalt  }
0x70: {  	_ =	shalt  }
0x71: {  	_ =	shalt  }
0x72: {  	_ =	shalt  }
0x73: {  	_ =	shalt  }
0x74: {  	_ =	shalt  }
0x75: {  	_ =	shalt  }
0x76: {  	_ =	shalt  }
0x77: {  	_ =	shalt  }
0x78: {  	_ =	shalt  }
0x79: {  	_ =	shalt  }
0x7a: {  	_ =	shalt  }
0x7b: {  	_ =	shalt  }
0x7c: {  	_ =	shalt  }
0x7d: {  	_ =	shalt  }
0x7e: {  	_ =	shalt  }
0x7f: {  	_ =	shalt  }
0x80: {  	_ =	shalt  }
0x81: {  	_ =	shalt  }
0x82: {  	_ =	shalt  }
0x83: {  	_ =	shalt  }
0x84: {  	_ =	shalt  }
0x85: {  	_ =	shalt  }
0x86: {  	_ =	shalt  }
0x87: {  	_ =	shalt  }
.Lfunc_end0:
.L_simem_size_0:
called_computation_lowered:
.L_overlay_start_0:
0x88: {  	s2 =	sld [smem:$0x3FD9]  }
0x89: {  	s3 =	sld [smem:$0x3FFE];
	_ =	sdelay $0x1  }
0x8a: {  	s1 =	srdreg.scid  }
0x8b: {  	s0 =	sand.u32 $0x1, s1  }
0x8c: {  	s17 =	sshll.u32 s0, $0xA;
	s2 =	sadd.s32 s3, s2  }
0x8d: {  	s2 =	sadd.s32 s2, s17  }
0x8e: {  	[smem:$0x3FC3] =	sst s2  }
0x8f: {  	_ = 	snop  }
0x90: {  	s2 =	sld [smem:$0x3FC9]  }
0x91: {  	s18 =	sld [smem:$0x3FC8]  }
0x92: {  	s4 =	sld [smem:$0x3FC7]  }
0x93: {  	s5 =	sld [smem:$0x3FC6]  }
0x94: {  	s6 =	sld [smem:$0x3FD0];
	(tm) =	ssettm $0x1  }
0x95: {  	s7 =	sld [smem:$0x3FFB];
	_ =	sdelay $0x3  }
0x96: {  	_ =	strace s7  }
0x97: {  	s7 =	sld [smem:$0x3FFC];
	_ =	sdelay $0x3  }
0x98: {  	_ =	strace s7  }
0x99: {  	s7 =	sld [smem:$0x3FFD];
	_ =	sdelay $0x3  }
0x9a: {  	_ =	strace s7  }
0x9b: {  	_ =	strace $0x8FFFFFFF  }
0x9c: {  	s19 =	sld [smem:$0x3FDB];
	_ =	sdelay $0x1  }
0x9d: {  	s8 =	simm.s32 $_scs_section_size  }
0x9e: {  	s9 =	simm.s32 $_size__tile_overlayer_lowered;
	s10 =	simm.s32 $_tile_overlayer_lowered  }
0x9f: {  	s22 =	simm.s32 $0x1BFF;
	s21 =	sshll.u32 s10, $0x1;
	s7 =	sadd.s32 s8, s19  }
0xa0: {  	s11 =	simm.s32 $0x0;
	s20 =	sshll.u32 s9, $0x1;
	s9 =	sadd.s32 s21, s7  }
0xa1: {  	[timem:s11], [sflag:s22] =	dma.local [hbm:s9], s20  }
0xa2: {  	_ =	swait.ge [sflag:s22], s20  }
0xa3: {  	s8 =	ssub.s32 $0x0, s20;
	[sflag:s22] =	ssyncset.done $0x0  }
0xa4: {  	[sflag:s22] =	ssyncadd.s32 s8;
	_ =	sdelay $0x1  }
0xa5: {  	s23 =	simm.s32 $0x1B8B  }
0xa6: {  	_ =	swait.ge [sflag:s23], $0x1  }
0xa7: {  	[sflag:s23] =	ssyncset.done $0x0  }
0xa8: {  	s25 =	simm.s32 $0x1B8E;
	s24 =	sld [smem:$0x3FFE];
	[sflag:s23] =	ssyncadd.s32 $0xFFFFFFFF  }
0xa9: {  	s26 =	simm.s32 $execute0_lowered;
	[smem:$0x3FD2] =	sst s25  }
0xaa: {  	s9 =	sshll.u32 s26, $0x1;
	_ =	strace $0x80000046;
	[dreg:$0x1] =	wrdreg $0xFFFFFFFF  }
0xab: {  	s28 =	simm.s32 $_size_execute0_lowered;
	s7 =	sadd.s32 s7, s9;
	[dreg:$0x0] =	wrdreg $0x0  }
0xac: {  	s9 =	sshll.u32 s28, $0x1;
	[dreg:$0x2] =	wrdreg s7  }
0xad: {  	[dreg:$0x3] =	wrdreg s9  }
0xae: {  	[dreg:$0x4] =	wrdreg $0xC0  }
0xaf: {  	_ =	task [dreg:s11], $0x5FFFF  }
0xb0: {  	[dreg:$0x1] =	wrdreg $0xFFFFFFFF  }
0xb1: {  	[dreg:$0x0] =	wrdreg $0x60  }
0xb2: {  	[dreg:$0x2] =	wrdreg s2  }
0xb3: {  	[dreg:$0x3] =	wrdreg s18  }
0xb4: {  	[dreg:$0x4] =	wrdreg s4  }
0xb5: {  	[dreg:$0x5] =	wrdreg s5  }
0xb6: {  	[dreg:$0x6] =	wrdreg s24  }
0xb7: {  	[dreg:$0x7] =	wrdreg s6  }
0xb8: {  	[dreg:$0x8] =	wrdreg $0x9  }
0xb9: {  	_ =	task.clear_ibuf [dreg:s11], $0x9FFFF;
	_ =	strace $0x90000046  }
0xba: {  	s29 =	simm.s32 $0x9;
	_ =	strace $0x80000048  }
0xbb: {  	_ =	swait.ge [sflag:s29], $0x1  }
0xbc: {  	[sflag:s29] =	ssyncadd.s32 $0xFFFFFFFF  }
0xbd: {  	_ =	strace $0x90000048  }
0xbe: {  	_ =	sfence  }
0xbf: {  	s30 =	sld [smem:$0x0];
	_ =	sdelay $0x2  }
0xc0: {  	s31 =	sshll.u32 s1, $0xD;
	s1 =	sshrl.u32 s1, $0x2  }
0xc1: {  	s3 =	sand.u32 $0x4000, s31;
	s1 =	sadd.s32 s1, s30  }
0xc2: {  	s0 =	sor.u32 s3, s0;
	s1 =	sshll.u32 s1, $0x11  }
0xc3: {  	s0 =	sor.u32 s1, s0  }
0xc4: {  	s0 =	sadd.s32 $0x8F2B, s0  }
0xc5: {  	[sflag:s0] =	ssyncadd.remote.s32 $0x1  }
0xc6: {  	_ =	sfence.sel $0xFFFF  }
0xc7: {  	[dreg:$0x0] =	wrdreg $0xFFFFFFFF;
	(pc) =	sbr.abs _section_cstart, $3  }
0xc8: {  	[dreg:$0x1] =	wrdreg $0xFFFFFFFF  }
0xc9: {  	_ =	task.clear_ibuf [dreg:s11], $0x2FFFF;
	_ =	strace $0x9FFFFFFF  }
0xca: {  	(tm) =	ssettm $0x7FFFFFFF  }
0xcb: {  	_ =	shalt  }
tec
execute0_lowered:
.L_overlay_start_1:
0x0: {  	(tag) =	ssettag $0x1  }
0x1: {  	s0 =	rddreg [dreg:$0x0]  }
0x2: {  	s3 =	rddreg [dreg:$0x1]  }
0x3: {  	s1 =	rddreg [dreg:$0x2]  }
0x4: {  	s2 =	rddreg [dreg:$0x3]  }
0x5: {  	s4 =	rddreg [dreg:$0x4]  }
0x6: {  	s5 =	rddreg [dreg:$0x5];
	s12 =	simm.s32 $0x0;
	s6 =	srdreg.scid  }
0x7: {  	s8 =	stileid.u32;
	s25 =	simm.s32 $0x11;
	s13 =	simm.s32 $0x400  }
0x8: {  	s14 =	simm.s32 $0x7A1400;
	s15 =	simm.s32 $0x500;
	s16 =	simm.s32 $0x8500  }
0x9: {  	s10 =	simm.s32 $0x14500;
	s9 =	simm.s32 $0x4;
	s11 =	simm.s32 $0x5  }
0xa: {  	s17 =	simm.s32 $0xD;
	s18 =	simm.s32 $0x6;
	s19 =	simm.s32 $0xE  }
0xb: {  	s20 =	simm.s32 $0x7;
	s21 =	simm.s32 $0xF;
	s22 =	simm.s32 $0x8  }
0xc: {  	s23 =	simm.s32 $0x10;
	[smem:$0x7FF] =	sst s12;
	s6 =	sand.u32 $0x1, s6  }
0xd: {  	v2 =	vlaneseq.u32;
	s8 =	sshll.u32 s8, $0x7;
	s4 =	sadd.s32 $0x400, s4;
	_ =	strace $0x80000047  }
0xe: {  	v0 =	vmul.u32 $0x80, v2;
	s7 =	ssub.s32 $0x2, s6;
	s6 =	sshll.u32 s6, $0x6;
	[dreg:$0x7] =	wrdreg s4  }
0xf: {  	v1 =	vimm.s32 $0x0;
	v2 =	vmul.u32 $0x200, v2;
	s28 =	sshrl.u32 s7, $0x1;
	s6 =	sor.u32 s6, s8;
	s8 =	simm.s32 $0xB  }
.Ltmp0:
0x10: {  	v3 =	vor.u32 $0x800, v0;
	v4 =	vor.u32 $0x1000, v0;
	v5 =	vor.u32 $0x1800, v0;
	s4 =	ssub.s32 s7, s28;
	s0 =	sadd.s32 s0, s6;
	(pc) =	sbr.rel .LBB2_1-.Ltmp0, $4  }
0x11: {  	v6 =	vor.u32 $0x2000, v0;
	v7 =	vor.u32 $0x2800, v0;
	v8 =	vor.u32 $0x3000, v0;
	s29 =	sadd.s32 s3, s6;
	s30 =	sadd.s32 s5, s6;
	[dreg:$0x8] =	wrdreg s0  }
0x12: {  	v9 =	vor.u32 $0x3800, v0;
	v10 =	vor.u32 $0x4000, v0;
	v11 =	vor.u32 $0x4800, v0;
	s3 =	simm.s32 $0x10500;
	s6 =	simm.s32 $0xA;
	[dreg:$0x9] =	wrdreg s29  }
0x13: {  	v12 =	vor.u32 $0x5000, v0;
	v13 =	vor.u32 $0x5800, v0;
	v14 =	vor.u32 $0x6000, v0;
	s7 =	simm.s32 $0x3;
	[dreg:$0xa] =	wrdreg s30;
	s31 =	smax.u32 s4, $0x1  }
0x14: {  	v15 =	vor.u32 $0x6800, v0;
	v16 =	vor.u32 $0x7000, v0;
	v17 =	vor.u32 $0x7800, v0;
	s5 =	simm.s32 $0x0;
	s4 =	simm.s32 $0xC;
	[dreg:$0xb] =	wrdreg s31  }
.LBB2_5:
0x15: {  	v20 =	vld [tilespmem:$0x1F8];
	_ =	sdelay $0x3  }
0x16: {  	v19 =	vld [tilespmem:$0x478]  }
0x17: {  	(v2sf) =	vpush v20, $0x0;
	_ =	sdelay $0x3  }
0x18: {  	(v2sf) =	vpush v19, $0x0;
	_ =	sdelay $0xa  }
0x19: {  	s0 =	spop (v2sf)  }
0x1a: {  	s5 =	sshra.s32 s0, $0x1F  }
0x1b: {  	s5 =	sshrl.u32 s5, $0x19  }
0x1c: {  	s5 =	sadd.s32 s5, s0  }
0x1d: {  	s24 =	simm.s32 $0x1;
	s12 =	spop (v2sf);
	s5 =	sand.u32 $0xFFFFFF80, s5  }
0x1e: {  	_ =	swait.ge [sflag:s24], $0x1000;
	s0 =	ssub.s32 s0, s5  }
0x1f: {  	[sflag:s24] =	ssyncset.done $0x0;
	v21 =	vadd.s32 s0, v0  }
0x20: {  	s31 =	simm.s32 $0x9;
	[sflag:s24] =	ssyncadd.s32 $0xFFFFF000  }
0x21: {  	_ =	swait.ge [sflag:s31], $0x1000  }
0x22: {  	[sflag:s31] =	ssyncset.done $0x0  }
0x23: {  	[sflag:s31] =	ssyncadd.s32 $0xFFFFF000  }
0x24: {  	v22 =	vor.u32 $0x1F8, v2;
	v21 =	vld.idx.msk [tilespmem:v21+s15+$0x0], $0xffff  }
0x25: {  	v23 =	vadd.s32 s0, v3  }
0x26: {  	s5 =	sshra.s32 s12, $0x1F  }
0x27: {  	s0 =	sshrl.u32 s5, $0x19  }
0x28: {  	(v2sf) =	vpush v20, $0x1;
	s0 =	sadd.s32 s0, s12  }
0x29: {  	s0 =	sand.u32 $0xFFFFFF80, s0;
	[tilespmem:v22+s3+$0x0] =	vst.idx.msk $0xffff, v21  }
0x2a: {  	v54 =	vor.u32 $0x21F8, v2;
	s0 =	ssub.s32 s12, s0;
	v21 =	vld.idx.msk [tilespmem:v23+s15+$0x0], $0xffff  }
0x2b: {  	v24 =	vadd.s32 s0, v0  }
0x2c: {  	(v2sf) =	vpush v19, $0x1;
	_ =	sdelay $0x2  }
0x2d: {  	[tilespmem:v54+s3+$0x0] =	vst.idx.msk $0xffff, v21  }
0x2e: {  	v21 =	vld.idx.msk [tilespmem:v24+s16+$0x0], $0xffff  }
0x2f: {  	v55 =	vadd.s32 s0, v3;
	_ =	sdelay $0x3  }
0x30: {  	[tilespmem:v22+s10+$0x0] =	vst.idx.msk $0xffff, v21  }
0x31: {  	v21 =	vld.idx.msk [tilespmem:v55+s16+$0x0], $0xffff  }
0x32: {  	s12 =	spop (v2sf)  }
0x33: {  	s24 =	sshra.s32 s12, $0x1F  }
0x34: {  	s5 =	sshrl.u32 s24, $0x19  }
0x35: {  	s5 =	sadd.s32 s5, s12  }
0x36: {  	s26 =	simm.s32 $0x2;
	s25 =	spop (v2sf);
	s5 =	sand.u32 $0xFFFFFF80, s5;
	[tilespmem:v54+s10+$0x0] =	vst.idx.msk $0xffff, v21  }
0x37: {  	s0 =	ssub.s32 s12, s5;
	_ =	swait.ge [sflag:s26], $0x1000  }
0x38: {  	v56 =	vadd.s32 s0, v4;
	[sflag:s26] =	ssyncset.done $0x0  }
0x39: {  	[sflag:s26] =	ssyncadd.s32 $0xFFFFF000  }
0x3a: {  	_ =	swait.ge [sflag:s6], $0x1000  }
0x3b: {  	[sflag:s6] =	ssyncset.done $0x0  }
0x3c: {  	[sflag:s6] =	ssyncadd.s32 $0xFFFFF000  }
0x3d: {  	v57 =	vor.u32 $0x1F9, v2;
	v21 =	vld.idx.msk [tilespmem:v56+s15+$0x0], $0xffff  }
0x3e: {  	v58 =	vadd.s32 s0, v5  }
0x3f: {  	s28 =	sshra.s32 s25, $0x1F  }
0x40: {  	s0 =	sshrl.u32 s28, $0x19  }
0x41: {  	s0 =	sadd.s32 s0, s25;
	(v2sf) =	vpush v20, $0x2  }
0x42: {  	s0 =	sand.u32 $0xFFFFFF80, s0;
	[tilespmem:v57+s3+$0x0] =	vst.idx.msk $0xffff, v21  }
0x43: {  	v59 =	vor.u32 $0x21F9, v2;
	s0 =	ssub.s32 s25, s0;
	v21 =	vld.idx.msk [tilespmem:v58+s15+$0x0], $0xffff  }
0x44: {  	v60 =	vadd.s32 s0, v4  }
0x45: {  	(v2sf) =	vpush v19, $0x2;
	_ =	sdelay $0x2  }
0x46: {  	[tilespmem:v59+s3+$0x0] =	vst.idx.msk $0xffff, v21  }
0x47: {  	v21 =	vld.idx.msk [tilespmem:v60+s16+$0x0], $0xffff  }
0x48: {  	v61 =	vadd.s32 s0, v5;
	_ =	sdelay $0x3  }
0x49: {  	[tilespmem:v57+s10+$0x0] =	vst.idx.msk $0xffff, v21  }
0x4a: {  	v21 =	vld.idx.msk [tilespmem:v61+s16+$0x0], $0xffff  }
0x4b: {  	s29 =	spop (v2sf)  }
0x4c: {  	s30 =	sshra.s32 s29, $0x1F  }
0x4d: {  	s5 =	sshrl.u32 s30, $0x19  }
0x4e: {  	s5 =	sadd.s32 s5, s29  }
0x4f: {  	s31 =	spop (v2sf);
	s5 =	sand.u32 $0xFFFFFF80, s5;
	[tilespmem:v59+s10+$0x0] =	vst.idx.msk $0xffff, v21  }
0x50: {  	s0 =	ssub.s32 s29, s5;
	_ =	swait.ge [sflag:s7], $0x1000  }
0x51: {  	v62 =	vadd.s32 s0, v6;
	[sflag:s7] =	ssyncset.done $0x0  }
0x52: {  	[sflag:s7] =	ssyncadd.s32 $0xFFFFF000  }
0x53: {  	_ =	swait.ge [sflag:s8], $0x1000  }
0x54: {  	[sflag:s8] =	ssyncset.done $0x0  }
0x55: {  	[sflag:s8] =	ssyncadd.s32 $0xFFFFF000  }
0x56: {  	v63 =	vor.u32 $0x1FA, v2;
	v21 =	vld.idx.msk [tilespmem:v62+s15+$0x0], $0xffff  }
0x57: {  	v27 =	vadd.s32 s0, v7  }
0x58: {  	s5 =	sshra.s32 s31, $0x1F  }
0x59: {  	s0 =	sshrl.u32 s5, $0x19  }
0x5a: {  	s0 =	sadd.s32 s0, s31;
	(v2sf) =	vpush v20, $0x3  }
0x5b: {  	s0 =	sand.u32 $0xFFFFFF80, s0;
	[tilespmem:v63+s3+$0x0] =	vst.idx.msk $0xffff, v21  }
0x5c: {  	v28 =	vor.u32 $0x21FA, v2;
	s0 =	ssub.s32 s31, s0;
	v21 =	vld.idx.msk [tilespmem:v27+s15+$0x0], $0xffff  }
0x5d: {  	v29 =	vadd.s32 s0, v6  }
0x5e: {  	(v2sf) =	vpush v19, $0x3;
	_ =	sdelay $0x2  }
0x5f: {  	[tilespmem:v28+s3+$0x0] =	vst.idx.msk $0xffff, v21  }
0x60: {  	v21 =	vld.idx.msk [tilespmem:v29+s16+$0x0], $0xffff  }
0x61: {  	v30 =	vadd.s32 s0, v7;
	_ =	sdelay $0x3  }
0x62: {  	[tilespmem:v63+s10+$0x0] =	vst.idx.msk $0xffff, v21  }
0x63: {  	v21 =	vld.idx.msk [tilespmem:v30+s16+$0x0], $0xffff  }
0x64: {  	s24 =	spop (v2sf)  }
0x65: {  	s25 =	sshra.s32 s24, $0x1F  }
0x66: {  	s5 =	sshrl.u32 s25, $0x19  }
0x67: {  	s5 =	sadd.s32 s5, s24  }
0x68: {  	s26 =	spop (v2sf);
	s5 =	sand.u32 $0xFFFFFF80, s5;
	[tilespmem:v28+s10+$0x0] =	vst.idx.msk $0xffff, v21  }
0x69: {  	s0 =	ssub.s32 s24, s5;
	_ =	swait.ge [sflag:s9], $0x1000  }
0x6a: {  	v31 =	vadd.s32 s0, v8;
	[sflag:s9] =	ssyncset.done $0x0  }
0x6b: {  	[sflag:s9] =	ssyncadd.s32 $0xFFFFF000  }
0x6c: {  	_ =	swait.ge [sflag:s4], $0x1000  }
0x6d: {  	[sflag:s4] =	ssyncset.done $0x0  }
0x6e: {  	[sflag:s4] =	ssyncadd.s32 $0xFFFFF000  }
0x6f: {  	v32 =	vor.u32 $0x1FB, v2;
	v21 =	vld.idx.msk [tilespmem:v31+s15+$0x0], $0xffff  }
0x70: {  	v33 =	vadd.s32 s0, v9  }
0x71: {  	s28 =	sshra.s32 s26, $0x1F  }
0x72: {  	s0 =	sshrl.u32 s28, $0x19  }
0x73: {  	s0 =	sadd.s32 s0, s26;
	(v2sf) =	vpush v20, $0x4  }
0x74: {  	s0 =	sand.u32 $0xFFFFFF80, s0;
	[tilespmem:v32+s3+$0x0] =	vst.idx.msk $0xffff, v21  }
0x75: {  	v34 =	vor.u32 $0x21FB, v2;
	s0 =	ssub.s32 s26, s0;
	v21 =	vld.idx.msk [tilespmem:v33+s15+$0x0], $0xffff  }
0x76: {  	v35 =	vadd.s32 s0, v8  }
0x77: {  	(v2sf) =	vpush v19, $0x4;
	_ =	sdelay $0x2  }
0x78: {  	[tilespmem:v34+s3+$0x0] =	vst.idx.msk $0xffff, v21  }
0x79: {  	v21 =	vld.idx.msk [tilespmem:v35+s16+$0x0], $0xffff  }
0x7a: {  	v36 =	vadd.s32 s0, v9;
	_ =	sdelay $0x3  }
0x7b: {  	[tilespmem:v32+s10+$0x0] =	vst.idx.msk $0xffff, v21  }
0x7c: {  	v21 =	vld.idx.msk [tilespmem:v36+s16+$0x0], $0xffff  }
0x7d: {  	s29 =	spop (v2sf)  }
0x7e: {  	s30 =	sshra.s32 s29, $0x1F  }
0x7f: {  	s5 =	sshrl.u32 s30, $0x19  }
0x80: {  	s5 =	sadd.s32 s5, s29  }
0x81: {  	s31 =	spop (v2sf);
	s5 =	sand.u32 $0xFFFFFF80, s5;
	[tilespmem:v34+s10+$0x0] =	vst.idx.msk $0xffff, v21  }
0x82: {  	s0 =	ssub.s32 s29, s5;
	_ =	swait.ge [sflag:s11], $0x1000  }
0x83: {  	v37 =	vadd.s32 s0, v10;
	[sflag:s11] =	ssyncset.done $0x0  }
0x84: {  	[sflag:s11] =	ssyncadd.s32 $0xFFFFF000  }
0x85: {  	_ =	swait.ge [sflag:s17], $0x1000  }
0x86: {  	[sflag:s17] =	ssyncset.done $0x0  }
0x87: {  	[sflag:s17] =	ssyncadd.s32 $0xFFFFF000  }
0x88: {  	v38 =	vor.u32 $0x1FC, v2;
	v21 =	vld.idx.msk [tilespmem:v37+s15+$0x0], $0xffff  }
0x89: {  	v39 =	vadd.s32 s0, v11  }
0x8a: {  	s5 =	sshra.s32 s31, $0x1F  }
0x8b: {  	s0 =	sshrl.u32 s5, $0x19  }
0x8c: {  	s0 =	sadd.s32 s0, s31;
	(v2sf) =	vpush v20, $0x5  }
0x8d: {  	s0 =	sand.u32 $0xFFFFFF80, s0;
	[tilespmem:v38+s3+$0x0] =	vst.idx.msk $0xffff, v21  }
0x8e: {  	v40 =	vor.u32 $0x21FC, v2;
	s0 =	ssub.s32 s31, s0;
	v21 =	vld.idx.msk [tilespmem:v39+s15+$0x0], $0xffff  }
0x8f: {  	v41 =	vadd.s32 s0, v10  }
0x90: {  	(v2sf) =	vpush v19, $0x5;
	_ =	sdelay $0x2  }
0x91: {  	[tilespmem:v40+s3+$0x0] =	vst.idx.msk $0xffff, v21  }
0x92: {  	v21 =	vld.idx.msk [tilespmem:v41+s16+$0x0], $0xffff  }
0x93: {  	v42 =	vadd.s32 s0, v11;
	_ =	sdelay $0x3  }
0x94: {  	[tilespmem:v38+s10+$0x0] =	vst.idx.msk $0xffff, v21  }
0x95: {  	v21 =	vld.idx.msk [tilespmem:v42+s16+$0x0], $0xffff  }
0x96: {  	s24 =	spop (v2sf)  }
0x97: {  	s25 =	sshra.s32 s24, $0x1F  }
0x98: {  	s5 =	sshrl.u32 s25, $0x19  }
0x99: {  	s5 =	sadd.s32 s5, s24  }
0x9a: {  	s26 =	spop (v2sf);
	s5 =	sand.u32 $0xFFFFFF80, s5;
	[tilespmem:v40+s10+$0x0] =	vst.idx.msk $0xffff, v21  }
0x9b: {  	s0 =	ssub.s32 s24, s5;
	_ =	swait.ge [sflag:s18], $0x1000  }
0x9c: {  	v43 =	vadd.s32 s0, v12;
	[sflag:s18] =	ssyncset.done $0x0  }
0x9d: {  	[sflag:s18] =	ssyncadd.s32 $0xFFFFF000  }
0x9e: {  	_ =	swait.ge [sflag:s19], $0x1000  }
0x9f: {  	[sflag:s19] =	ssyncset.done $0x0  }
0xa0: {  	[sflag:s19] =	ssyncadd.s32 $0xFFFFF000  }
0xa1: {  	v44 =	vor.u32 $0x1FD, v2;
	v21 =	vld.idx.msk [tilespmem:v43+s15+$0x0], $0xffff  }
0xa2: {  	v45 =	vadd.s32 s0, v13  }
0xa3: {  	s28 =	sshra.s32 s26, $0x1F  }
0xa4: {  	s0 =	sshrl.u32 s28, $0x19  }
0xa5: {  	s0 =	sadd.s32 s0, s26;
	(v2sf) =	vpush v20, $0x6  }
0xa6: {  	s0 =	sand.u32 $0xFFFFFF80, s0;
	[tilespmem:v44+s3+$0x0] =	vst.idx.msk $0xffff, v21  }
0xa7: {  	v46 =	vor.u32 $0x21FD, v2;
	s0 =	ssub.s32 s26, s0;
	v21 =	vld.idx.msk [tilespmem:v45+s15+$0x0], $0xffff  }
0xa8: {  	v47 =	vadd.s32 s0, v12  }
0xa9: {  	(v2sf) =	vpush v19, $0x6;
	_ =	sdelay $0x2  }
0xaa: {  	[tilespmem:v46+s3+$0x0] =	vst.idx.msk $0xffff, v21  }
0xab: {  	v21 =	vld.idx.msk [tilespmem:v47+s16+$0x0], $0xffff  }
0xac: {  	v48 =	vadd.s32 s0, v13;
	_ =	sdelay $0x3  }
0xad: {  	[tilespmem:v44+s10+$0x0] =	vst.idx.msk $0xffff, v21  }
0xae: {  	v21 =	vld.idx.msk [tilespmem:v48+s16+$0x0], $0xffff  }
0xaf: {  	s29 =	spop (v2sf)  }
0xb0: {  	s30 =	sshra.s32 s29, $0x1F  }
0xb1: {  	s5 =	sshrl.u32 s30, $0x19  }
0xb2: {  	s5 =	sadd.s32 s5, s29  }
0xb3: {  	s31 =	spop (v2sf);
	s5 =	sand.u32 $0xFFFFFF80, s5;
	[tilespmem:v46+s10+$0x0] =	vst.idx.msk $0xffff, v21  }
0xb4: {  	s0 =	ssub.s32 s29, s5;
	_ =	swait.ge [sflag:s20], $0x1000  }
0xb5: {  	v49 =	vadd.s32 s0, v14;
	[sflag:s20] =	ssyncset.done $0x0  }
0xb6: {  	[sflag:s20] =	ssyncadd.s32 $0xFFFFF000  }
0xb7: {  	_ =	swait.ge [sflag:s21], $0x1000  }
0xb8: {  	[sflag:s21] =	ssyncset.done $0x0  }
0xb9: {  	[sflag:s21] =	ssyncadd.s32 $0xFFFFF000  }
0xba: {  	v50 =	vor.u32 $0x1FE, v2;
	v21 =	vld.idx.msk [tilespmem:v49+s15+$0x0], $0xffff  }
0xbb: {  	v51 =	vadd.s32 s0, v15  }
0xbc: {  	s5 =	sshra.s32 s31, $0x1F  }
0xbd: {  	s0 =	sshrl.u32 s5, $0x19  }
0xbe: {  	s0 =	sadd.s32 s0, s31;
	(v2sf) =	vpush v20, $0x7  }
0xbf: {  	s0 =	sand.u32 $0xFFFFFF80, s0;
	[tilespmem:v50+s3+$0x0] =	vst.idx.msk $0xffff, v21  }
0xc0: {  	v53 =	vor.u32 $0x21FE, v2;
	s0 =	ssub.s32 s31, s0;
	v52 =	vld.idx.msk [tilespmem:v51+s15+$0x0], $0xffff  }
0xc1: {  	v54 =	vadd.s32 s0, v14  }
0xc2: {  	(v2sf) =	vpush v19, $0x7;
	_ =	sdelay $0x2  }
0xc3: {  	[tilespmem:v53+s3+$0x0] =	vst.idx.msk $0xffff, v52  }
0xc4: {  	v19 =	vld.idx.msk [tilespmem:v54+s16+$0x0], $0xffff  }
0xc5: {  	v55 =	vadd.s32 s0, v15;
	_ =	sdelay $0x3  }
0xc6: {  	[tilespmem:v50+s10+$0x0] =	vst.idx.msk $0xffff, v19  }
0xc7: {  	v19 =	vld.idx.msk [tilespmem:v55+s16+$0x0], $0xffff  }
0xc8: {  	s12 =	spop (v2sf)  }
0xc9: {  	s24 =	sshra.s32 s12, $0x1F  }
0xca: {  	s5 =	sshrl.u32 s24, $0x19  }
0xcb: {  	s5 =	sadd.s32 s5, s12  }
0xcc: {  	s25 =	spop (v2sf);
	s5 =	sand.u32 $0xFFFFFF80, s5;
	[tilespmem:v53+s10+$0x0] =	vst.idx.msk $0xffff, v19  }
0xcd: {  	s0 =	ssub.s32 s12, s5;
	_ =	swait.ge [sflag:s22], $0x1000  }
0xce: {  	v19 =	vadd.s32 s0, v16;
	[sflag:s22] =	ssyncset.done $0x0  }
0xcf: {  	[sflag:s22] =	ssyncadd.s32 $0xFFFFF000  }
0xd0: {  	_ =	swait.ge [sflag:s23], $0x1000  }
0xd1: {  	[sflag:s23] =	ssyncset.done $0x0  }
0xd2: {  	[sflag:s23] =	ssyncadd.s32 $0xFFFFF000  }
0xd3: {  	v56 =	vor.u32 $0x1FF, v2;
	v19 =	vld.idx.msk [tilespmem:v19+s15+$0x0], $0xffff  }
0xd4: {  	v57 =	vadd.s32 s0, v17  }
0xd5: {  	s26 =	sshra.s32 s25, $0x1F  }
0xd6: {  	s0 =	sshrl.u32 s26, $0x19  }
0xd7: {  	s0 =	sadd.s32 s0, s25  }
0xd8: {  	s0 =	sand.u32 $0xFFFFFF80, s0;
	[tilespmem:v56+s3+$0x0] =	vst.idx.msk $0xffff, v19  }
0xd9: {  	v58 =	vor.u32 $0x21FF, v2;
	s0 =	ssub.s32 s25, s0;
	v19 =	vld.idx.msk [tilespmem:v57+s15+$0x0], $0xffff  }
0xda: {  	v59 =	vadd.s32 s0, v16;
	_ =	sdelay $0x3  }
0xdb: {  	[tilespmem:v58+s3+$0x0] =	vst.idx.msk $0xffff, v19  }
0xdc: {  	v19 =	vld.idx.msk [tilespmem:v59+s16+$0x0], $0xffff  }
0xdd: {  	v60 =	vadd.s32 s0, v17;
	_ =	sdelay $0x3  }
0xde: {  	[tilespmem:v56+s10+$0x0] =	vst.idx.msk $0xffff, v19  }
0xdf: {  	v19 =	vld.idx.msk [tilespmem:v60+s16+$0x0], $0xffff;
	_ =	sdelay $0x4  }
0xe0: {  	[tilespmem:v58+s10+$0x0] =	vst.idx.msk $0xffff, v19  }
0xe1: {  	v19 =	vld [tilespmem:$0x106F0]  }
0xe2: {  	v20 =	vld [tilespmem:$0x146F0]  }
0xe3: {  	v21 =	vld [tilespmem:$0x18500]  }
0xe4: {  	v61 =	vld [tilespmem:$0x108F0]  }
0xe5: {  	v62 =	vld [tilespmem:$0x148F0]  }
0xe6: {  	v63 =	vld [tilespmem:$0x18580]  }
0xe7: {  	v25 =	vld [tilespmem:$0x10AF0]  }
0xe8: {  	v26 =	vld [tilespmem:$0x14AF0]  }
0xe9: {  	v27 =	vld [tilespmem:$0x18600]  }
0xea: {  	v28 =	vld [tilespmem:$0x10CF0]  }
0xeb: {  	v29 =	vld [tilespmem:$0x14CF0]  }
0xec: {  	v30 =	vld [tilespmem:$0x18680]  }
0xed: {  	v31 =	vld [tilespmem:$0x10EF0]  }
0xee: {  	v32 =	vld [tilespmem:$0x14EF0]  }
0xef: {  	v33 =	vld [tilespmem:$0x18700]  }
0xf0: {  	v34 =	vld [tilespmem:$0x110F0]  }
0xf1: {  	v35 =	vld [tilespmem:$0x150F0]  }
0xf2: {  	v36 =	vld [tilespmem:$0x18780]  }
0xf3: {  	v37 =	vld [tilespmem:$0x112F0]  }
0xf4: {  	v38 =	vld [tilespmem:$0x152F0]  }
0xf5: {  	v39 =	vld [tilespmem:$0x18800]  }
0xf6: {  	v40 =	vld [tilespmem:$0x114F0]  }
0xf7: {  	v41 =	vld [tilespmem:$0x154F0]  }
0xf8: {  	v42 =	vld [tilespmem:$0x18880]  }
0xf9: {  	v43 =	vld [tilespmem:$0x116F0]  }
0xfa: {  	v44 =	vld [tilespmem:$0x156F0]  }
0xfb: {  	v45 =	vld [tilespmem:$0x18900]  }
0xfc: {  	v46 =	vld [tilespmem:$0x118F0]  }
0xfd: {  	v47 =	vld [tilespmem:$0x158F0]  }
0xfe: {  	v48 =	vld [tilespmem:$0x18980]  }
0xff: {  	v49 =	vld [tilespmem:$0x11AF0]  }
0x100: {  	v50 =	vld [tilespmem:$0x15AF0]  }
0x101: {  	v51 =	vld [tilespmem:$0x18A00]  }
0x102: {  	v52 =	vld [tilespmem:$0x11CF0]  }
0x103: {  	v53 =	vld [tilespmem:$0x15CF0]  }
0x104: {  	v54 =	vld [tilespmem:$0x18A80]  }
0x105: {  	v55 =	vld [tilespmem:$0x11EF0]  }
0x106: {  	v56 =	vld [tilespmem:$0x18B00];
	v19 =	vmul.f32 v20, v19  }
0x107: {  	v22 =	vld [tilespmem:$0x120F0]  }
0x108: {  	v23 =	vld [tilespmem:$0x160F0];
	v60 =	vmul.f32 v62, v61;
	v19 =	vmul.f32 v21, v19  }
0x109: {  	v24 =	vld [tilespmem:$0x18B80]  }
0x10a: {  	v57 =	vld [tilespmem:$0x12CF0];
	v61 =	vmul.f32 v26, v25;
	v18 =	vadd.f32 v19, v18;
	v19 =	vmul.f32 v63, v60  }
0x10b: {  	v58 =	vld [tilespmem:$0x16CF0]  }
0x10c: {  	v20 =	vld [tilespmem:$0x15EF0];
	v62 =	vmul.f32 v29, v28;
	v18 =	vadd.f32 v19, v18;
	v19 =	vmul.f32 v27, v61  }
0x10d: {  	v25 =	vld [tilespmem:$0x122F0]  }
0x10e: {  	v32 =	vmul.f32 v32, v31;
	v28 =	vld [tilespmem:$0x124F0];
	v18 =	vadd.f32 v19, v18;
	v19 =	vmul.f32 v30, v62  }
0x10f: {  	v29 =	vld [tilespmem:$0x164F0]  }
0x110: {  	v35 =	vmul.f32 v35, v34;
	v31 =	vld [tilespmem:$0x126F0];
	v18 =	vadd.f32 v19, v18;
	v19 =	vmul.f32 v33, v32  }
0x111: {  	v34 =	vld [tilespmem:$0x128F0]  }
0x112: {  	v38 =	vmul.f32 v38, v37;
	v37 =	vld [tilespmem:$0x12AF0];
	v18 =	vadd.f32 v19, v18;
	v19 =	vmul.f32 v36, v35  }
0x113: {  	v41 =	vmul.f32 v41, v40;
	v47 =	vmul.f32 v47, v46;
	v46 =	vld [tilespmem:$0x172F0]  }
0x114: {  	v50 =	vmul.f32 v50, v49;
	v49 =	vld [tilespmem:$0x134F0];
	v18 =	vadd.f32 v19, v18;
	v19 =	vmul.f32 v39, v38  }
0x115: {  	v59 =	vmul.f32 v53, v52;
	v52 =	vld [tilespmem:$0x19080]  }
0x116: {  	v44 =	vmul.f32 v44, v43;
	v53 =	vld [tilespmem:$0x136F0];
	v18 =	vadd.f32 v19, v18;
	v19 =	vmul.f32 v42, v41  }
0x117: {  	v57 =	vmul.f32 v58, v57;
	v58 =	vld [tilespmem:$0x138F0]  }
0x118: {  	v40 =	vld [tilespmem:$0x13CF0];
	v18 =	vadd.f32 v19, v18;
	v19 =	vmul.f32 v45, v44  }
0x119: {  	v43 =	vld [tilespmem:$0x19280]  }
0x11a: {  	v63 =	vld [tilespmem:$0x162F0];
	v18 =	vadd.f32 v19, v18;
	v19 =	vmul.f32 v48, v47  }
0x11b: {  	v60 =	vld [tilespmem:$0x12EF0]  }
0x11c: {  	v20 =	vmul.f32 v20, v55;
	v55 =	vld [tilespmem:$0x176F0];
	v18 =	vadd.f32 v19, v18;
	v19 =	vmul.f32 v51, v50  }
0x11d: {  	v27 =	vld [tilespmem:$0x18C00]  }
0x11e: {  	v61 =	vld [tilespmem:$0x16EF0];
	v18 =	vadd.f32 v19, v18;
	v19 =	vmul.f32 v54, v59  }
0x11f: {  	v30 =	vld [tilespmem:$0x18C80]  }
0x120: {  	v62 =	vmul.f32 v23, v22;
	v22 =	vld [tilespmem:$0x130F0];
	v18 =	vadd.f32 v19, v18;
	v19 =	vmul.f32 v56, v20  }
0x121: {  	v32 =	vld [tilespmem:$0x166F0]  }
0x122: {  	v63 =	vmul.f32 v63, v25;
	v33 =	vld [tilespmem:$0x18D00];
	v18 =	vadd.f32 v19, v18;
	v19 =	vmul.f32 v24, v62  }
0x123: {  	v35 =	vld [tilespmem:$0x168F0]  }
0x124: {  	v36 =	vld [tilespmem:$0x18D80];
	v45 =	vmul.f32 v29, v28;
	v18 =	vadd.f32 v19, v18;
	v19 =	vmul.f32 v27, v63  }
0x125: {  	v38 =	vld [tilespmem:$0x16AF0]  }
0x126: {  	v23 =	vld [tilespmem:$0x170F0];
	v48 =	vmul.f32 v32, v31;
	v18 =	vadd.f32 v19, v18;
	v19 =	vmul.f32 v30, v45  }
0x127: {  	v39 =	vld [tilespmem:$0x18E00]  }
0x128: {  	v25 =	vld [tilespmem:$0x132F0];
	v51 =	vmul.f32 v35, v34;
	v18 =	vadd.f32 v19, v18;
	v19 =	vmul.f32 v33, v48  }
0x129: {  	v60 =	vmul.f32 v61, v60;
	v42 =	vld [tilespmem:$0x18E80]  }
0x12a: {  	v61 =	vld [tilespmem:$0x19180];
	v54 =	vmul.f32 v38, v37;
	v18 =	vadd.f32 v19, v18;
	v19 =	vmul.f32 v36, v51  }
0x12b: {  	v44 =	vld [tilespmem:$0x18F00]  }
0x12c: {  	v41 =	vld [tilespmem:$0x17CF0];
	v18 =	vadd.f32 v19, v18;
	v19 =	vmul.f32 v39, v54  }
0x12d: {  	v24 =	vld [tilespmem:$0x18F80]  }
0x12e: {  	v47 =	vld [tilespmem:$0x19000];
	v18 =	vadd.f32 v19, v18;
	v19 =	vmul.f32 v42, v57  }
0x12f: {  	v50 =	vld [tilespmem:$0x174F0]  }
0x130: {  	v59 =	vld [tilespmem:$0x178F0];
	v63 =	vmul.f32 v23, v22;
	v18 =	vadd.f32 v19, v18;
	v19 =	vmul.f32 v44, v60  }
0x131: {  	v37 =	vld [tilespmem:$0x17AF0]  }
0x132: {  	v38 =	vld [tilespmem:$0x19200];
	v39 =	vmul.f32 v46, v25;
	v18 =	vadd.f32 v19, v18;
	v19 =	vmul.f32 v24, v63  }
0x133: {  	v56 =	vld [tilespmem:$0x19100]  }
0x134: {  	v62 =	vld [tilespmem:$0x13AF0];
	v42 =	vmul.f32 v50, v49;
	v18 =	vadd.f32 v19, v18;
	v19 =	vmul.f32 v47, v39  }
0x135: {  	v45 =	vmul.f32 v55, v53;
	v53 =	vld [tilespmem:$0x142F0]  }
0x136: {  	v55 =	vld [tilespmem:$0x182F0];
	v18 =	vadd.f32 v19, v18;
	v19 =	vmul.f32 v52, v42  }
0x137: {  	v46 =	vld [tilespmem:$0x17EF0]  }
0x138: {  	v48 =	vmul.f32 v59, v58;
	v49 =	vld [tilespmem:$0x140F0];
	v18 =	vadd.f32 v19, v18;
	v19 =	vmul.f32 v56, v45  }
0x139: {  	v44 =	vld [tilespmem:$0x13EF0]  }
0x13a: {  	v51 =	vmul.f32 v37, v62;
	v50 =	vld [tilespmem:$0x180F0];
	v18 =	vadd.f32 v19, v18;
	v19 =	vmul.f32 v61, v48  }
0x13b: {  	v47 =	vld [tilespmem:$0x19300]  }
0x13c: {  	v58 =	vld [tilespmem:$0x144F0];
	v54 =	vmul.f32 v41, v40;
	v18 =	vadd.f32 v19, v18;
	v19 =	vmul.f32 v38, v51  }
0x13d: {  	v52 =	vld [tilespmem:$0x19380]  }
0x13e: {  	v59 =	vld [tilespmem:$0x184F0];
	v57 =	vmul.f32 v46, v44;
	v18 =	vadd.f32 v19, v18;
	v19 =	vmul.f32 v43, v54  }
0x13f: {  	v56 =	vld [tilespmem:$0x19400]  }
0x140: {  	v60 =	vmul.f32 v50, v49;
	v18 =	vadd.f32 v19, v18;
	v19 =	vmul.f32 v47, v57  }
0x141: {  	v61 =	vld [tilespmem:$0x19480]  }
0x142: {  	v62 =	vmul.f32 v55, v53;
	v18 =	vadd.f32 v19, v18;
	v19 =	vmul.f32 v52, v60;
	_ =	sdelay $0x1  }
0x143: {  	v63 =	vmul.f32 v59, v58;
	v18 =	vadd.f32 v19, v18;
	v19 =	vmul.f32 v56, v62;
	_ =	sdelay $0x1  }
0x144: {  	v18 =	vadd.f32 v19, v18;
	v19 =	vmul.f32 v61, v63;
	_ =	sdelay $0x1  }
0x145: {  	v18 =	vadd.f32 v19, v18;
	_ =	sdelay $0x1  }
0x146: {  	v18 =	vsub.f32 $0.0e+00, v18;
	_ =	sdelay $0x1  }
0x147: {  	v18 =	vmul.f32 $1.442695020e+00, v18;
	_ =	sdelay $0x1  }
0x148: {  	(erf) = vpow2.f32 v18;
	_ =	sdelay $0x8  }
0x149: {  	v18 =	vpop (erf)  }
0x14a: {  	v18 =	vadd.f32 $1.000000000e+00, v18;
	_ =	sdelay $0x1  }
0x14b: {  	(erf) = vrcp.f32 v18;
	_ =	sdelay $0x8  }
0x14c: {  	s29 =	simm.s32 $0x19900;
	v18 =	vpop (erf)  }
0x14d: {  	s12 =	simm.s32 $0x0;
	s25 =	simm.s32 $0x11;
	s28 =	rddreg [dreg:$0xa];
	[tilespmem:$0x19AF0] =	vst v18  }
0x14e: {  	[hbm4b:s28+s12] =	stream.linear.scatter [tilespmem:s29], [sflag:$0x11], $0x200, $0x38;
	[tilespmem:$0x19B00] =	vst v63  }
0x14f: {  	_ =	swait.ge [sflag:s25], $0x200  }
0x150: {  	s30 =	rddreg [dreg:$0xc]  }
0x151: {  	s31 =	rddreg [dreg:$0xb];
	s5 =	sadd.s32 $0x1, s30  }
0x152: {  	p0 =	sne.s32 s5, s31  }
.Ltmp1:
0x153: {  	_ = 	snop;
	(pc) =	sbr.rel @!p0 .LBB2_6-.Ltmp1, $3  }
0x154: {  	_ =	sdelay $0x1  }
0x155: {  	[sflag:s25] =	ssyncset.done $0x0  }
0x156: {  	[sflag:s25] =	ssyncadd.s32 $0xFFFFFE00  }
.LBB2_1:
0x157: {  	[dreg:$0xc] =	wrdreg s5  }
0x158: {  	s0 =	rddreg [dreg:$0x7];
	s29 =	simm.s32 $0x18500  }
0x159: {  	[tilespmem:s29], [sflag:$0x11] =	stream.linear.gather [hbm4b:s0+s12], $0x1080, $0x38;
	[tilespmem:$0x19B00] =	vst v63  }
0x15a: {  	_ =	swait.ge [sflag:s25], $0x1080  }
0x15b: {  	[sflag:s25] =	ssyncset.done $0x0  }
0x15c: {  	s30 =	rddreg [dreg:$0x8];
	[sflag:s25] =	ssyncadd.s32 $0xFFFFEF80  }
0x15d: {  	[tilespmem:s12], [sflag:$0x11] =	stream.linear.gather [hbm4b:s30+s12], $0x200, $0x38;
	[tilespmem:$0x19B00] =	vst v63  }
0x15e: {  	_ =	swait.ge [sflag:s25], $0x200  }
0x15f: {  	[sflag:s25] =	ssyncset.done $0x0  }
0x160: {  	s24 =	simm.s32 $0x280;
	s31 =	rddreg [dreg:$0x9];
	[sflag:s25] =	ssyncadd.s32 $0xFFFFFE00  }
0x161: {  	[tilespmem:s24], [sflag:$0x11] =	stream.linear.gather [hbm4b:s31+s12], $0x200, $0x38;
	[tilespmem:$0x19B00] =	vst v63  }
0x162: {  	_ =	swait.ge [sflag:s25], $0x200  }
0x163: {  	[sflag:s25] =	ssyncset.done $0x0  }
0x164: {  	[sflag:s25] =	ssyncadd.s32 $0xFFFFFE00  }
0x165: {  	v20 =	vld [tilespmem:$0x280];
	_ =	sdelay $0x3  }
0x166: {  	v19 =	vld [tilespmem:$0x0]  }
0x167: {  	(v2sf) =	vpush v20, $0x0;
	_ =	sdelay $0x3  }
0x168: {  	(v2sf) =	vpush v19, $0x0;
	_ =	sdelay $0x8  }
0x169: {  	(v2sf) =	vpush v20, $0x1;
	_ =	sdelay $0x1  }
0x16a: {  	s0 =	spop (v2sf);
	(v2sf) =	vpush v19, $0x1;
	_ =	sdelay $0x3  }
0x16b: {  	s26 =	sand.u32 $0x7F, s0;
	s28 =	spop (v2sf)  }
0x16c: {  	s29 =	sshra.s32 s0, $0x1F;
	p6 =	slt.s32 s0, $0x1;
	s5 =	sand.u32 $0x7F, s28  }
0x16d: {  	s12 =	sshra.s32 s28, $0x1F;
	p2 =	slt.s32 s28, $0x1;
	p1 =	sne.s32 s5, $0x0  }
0x16e: {  	p0 =	sne.s32 s26, $0x0;
	s26 =	sshrl.u32 s12, $0x19;
	p1 =	por !p2, !p1  }
0x16f: {  	s26 =	sadd.s32 s26, s28;
	s28 =	simm.s32 $0x1;
	p1 =	por !p1, !p1  }
0x170: {  	s29 =	sshrl.u32 s29, $0x19;
	s26 =	sshrl.u32 s26, $0x7;
	s28 =	simm.s32 @!p1 $0x0  }
0x171: {  	s25 =	sadd.s32 s29, s0;
	p0 =	por !p6, !p0;
	s26 =	ssub.s32 s26, s28  }
0x172: {  	p0 =	por !p0, !p0;
	s28 =	simm.s32 $0x1;
	s26 =	sshll.u32 s26, $0x7  }
0x173: {  	[tilespmem:$0x200] =	vst v1;
	(v2sf) =	vpush v20, $0x2;
	s25 =	sshrl.u32 s25, $0x7;
	s28 =	simm.s32 @!p0 $0x0;
	s26 =	sand.u32 $0x1FFFFF80, s26  }
0x174: {  	[tilespmem:$0x480] =	vst v1;
	s30 =	spop (v2sf);
	s25 =	ssub.s32 s25, s28;
	s26 =	sadd.s32 s1, s26  }
0x175: {  	v18 =	vld [tilespmem:$0x19500];
	[tilespmem:s15], [sflag:$0x1] =	stream.strided.gather [hbm4b:s26+s13], $0x1000, s14, s13, $0x38  }
0x176: {  	s25 =	sshll.u32 s25, $0x7;
	s28 =	spop (v2sf);
	(v2sf) =	vpush v19, $0x2  }
0x177: {  	s31 =	sand.u32 $0x7F, s30;
	s25 =	sand.u32 $0x1FFFFF80, s25  }
0x178: {  	s0 =	sshra.s32 s30, $0x1F;
	p6 =	slt.s32 s30, $0x1;
	s25 =	sadd.s32 s2, s25  }
0x179: {  	[tilespmem:s16], [sflag:$0x9] =	stream.strided.gather [hbm4b:s25+s13], $0x1000, s14, s13, $0x38;
	[tilespmem:$0x19B00] =	vst v63  }
0x17a: {  	p3 =	sne.s32 s31, $0x0;
	s29 =	sshrl.u32 s0, $0x19;
	s5 =	sand.u32 $0x7F, s28  }
0x17b: {  	s12 =	sshra.s32 s28, $0x1F;
	p5 =	slt.s32 s28, $0x1;
	p4 =	sne.s32 s5, $0x0  }
0x17c: {  	p0 =	por !p6, !p3;
	s25 =	sshrl.u32 s12, $0x19;
	p1 =	por !p5, !p4  }
0x17d: {  	s25 =	sadd.s32 s25, s28;
	s28 =	simm.s32 $0x1;
	p1 =	por !p1, !p1  }
0x17e: {  	p0 =	por !p0, !p0;
	s25 =	sshrl.u32 s25, $0x7;
	s28 =	simm.s32 @!p1 $0x0  }
0x17f: {  	s26 =	sadd.s32 s29, s30;
	s25 =	ssub.s32 s25, s28;
	s28 =	simm.s32 $0x1  }
0x180: {  	s26 =	sshrl.u32 s26, $0x7;
	s28 =	simm.s32 @!p0 $0x0  }
0x181: {  	s26 =	ssub.s32 s26, s28  }
0x182: {  	s30 =	sshll.u32 s26, $0x7;
	s26 =	spop (v2sf);
	(v2sf) =	vpush v20, $0x3  }
0x183: {  	s25 =	sshll.u32 s25, $0x7  }
0x184: {  	s25 =	sand.u32 $0x1FFFFF80, s25  }
0x185: {  	s29 =	simm.s32 $0x1500;
	s25 =	sadd.s32 s1, s25;
	s28 =	spop (v2sf);
	(v2sf) =	vpush v19, $0x3  }
0x186: {  	[tilespmem:s29], [sflag:$0x2] =	stream.strided.gather [hbm4b:s25+s13], $0x1000, s14, s13, $0x38;
	[tilespmem:$0x19B00] =	vst v63  }
0x187: {  	s31 =	simm.s32 $0x9500;
	s25 =	sand.u32 $0x1FFFFF80, s30  }
0x188: {  	s0 =	sand.u32 $0x7F, s26;
	s5 =	sshra.s32 s26, $0x1F;
	s25 =	sadd.s32 s2, s25  }
0x189: {  	[tilespmem:s31], [sflag:$0xA] =	stream.strided.gather [hbm4b:s25+s13], $0x1000, s14, s13, $0x38;
	[tilespmem:$0x19B00] =	vst v63  }
0x18a: {  	p6 =	slt.s32 s26, $0x1;
	p3 =	sne.s32 s0, $0x0;
	s12 =	sand.u32 $0x7F, s28  }
0x18b: {  	s30 =	sshra.s32 s28, $0x1F;
	p5 =	slt.s32 s28, $0x1;
	p4 =	sne.s32 s12, $0x0  }
0x18c: {  	s29 =	sshrl.u32 s5, $0x19;
	s25 =	sshrl.u32 s30, $0x19;
	p1 =	por !p5, !p4  }
0x18d: {  	s25 =	sadd.s32 s25, s28;
	s28 =	simm.s32 $0x1;
	p1 =	por !p1, !p1  }
0x18e: {  	p0 =	por !p6, !p3;
	s25 =	sshrl.u32 s25, $0x7;
	s28 =	simm.s32 @!p1 $0x0  }
0x18f: {  	s26 =	sadd.s32 s29, s26;
	p0 =	por !p0, !p0;
	s25 =	ssub.s32 s25, s28  }
0x190: {  	s26 =	sshrl.u32 s26, $0x7;
	s28 =	simm.s32 $0x1;
	s25 =	sshll.u32 s25, $0x7  }
0x191: {  	s28 =	simm.s32 @!p0 $0x0;
	s25 =	sand.u32 $0x1FFFFF80, s25;
	s12 =	spop (v2sf);
	(v2sf) =	vpush v20, $0x4  }
0x192: {  	s31 =	simm.s32 $0x2500;
	s26 =	ssub.s32 s26, s28;
	s25 =	sadd.s32 s1, s25  }
0x193: {  	[tilespmem:s31], [sflag:$0x3] =	stream.strided.gather [hbm4b:s25+s13], $0x1000, s14, s13, $0x38;
	[tilespmem:$0x19B00] =	vst v63  }
0x194: {  	s5 =	sshll.u32 s26, $0x7;
	s28 =	spop (v2sf);
	(v2sf) =	vpush v19, $0x4  }
0x195: {  	s29 =	simm.s32 $0xA500;
	s25 =	sand.u32 $0x1FFFFF80, s5;
	s30 =	sand.u32 $0x7F, s12  }
0x196: {  	s31 =	sshra.s32 s12, $0x1F;
	p6 =	slt.s32 s12, $0x1;
	s25 =	sadd.s32 s2, s25  }
0x197: {  	[tilespmem:s29], [sflag:$0xB] =	stream.strided.gather [hbm4b:s25+s13], $0x1000, s14, s13, $0x38;
	[tilespmem:$0x19B00] =	vst v63  }
0x198: {  	p3 =	sne.s32 s30, $0x0;
	s29 =	sshrl.u32 s31, $0x19;
	s0 =	sand.u32 $0x7F, s28  }
0x199: {  	s5 =	sshra.s32 s28, $0x1F;
	p5 =	slt.s32 s28, $0x1;
	p4 =	sne.s32 s0, $0x0  }
0x19a: {  	p0 =	por !p6, !p3;
	s25 =	sshrl.u32 s5, $0x19;
	p1 =	por !p5, !p4  }
0x19b: {  	s25 =	sadd.s32 s25, s28;
	s28 =	simm.s32 $0x1;
	p1 =	por !p1, !p1  }
0x19c: {  	s26 =	sadd.s32 s29, s12;
	s25 =	sshrl.u32 s25, $0x7;
	s28 =	simm.s32 @!p1 $0x0  }
0x19d: {  	p0 =	por !p0, !p0;
	s25 =	ssub.s32 s25, s28;
	s28 =	simm.s32 $0x1  }
0x19e: {  	s26 =	sshrl.u32 s26, $0x7;
	s28 =	simm.s32 @!p0 $0x0  }
0x19f: {  	s25 =	sshll.u32 s25, $0x7;
	s26 =	ssub.s32 s26, s28  }
0x1a0: {  	s25 =	sand.u32 $0x1FFFFF80, s25;
	s29 =	sshll.u32 s26, $0x7;
	s26 =	spop (v2sf);
	(v2sf) =	vpush v20, $0x5  }
0x1a1: {  	s12 =	simm.s32 $0x3500;
	s25 =	sadd.s32 s1, s25  }
0x1a2: {  	[tilespmem:s12], [sflag:$0x4] =	stream.strided.gather [hbm4b:s25+s13], $0x1000, s14, s13, $0x38;
	[tilespmem:$0x19B00] =	vst v63  }
0x1a3: {  	s28 =	spop (v2sf);
	(v2sf) =	vpush v19, $0x5  }
0x1a4: {  	s30 =	simm.s32 $0xB500;
	s25 =	sand.u32 $0x1FFFFF80, s29;
	s31 =	sand.u32 $0x7F, s26  }
0x1a5: {  	s0 =	sshra.s32 s26, $0x1F;
	p6 =	slt.s32 s26, $0x1;
	s25 =	sadd.s32 s2, s25  }
0x1a6: {  	[tilespmem:s30], [sflag:$0xC] =	stream.strided.gather [hbm4b:s25+s13], $0x1000, s14, s13, $0x38;
	[tilespmem:$0x19B00] =	vst v63  }
0x1a7: {  	p3 =	sne.s32 s31, $0x0;
	s29 =	sshrl.u32 s0, $0x19;
	s5 =	sand.u32 $0x7F, s28  }
0x1a8: {  	s12 =	sshra.s32 s28, $0x1F;
	p5 =	slt.s32 s28, $0x1;
	p4 =	sne.s32 s5, $0x0  }
0x1a9: {  	s26 =	sadd.s32 s29, s26;
	s25 =	sshrl.u32 s12, $0x19;
	p1 =	por !p5, !p4  }
0x1aa: {  	s25 =	sadd.s32 s25, s28;
	s28 =	simm.s32 $0x1;
	p1 =	por !p1, !p1  }
0x1ab: {  	p0 =	por !p6, !p3;
	s25 =	sshrl.u32 s25, $0x7;
	s28 =	simm.s32 @!p1 $0x0  }
0x1ac: {  	p0 =	por !p0, !p0;
	s25 =	ssub.s32 s25, s28;
	s28 =	simm.s32 $0x1  }
0x1ad: {  	s26 =	sshrl.u32 s26, $0x7;
	s28 =	simm.s32 @!p0 $0x0  }
0x1ae: {  	s25 =	sshll.u32 s25, $0x7;
	s26 =	ssub.s32 s26, s28  }
0x1af: {  	s25 =	sand.u32 $0x1FFFFF80, s25;
	s30 =	sshll.u32 s26, $0x7;
	s26 =	spop (v2sf);
	(v2sf) =	vpush v20, $0x6  }
0x1b0: {  	s29 =	simm.s32 $0x4500;
	s25 =	sadd.s32 s1, s25  }
0x1b1: {  	[tilespmem:s29], [sflag:$0x5] =	stream.strided.gather [hbm4b:s25+s13], $0x1000, s14, s13, $0x38;
	[tilespmem:$0x19B00] =	vst v63  }
0x1b2: {  	s31 =	simm.s32 $0xC500;
	s28 =	spop (v2sf);
	(v2sf) =	vpush v19, $0x6  }
0x1b3: {  	s25 =	sand.u32 $0x1FFFFF80, s30;
	s0 =	sand.u32 $0x7F, s26;
	s5 =	sshra.s32 s26, $0x1F  }
0x1b4: {  	p6 =	slt.s32 s26, $0x1;
	s25 =	sadd.s32 s2, s25;
	s29 =	sshrl.u32 s5, $0x19  }
0x1b5: {  	[tilespmem:s31], [sflag:$0xD] =	stream.strided.gather [hbm4b:s25+s13], $0x1000, s14, s13, $0x38;
	[tilespmem:$0x19B00] =	vst v63  }
0x1b6: {  	p3 =	sne.s32 s0, $0x0;
	s26 =	sadd.s32 s29, s26;
	s12 =	sand.u32 $0x7F, s28  }
0x1b7: {  	s30 =	sshra.s32 s28, $0x1F;
	p5 =	slt.s32 s28, $0x1;
	p4 =	sne.s32 s12, $0x0  }
0x1b8: {  	p0 =	por !p6, !p3;
	s25 =	sshrl.u32 s30, $0x19;
	p1 =	por !p5, !p4  }
0x1b9: {  	s25 =	sadd.s32 s25, s28;
	s28 =	simm.s32 $0x1;
	p1 =	por !p1, !p1  }
0x1ba: {  	s31 =	simm.s32 $0x5500;
	s25 =	sshrl.u32 s25, $0x7;
	s28 =	simm.s32 @!p1 $0x0  }
0x1bb: {  	p0 =	por !p0, !p0;
	s25 =	ssub.s32 s25, s28;
	s28 =	simm.s32 $0x1  }
0x1bc: {  	s26 =	sshrl.u32 s26, $0x7;
	s25 =	sshll.u32 s25, $0x7;
	s28 =	simm.s32 @!p0 $0x0  }
0x1bd: {  	s29 =	simm.s32 $0xD500;
	s25 =	sand.u32 $0x1FFFFF80, s25;
	s26 =	ssub.s32 s26, s28  }
0x1be: {  	s25 =	sadd.s32 s1, s25;
	s5 =	sshll.u32 s26, $0x7;
	s12 =	spop (v2sf)  }
0x1bf: {  	(v2sf) =	vpush v20, $0x7;
	[tilespmem:s31], [sflag:$0x6] =	stream.strided.gather [hbm4b:s25+s13], $0x1000, s14, s13, $0x38;
	[tilespmem:$0x19B00] =	vst v63  }
0x1c0: {  	s25 =	sand.u32 $0x1FFFFF80, s5;
	s30 =	sand.u32 $0x7F, s12;
	s31 =	sshra.s32 s12, $0x1F  }
0x1c1: {  	p6 =	slt.s32 s12, $0x1;
	s25 =	sadd.s32 s2, s25;
	s28 =	spop (v2sf);
	(v2sf) =	vpush v19, $0x7  }
0x1c2: {  	[tilespmem:s29], [sflag:$0xE] =	stream.strided.gather [hbm4b:s25+s13], $0x1000, s14, s13, $0x38;
	[tilespmem:$0x19B00] =	vst v63  }
0x1c3: {  	p3 =	sne.s32 s30, $0x0;
	s29 =	sshrl.u32 s31, $0x19;
	s0 =	sand.u32 $0x7F, s28  }
0x1c4: {  	s5 =	sshra.s32 s28, $0x1F;
	p5 =	slt.s32 s28, $0x1;
	p4 =	sne.s32 s0, $0x0  }
0x1c5: {  	p0 =	por !p6, !p3;
	s25 =	sshrl.u32 s5, $0x19;
	p1 =	por !p5, !p4  }
0x1c6: {  	s25 =	sadd.s32 s25, s28;
	s28 =	simm.s32 $0x1;
	p1 =	por !p1, !p1  }
0x1c7: {  	s26 =	sadd.s32 s29, s12;
	s25 =	sshrl.u32 s25, $0x7;
	s28 =	simm.s32 @!p1 $0x0  }
0x1c8: {  	p0 =	por !p0, !p0;
	s25 =	ssub.s32 s25, s28;
	s28 =	simm.s32 $0x1  }
0x1c9: {  	s26 =	sshrl.u32 s26, $0x7;
	s25 =	sshll.u32 s25, $0x7;
	s28 =	simm.s32 @!p0 $0x0  }
0x1ca: {  	s25 =	sand.u32 $0x1FFFFF80, s25;
	s26 =	ssub.s32 s26, s28  }
0x1cb: {  	s12 =	simm.s32 $0x6500;
	s25 =	sadd.s32 s1, s25;
	s29 =	sshll.u32 s26, $0x7  }
0x1cc: {  	[tilespmem:s12], [sflag:$0x7] =	stream.strided.gather [hbm4b:s25+s13], $0x1000, s14, s13, $0x38;
	[tilespmem:$0x19B00] =	vst v63  }
0x1cd: {  	s25 =	sand.u32 $0x1FFFFF80, s29  }
0x1ce: {  	s30 =	simm.s32 $0xE500;
	s26 =	spop (v2sf);
	s25 =	sadd.s32 s2, s25  }
0x1cf: {  	[tilespmem:s30], [sflag:$0xF] =	stream.strided.gather [hbm4b:s25+s13], $0x1000, s14, s13, $0x38;
	[tilespmem:$0x19B00] =	vst v63  }
0x1d0: {  	s31 =	sand.u32 $0x7F, s26;
	s28 =	spop (v2sf)  }
0x1d1: {  	s0 =	sshra.s32 s26, $0x1F;
	p6 =	slt.s32 s26, $0x1;
	s5 =	sand.u32 $0x7F, s28  }
0x1d2: {  	s12 =	sshra.s32 s28, $0x1F;
	p5 =	slt.s32 s28, $0x1;
	p4 =	sne.s32 s5, $0x0  }
0x1d3: {  	p3 =	sne.s32 s31, $0x0;
	s25 =	sshrl.u32 s12, $0x19;
	p1 =	por !p5, !p4  }
0x1d4: {  	s25 =	sadd.s32 s25, s28;
	s28 =	simm.s32 $0x1;
	p1 =	por !p1, !p1  }
0x1d5: {  	s29 =	sshrl.u32 s0, $0x19;
	s25 =	sshrl.u32 s25, $0x7;
	s28 =	simm.s32 @!p1 $0x0  }
0x1d6: {  	s26 =	sadd.s32 s29, s26;
	p0 =	por !p6, !p3;
	s25 =	ssub.s32 s25, s28  }
0x1d7: {  	p0 =	por !p0, !p0;
	s28 =	simm.s32 $0x1;
	s25 =	sshll.u32 s25, $0x7  }
0x1d8: {  	s26 =	sshrl.u32 s26, $0x7;
	s28 =	simm.s32 @!p0 $0x0;
	s25 =	sand.u32 $0x1FFFFF80, s25  }
0x1d9: {  	s29 =	simm.s32 $0x7500;
	s26 =	ssub.s32 s26, s28;
	s25 =	sadd.s32 s1, s25  }
0x1da: {  	[tilespmem:s29], [sflag:$0x8] =	stream.strided.gather [hbm4b:s25+s13], $0x1000, s14, s13, $0x38;
	[tilespmem:$0x19B00] =	vst v63  }
.Ltmp2:
0x1db: {  	s30 =	sshll.u32 s26, $0x7;
	(pc) =	sbr.rel .LBB2_2-.Ltmp2, $4  }
0x1dc: {  	s25 =	sand.u32 $0x1FFFFF80, s30  }
0x1dd: {  	s31 =	simm.s32 $0xF500;
	s25 =	sadd.s32 s2, s25  }
0x1de: {  	[tilespmem:s31], [sflag:$0x10] =	stream.strided.gather [hbm4b:s25+s13], $0x1000, s14, s13, $0x38;
	[tilespmem:$0x19B00] =	vst v63  }
0x1df: {  	s28 =	simm.s32 $0x1;
	s26 =	simm.s32 $0x7;
	s25 =	simm.s32 $0x0  }
.LBB2_4:
0x1e0: {  	s26 =	sadd.s32 $0x8, s26  }
0x1e1: {  	p0 =	sne.s32 s26, $0x1FF  }
.Ltmp3:
0x1e2: {  	_ = 	snop;
	(pc) =	sbr.rel @!p0 .LBB2_5-.Ltmp3, $2  }
0x1e3: {  	_ =	sdelay $0x2  }
0x1e4: {  	s28 =	sadd.s32 $0x1, s28;
	s25 =	sadd.s32 $0x8, s25;
	s24 =	sadd.s32 $0x8, s24  }
.LBB2_2:
0x1e5: {  	v19 =	vld [tilespmem:s25+$0x0];
	_ =	sdelay $0x3  }
0x1e6: {  	v20 =	vld [tilespmem:s24+$0x0]  }
0x1e7: {  	(v2sf) =	vpush v19, $0x0;
	_ =	sdelay $0x3  }
0x1e8: {  	(v2sf) =	vpush v20, $0x0;
	_ =	sdelay $0x6  }
0x1e9: {  	s29 =	sadd.s32 $0xFFFFFFF9, s26  }
0x1ea: {  	s31 =	sshll.u32 s29, $0x10  }
0x1eb: {  	s31 =	sshra.s32 s31, $0x1F  }
0x1ec: {  	s31 =	sand.u32 $0x7F, s31  }
0x1ed: {  	s31 =	sadd.s32 s31, s29;
	s30 =	spop (v2sf)  }
0x1ee: {  	s0 =	sand.u32 $0xFFFF, s29;
	s5 =	sand.u32 $0xFF80, s31;
	s12 =	sshra.s32 s30, $0x1F  }
0x1ef: {  	p0 =	slt.u32 s28, $0x2;
	p1 =	sne.s32 s0, s5;
	s12 =	sshrl.u32 s12, $0x19  }
0x1f0: {  	s5 =	ssub.s32 s29, s5;
	s29 =	simm.s32 $0x1;
	s12 =	sadd.s32 s12, s30  }
0x1f1: {  	p0 =	por !p0, !p1;
	s0 =	spop (v2sf);
	s12 =	sand.u32 $0xFFFFFF80, s12  }
0x1f2: {  	s12 =	ssub.s32 s30, s12;
	s30 =	sshll.u32 s31, $0x10;
	s31 =	simm.s32 $0x1  }
0x1f3: {  	s5 =	sshll.u32 s5, $0x10;
	p0 =	por !p0, !p0;
	_ =	swait.ge [sflag:s31], $0x1000  }
0x1f4: {  	s29 =	simm.s32 @!p0 $0x0;
	s30 =	sshra.s32 s30, $0x17;
	[sflag:s31] =	ssyncset.done $0x0  }
0x1f5: {  	v21 =	vadd.s32 s12, v0;
	s29 =	ssub.s32 s30, s29;
	[sflag:s31] =	ssyncadd.s32 $0xFFFFF000;
	s31 =	simm.s32 $0x9  }
0x1f6: {  	s5 =	sshra.s32 s5, $0x10;
	v22 =	vmov s29;
	_ =	swait.ge [sflag:s31], $0x1000  }
0x1f7: {  	v23 =	vmov s5;
	v22 =	vshll.u32 v22, $0x7;
	(v2sf) =	vpush v20, $0x8  }
0x1f8: {  	v24 =	vand.u32 $0xFFFFFF80, v23;
	[sflag:s31] =	ssyncset.done $0x0;
	v22 =	vadd.s32 v2, v22  }
0x1f9: {  	v23 =	vand.u32 $0x78, v23;
	[sflag:s31] =	ssyncadd.s32 $0xFFFFF000;
	v22 =	vadd.s32 v24, v22;
	(v2sf) =	vpush v19, $0x8  }
0x1fa: {  	v21 =	vld.idx.msk [tilespmem:v21+s15+$0x0], $0xffff;
	v22 =	vor.u32 v23, v22  }
0x1fb: {  	v25 =	vadd.s32 s12, v3;
	s12 =	sadd.s32 $0x40, s29  }
0x1fc: {  	s29 =	sshra.s32 s0, $0x1F;
	v26 =	vmov s12  }
0x1fd: {  	s5 =	sshrl.u32 s29, $0x19;
	v26 =	vshll.u32 v26, $0x7  }
0x1fe: {  	s5 =	sadd.s32 s5, s0;
	v26 =	vadd.s32 v2, v26  }
0x1ff: {  	s5 =	sand.u32 $0xFFFFFF80, s5;
	v29 =	vadd.s32 v24, v26;
	[tilespmem:v22+s3+$0x0] =	vst.idx.msk $0xffff, v21  }
0x200: {  	s0 =	ssub.s32 s0, s5;
	v21 =	vor.u32 v23, v29;
	v30 =	vld.idx.msk [tilespmem:v25+s15+$0x0], $0xffff  }
0x201: {  	v31 =	vadd.s32 s0, v0;
	_ =	sdelay $0x3  }
0x202: {  	[tilespmem:v21+s3+$0x0] =	vst.idx.msk $0xffff, v30  }
0x203: {  	v32 =	vadd.s32 s0, v3;
	v23 =	vld.idx.msk [tilespmem:v31+s16+$0x0], $0xffff;
	s0 =	spop (v2sf)  }
0x204: {  	(v2sf) =	vpush v19, $0x1;
	s30 =	sshra.s32 s0, $0x1F  }
0x205: {  	s12 =	spop (v2sf);
	p4 =	slt.s32 s0, $0x1;
	s5 =	sshrl.u32 s30, $0x19  }
0x206: {  	s31 =	sand.u32 $0x7F, s12;
	s30 =	sshra.s32 s12, $0x1F;
	p5 =	slt.s32 s12, $0x1  }
0x207: {  	(v2sf) =	vpush v20, $0x1;
	p2 =	sne.s32 s31, $0x0;
	s31 =	sand.u32 $0x7F, s0;
	s30 =	sshrl.u32 s30, $0x19  }
0x208: {  	s0 =	sadd.s32 s5, s0;
	[tilespmem:v22+s10+$0x0] =	vst.idx.msk $0xffff, v23;
	p1 =	por !p5, !p2;
	s12 =	sadd.s32 s30, s12  }
0x209: {  	s30 =	simm.s32 $0x1;
	p6 =	sne.s32 s31, $0x0;
	v22 =	vld.idx.msk [tilespmem:v32+s16+$0x0], $0xffff;
	p1 =	por !p1, !p1  }
0x20a: {  	s12 =	sshrl.u32 s12, $0x7;
	p0 =	por !p4, !p6;
	s30 =	simm.s32 @!p1 $0x0  }
0x20b: {  	p0 =	por !p0, !p0;
	s30 =	ssub.s32 s12, s30;
	s12 =	simm.s32 $0x1  }
0x20c: {  	s0 =	sshrl.u32 s0, $0x7;
	s5 =	sshll.u32 s30, $0x7;
	s12 =	simm.s32 @!p0 $0x0  }
0x20d: {  	s5 =	sand.u32 $0x1FFFFF80, s5;
	s0 =	ssub.s32 s0, s12  }
0x20e: {  	[tilespmem:v21+s10+$0x0] =	vst.idx.msk $0xffff, v22;
	s5 =	sadd.s32 s1, s5;
	s0 =	sshll.u32 s0, $0x7  }
0x20f: {  	[tilespmem:s15], [sflag:$0x1] =	stream.strided.gather [hbm4b:s5+s13], $0x1000, s14, s13, $0x38;
	[tilespmem:$0x19B00] =	vst v63  }
0x210: {  	s0 =	sand.u32 $0x1FFFFF80, s0  }
0x211: {  	s0 =	sadd.s32 s2, s0  }
0x212: {  	[tilespmem:s16], [sflag:$0x9] =	stream.strided.gather [hbm4b:s0+s13], $0x1000, s14, s13, $0x38;
	[tilespmem:$0x19B00] =	vst v63  }
0x213: {  	s5 =	sadd.s32 $0xFFFFFFFA, s26;
	s0 =	spop (v2sf)  }
0x214: {  	s30 =	sshll.u32 s5, $0x10;
	s31 =	sshra.s32 s0, $0x1F  }
0x215: {  	s29 =	sshra.s32 s30, $0x1F;
	s12 =	sshrl.u32 s31, $0x19  }
0x216: {  	s30 =	spop (v2sf);
	s31 =	simm.s32 $0x2;
	s12 =	sadd.s32 s12, s0  }
0x217: {  	s29 =	sand.u32 $0x7F, s29;
	_ =	swait.ge [sflag:s31], $0x1000;
	s12 =	sand.u32 $0xFFFFFF80, s12  }
0x218: {  	s29 =	sadd.s32 s29, s5;
	[sflag:s31] =	ssyncset.done $0x0;
	s0 =	ssub.s32 s0, s12  }
0x219: {  	s12 =	sshll.u32 s29, $0x10;
	s29 =	sand.u32 $0xFF80, s29;
	[sflag:s31] =	ssyncadd.s32 $0xFFFFF000  }
0x21a: {  	s12 =	sshra.s32 s12, $0x17;
	s29 =	ssub.s32 s5, s29;
	s5 =	sshra.s32 s5, $0x1F  }
0x21b: {  	v33 =	vadd.s32 s0, v4;
	_ =	swait.ge [sflag:s6], $0x1000;
	s29 =	sshll.u32 s29, $0x10;
	s5 =	sadd.s32 s12, s5  }
0x21c: {  	(v2sf) =	vpush v20, $0x9;
	s31 =	sshra.s32 s29, $0x10;
	v34 =	vmov s5  }
0x21d: {  	v22 =	vshll.u32 v34, $0x7;
	v35 =	vmov s31  }
0x21e: {  	[sflag:s6] =	ssyncset.done $0x0;
	(v2sf) =	vpush v19, $0x9;
	v36 =	vand.u32 $0xFFFFFF80, v35;
	v22 =	vadd.s32 v2, v22  }
0x21f: {  	[sflag:s6] =	ssyncadd.s32 $0xFFFFF000;
	v23 =	vand.u32 $0x79, v35;
	v22 =	vadd.s32 v36, v22  }
0x220: {  	v21 =	vld.idx.msk [tilespmem:v33+s15+$0x0], $0xffff;
	v22 =	vor.u32 v23, v22  }
0x221: {  	v37 =	vadd.s32 s0, v5;
	s12 =	sadd.s32 $0x40, s5  }
0x222: {  	s29 =	sshra.s32 s30, $0x1F;
	v38 =	vmov s12  }
0x223: {  	s0 =	sshrl.u32 s29, $0x19;
	v26 =	vshll.u32 v38, $0x7  }
0x224: {  	s0 =	sadd.s32 s0, s30;
	v26 =	vadd.s32 v2, v26  }
0x225: {  	s0 =	sand.u32 $0xFFFFFF80, s0;
	v39 =	vadd.s32 v36, v26;
	[tilespmem:v22+s3+$0x0] =	vst.idx.msk $0xffff, v21  }
0x226: {  	s0 =	ssub.s32 s30, s0;
	v21 =	vor.u32 v23, v39;
	v40 =	vld.idx.msk [tilespmem:v37+s15+$0x0], $0xffff  }
0x227: {  	v41 =	vadd.s32 s0, v4;
	_ =	sdelay $0x3  }
0x228: {  	v42 =	vadd.s32 s0, v5;
	s0 =	spop (v2sf);
	[tilespmem:v21+s3+$0x0] =	vst.idx.msk $0xffff, v40  }
0x229: {  	(v2sf) =	vpush v19, $0x2;
	s30 =	sshra.s32 s0, $0x1F;
	v23 =	vld.idx.msk [tilespmem:v41+s16+$0x0], $0xffff  }
0x22a: {  	s12 =	spop (v2sf);
	p3 =	slt.s32 s0, $0x1;
	s5 =	sshrl.u32 s30, $0x19  }
0x22b: {  	(v2sf) =	vpush v20, $0x2;
	s31 =	sand.u32 $0x7F, s12;
	s30 =	sshra.s32 s12, $0x1F;
	p4 =	slt.s32 s12, $0x1  }
0x22c: {  	p5 =	sne.s32 s31, $0x0;
	s31 =	sand.u32 $0x7F, s0;
	s30 =	sshrl.u32 s30, $0x19  }
0x22d: {  	s0 =	sadd.s32 s5, s0;
	p1 =	por !p4, !p5;
	s12 =	sadd.s32 s30, s12  }
0x22e: {  	s30 =	simm.s32 $0x1;
	p6 =	sne.s32 s31, $0x0;
	p1 =	por !p1, !p1;
	[tilespmem:v22+s10+$0x0] =	vst.idx.msk $0xffff, v23  }
0x22f: {  	s12 =	sshrl.u32 s12, $0x7;
	p0 =	por !p3, !p6;
	s30 =	simm.s32 @!p1 $0x0;
	v22 =	vld.idx.msk [tilespmem:v42+s16+$0x0], $0xffff  }
0x230: {  	p0 =	por !p0, !p0;
	s31 =	ssub.s32 s12, s30;
	s12 =	simm.s32 $0x1  }
0x231: {  	s0 =	sshrl.u32 s0, $0x7;
	s12 =	simm.s32 @!p0 $0x0  }
0x232: {  	s5 =	sshll.u32 s31, $0x7;
	s0 =	ssub.s32 s0, s12  }
0x233: {  	s5 =	sand.u32 $0x1FFFFF80, s5;
	s0 =	sshll.u32 s0, $0x7  }
0x234: {  	s29 =	simm.s32 $0x1500;
	s5 =	sadd.s32 s1, s5;
	s0 =	sand.u32 $0x1FFFFF80, s0;
	[tilespmem:v21+s10+$0x0] =	vst.idx.msk $0xffff, v22  }
0x235: {  	[tilespmem:s29], [sflag:$0x2] =	stream.strided.gather [hbm4b:s5+s13], $0x1000, s14, s13, $0x38;
	[tilespmem:$0x19B00] =	vst v63  }
0x236: {  	s30 =	simm.s32 $0x9500;
	s0 =	sadd.s32 s2, s0;
	s5 =	sadd.s32 $0xFFFFFFFB, s26  }
0x237: {  	[tilespmem:s30], [sflag:$0xA] =	stream.strided.gather [hbm4b:s0+s13], $0x1000, s14, s13, $0x38;
	[tilespmem:$0x19B00] =	vst v63  }
0x238: {  	s0 =	spop (v2sf);
	s30 =	sshll.u32 s5, $0x10  }
0x239: {  	s31 =	sshra.s32 s0, $0x1F;
	s29 =	sshra.s32 s30, $0x1F  }
0x23a: {  	s30 =	spop (v2sf);
	s12 =	sshrl.u32 s31, $0x19;
	s29 =	sand.u32 $0x7F, s29  }
0x23b: {  	_ =	swait.ge [sflag:s7], $0x1000;
	s12 =	sadd.s32 s12, s0;
	s29 =	sadd.s32 s29, s5  }
0x23c: {  	[sflag:s7] =	ssyncset.done $0x0;
	s12 =	sand.u32 $0xFFFFFF80, s12;
	s31 =	sshll.u32 s29, $0x10  }
0x23d: {  	s29 =	sand.u32 $0xFF80, s29;
	[sflag:s7] =	ssyncadd.s32 $0xFFFFF000;
	s0 =	ssub.s32 s0, s12  }
0x23e: {  	s12 =	sshra.s32 s31, $0x17;
	s29 =	ssub.s32 s5, s29;
	s5 =	sshra.s32 s5, $0x1F  }
0x23f: {  	_ =	swait.ge [sflag:s8], $0x1000;
	s29 =	sshll.u32 s29, $0x10;
	s5 =	sadd.s32 s12, s5;
	v43 =	vadd.s32 s0, v6  }
0x240: {  	(v2sf) =	vpush v20, $0xA;
	s31 =	sshra.s32 s29, $0x10;
	v44 =	vmov s5  }
0x241: {  	v22 =	vshll.u32 v44, $0x7;
	v45 =	vmov s31  }
0x242: {  	[sflag:s8] =	ssyncset.done $0x0;
	(v2sf) =	vpush v19, $0xA;
	v46 =	vand.u32 $0xFFFFFF80, v45;
	v22 =	vadd.s32 v2, v22  }
0x243: {  	[sflag:s8] =	ssyncadd.s32 $0xFFFFF000;
	v23 =	vand.u32 $0x7A, v45;
	v22 =	vadd.s32 v46, v22  }
0x244: {  	v21 =	vld.idx.msk [tilespmem:v43+s15+$0x0], $0xffff;
	v22 =	vor.u32 v23, v22  }
0x245: {  	v47 =	vadd.s32 s0, v7;
	s12 =	sadd.s32 $0x40, s5  }
0x246: {  	s29 =	sshra.s32 s30, $0x1F;
	v48 =	vmov s12  }
0x247: {  	s0 =	sshrl.u32 s29, $0x19;
	v26 =	vshll.u32 v48, $0x7  }
0x248: {  	s0 =	sadd.s32 s0, s30;
	v26 =	vadd.s32 v2, v26  }
0x249: {  	s0 =	sand.u32 $0xFFFFFF80, s0;
	v49 =	vadd.s32 v46, v26;
	[tilespmem:v22+s3+$0x0] =	vst.idx.msk $0xffff, v21  }
0x24a: {  	s0 =	ssub.s32 s30, s0;
	v21 =	vor.u32 v23, v49;
	v50 =	vld.idx.msk [tilespmem:v47+s15+$0x0], $0xffff  }
0x24b: {  	v51 =	vadd.s32 s0, v6;
	_ =	sdelay $0x3  }
0x24c: {  	v52 =	vadd.s32 s0, v7;
	s0 =	spop (v2sf);
	[tilespmem:v21+s3+$0x0] =	vst.idx.msk $0xffff, v50  }
0x24d: {  	(v2sf) =	vpush v19, $0x3;
	s30 =	sshra.s32 s0, $0x1F;
	v23 =	vld.idx.msk [tilespmem:v51+s16+$0x0], $0xffff  }
0x24e: {  	s12 =	spop (v2sf);
	p3 =	slt.s32 s0, $0x1;
	s5 =	sshrl.u32 s30, $0x19  }
0x24f: {  	(v2sf) =	vpush v20, $0x3;
	s31 =	sand.u32 $0x7F, s12;
	s30 =	sshra.s32 s12, $0x1F;
	p4 =	slt.s32 s12, $0x1  }
0x250: {  	p5 =	sne.s32 s31, $0x0;
	s31 =	sand.u32 $0x7F, s0;
	s30 =	sshrl.u32 s30, $0x19  }
0x251: {  	s0 =	sadd.s32 s5, s0;
	p1 =	por !p4, !p5;
	s12 =	sadd.s32 s30, s12  }
0x252: {  	s30 =	simm.s32 $0x1;
	p6 =	sne.s32 s31, $0x0;
	p1 =	por !p1, !p1;
	[tilespmem:v22+s10+$0x0] =	vst.idx.msk $0xffff, v23  }
0x253: {  	s12 =	sshrl.u32 s12, $0x7;
	p0 =	por !p3, !p6;
	s30 =	simm.s32 @!p1 $0x0;
	v22 =	vld.idx.msk [tilespmem:v52+s16+$0x0], $0xffff  }
0x254: {  	p0 =	por !p0, !p0;
	s31 =	ssub.s32 s12, s30;
	s12 =	simm.s32 $0x1  }
0x255: {  	s0 =	sshrl.u32 s0, $0x7;
	s12 =	simm.s32 @!p0 $0x0  }
0x256: {  	s5 =	sshll.u32 s31, $0x7;
	s0 =	ssub.s32 s0, s12  }
0x257: {  	s5 =	sand.u32 $0x1FFFFF80, s5;
	s0 =	sshll.u32 s0, $0x7  }
0x258: {  	s29 =	simm.s32 $0x2500;
	s5 =	sadd.s32 s1, s5;
	s0 =	sand.u32 $0x1FFFFF80, s0;
	[tilespmem:v21+s10+$0x0] =	vst.idx.msk $0xffff, v22  }
0x259: {  	[tilespmem:s29], [sflag:$0x3] =	stream.strided.gather [hbm4b:s5+s13], $0x1000, s14, s13, $0x38;
	[tilespmem:$0x19B00] =	vst v63  }
0x25a: {  	s30 =	simm.s32 $0xA500;
	s0 =	sadd.s32 s2, s0;
	s5 =	sadd.s32 $0xFFFFFFFC, s26  }
0x25b: {  	[tilespmem:s30], [sflag:$0xB] =	stream.strided.gather [hbm4b:s0+s13], $0x1000, s14, s13, $0x38;
	[tilespmem:$0x19B00] =	vst v63  }
0x25c: {  	s0 =	spop (v2sf);
	s30 =	sshll.u32 s5, $0x10  }
0x25d: {  	s31 =	sshra.s32 s0, $0x1F;
	s29 =	sshra.s32 s30, $0x1F  }
0x25e: {  	s30 =	spop (v2sf);
	s12 =	sshrl.u32 s31, $0x19;
	s29 =	sand.u32 $0x7F, s29  }
0x25f: {  	_ =	swait.ge [sflag:s9], $0x1000;
	s12 =	sadd.s32 s12, s0;
	s29 =	sadd.s32 s29, s5  }
0x260: {  	[sflag:s9] =	ssyncset.done $0x0;
	s12 =	sand.u32 $0xFFFFFF80, s12;
	s31 =	sshll.u32 s29, $0x10  }
0x261: {  	s29 =	sand.u32 $0xFF80, s29;
	[sflag:s9] =	ssyncadd.s32 $0xFFFFF000;
	s0 =	ssub.s32 s0, s12  }
0x262: {  	s12 =	sshra.s32 s31, $0x17;
	s29 =	ssub.s32 s5, s29;
	s5 =	sshra.s32 s5, $0x1F  }
0x263: {  	_ =	swait.ge [sflag:s4], $0x1000;
	s29 =	sshll.u32 s29, $0x10;
	s5 =	sadd.s32 s12, s5;
	v53 =	vadd.s32 s0, v8  }
0x264: {  	(v2sf) =	vpush v20, $0xB;
	s31 =	sshra.s32 s29, $0x10;
	v54 =	vmov s5  }
0x265: {  	v22 =	vshll.u32 v54, $0x7;
	v55 =	vmov s31  }
0x266: {  	[sflag:s4] =	ssyncset.done $0x0;
	(v2sf) =	vpush v19, $0xB;
	v56 =	vand.u32 $0xFFFFFF80, v55;
	v22 =	vadd.s32 v2, v22  }
0x267: {  	[sflag:s4] =	ssyncadd.s32 $0xFFFFF000;
	v23 =	vand.u32 $0x7B, v55;
	v22 =	vadd.s32 v56, v22  }
0x268: {  	v21 =	vld.idx.msk [tilespmem:v53+s15+$0x0], $0xffff;
	v22 =	vor.u32 v23, v22  }
0x269: {  	v57 =	vadd.s32 s0, v9;
	s12 =	sadd.s32 $0x40, s5  }
0x26a: {  	s29 =	sshra.s32 s30, $0x1F;
	v58 =	vmov s12  }
0x26b: {  	s0 =	sshrl.u32 s29, $0x19;
	v26 =	vshll.u32 v58, $0x7  }
0x26c: {  	s0 =	sadd.s32 s0, s30;
	v26 =	vadd.s32 v2, v26  }
0x26d: {  	s0 =	sand.u32 $0xFFFFFF80, s0;
	v59 =	vadd.s32 v56, v26;
	[tilespmem:v22+s3+$0x0] =	vst.idx.msk $0xffff, v21  }
0x26e: {  	s0 =	ssub.s32 s30, s0;
	v21 =	vor.u32 v23, v59;
	v60 =	vld.idx.msk [tilespmem:v57+s15+$0x0], $0xffff  }
0x26f: {  	v61 =	vadd.s32 s0, v8;
	_ =	sdelay $0x3  }
0x270: {  	v62 =	vadd.s32 s0, v9;
	s0 =	spop (v2sf);
	[tilespmem:v21+s3+$0x0] =	vst.idx.msk $0xffff, v60  }
0x271: {  	(v2sf) =	vpush v19, $0x4;
	s30 =	sshra.s32 s0, $0x1F;
	v23 =	vld.idx.msk [tilespmem:v61+s16+$0x0], $0xffff  }
0x272: {  	s12 =	spop (v2sf);
	p3 =	slt.s32 s0, $0x1;
	s5 =	sshrl.u32 s30, $0x19  }
0x273: {  	(v2sf) =	vpush v20, $0x4;
	s31 =	sand.u32 $0x7F, s12;
	s30 =	sshra.s32 s12, $0x1F;
	p4 =	slt.s32 s12, $0x1  }
0x274: {  	p5 =	sne.s32 s31, $0x0;
	s31 =	sand.u32 $0x7F, s0;
	s30 =	sshrl.u32 s30, $0x19  }
0x275: {  	s0 =	sadd.s32 s5, s0;
	p1 =	por !p4, !p5;
	s12 =	sadd.s32 s30, s12  }
0x276: {  	s30 =	simm.s32 $0x1;
	p6 =	sne.s32 s31, $0x0;
	p1 =	por !p1, !p1;
	[tilespmem:v22+s10+$0x0] =	vst.idx.msk $0xffff, v23  }
0x277: {  	s12 =	sshrl.u32 s12, $0x7;
	p0 =	por !p3, !p6;
	s30 =	simm.s32 @!p1 $0x0;
	v22 =	vld.idx.msk [tilespmem:v62+s16+$0x0], $0xffff  }
0x278: {  	p0 =	por !p0, !p0;
	s31 =	ssub.s32 s12, s30;
	s12 =	simm.s32 $0x1  }
0x279: {  	s0 =	sshrl.u32 s0, $0x7;
	s12 =	simm.s32 @!p0 $0x0  }
0x27a: {  	s5 =	sshll.u32 s31, $0x7;
	s0 =	ssub.s32 s0, s12  }
0x27b: {  	s5 =	sand.u32 $0x1FFFFF80, s5;
	s0 =	sshll.u32 s0, $0x7  }
0x27c: {  	s29 =	simm.s32 $0x3500;
	s5 =	sadd.s32 s1, s5;
	s0 =	sand.u32 $0x1FFFFF80, s0;
	[tilespmem:v21+s10+$0x0] =	vst.idx.msk $0xffff, v22  }
0x27d: {  	[tilespmem:s29], [sflag:$0x4] =	stream.strided.gather [hbm4b:s5+s13], $0x1000, s14, s13, $0x38;
	[tilespmem:$0x19B00] =	vst v63  }
0x27e: {  	s30 =	simm.s32 $0xB500;
	s0 =	sadd.s32 s2, s0;
	s5 =	sadd.s32 $0xFFFFFFFD, s26  }
0x27f: {  	[tilespmem:s30], [sflag:$0xC] =	stream.strided.gather [hbm4b:s0+s13], $0x1000, s14, s13, $0x38;
	[tilespmem:$0x19B00] =	vst v63  }
0x280: {  	s0 =	spop (v2sf);
	s30 =	sshll.u32 s5, $0x10  }
0x281: {  	s31 =	sshra.s32 s0, $0x1F;
	s29 =	sshra.s32 s30, $0x1F  }
0x282: {  	s30 =	spop (v2sf);
	s12 =	sshrl.u32 s31, $0x19;
	s29 =	sand.u32 $0x7F, s29  }
0x283: {  	_ =	swait.ge [sflag:s11], $0x1000;
	s12 =	sadd.s32 s12, s0;
	s29 =	sadd.s32 s29, s5  }
0x284: {  	[sflag:s11] =	ssyncset.done $0x0;
	s12 =	sand.u32 $0xFFFFFF80, s12;
	s31 =	sshll.u32 s29, $0x10  }
0x285: {  	s29 =	sand.u32 $0xFF80, s29;
	[sflag:s11] =	ssyncadd.s32 $0xFFFFF000;
	s0 =	ssub.s32 s0, s12  }
0x286: {  	s12 =	sshra.s32 s31, $0x17;
	s29 =	ssub.s32 s5, s29;
	s5 =	sshra.s32 s5, $0x1F  }
0x287: {  	_ =	swait.ge [sflag:s17], $0x1000;
	s29 =	sshll.u32 s29, $0x10;
	s5 =	sadd.s32 s12, s5;
	v63 =	vadd.s32 s0, v10  }
0x288: {  	(v2sf) =	vpush v20, $0xC;
	s31 =	sshra.s32 s29, $0x10;
	v27 =	vmov s5  }
0x289: {  	v22 =	vshll.u32 v27, $0x7;
	v28 =	vmov s31  }
0x28a: {  	[sflag:s17] =	ssyncset.done $0x0;
	(v2sf) =	vpush v19, $0xC;
	v29 =	vand.u32 $0xFFFFFF80, v28;
	v22 =	vadd.s32 v2, v22  }
0x28b: {  	[sflag:s17] =	ssyncadd.s32 $0xFFFFF000;
	v23 =	vand.u32 $0x7C, v28;
	v22 =	vadd.s32 v29, v22  }
0x28c: {  	v21 =	vld.idx.msk [tilespmem:v63+s15+$0x0], $0xffff;
	v22 =	vor.u32 v23, v22  }
0x28d: {  	v30 =	vadd.s32 s0, v11;
	s12 =	sadd.s32 $0x40, s5  }
0x28e: {  	s29 =	sshra.s32 s30, $0x1F;
	v31 =	vmov s12  }
0x28f: {  	s0 =	sshrl.u32 s29, $0x19;
	v26 =	vshll.u32 v31, $0x7  }
0x290: {  	s0 =	sadd.s32 s0, s30;
	v26 =	vadd.s32 v2, v26  }
0x291: {  	s0 =	sand.u32 $0xFFFFFF80, s0;
	v32 =	vadd.s32 v29, v26;
	[tilespmem:v22+s3+$0x0] =	vst.idx.msk $0xffff, v21  }
0x292: {  	s0 =	ssub.s32 s30, s0;
	v21 =	vor.u32 v23, v32;
	v33 =	vld.idx.msk [tilespmem:v30+s15+$0x0], $0xffff  }
0x293: {  	v34 =	vadd.s32 s0, v10;
	_ =	sdelay $0x3  }
0x294: {  	v35 =	vadd.s32 s0, v11;
	s0 =	spop (v2sf);
	[tilespmem:v21+s3+$0x0] =	vst.idx.msk $0xffff, v33  }
0x295: {  	(v2sf) =	vpush v19, $0x5;
	s30 =	sshra.s32 s0, $0x1F;
	v23 =	vld.idx.msk [tilespmem:v34+s16+$0x0], $0xffff  }
0x296: {  	s12 =	spop (v2sf);
	p3 =	slt.s32 s0, $0x1;
	s5 =	sshrl.u32 s30, $0x19  }
0x297: {  	(v2sf) =	vpush v20, $0x5;
	s31 =	sand.u32 $0x7F, s12;
	s30 =	sshra.s32 s12, $0x1F;
	p4 =	slt.s32 s12, $0x1  }
0x298: {  	p5 =	sne.s32 s31, $0x0;
	s31 =	sand.u32 $0x7F, s0;
	s30 =	sshrl.u32 s30, $0x19  }
0x299: {  	s0 =	sadd.s32 s5, s0;
	p1 =	por !p4, !p5;
	s12 =	sadd.s32 s30, s12  }
0x29a: {  	s30 =	simm.s32 $0x1;
	p6 =	sne.s32 s31, $0x0;
	p1 =	por !p1, !p1;
	[tilespmem:v22+s10+$0x0] =	vst.idx.msk $0xffff, v23  }
0x29b: {  	s12 =	sshrl.u32 s12, $0x7;
	p0 =	por !p3, !p6;
	s30 =	simm.s32 @!p1 $0x0;
	v22 =	vld.idx.msk [tilespmem:v35+s16+$0x0], $0xffff  }
0x29c: {  	p0 =	por !p0, !p0;
	s31 =	ssub.s32 s12, s30;
	s12 =	simm.s32 $0x1  }
0x29d: {  	s0 =	sshrl.u32 s0, $0x7;
	s12 =	simm.s32 @!p0 $0x0  }
0x29e: {  	s5 =	sshll.u32 s31, $0x7;
	s0 =	ssub.s32 s0, s12  }
0x29f: {  	s5 =	sand.u32 $0x1FFFFF80, s5;
	s0 =	sshll.u32 s0, $0x7  }
0x2a0: {  	s29 =	simm.s32 $0x4500;
	s5 =	sadd.s32 s1, s5;
	s0 =	sand.u32 $0x1FFFFF80, s0;
	[tilespmem:v21+s10+$0x0] =	vst.idx.msk $0xffff, v22  }
0x2a1: {  	[tilespmem:s29], [sflag:$0x5] =	stream.strided.gather [hbm4b:s5+s13], $0x1000, s14, s13, $0x38;
	[tilespmem:$0x19B00] =	vst v63  }
0x2a2: {  	s30 =	simm.s32 $0xC500;
	s0 =	sadd.s32 s2, s0;
	s5 =	sadd.s32 $0xFFFFFFFE, s26  }
0x2a3: {  	[tilespmem:s30], [sflag:$0xD] =	stream.strided.gather [hbm4b:s0+s13], $0x1000, s14, s13, $0x38;
	[tilespmem:$0x19B00] =	vst v63  }
0x2a4: {  	s0 =	spop (v2sf);
	s30 =	sshll.u32 s5, $0x10  }
0x2a5: {  	s31 =	sshra.s32 s0, $0x1F;
	s29 =	sshra.s32 s30, $0x1F  }
0x2a6: {  	s30 =	spop (v2sf);
	s12 =	sshrl.u32 s31, $0x19;
	s29 =	sand.u32 $0x7F, s29  }
0x2a7: {  	_ =	swait.ge [sflag:s18], $0x1000;
	s12 =	sadd.s32 s12, s0;
	s29 =	sadd.s32 s29, s5  }
0x2a8: {  	[sflag:s18] =	ssyncset.done $0x0;
	s12 =	sand.u32 $0xFFFFFF80, s12;
	s31 =	sshll.u32 s29, $0x10  }
0x2a9: {  	s29 =	sand.u32 $0xFF80, s29;
	[sflag:s18] =	ssyncadd.s32 $0xFFFFF000;
	s0 =	ssub.s32 s0, s12  }
0x2aa: {  	s12 =	sshra.s32 s31, $0x17;
	s29 =	ssub.s32 s5, s29;
	s5 =	sshra.s32 s5, $0x1F  }
0x2ab: {  	_ =	swait.ge [sflag:s19], $0x1000;
	s29 =	sshll.u32 s29, $0x10;
	s5 =	sadd.s32 s12, s5;
	v36 =	vadd.s32 s0, v12  }
0x2ac: {  	(v2sf) =	vpush v20, $0xD;
	s31 =	sshra.s32 s29, $0x10;
	v37 =	vmov s5  }
0x2ad: {  	v22 =	vshll.u32 v37, $0x7;
	v38 =	vmov s31  }
0x2ae: {  	[sflag:s19] =	ssyncset.done $0x0;
	(v2sf) =	vpush v19, $0xD;
	v39 =	vand.u32 $0xFFFFFF80, v38;
	v22 =	vadd.s32 v2, v22  }
0x2af: {  	[sflag:s19] =	ssyncadd.s32 $0xFFFFF000;
	v23 =	vand.u32 $0x7D, v38;
	v22 =	vadd.s32 v39, v22  }
0x2b0: {  	v21 =	vld.idx.msk [tilespmem:v36+s15+$0x0], $0xffff;
	v22 =	vor.u32 v23, v22  }
0x2b1: {  	v40 =	vadd.s32 s0, v13;
	s12 =	sadd.s32 $0x40, s5  }
0x2b2: {  	s29 =	sshra.s32 s30, $0x1F;
	v41 =	vmov s12  }
0x2b3: {  	s0 =	sshrl.u32 s29, $0x19;
	v26 =	vshll.u32 v41, $0x7  }
0x2b4: {  	s0 =	sadd.s32 s0, s30;
	v26 =	vadd.s32 v2, v26  }
0x2b5: {  	s0 =	sand.u32 $0xFFFFFF80, s0;
	v42 =	vadd.s32 v39, v26;
	[tilespmem:v22+s3+$0x0] =	vst.idx.msk $0xffff, v21  }
0x2b6: {  	s0 =	ssub.s32 s30, s0;
	v21 =	vor.u32 v23, v42;
	v43 =	vld.idx.msk [tilespmem:v40+s15+$0x0], $0xffff  }
0x2b7: {  	v44 =	vadd.s32 s0, v12;
	_ =	sdelay $0x3  }
0x2b8: {  	v45 =	vadd.s32 s0, v13;
	s0 =	spop (v2sf);
	[tilespmem:v21+s3+$0x0] =	vst.idx.msk $0xffff, v43  }
0x2b9: {  	(v2sf) =	vpush v19, $0x6;
	s30 =	sshra.s32 s0, $0x1F;
	v23 =	vld.idx.msk [tilespmem:v44+s16+$0x0], $0xffff  }
0x2ba: {  	s12 =	spop (v2sf);
	p3 =	slt.s32 s0, $0x1;
	(v2sf) =	vpush v20, $0x6;
	s5 =	sshrl.u32 s30, $0x19  }
0x2bb: {  	s31 =	sand.u32 $0x7F, s12;
	s30 =	sshra.s32 s12, $0x1F;
	p4 =	slt.s32 s12, $0x1  }
0x2bc: {  	p5 =	sne.s32 s31, $0x0;
	s31 =	sand.u32 $0x7F, s0;
	s30 =	sshrl.u32 s30, $0x19  }
0x2bd: {  	s0 =	sadd.s32 s5, s0;
	p1 =	por !p4, !p5;
	s12 =	sadd.s32 s30, s12  }
0x2be: {  	s30 =	simm.s32 $0x1;
	p6 =	sne.s32 s31, $0x0;
	p1 =	por !p1, !p1;
	[tilespmem:v22+s10+$0x0] =	vst.idx.msk $0xffff, v23  }
0x2bf: {  	s12 =	sshrl.u32 s12, $0x7;
	p0 =	por !p3, !p6;
	s30 =	simm.s32 @!p1 $0x0;
	v22 =	vld.idx.msk [tilespmem:v45+s16+$0x0], $0xffff  }
0x2c0: {  	p0 =	por !p0, !p0;
	s31 =	ssub.s32 s12, s30;
	s12 =	simm.s32 $0x1  }
0x2c1: {  	s0 =	sshrl.u32 s0, $0x7;
	s12 =	simm.s32 @!p0 $0x0  }
0x2c2: {  	s5 =	sshll.u32 s31, $0x7;
	s0 =	ssub.s32 s0, s12  }
0x2c3: {  	s5 =	sand.u32 $0x1FFFFF80, s5;
	s0 =	sshll.u32 s0, $0x7  }
0x2c4: {  	s29 =	simm.s32 $0x5500;
	s5 =	sadd.s32 s1, s5;
	s0 =	sand.u32 $0x1FFFFF80, s0;
	[tilespmem:v21+s10+$0x0] =	vst.idx.msk $0xffff, v22  }
0x2c5: {  	[tilespmem:s29], [sflag:$0x6] =	stream.strided.gather [hbm4b:s5+s13], $0x1000, s14, s13, $0x38;
	[tilespmem:$0x19B00] =	vst v63  }
0x2c6: {  	s30 =	simm.s32 $0xD500;
	s0 =	sadd.s32 s2, s0;
	s5 =	sadd.s32 $0xFFFFFFFF, s26  }
0x2c7: {  	[tilespmem:s30], [sflag:$0xE] =	stream.strided.gather [hbm4b:s0+s13], $0x1000, s14, s13, $0x38;
	[tilespmem:$0x19B00] =	vst v63  }
0x2c8: {  	s0 =	spop (v2sf);
	s30 =	sshll.u32 s5, $0x10  }
0x2c9: {  	s31 =	sshra.s32 s0, $0x1F;
	s29 =	sshra.s32 s30, $0x1F;
	s30 =	spop (v2sf)  }
0x2ca: {  	s12 =	sshrl.u32 s31, $0x19;
	s29 =	sand.u32 $0x7F, s29;
	_ =	swait.ge [sflag:s20], $0x1000  }
0x2cb: {  	s12 =	sadd.s32 s12, s0;
	s29 =	sadd.s32 s29, s5;
	[sflag:s20] =	ssyncset.done $0x0  }
0x2cc: {  	s12 =	sand.u32 $0xFFFFFF80, s12;
	s31 =	sshll.u32 s29, $0x10;
	s29 =	sand.u32 $0xFF80, s29  }
0x2cd: {  	[sflag:s20] =	ssyncadd.s32 $0xFFFFF000;
	s0 =	ssub.s32 s0, s12;
	s12 =	sshra.s32 s31, $0x17  }
0x2ce: {  	s29 =	ssub.s32 s5, s29;
	s5 =	sshra.s32 s5, $0x1F;
	_ =	swait.ge [sflag:s21], $0x1000  }
0x2cf: {  	s29 =	sshll.u32 s29, $0x10;
	s5 =	sadd.s32 s12, s5;
	v46 =	vadd.s32 s0, v14;
	(v2sf) =	vpush v20, $0xE  }
0x2d0: {  	s31 =	sshra.s32 s29, $0x10;
	v47 =	vmov s5  }
0x2d1: {  	v22 =	vshll.u32 v47, $0x7;
	v48 =	vmov s31  }
0x2d2: {  	[sflag:s21] =	ssyncset.done $0x0;
	(v2sf) =	vpush v19, $0xE;
	v49 =	vand.u32 $0xFFFFFF80, v48;
	v22 =	vadd.s32 v2, v22  }
0x2d3: {  	[sflag:s21] =	ssyncadd.s32 $0xFFFFF000;
	v23 =	vand.u32 $0x7E, v48;
	v22 =	vadd.s32 v49, v22  }
0x2d4: {  	v21 =	vld.idx.msk [tilespmem:v46+s15+$0x0], $0xffff;
	v22 =	vor.u32 v23, v22  }
0x2d5: {  	v50 =	vadd.s32 s0, v15;
	s12 =	sadd.s32 $0x40, s5  }
0x2d6: {  	s29 =	sshra.s32 s30, $0x1F;
	v51 =	vmov s12  }
0x2d7: {  	s0 =	sshrl.u32 s29, $0x19;
	v26 =	vshll.u32 v51, $0x7  }
0x2d8: {  	s0 =	sadd.s32 s0, s30;
	v26 =	vadd.s32 v2, v26  }
0x2d9: {  	s0 =	sand.u32 $0xFFFFFF80, s0;
	v52 =	vadd.s32 v49, v26;
	[tilespmem:v22+s3+$0x0] =	vst.idx.msk $0xffff, v21  }
0x2da: {  	s0 =	ssub.s32 s30, s0;
	v21 =	vor.u32 v23, v52;
	v53 =	vld.idx.msk [tilespmem:v50+s15+$0x0], $0xffff  }
0x2db: {  	v54 =	vadd.s32 s0, v14;
	_ =	sdelay $0x2  }
0x2dc: {  	v55 =	vadd.s32 s0, v15;
	s0 =	spop (v2sf);
	(v2sf) =	vpush v19, $0x7  }
0x2dd: {  	[tilespmem:v21+s3+$0x0] =	vst.idx.msk $0xffff, v53  }
0x2de: {  	s30 =	sshra.s32 s0, $0x1F;
	v23 =	vld.idx.msk [tilespmem:v54+s16+$0x0], $0xffff  }
0x2df: {  	s12 =	spop (v2sf);
	p3 =	slt.s32 s0, $0x1;
	s5 =	sshrl.u32 s30, $0x19  }
0x2e0: {  	(v2sf) =	vpush v20, $0x7;
	s31 =	sand.u32 $0x7F, s12;
	s30 =	sshra.s32 s12, $0x1F;
	p4 =	slt.s32 s12, $0x1  }
0x2e1: {  	p5 =	sne.s32 s31, $0x0;
	s31 =	sand.u32 $0x7F, s0;
	s30 =	sshrl.u32 s30, $0x19  }
0x2e2: {  	s0 =	sadd.s32 s5, s0;
	p1 =	por !p4, !p5;
	s12 =	sadd.s32 s30, s12  }
0x2e3: {  	s30 =	simm.s32 $0x1;
	p6 =	sne.s32 s31, $0x0;
	p1 =	por !p1, !p1;
	[tilespmem:v22+s10+$0x0] =	vst.idx.msk $0xffff, v23  }
0x2e4: {  	s12 =	sshrl.u32 s12, $0x7;
	p0 =	por !p3, !p6;
	s30 =	simm.s32 @!p1 $0x0;
	v22 =	vld.idx.msk [tilespmem:v55+s16+$0x0], $0xffff  }
0x2e5: {  	p0 =	por !p0, !p0;
	s31 =	ssub.s32 s12, s30;
	s12 =	simm.s32 $0x1  }
0x2e6: {  	s0 =	sshrl.u32 s0, $0x7;
	s12 =	simm.s32 @!p0 $0x0  }
0x2e7: {  	s5 =	sshll.u32 s31, $0x7;
	s0 =	ssub.s32 s0, s12  }
0x2e8: {  	s5 =	sand.u32 $0x1FFFFF80, s5;
	s0 =	sshll.u32 s0, $0x7  }
0x2e9: {  	s29 =	simm.s32 $0x6500;
	s5 =	sadd.s32 s1, s5;
	s0 =	sand.u32 $0x1FFFFF80, s0;
	[tilespmem:v21+s10+$0x0] =	vst.idx.msk $0xffff, v22  }
0x2ea: {  	[tilespmem:s29], [sflag:$0x7] =	stream.strided.gather [hbm4b:s5+s13], $0x1000, s14, s13, $0x38;
	[tilespmem:$0x19B00] =	vst v63  }
0x2eb: {  	s30 =	simm.s32 $0xE500;
	s0 =	sadd.s32 s2, s0;
	s31 =	spop (v2sf)  }
0x2ec: {  	[tilespmem:s30], [sflag:$0xF] =	stream.strided.gather [hbm4b:s0+s13], $0x1000, s14, s13, $0x38;
	[tilespmem:$0x19B00] =	vst v63  }
0x2ed: {  	s29 =	sshll.u32 s26, $0x10;
	s12 =	sshra.s32 s31, $0x1F  }
0x2ee: {  	s5 =	sshrl.u32 s12, $0x19;
	s12 =	sshra.s32 s29, $0x1F  }
0x2ef: {  	s29 =	spop (v2sf);
	s5 =	sadd.s32 s5, s31;
	s12 =	sand.u32 $0x7F, s12  }
0x2f0: {  	_ =	swait.ge [sflag:s22], $0x1000;
	s5 =	sand.u32 $0xFFFFFF80, s5;
	s12 =	sadd.s32 s12, s26  }
0x2f1: {  	s0 =	ssub.s32 s31, s5;
	s30 =	sshll.u32 s12, $0x10;
	s12 =	sand.u32 $0xFF80, s12  }
0x2f2: {  	s31 =	sshra.s32 s26, $0x1F;
	s5 =	sshra.s32 s30, $0x17;
	s12 =	ssub.s32 s26, s12  }
0x2f3: {  	[sflag:s22] =	ssyncset.done $0x0;
	v56 =	vadd.s32 s0, v16;
	s5 =	sadd.s32 s5, s31;
	s12 =	sshll.u32 s12, $0x10  }
0x2f4: {  	[sflag:s22] =	ssyncadd.s32 $0xFFFFF000;
	s12 =	sshra.s32 s12, $0x10;
	v57 =	vmov s5  }
0x2f5: {  	_ =	swait.ge [sflag:s23], $0x1000;
	v22 =	vshll.u32 v57, $0x7;
	v58 =	vmov s12  }
0x2f6: {  	[sflag:s23] =	ssyncset.done $0x0;
	(v2sf) =	vpush v20, $0xF;
	v59 =	vand.u32 $0xFFFFFF80, v58;
	v22 =	vadd.s32 v2, v22  }
0x2f7: {  	[sflag:s23] =	ssyncadd.s32 $0xFFFFF000;
	(v2sf) =	vpush v19, $0xF;
	v20 =	vand.u32 $0x7F, v58;
	v22 =	vadd.s32 v59, v22  }
0x2f8: {  	v19 =	vld.idx.msk [tilespmem:v56+s15+$0x0], $0xffff;
	v60 =	vor.u32 v20, v22  }
0x2f9: {  	v61 =	vadd.s32 s0, v17;
	s5 =	sadd.s32 $0x40, s5  }
0x2fa: {  	v62 =	vmov s5;
	s12 =	sshra.s32 s29, $0x1F  }
0x2fb: {  	v23 =	vshll.u32 v62, $0x7;
	s0 =	sshrl.u32 s12, $0x19  }
0x2fc: {  	v23 =	vadd.s32 v2, v23;
	s0 =	sadd.s32 s0, s29  }
0x2fd: {  	s0 =	sand.u32 $0xFFFFFF80, s0;
	[tilespmem:v60+s3+$0x0] =	vst.idx.msk $0xffff, v19;
	v19 =	vadd.s32 v59, v23  }
0x2fe: {  	s0 =	ssub.s32 s29, s0;
	v22 =	vld.idx.msk [tilespmem:v61+s15+$0x0], $0xffff;
	v19 =	vor.u32 v20, v19  }
0x2ff: {  	v20 =	vadd.s32 s0, v16;
	_ =	sdelay $0x3  }
0x300: {  	[tilespmem:v19+s3+$0x0] =	vst.idx.msk $0xffff, v22  }
0x301: {  	v20 =	vld.idx.msk [tilespmem:v20+s16+$0x0], $0xffff  }
0x302: {  	v63 =	vadd.s32 s0, v17;
	s5 =	spop (v2sf)  }
0x303: {  	s30 =	sand.u32 $0x7F, s5;
	s12 =	spop (v2sf)  }
0x304: {  	p3 =	sne.s32 s30, $0x0;
	s31 =	sand.u32 $0x7F, s12  }
0x305: {  	s30 =	sshra.s32 s12, $0x1F;
	p5 =	slt.s32 s12, $0x1;
	p4 =	sne.s32 s31, $0x0  }
0x306: {  	s0 =	sshrl.u32 s30, $0x19;
	p1 =	por !p5, !p4;
	[tilespmem:v60+s10+$0x0] =	vst.idx.msk $0xffff, v20  }
0x307: {  	s0 =	sadd.s32 s0, s12;
	s12 =	simm.s32 $0x1;
	p1 =	por !p1, !p1;
	v20 =	vld.idx.msk [tilespmem:v63+s16+$0x0], $0xffff  }
0x308: {  	s0 =	sshrl.u32 s0, $0x7;
	s12 =	simm.s32 @!p1 $0x0  }
0x309: {  	s29 =	sshra.s32 s5, $0x1F;
	s0 =	ssub.s32 s0, s12  }
0x30a: {  	s29 =	sshrl.u32 s29, $0x19;
	s0 =	sshll.u32 s0, $0x7  }
0x30b: {  	p6 =	slt.s32 s5, $0x1;
	s5 =	sadd.s32 s29, s5;
	s0 =	sand.u32 $0x1FFFFF80, s0  }
0x30c: {  	p0 =	por !p6, !p3;
	s31 =	simm.s32 $0x7500;
	s0 =	sadd.s32 s1, s0;
	[tilespmem:v19+s10+$0x0] =	vst.idx.msk $0xffff, v20  }
0x30d: {  	[tilespmem:s31], [sflag:$0x8] =	stream.strided.gather [hbm4b:s0+s13], $0x1000, s14, s13, $0x38;
	[tilespmem:$0x19B00] =	vst v63  }
0x30e: {  	p0 =	por !p0, !p0;
	s12 =	simm.s32 $0x1;
	s31 =	sand.u32 $0x1, s28  }
0x30f: {  	s5 =	sshrl.u32 s5, $0x7;
	s12 =	simm.s32 @!p0 $0x0;
	p0 =	seq.s32 s31, $0x1  }
.Ltmp4:
0x310: {  	s5 =	ssub.s32 s5, s12;
	(pc) =	sbr.rel @p0 .LBB2_4-.Ltmp4, $4  }
0x311: {  	s29 =	sshll.u32 s5, $0x7  }
0x312: {  	s0 =	sand.u32 $0x1FFFFF80, s29  }
0x313: {  	s30 =	simm.s32 $0xF500;
	s0 =	sadd.s32 s2, s0  }
0x314: {  	[tilespmem:s30], [sflag:$0x10] =	stream.strided.gather [hbm4b:s0+s13], $0x1000, s14, s13, $0x38;
	[tilespmem:$0x19B00] =	vst v63  }
0x315: {  	s0 =	sshrl.u32 s28, $0x1  }
0x316: {  	s29 =	sadd.s32 $0xFFFFFFFF, s0  }
0x317: {  	v21 =	vld [tilespmem:$0x18500];
	s0 =	sshll.u32 s29, $0x18  }
0x318: {  	v24 =	vld [tilespmem:$0x18580];
	s0 =	sshra.s32 s0, $0x1F  }
0x319: {  	v27 =	vld [tilespmem:$0x18600];
	s0 =	sand.u32 $0x7, s0  }
0x31a: {  	v30 =	vld [tilespmem:$0x18680];
	s0 =	sadd.s32 s0, s29  }
0x31b: {  	v33 =	vld [tilespmem:$0x18700];
	s5 =	sand.u32 $0xFF, s29;
	s12 =	sand.u32 $0xF8, s0  }
0x31c: {  	p0 =	slt.u32 s28, $0x4;
	v36 =	vld [tilespmem:$0x18780];
	p1 =	sne.s32 s5, s12  }
0x31d: {  	v39 =	vld [tilespmem:$0x18800];
	s0 =	sshll.u32 s0, $0x18;
	s12 =	ssub.s32 s29, s12;
	p0 =	por !p0, !p1  }
0x31e: {  	v42 =	vld [tilespmem:$0x18880];
	s5 =	sshll.u32 s12, $0x18;
	s12 =	simm.s32 $0x1;
	p0 =	por !p0, !p0  }
0x31f: {  	v45 =	vld [tilespmem:$0x18900];
	s0 =	sshra.s32 s0, $0x1B;
	s5 =	sshra.s32 s5, $0x18;
	s12 =	simm.s32 @!p0 $0x0  }
0x320: {  	v48 =	vld [tilespmem:$0x18980];
	s5 =	sshll.u32 s5, $0x4;
	s0 =	ssub.s32 s0, s12  }
0x321: {  	v51 =	vld [tilespmem:$0x18A00];
	s30 =	sand.u32 $0xFFFFFF80, s5;
	s0 =	sshll.u32 s0, $0x7  }
0x322: {  	v54 =	vld [tilespmem:$0x18A80];
	s5 =	sand.u32 $0x70, s5;
	s0 =	sadd.s32 s30, s0  }
0x323: {  	v56 =	vld [tilespmem:$0x18B00];
	s30 =	sor.u32 s5, s0  }
0x324: {  	v19 =	vld [tilespmem:s30+$0x10500]  }
0x325: {  	v20 =	vld [tilespmem:s30+$0x14500]  }
0x326: {  	v22 =	vld [tilespmem:s30+$0x10700]  }
0x327: {  	v23 =	vld [tilespmem:s30+$0x14700]  }
0x328: {  	v25 =	vld [tilespmem:s30+$0x10900]  }
0x329: {  	v26 =	vld [tilespmem:s30+$0x14900]  }
0x32a: {  	v28 =	vld [tilespmem:s30+$0x10B00]  }
0x32b: {  	v29 =	vld [tilespmem:s30+$0x14B00]  }
0x32c: {  	v31 =	vld [tilespmem:s30+$0x10D00]  }
0x32d: {  	v32 =	vld [tilespmem:s30+$0x14D00]  }
0x32e: {  	v34 =	vld [tilespmem:s30+$0x10F00]  }
0x32f: {  	v35 =	vld [tilespmem:s30+$0x14F00]  }
0x330: {  	v37 =	vld [tilespmem:s30+$0x11100]  }
0x331: {  	v38 =	vld [tilespmem:s30+$0x15100]  }
0x332: {  	v40 =	vld [tilespmem:s30+$0x11300]  }
0x333: {  	v41 =	vld [tilespmem:s30+$0x15300]  }
0x334: {  	v43 =	vld [tilespmem:s30+$0x11500]  }
0x335: {  	v44 =	vld [tilespmem:s30+$0x15500]  }
0x336: {  	v46 =	vld [tilespmem:s30+$0x11700]  }
0x337: {  	v47 =	vld [tilespmem:s30+$0x15700]  }
0x338: {  	v49 =	vld [tilespmem:s30+$0x11900]  }
0x339: {  	v50 =	vld [tilespmem:s30+$0x15900]  }
0x33a: {  	v52 =	vld [tilespmem:s30+$0x11B00]  }
0x33b: {  	v53 =	vld [tilespmem:s30+$0x15B00]  }
0x33c: {  	v55 =	vld [tilespmem:s30+$0x11D00];
	v19 =	vmul.f32 v20, v19  }
0x33d: {  	v20 =	vld [tilespmem:s30+$0x15D00]  }
0x33e: {  	v60 =	vmul.f32 v23, v22;
	v22 =	vld [tilespmem:s30+$0x11F00];
	v19 =	vmul.f32 v21, v19  }
0x33f: {  	v23 =	vld [tilespmem:s30+$0x15F00]  }
0x340: {  	v61 =	vmul.f32 v26, v25;
	v25 =	vld [tilespmem:$0x18B80];
	v21 =	vmul.f32 v24, v60;
	v19 =	vadd.f32 v19, v18  }
0x341: {  	v26 =	vld [tilespmem:s30+$0x12100]  }
0x342: {  	v63 =	vmul.f32 v29, v28;
	v28 =	vld [tilespmem:$0x18C00];
	v62 =	vmul.f32 v27, v61;
	v19 =	vadd.f32 v21, v19  }
0x343: {  	v29 =	vld [tilespmem:s30+$0x12300]  }
0x344: {  	v58 =	vmul.f32 v32, v31;
	v31 =	vld [tilespmem:$0x18C80];
	v57 =	vmul.f32 v30, v63;
	v19 =	vadd.f32 v62, v19  }
0x345: {  	v32 =	vld [tilespmem:s30+$0x12500];
	v41 =	vmul.f32 v41, v40  }
0x346: {  	v40 =	vld [tilespmem:$0x18E00];
	v59 =	vmul.f32 v33, v58;
	v60 =	vmul.f32 v35, v34;
	v19 =	vadd.f32 v57, v19  }
0x347: {  	v44 =	vmul.f32 v44, v43;
	v47 =	vmul.f32 v47, v46;
	v43 =	vld [tilespmem:$0x18E80]  }
0x348: {  	v46 =	vld [tilespmem:$0x19000];
	v61 =	vmul.f32 v36, v60;
	v62 =	vmul.f32 v38, v37;
	v19 =	vadd.f32 v59, v19  }
0x349: {  	v50 =	vmul.f32 v50, v49;
	v49 =	vld [tilespmem:s30+$0x17300]  }
0x34a: {  	v27 =	vld [tilespmem:s30+$0x16100];
	v63 =	vmul.f32 v39, v62;
	v19 =	vadd.f32 v61, v19  }
0x34b: {  	v30 =	vld [tilespmem:s30+$0x16300]  }
0x34c: {  	v33 =	vld [tilespmem:s30+$0x16500];
	v42 =	vmul.f32 v42, v41;
	v19 =	vadd.f32 v63, v19  }
0x34d: {  	v34 =	vld [tilespmem:$0x18D00]  }
0x34e: {  	v35 =	vld [tilespmem:s30+$0x12700];
	v45 =	vmul.f32 v45, v44;
	v19 =	vadd.f32 v42, v19  }
0x34f: {  	v41 =	vld [tilespmem:s30+$0x12B00]  }
0x350: {  	v48 =	vmul.f32 v48, v47;
	v44 =	vld [tilespmem:s30+$0x12D00];
	v19 =	vadd.f32 v45, v19  }
0x351: {  	v58 =	vmul.f32 v53, v52;
	v52 =	vld [tilespmem:s30+$0x13500]  }
0x352: {  	v36 =	vld [tilespmem:s30+$0x16700];
	v57 =	vmul.f32 v51, v50;
	v19 =	vadd.f32 v48, v19  }
0x353: {  	v60 =	vld [tilespmem:s30+$0x16D00]  }
0x354: {  	v20 =	vmul.f32 v20, v55;
	v55 =	vld [tilespmem:$0x19100];
	v59 =	vmul.f32 v54, v58;
	v19 =	vadd.f32 v57, v19  }
0x355: {  	v37 =	vld [tilespmem:$0x18D80]  }
0x356: {  	v20 =	vmul.f32 v56, v20;
	v38 =	vld [tilespmem:s30+$0x12900];
	v61 =	vmul.f32 v23, v22;
	v19 =	vadd.f32 v59, v19  }
0x357: {  	v39 =	vld [tilespmem:s30+$0x16900]  }
0x358: {  	v62 =	vmul.f32 v27, v26;
	v26 =	vld [tilespmem:s30+$0x13100];
	v19 =	vadd.f32 v20, v19;
	v20 =	vmul.f32 v25, v61  }
0x359: {  	v27 =	vld [tilespmem:s30+$0x17100]  }
0x35a: {  	v51 =	vld [tilespmem:$0x19080];
	v63 =	vmul.f32 v30, v29;
	v19 =	vadd.f32 v20, v19;
	v20 =	vmul.f32 v28, v62  }
0x35b: {  	v54 =	vld [tilespmem:s30+$0x17500]  }
0x35c: {  	v47 =	vmul.f32 v33, v32;
	v58 =	vld [tilespmem:s30+$0x17700];
	v19 =	vadd.f32 v20, v19;
	v20 =	vmul.f32 v31, v63  }
0x35d: {  	v42 =	vld [tilespmem:s30+$0x16B00]  }
0x35e: {  	v50 =	vmul.f32 v36, v35;
	v22 =	vld [tilespmem:s30+$0x12F00];
	v19 =	vadd.f32 v20, v19;
	v20 =	vmul.f32 v34, v47  }
0x35f: {  	v23 =	vld [tilespmem:s30+$0x16F00]  }
0x360: {  	v53 =	vmul.f32 v39, v38;
	v38 =	vld [tilespmem:$0x19200];
	v19 =	vadd.f32 v20, v19;
	v20 =	vmul.f32 v37, v50  }
0x361: {  	v45 =	vld [tilespmem:$0x18F00]  }
0x362: {  	v48 =	vld [tilespmem:s30+$0x13300];
	v56 =	vmul.f32 v42, v41;
	v19 =	vadd.f32 v20, v19;
	v20 =	vmul.f32 v40, v53  }
0x363: {  	v25 =	vld [tilespmem:$0x18F80]  }
0x364: {  	v41 =	vld [tilespmem:s30+$0x17B00];
	v59 =	vmul.f32 v60, v44;
	v19 =	vadd.f32 v20, v19;
	v20 =	vmul.f32 v43, v56  }
0x365: {  	v57 =	vld [tilespmem:s30+$0x13700]  }
0x366: {  	v60 =	vld [tilespmem:$0x19180];
	v62 =	vmul.f32 v23, v22;
	v19 =	vadd.f32 v20, v19;
	v20 =	vmul.f32 v45, v59  }
0x367: {  	v39 =	vmul.f32 v27, v26;
	v44 =	vld [tilespmem:s30+$0x13D00]  }
0x368: {  	v42 =	vmul.f32 v49, v48;
	v49 =	vld [tilespmem:s30+$0x13F00];
	v19 =	vadd.f32 v20, v19;
	v20 =	vmul.f32 v25, v62  }
0x369: {  	v61 =	vld [tilespmem:s30+$0x13900]  }
0x36a: {  	v48 =	vmul.f32 v58, v57;
	v58 =	vld [tilespmem:s30+$0x14300];
	v19 =	vadd.f32 v20, v19;
	v20 =	vmul.f32 v46, v39  }
0x36b: {  	v63 =	vld [tilespmem:s30+$0x17900]  }
0x36c: {  	v47 =	vld [tilespmem:$0x19300];
	v45 =	vmul.f32 v54, v52;
	v19 =	vadd.f32 v20, v19;
	v20 =	vmul.f32 v51, v42  }
0x36d: {  	v40 =	vld [tilespmem:s30+$0x13B00]  }
0x36e: {  	v43 =	vld [tilespmem:$0x19280];
	v19 =	vadd.f32 v20, v19;
	v20 =	vmul.f32 v55, v45  }
0x36f: {  	v46 =	vld [tilespmem:s30+$0x17D00]  }
0x370: {  	v50 =	vld [tilespmem:s30+$0x17F00];
	v51 =	vmul.f32 v63, v61;
	v19 =	vadd.f32 v20, v19;
	v20 =	vmul.f32 v60, v48  }
0x371: {  	v53 =	vld [tilespmem:s30+$0x14100]  }
0x372: {  	v52 =	vld [tilespmem:$0x19380];
	v54 =	vmul.f32 v41, v40;
	v19 =	vadd.f32 v20, v19;
	v20 =	vmul.f32 v38, v51  }
0x373: {  	v55 =	vld [tilespmem:s30+$0x18100]  }
0x374: {  	v56 =	vld [tilespmem:$0x19400];
	v57 =	vmul.f32 v46, v44;
	v19 =	vadd.f32 v20, v19;
	v20 =	vmul.f32 v43, v54  }
0x375: {  	v59 =	vld [tilespmem:s30+$0x18300]  }
0x376: {  	v60 =	vmul.f32 v50, v49;
	v19 =	vadd.f32 v20, v19;
	v20 =	vmul.f32 v47, v57  }
0x377: {  	v61 =	vld [tilespmem:$0x19480]  }
0x378: {  	v62 =	vmul.f32 v55, v53;
	v19 =	vadd.f32 v20, v19;
	v20 =	vmul.f32 v52, v60;
	_ =	sdelay $0x1  }
0x379: {  	v63 =	vmul.f32 v59, v58;
	v19 =	vadd.f32 v20, v19;
	v20 =	vmul.f32 v56, v62;
	_ =	sdelay $0x1  }
0x37a: {  	v19 =	vadd.f32 v20, v19;
	v20 =	vmul.f32 v61, v63;
	_ =	sdelay $0x1  }
0x37b: {  	v19 =	vadd.f32 v20, v19;
	_ =	sdelay $0x1  }
0x37c: {  	v19 =	vsub.f32 $0.0e+00, v19;
	_ =	sdelay $0x1  }
0x37d: {  	v19 =	vmul.f32 $1.442695020e+00, v19;
	_ =	sdelay $0x1  }
0x37e: {  	(erf) = vpow2.f32 v19;
	_ =	sdelay $0x8  }
0x37f: {  	v19 =	vpop (erf)  }
0x380: {  	v19 =	vadd.f32 $1.000000000e+00, v19;
	_ =	sdelay $0x1  }
0x381: {  	(erf) = vrcp.f32 v19;
	_ =	sdelay $0x5  }
.Ltmp5:
0x382: {  	_ = 	snop;
	(pc) =	sbr.rel .LBB2_4-.Ltmp5, $4  }
0x383: {  	_ = 	snop  }
0x384: {  	s31 =	sshll.u32 s29, $0x6  }
0x385: {  	s0 =	sshra.s32 s31, $0x2;
	v19 =	vpop (erf)  }
0x386: {  	[tilespmem:s0+$0x19900] =	vst v19  }
.LBB2_6:
0x387: {  	_ =	sfence.sel $0x180000  }
0x388: {  	[bflag:$0x0] =	sbarrier.arrive $0xFFFF  }
0x389: {  	_ =	strace $0x90000047  }
0x38a: {  	s0 =	stileid.u32;
	[bflag:$0x2] =	sbarrier.arrive $0xFFFF  }
0x38b: {  	p0 =	sne.s32 s0, $0x0;
	s0 =	rddreg [dreg:$0x6]  }
0x38c: {  	s0 =	sadd.s32 @!p0 $0x100000, s0  }
0x38d: {  	[sflag:s0] =	ssyncadd.tile.s32 @!p0 $0x1;
	_ =	shalt  }
.Lfunc_end2:
_tile_overlayer_lowered:
.L_overlay_start_2:
0x38e: {  	(tag) =	ssettag $0x2  }
0x38f: {  	s0 =	rddreg [dreg:$0x0];
	s2 =	stileid.u32  }
0x390: {  	s1 =	rddreg [dreg:$0x1];
	p0 =	sne.s32 s2, $0x0  }
0x391: {  	s3 =	rddreg [dreg:$0x2];
	[bflag:$0x3] =	sbarrier.arrive $0xFFFF;
	s2 =	simm.s32 @!p0 $0x1C11  }
0x392: {  	[timem:s3], [sflag:s2] =	dma.local @!p0 [hbm:s0], s1  }
0x393: {  	s0 =	simm.s32 @!p0 $0x11  }
0x394: {  	_ =	swait.ge @!p0 [sflag:s0], s1  }
0x395: {  	s1 =	ssub.s32 @!p0 $0x0, s1;
	[sflag:s0] =	ssyncset.done @!p0 $0x0  }
0x396: {  	[sflag:s0] =	ssyncadd.s32 @!p0 s1  }
0x397: {  	[bflag:$0x3] =	sbarrier.arrive $0xFFFF  }
0x398: {  	_ =	shalt  }

</sc_bundles>
